<compile_context>
chip_gen: v7x
topology: tpu7x:2x2x1
jax: 0.10.2.dev20260603
libtpu: 0.0.44.dev20260713+nightly
codegen_flags: <defaults>
</compile_context>

<pallas_src>
import functools

import jax
import jax.numpy as jnp
from jax import lax
from jax.experimental import pallas as pl
from jax.experimental.pallas import tpu as pltpu
from jax.experimental.pallas import tpu_sc as plsc

N = 10000
E = 320000
D = 128
H = 8
DH = 16

NC = 2
NS = 16
NW = NC * NS
EPW = E // NW
C1 = 40
NCHUNK1 = EPW // C1
C2 = 80
NCHUNK2 = EPW // C2
NP = 10240
RPT = NP // NS
RCH = 128

_HIGH = jax.lax.Precision.HIGHEST



def _proj_body(x_ref, wl_ref, bl_ref, wr_ref, br_ref, xl_ref, xr_ref):
    xb = x_ref[...]
    xl_ref[...] = jnp.dot(xb, wl_ref[...], precision=_HIGH,
                          preferred_element_type=jnp.float32) + bl_ref[...]
    xr_ref[...] = jnp.dot(xb, wr_ref[...], precision=_HIGH,
                          preferred_element_type=jnp.float32) + br_ref[...]


def _tc_proj(x, Wl, bl2, Wr, br2):
    blk = 1000
    grid = N // blk
    return pl.pallas_call(
        _proj_body,
        grid=(grid,),
        in_specs=[
            pl.BlockSpec((blk, D), lambda i: (i, 0)),
            pl.BlockSpec((D, D), lambda i: (0, 0)),
            pl.BlockSpec((1, D), lambda i: (0, 0)),
            pl.BlockSpec((D, D), lambda i: (0, 0)),
            pl.BlockSpec((1, D), lambda i: (0, 0)),
        ],
        out_specs=[
            pl.BlockSpec((blk, D), lambda i: (i, 0)),
            pl.BlockSpec((blk, D), lambda i: (i, 0)),
        ],
        out_shape=[
            jax.ShapeDtypeStruct((N, D), jnp.float32),
            jax.ShapeDtypeStruct((N, D), jnp.float32),
        ],
    )(x, Wl, bl2, Wr, br2)


def _eproj_body(ea_ref, we_ref, out_ref):
    ep = jnp.dot(ea_ref[...], we_ref[...], precision=_HIGH,
                 preferred_element_type=jnp.float32)
    for k in range(D // (2 * DH)):
        a = lax.bitcast_convert_type(ep[:, 2 * k * DH:(2 * k + 1) * DH],
                                     jnp.uint32)
        b = lax.bitcast_convert_type(ep[:, (2 * k + 1) * DH:(2 * k + 2) * DH],
                                     jnp.uint32)
        out_ref[:, k * DH:(k + 1) * DH] = (
            (a >> 16) | (b & jnp.uint32(0xFFFF0000))).astype(jnp.uint32)


def _tc_eproj(edge_attr, We):
    blk = 4000
    grid = E // blk
    return pl.pallas_call(
        _eproj_body,
        grid=(grid,),
        in_specs=[
            pl.BlockSpec((blk, DH), lambda i: (i, 0)),
            pl.BlockSpec((DH, D), lambda i: (0, 0)),
        ],
        out_specs=pl.BlockSpec((blk, D // 2), lambda i: (i, 0)),
        out_shape=jax.ShapeDtypeStruct((E, D // 2), jnp.uint32),
    )(edge_attr, We)


def _head_body(agg_ref, dp_ref, x_ref, cb_ref, g_ref, b_ref, w1_ref, b1_ref,
               w2_ref, b2_ref, out_ref):
    dinv = 1.0 / (dp_ref[0, :, :H] + dp_ref[1, :, :H] + 1e-16)
    row = lax.broadcasted_iota(jnp.int32, (H, D), 0)
    col = lax.broadcasted_iota(jnp.int32, (H, D), 1)
    exp_m = jnp.where(col // DH == row, 1.0, 0.0)
    dexp = jnp.dot(dinv, exp_m, precision=_HIGH,
                   preferred_element_type=jnp.float32)
    h = (agg_ref[0] + agg_ref[1]) * dexp + cb_ref[...]
    h = jnp.maximum(h, 0.01 * h)
    hx = h + x_ref[...]
    mu = jnp.mean(hx, axis=-1, keepdims=True)
    var = jnp.mean((hx - mu) ** 2, axis=-1, keepdims=True)
    hn = (hx - mu) / jnp.sqrt(var + 1e-5) * g_ref[...] + b_ref[...]
    r = jnp.maximum(jnp.dot(hn, w1_ref[...], precision=_HIGH,
                            preferred_element_type=jnp.float32) + b1_ref[...],
                    0.0)
    o = jnp.dot(r, w2_ref[...], precision=_HIGH,
                preferred_element_type=jnp.float32) + b2_ref[...]
    out_ref[...] = jnp.maximum(o, 0.0) + jnp.log1p(jnp.exp(-jnp.abs(o)))


def _tc_head(agg_p, dpart, x, cb2, g2, b2d, W1, b1_2, W2, b2_2):
    blk = 1000
    grid = N // blk
    return pl.pallas_call(
        _head_body,
        grid=(grid,),
        in_specs=[
            pl.BlockSpec((2, blk, D), lambda i: (0, i, 0)),
            pl.BlockSpec((2, blk, D), lambda i: (0, i, 0)),
            pl.BlockSpec((blk, D), lambda i: (i, 0)),
            pl.BlockSpec((1, D), lambda i: (0, 0)),
            pl.BlockSpec((1, D), lambda i: (0, 0)),
            pl.BlockSpec((1, D), lambda i: (0, 0)),
            pl.BlockSpec((D, D), lambda i: (0, 0)),
            pl.BlockSpec((1, D), lambda i: (0, 0)),
            pl.BlockSpec((D, 1), lambda i: (0, 0)),
            pl.BlockSpec((1, 1), lambda i: (0, 0)),
        ],
        out_specs=pl.BlockSpec((blk, 1), lambda i: (i, 0)),
        out_shape=jax.ShapeDtypeStruct((N, 1), jnp.float32),
    )(agg_p, dpart, x, cb2, g2, b2d, W1, b1_2, W2, b2_2)



_MESH = plsc.VectorSubcoreMesh(core_axis_name="c", subcore_axis_name="s")

_GDN = lax.GatherDimensionNumbers(offset_dims=(), collapsed_slice_dims=(0,),
                                  start_index_map=(0,))


def _lane_shuffle(t, p):
    return lax.gather(t, p[:, None], _GDN, slice_sizes=(1,),
                      mode=lax.GatherScatterMode.PROMISE_IN_BOUNDS)


@functools.partial(
    pl.kernel,
    out_type=(
        jax.ShapeDtypeStruct((E, DH), jnp.float32),
        jax.ShapeDtypeStruct((NC * NP, D), jnp.float32),
    ),
    mesh=_MESH,
    scratch_types=[
        pltpu.VMEM((2, C1), jnp.int32),
        pltpu.VMEM((2, C1), jnp.int32),
        pltpu.VMEM((C1, D), jnp.float32),
        pltpu.VMEM((C1, D), jnp.float32),
        pltpu.VMEM((C1, D), jnp.float32),
        pltpu.VMEM((C1, D), jnp.float32),
        pltpu.VMEM((C1, D // 2), jnp.uint32),
        pltpu.VMEM((C1, D // 2), jnp.uint32),
        pltpu.VMEM((C1, DH), jnp.float32),
        pltpu.VMEM((C1, D), jnp.float32),
        pltpu.VMEM((H * DH,), jnp.float32),
        pltpu.VMEM_SHARED((NP, D), jnp.float32),
        pltpu.SemaphoreType.DMA,
        pltpu.SemaphoreType.DMA,
    ],
)
def _sc_pass1(xl_hbm, xr_hbm, ep_hbm, src_hbm, dst_hbm, att_hbm, z_hbm,
              a_out, dpart_out,
              src_v, dst_v, xl_a, xl_b, xr_a, xr_b, e_a, e_b, a_buf, a_wide,
              att_v, denom_sh, sem_a, sem_b):
    c = lax.axis_index("c")
    s = lax.axis_index("s")
    wid = s * NC + c
    base = wid * EPW

    pltpu.sync_copy(att_hbm, att_v)
    pltpu.sync_copy(z_hbm, denom_sh.at[pl.ds(s * RPT, RPT)])
    plsc.subcore_barrier()

    lane = lax.iota(jnp.int32, 16)
    att_regs = [att_v[pl.ds(h * DH, DH)] for h in range(H)]
    perms = [jnp.bitwise_xor(lane, kk) for kk in (8, 4, 2, 1)]

    bufs = ((xl_a, xr_a, e_a, sem_a), (xl_b, xr_b, e_b, sem_b))

    def compute(xl_rows, xr_rows, e_rows, off, dst_ref):
        def edge(j, carry2):
            lvec = jnp.zeros((16,), jnp.float32)
            for k in range(D // (2 * DH)):
                ev = e_rows[j, pl.ds(k * DH, DH)]
                e01 = (
                    lax.bitcast_convert_type(ev << 16, jnp.float32),
                    lax.bitcast_convert_type(
                        ev & jnp.uint32(0xFFFF0000), jnp.float32),
                )
                for hh in range(2):
                    h = 2 * k + hh
                    mm = (xl_rows[j, pl.ds(h * DH, DH)]
                          + xr_rows[j, pl.ds(h * DH, DH)]
                          + e01[hh])
                    mm = jnp.maximum(mm, 0.2 * mm)
                    t = mm * att_regs[h]
                    for p in perms:
                        t = t + _lane_shuffle(t, p)
                    lvec = jnp.where(lane == h, t, lvec)
            av = jnp.exp(lvec)
            a_buf[j, :] = av
            for k in range(D // DH):
                a_wide[j, pl.ds(k * DH, DH)] = av
            return carry2

        lax.fori_loop(0, C1, edge, 0)
        pltpu.sync_copy(a_buf, a_out.at[pl.ds(off, C1)])
        pltpu.sync_copy(a_wide, denom_sh.at[dst_ref], add=True)

    def pair(i, carry):
        off0 = base + i * (2 * C1)
        pltpu.sync_copy(src_hbm.at[pl.ds(off0, C1)], src_v.at[0])
        pltpu.sync_copy(dst_hbm.at[pl.ds(off0, C1)], dst_v.at[0])
        pltpu.sync_copy(src_hbm.at[pl.ds(off0 + C1, C1)], src_v.at[1])
        pltpu.sync_copy(dst_hbm.at[pl.ds(off0 + C1, C1)], dst_v.at[1])
        handles = []
        for b in range(2):
            xl_rows, xr_rows, e_rows, sem = bufs[b]
            off = off0 + b * C1
            handles.append((
                pltpu.async_copy(xl_hbm.at[src_v.at[b]], xl_rows, sem),
                pltpu.async_copy(xr_hbm.at[dst_v.at[b]], xr_rows, sem),
                pltpu.async_copy(ep_hbm.at[pl.ds(off, C1)], e_rows, sem),
            ))
        for b in range(2):
            xl_rows, xr_rows, e_rows, sem = bufs[b]
            for hnd in handles[b]:
                hnd.wait()
            compute(xl_rows, xr_rows, e_rows, off0 + b * C1, dst_v.at[b])
        return carry

    lax.fori_loop(0, NCHUNK1 // 2, pair, 0)
    plsc.subcore_barrier()

    for k in range(RPT // RCH):
        r0 = s * RPT + k * RCH
        pltpu.sync_copy(denom_sh.at[pl.ds(r0, RCH)],
                        dpart_out.at[pl.ds(c * NP + r0, RCH)])


@functools.partial(
    pl.kernel,
    out_type=jax.ShapeDtypeStruct((NC * NP, D), jnp.float32),
    mesh=_MESH,
    scratch_types=[
        pltpu.VMEM((4, C1), jnp.int32),
        pltpu.VMEM((4, C1), jnp.int32),
        pltpu.VMEM((C1, D), jnp.float32),
        pltpu.VMEM((C1, D), jnp.float32),
        pltpu.VMEM((C1, D), jnp.float32),
        pltpu.VMEM((C1, D), jnp.float32),
        pltpu.VMEM((C1, DH), jnp.float32),
        pltpu.VMEM((C1, DH), jnp.float32),
        pltpu.VMEM((C1, DH), jnp.float32),
        pltpu.VMEM((C1, DH), jnp.float32),
        pltpu.VMEM((C1, D), jnp.float32),
        pltpu.VMEM_SHARED((NP, D), jnp.float32),
        pltpu.SemaphoreType.DMA,
        pltpu.SemaphoreType.DMA,
        pltpu.SemaphoreType.DMA,
        pltpu.SemaphoreType.DMA,
    ],
)
def _sc_pass2(xl_hbm, a_hbm, src_hbm, dst_hbm, z_hbm,
              agg_out,
              src_v, dst_v, xl_0, xl_1, xl_2, xl_3, a_0, a_1, a_2, a_3,
              msg_buf, agg_sh, sem_0, sem_1, sem_2, sem_3):
    c = lax.axis_index("c")
    s = lax.axis_index("s")
    wid = s * NC + c
    base = wid * EPW

    pltpu.sync_copy(z_hbm, agg_sh.at[pl.ds(s * RPT, RPT)])
    plsc.subcore_barrier()

    bufs = ((xl_0, a_0, sem_0), (xl_1, a_1, sem_1),
            (xl_2, a_2, sem_2), (xl_3, a_3, sem_3))

    def compute(xl_rows, a_buf, dst_ref):
        def edge(j, carry2):
            arow = a_buf[j, :]
            for h in range(H):
                av = _lane_shuffle(arow, jnp.full((16,), h, jnp.int32))
                msg_buf[j, pl.ds(h * DH, DH)] = (
                    xl_rows[j, pl.ds(h * DH, DH)] * av)
            return carry2

        lax.fori_loop(0, C1, edge, 0)
        pltpu.sync_copy(msg_buf, agg_sh.at[dst_ref], add=True)

    def fire(b, off):
        xl_rows, a_buf, sem = bufs[b]
        pltpu.sync_copy(src_hbm.at[pl.ds(off, C1)], src_v.at[b])
        pltpu.sync_copy(dst_hbm.at[pl.ds(off, C1)], dst_v.at[b])
        return (pltpu.async_copy(xl_hbm.at[src_v.at[b]], xl_rows, sem),
                pltpu.async_copy(a_hbm.at[pl.ds(off, C1)], a_buf, sem))

    nquad = NCHUNK1 // 4

    def quad(i, carry):
        off0 = base + i * (4 * C1)
        handles = [fire(b, off0 + b * C1) for b in range(4)]
        for b in range(4):
            xl_rows, a_buf, sem = bufs[b]
            for hnd in handles[b]:
                hnd.wait()
            compute(xl_rows, a_buf, dst_v.at[b])
        return carry

    lax.fori_loop(0, nquad, quad, 0)
    offt = base + nquad * 4 * C1
    handles = [fire(b, offt + b * C1) for b in range(NCHUNK1 - nquad * 4)]
    for b in range(NCHUNK1 - nquad * 4):
        xl_rows, a_buf, sem = bufs[b]
        for hnd in handles[b]:
            hnd.wait()
        compute(xl_rows, a_buf, dst_v.at[b])
    plsc.subcore_barrier()

    for k in range(RPT // RCH):
        r0 = s * RPT + k * RCH
        pltpu.sync_copy(agg_sh.at[pl.ds(r0, RCH)],
                        agg_out.at[pl.ds(c * NP + r0, RCH)])



def kernel(x, edge_index, edge_attr, Wl, bl, Wr, br, We, att, conv_bias,
           gamma, beta, W1, b1, W2, b2):
    src = edge_index[0]
    dst = edge_index[1]

    xl, xr = _tc_proj(x, Wl, bl.reshape(1, D), Wr, br.reshape(1, D))
    ep = _tc_eproj(edge_attr, We)

    a_all, dpart = _sc_pass1(xl, xr, ep, src, dst, att.reshape(H * DH),
                             jnp.zeros((RPT, D), jnp.float32))
    agg_p = _sc_pass2(xl, a_all, src, dst,
                      jnp.zeros((RPT, D), jnp.float32))

    out = _tc_head(agg_p.reshape(NC, NP, D)[:, :N],
                   dpart.reshape(NC, NP, D)[:, :N], x,
                   conv_bias.reshape(1, D), gamma.reshape(1, D),
                   beta.reshape(1, D), W1, b1.reshape(1, D), W2,
                   b2.reshape(1, 1))
    return out[:, 0]

# --- scband reference (transcript-rebuilt; emitter-appended) ---
"""Pipeline reference for scband-carbon-gnn-36447092474505 (READ-ONLY COPY).

The authoritative reference and input builder live on the scoring server;
editing this copy changes nothing except your own understanding.
"""

import jax, jax.numpy as jnp
import numpy as np

N = 10000
E = 320000
D = 128
H = 8
DH = 16
DE = 16

def setup_inputs(seed: int = 0):
    key = jax.random.key(seed)
    ks = jax.random.split(key, 12)
    s = 0.05
    return {
        "x": jax.random.normal(ks[0], (N, D), dtype=jnp.float32),
        "edge_index": jax.random.randint(ks[1], (2, E), 0, N, dtype=jnp.int32),
        "edge_attr": jax.random.normal(ks[2], (E, DE), dtype=jnp.float32),
        "Wl": jax.random.normal(ks[3], (D, H * DH), dtype=jnp.float32) * s,
        "bl": jnp.zeros((H * DH,), dtype=jnp.float32),
        "Wr": jax.random.normal(ks[4], (D, H * DH), dtype=jnp.float32) * s,
        "br": jnp.zeros((H * DH,), dtype=jnp.float32),
        "We": jax.random.normal(ks[5], (DE, H * DH), dtype=jnp.float32) * s,
        "att": jax.random.normal(ks[6], (H, DH), dtype=jnp.float32) * s,
        "conv_bias": jnp.zeros((H * DH,), dtype=jnp.float32),
        "gamma": jnp.ones((D,), dtype=jnp.float32),
        "beta": jnp.zeros((D,), dtype=jnp.float32),
        "W1": jax.random.normal(ks[7], (D, D), dtype=jnp.float32) * s,
        "b1": jnp.zeros((D,), dtype=jnp.float32),
        "W2": jax.random.normal(ks[8], (D, 1), dtype=jnp.float32) * s,
        "b2": jnp.zeros((1,), dtype=jnp.float32),
    }

def _layernorm(h, gamma, beta, eps=1e-5):
    mu = jnp.mean(h, axis=-1, keepdims=True)
    var = jnp.var(h, axis=-1, keepdims=True)
    return (h - mu) / jnp.sqrt(var + eps) * gamma + beta

def reference(x, edge_index, edge_attr, Wl, bl, Wr, br, We, att, conv_bias, gamma, beta, W1, b1, W2, b2):
    # fc_in is nn.Identity since in_nf == hid == 128
    src = edge_index[0]
    dst = edge_index[1]
    # GATv2Conv (PyG semantics, eval mode -> dropout disabled)
    xl = (x @ Wl + bl).reshape(N, H, DH)  # lin_l (source)
    xr = (x @ Wr + br).reshape(N, H, DH)  # lin_r (target)
    e = (edge_attr @ We).reshape(E, H, DH)  # lin_edge (no bias)
    m = xl[src] + xr[dst] + e
    m = jax.nn.leaky_relu(m, negative_slope=0.2)
    logits = jnp.sum(m * att[None, :, :], axis=-1)  # [E, H]
    mx = jax.ops.segment_max(logits, dst, num_segments=N)
    mx = jnp.where(jnp.isfinite(mx), mx, 0.0)
    a = jnp.exp(logits - mx[dst])
    denom = jax.ops.segment_sum(a, dst, num_segments=N)
    alpha = a / (denom[dst] + 1e-16)
    msg = xl[src] * alpha[..., None]
    agg = jax.ops.segment_sum(msg, dst, num_segments=N).reshape(N, H * DH)
    h = agg + conv_bias
    # outer leaky_relu (torch default negative_slope=0.01)
    h = jax.nn.leaky_relu(h, negative_slope=0.01)
    h = _layernorm(h + x, gamma, beta)
    # dropout disabled in eval
    o = jax.nn.relu(h @ W1 + b1) @ W2 + b2
    return jax.nn.softplus(o).squeeze(-1)

if __name__ == "__main__":
    import jax
    _d = setup_inputs()
    print(jax.jit(kernel)(*tuple(_d.values())))

</pallas_src>

<mosaic_0001>
#map = affine_map<(d0, d1) -> (0, 0)>
#map1 = affine_map<(d0, d1) -> (0)>
module attributes {stable_mosaic.version = 14 : i64} {
  func.func @_sc_pass1(%arg0: i32, %arg1: i32, %arg2: memref<10000x128xf32, #tpu.memory_space<hbm>>, %arg3: memref<10000x128xf32, #tpu.memory_space<hbm>>, %arg4: memref<320000x64xi32, #tpu.memory_space<hbm>>, %arg5: memref<320000xi32, #tpu.memory_space<hbm>>, %arg6: memref<320000xi32, #tpu.memory_space<hbm>>, %arg7: memref<128xf32, #tpu.memory_space<hbm>>, %arg8: memref<640x128xf32, #tpu.memory_space<hbm>>, %arg9: memref<320000x16xf32, #tpu.memory_space<hbm>>, %arg10: memref<20480x128xf32, #tpu.memory_space<hbm>>, %arg11: memref<2x40xi32, #tpu.memory_space<vmem>>, %arg12: memref<2x40xi32, #tpu.memory_space<vmem>>, %arg13: memref<40x128xf32, #tpu.memory_space<vmem>>, %arg14: memref<40x128xf32, #tpu.memory_space<vmem>>, %arg15: memref<40x128xf32, #tpu.memory_space<vmem>>, %arg16: memref<40x128xf32, #tpu.memory_space<vmem>>, %arg17: memref<40x64xi32, #tpu.memory_space<vmem>>, %arg18: memref<40x64xi32, #tpu.memory_space<vmem>>, %arg19: memref<40x16xf32, #tpu.memory_space<vmem>>, %arg20: memref<40x128xf32, #tpu.memory_space<vmem>>, %arg21: memref<128xf32, #tpu.memory_space<vmem>>, %arg22: memref<10240x128xf32, #tpu.memory_space<vmem_shared>>, %arg23: memref<!tpu.dma_semaphore, #tpu.memory_space<semaphore_mem>>, %arg24: memref<!tpu.dma_semaphore, #tpu.memory_space<semaphore_mem>>) attributes {dimension_semantics = [#tpu.dimension_semantics<core_parallel>, #tpu.dimension_semantics<subcore_parallel>], iteration_bounds = array<i64: 2, 16>, scalar_prefetch = 0 : i64, scratch_operands = 14 : i64, tpu.core_type = #tpu.core_type<sc_vector_subcore>, window_params = [{transform_indices = #map}, {transform_indices = #map}, {transform_indices = #map}, {transform_indices = #map1}, {transform_indices = #map1}, {transform_indices = #map1}, {transform_indices = #map}, {transform_indices = #map}, {transform_indices = #map}]} {
    %mul3A = arith.constant 2 : i32
    %mul3A_0 = arith.muli %arg1, %mul3A : i32
    %add3A = arith.addi %mul3A_0, %arg0 : i32
    %mul3A_1 = arith.constant 10000 : i32
    %mul3A_2 = arith.muli %add3A, %mul3A_1 : i32
    "tpu.region"() ({
      %run_scoped3A = tpu.sem_alloc : memref<!tpu.dma_semaphore, #tpu.memory_space<semaphore_mem>>
      tpu.enqueue_dma source(%arg7 : memref<128xf32, #tpu.memory_space<hbm>>) target(%arg21 : memref<128xf32, #tpu.memory_space<vmem>>) target_semaphore(%run_scoped3A : memref<!tpu.dma_semaphore, #tpu.memory_space<semaphore_mem>>)
      tpu.wait_dma2 semaphore(%run_scoped3A : memref<!tpu.dma_semaphore, #tpu.memory_space<semaphore_mem>>) src(%arg7 : memref<128xf32, #tpu.memory_space<hbm>>) dst(%arg21 : memref<128xf32, #tpu.memory_space<vmem>>)
      tpu.yield
    }) : () -> ()
    %mul3A_3 = arith.constant 640 : i32
    %mul3A_4 = arith.muli %arg1, %mul3A_3 : i32
    "tpu.region"() ({
      %run_scoped3A = tpu.sem_alloc : memref<!tpu.dma_semaphore, #tpu.memory_space<semaphore_mem>>
      %dma_start3A = arith.constant 0 : i32
      %dma_start3A_80 = tpu.memref_slice %arg22[%mul3A_4, %dma_start3A] : memref<10240x128xf32, #tpu.memory_space<vmem_shared>> -> memref<640x128xf32, #tpu.memory_space<vmem_shared>>
      tpu.enqueue_dma source(%arg8 : memref<640x128xf32, #tpu.memory_space<hbm>>) target(%dma_start3A_80 : memref<640x128xf32, #tpu.memory_space<vmem_shared>>) target_semaphore(%run_scoped3A : memref<!tpu.dma_semaphore, #tpu.memory_space<semaphore_mem>>)
      %dma_wait3A = arith.constant 0 : i32
      %dma_wait3A_81 = tpu.memref_slice %arg22[%mul3A_4, %dma_wait3A] : memref<10240x128xf32, #tpu.memory_space<vmem_shared>> -> memref<640x128xf32, #tpu.memory_space<vmem_shared>>
      tpu.wait_dma2 semaphore(%run_scoped3A : memref<!tpu.dma_semaphore, #tpu.memory_space<semaphore_mem>>) src(%arg8 : memref<640x128xf32, #tpu.memory_space<hbm>>) dst(%dma_wait3A_81 : memref<640x128xf32, #tpu.memory_space<vmem_shared>>)
      tpu.yield
    }) : () -> ()
    %barrier3A = arith.constant 0 : index
    tpu.barrier barrier_id(%barrier3A)
    %iota3A = tpu.iota {dimensions = array<i32: 0>} : vector<16xi32>
    %get3A = arith.constant 0 : index
    %get3A_5 = tpu.vector_load %arg21[%get3A] {strides = array<i32>} : memref<128xf32, #tpu.memory_space<vmem>>, vector<16xf32>,
    %get3A_6 = vector.shape_cast %get3A_5 : vector<16xf32> to vector<16xf32>
    %get3A_7 = arith.constant 16 : index
    %get3A_8 = tpu.vector_load %arg21[%get3A_7] {strides = array<i32>} : memref<128xf32, #tpu.memory_space<vmem>>, vector<16xf32>,
    %get3A_9 = vector.shape_cast %get3A_8 : vector<16xf32> to vector<16xf32>
    %get3A_10 = arith.constant 32 : index
    %get3A_11 = tpu.vector_load %arg21[%get3A_10] {strides = array<i32>} : memref<128xf32, #tpu.memory_space<vmem>>, vector<16xf32>,
    %get3A_12 = vector.shape_cast %get3A_11 : vector<16xf32> to vector<16xf32>
    %get3A_13 = arith.constant 48 : index
    %get3A_14 = tpu.vector_load %arg21[%get3A_13] {strides = array<i32>} : memref<128xf32, #tpu.memory_space<vmem>>, vector<16xf32>,
    %get3A_15 = vector.shape_cast %get3A_14 : vector<16xf32> to vector<16xf32>
    %get3A_16 = arith.constant 64 : index
    %get3A_17 = tpu.vector_load %arg21[%get3A_16] {strides = array<i32>} : memref<128xf32, #tpu.memory_space<vmem>>, vector<16xf32>,
    %get3A_18 = vector.shape_cast %get3A_17 : vector<16xf32> to vector<16xf32>
    %get3A_19 = arith.constant 80 : index
    %get3A_20 = tpu.vector_load %arg21[%get3A_19] {strides = array<i32>} : memref<128xf32, #tpu.memory_space<vmem>>, vector<16xf32>,
    %get3A_21 = vector.shape_cast %get3A_20 : vector<16xf32> to vector<16xf32>
    %get3A_22 = arith.constant 96 : index
    %get3A_23 = tpu.vector_load %arg21[%get3A_22] {strides = array<i32>} : memref<128xf32, #tpu.memory_space<vmem>>, vector<16xf32>,
    %get3A_24 = vector.shape_cast %get3A_23 : vector<16xf32> to vector<16xf32>
    %get3A_25 = arith.constant 112 : index
    %get3A_26 = tpu.vector_load %arg21[%get3A_25] {strides = array<i32>} : memref<128xf32, #tpu.memory_space<vmem>>, vector<16xf32>,
    %get3A_27 = vector.shape_cast %get3A_26 : vector<16xf32> to vector<16xf32>
    %xor3A = arith.constant 8 : i32
    %xor3A_28 = vector.broadcast %xor3A : i32 to vector<16xi32>
    %xor3A_29 = arith.xori %iota3A, %xor3A_28 : vector<16xi32>
    %xor3A_30 = arith.constant 4 : i32
    %xor3A_31 = vector.broadcast %xor3A_30 : i32 to vector<16xi32>
    %xor3A_32 = arith.xori %iota3A, %xor3A_31 : vector<16xi32>
    %xor3A_33 = arith.constant 2 : i32
    %xor3A_34 = vector.broadcast %xor3A_33 : i32 to vector<16xi32>
    %xor3A_35 = arith.xori %iota3A, %xor3A_34 : vector<16xi32>
    %xor3A_36 = arith.constant 1 : i32
    %xor3A_37 = vector.broadcast %xor3A_36 : i32 to vector<16xi32>
    %xor3A_38 = arith.xori %iota3A, %xor3A_37 : vector<16xi32>
    %scan3A = arith.constant 0 : i32
    %scan3A_39 = arith.constant 0 : i32
    %scan3A_40 = arith.constant 125 : i32
    %scan3A_41 = arith.addi %scan3A_39, %scan3A_40 : i32
    %scan3A_42 = arith.constant 1 : i32
    scf.for %scan3A_80 = %scan3A_39 to %scan3A_41 step %scan3A_42  : i32 {
      %mul3A_81 = arith.constant 80 : i32
      %mul3A_82 = arith.muli %scan3A_80, %mul3A_81 : i32
      %add3A_83 = arith.addi %mul3A_2, %mul3A_82 : i32
      %run_scoped3A = arith.constant 0 : i32
      "tpu.region"() ({
        %run_scoped3A_183 = tpu.sem_alloc : memref<!tpu.dma_semaphore, #tpu.memory_space<semaphore_mem>>
        %dma_start3A_184 = arith.constant 0 : i32
        %dma_start3A_185 = tpu.memref_slice %arg11[%run_scoped3A, %dma_start3A_184] : memref<2x40xi32, #tpu.memory_space<vmem>> -> memref<1x40xi32, #tpu.memory_space<vmem>>
        %dma_start3A_186 = tpu.memref_squeeze %dma_start3A_185 : memref<1x40xi32, #tpu.memory_space<vmem>> -> memref<40xi32, #tpu.memory_space<vmem>>
        %dma_start3A_187 = tpu.memref_slice %arg5[%add3A_83] : memref<320000xi32, #tpu.memory_space<hbm>> -> memref<40xi32, #tpu.memory_space<hbm>>
        %dma_start3A_188 = arith.constant 0 : i32
        %dma_start3A_189 = tpu.memref_slice %arg11[%run_scoped3A, %dma_start3A_188] : memref<2x40xi32, #tpu.memory_space<vmem>> -> memref<1x40xi32, #tpu.memory_space<vmem>>
        %dma_start3A_190 = tpu.memref_squeeze %dma_start3A_189 : memref<1x40xi32, #tpu.memory_space<vmem>> -> memref<40xi32, #tpu.memory_space<vmem>>
        %dma_start3A_191 = tpu.memref_slice %arg5[%add3A_83] : memref<320000xi32, #tpu.memory_space<hbm>> -> memref<40xi32, #tpu.memory_space<hbm>>
        tpu.enqueue_dma source(%dma_start3A_191 : memref<40xi32, #tpu.memory_space<hbm>>) target(%dma_start3A_190 : memref<40xi32, #tpu.memory_space<vmem>>) target_semaphore(%run_scoped3A_183 : memref<!tpu.dma_semaphore, #tpu.memory_space<semaphore_mem>>)
        %dma_wait3A_192 = arith.constant 0 : i32
        %dma_wait3A_193 = tpu.memref_slice %arg11[%run_scoped3A, %dma_wait3A_192] : memref<2x40xi32, #tpu.memory_space<vmem>> -> memref<1x40xi32, #tpu.memory_space<vmem>>
        %dma_wait3A_194 = tpu.memref_squeeze %dma_wait3A_193 : memref<1x40xi32, #tpu.memory_space<vmem>> -> memref<40xi32, #tpu.memory_space<vmem>>
        %dma_wait3A_195 = tpu.memref_slice %arg5[%add3A_83] : memref<320000xi32, #tpu.memory_space<hbm>> -> memref<40xi32, #tpu.memory_space<hbm>>
        %dma_wait3A_196 = arith.constant 0 : i32
        %dma_wait3A_197 = tpu.memref_slice %arg11[%run_scoped3A, %dma_wait3A_196] : memref<2x40xi32, #tpu.memory_space<vmem>> -> memref<1x40xi32, #tpu.memory_space<vmem>>
        %dma_wait3A_198 = tpu.memref_squeeze %dma_wait3A_197 : memref<1x40xi32, #tpu.memory_space<vmem>> -> memref<40xi32, #tpu.memory_space<vmem>>
        %dma_wait3A_199 = tpu.memref_slice %arg5[%add3A_83] : memref<320000xi32, #tpu.memory_space<hbm>> -> memref<40xi32, #tpu.memory_space<hbm>>
        tpu.wait_dma2 semaphore(%run_scoped3A_183 : memref<!tpu.dma_semaphore, #tpu.memory_space<semaphore_mem>>) src(%dma_wait3A_199 : memref<40xi32, #tpu.memory_space<hbm>>) dst(%dma_wait3A_198 : memref<40xi32, #tpu.memory_space<vmem>>)
        tpu.yield
      }) : () -> ()
      %run_scoped3A_84 = arith.constant 0 : i32
      "tpu.region"() ({
        %run_scoped3A_183 = tpu.sem_alloc : memref<!tpu.dma_semaphore, #tpu.memory_space<semaphore_mem>>
        %dma_start3A_184 = arith.constant 0 : i32
        %dma_start3A_185 = tpu.memref_slice %arg12[%run_scoped3A_84, %dma_start3A_184] : memref<2x40xi32, #tpu.memory_space<vmem>> -> memref<1x40xi32, #tpu.memory_space<vmem>>
        %dma_start3A_186 = tpu.memref_squeeze %dma_start3A_185 : memref<1x40xi32, #tpu.memory_space<vmem>> -> memref<40xi32, #tpu.memory_space<vmem>>
        %dma_start3A_187 = tpu.memref_slice %arg6[%add3A_83] : memref<320000xi32, #tpu.memory_space<hbm>> -> memref<40xi32, #tpu.memory_space<hbm>>
        %dma_start3A_188 = arith.constant 0 : i32
        %dma_start3A_189 = tpu.memref_slice %arg12[%run_scoped3A_84, %dma_start3A_188] : memref<2x40xi32, #tpu.memory_space<vmem>> -> memref<1x40xi32, #tpu.memory_space<vmem>>
        %dma_start3A_190 = tpu.memref_squeeze %dma_start3A_189 : memref<1x40xi32, #tpu.memory_space<vmem>> -> memref<40xi32, #tpu.memory_space<vmem>>
        %dma_start3A_191 = tpu.memref_slice %arg6[%add3A_83] : memref<320000xi32, #tpu.memory_space<hbm>> -> memref<40xi32, #tpu.memory_space<hbm>>
        tpu.enqueue_dma source(%dma_start3A_191 : memref<40xi32, #tpu.memory_space<hbm>>) target(%dma_start3A_190 : memref<40xi32, #tpu.memory_space<vmem>>) target_semaphore(%run_scoped3A_183 : memref<!tpu.dma_semaphore, #tpu.memory_space<semaphore_mem>>)
        %dma_wait3A_192 = arith.constant 0 : i32
        %dma_wait3A_193 = tpu.memref_slice %arg12[%run_scoped3A_84, %dma_wait3A_192] : memref<2x40xi32, #tpu.memory_space<vmem>> -> memref<1x40xi32, #tpu.memory_space<vmem>>
        %dma_wait3A_194 = tpu.memref_squeeze %dma_wait3A_193 : memref<1x40xi32, #tpu.memory_space<vmem>> -> memref<40xi32, #tpu.memory_space<vmem>>
        %dma_wait3A_195 = tpu.memref_slice %arg6[%add3A_83] : memref<320000xi32, #tpu.memory_space<hbm>> -> memref<40xi32, #tpu.memory_space<hbm>>
        %dma_wait3A_196 = arith.constant 0 : i32
        %dma_wait3A_197 = tpu.memref_slice %arg12[%run_scoped3A_84, %dma_wait3A_196] : memref<2x40xi32, #tpu.memory_space<vmem>> -> memref<1x40xi32, #tpu.memory_space<vmem>>
        %dma_wait3A_198 = tpu.memref_squeeze %dma_wait3A_197 : memref<1x40xi32, #tpu.memory_space<vmem>> -> memref<40xi32, #tpu.memory_space<vmem>>
        %dma_wait3A_199 = tpu.memref_slice %arg6[%add3A_83] : memref<320000xi32, #tpu.memory_space<hbm>> -> memref<40xi32, #tpu.memory_space<hbm>>
        tpu.wait_dma2 semaphore(%run_scoped3A_183 : memref<!tpu.dma_semaphore, #tpu.memory_space<semaphore_mem>>) src(%dma_wait3A_199 : memref<40xi32, #tpu.memory_space<hbm>>) dst(%dma_wait3A_198 : memref<40xi32, #tpu.memory_space<vmem>>)
        tpu.yield
      }) : () -> ()
      %add3A_85 = arith.constant 40 : i32
      %add3A_86 = arith.addi %add3A_83, %add3A_85 : i32
      %run_scoped3A_87 = arith.constant 1 : i32
      "tpu.region"() ({
        %run_scoped3A_183 = tpu.sem_alloc : memref<!tpu.dma_semaphore, #tpu.memory_space<semaphore_mem>>
        %dma_start3A_184 = arith.constant 0 : i32
        %dma_start3A_185 = tpu.memref_slice %arg11[%run_scoped3A_87, %dma_start3A_184] : memref<2x40xi32, #tpu.memory_space<vmem>> -> memref<1x40xi32, #tpu.memory_space<vmem>>
        %dma_start3A_186 = tpu.memref_squeeze %dma_start3A_185 : memref<1x40xi32, #tpu.memory_space<vmem>> -> memref<40xi32, #tpu.memory_space<vmem>>
        %dma_start3A_187 = tpu.memref_slice %arg5[%add3A_86] : memref<320000xi32, #tpu.memory_space<hbm>> -> memref<40xi32, #tpu.memory_space<hbm>>
        %dma_start3A_188 = arith.constant 0 : i32
        %dma_start3A_189 = tpu.memref_slice %arg11[%run_scoped3A_87, %dma_start3A_188] : memref<2x40xi32, #tpu.memory_space<vmem>> -> memref<1x40xi32, #tpu.memory_space<vmem>>
        %dma_start3A_190 = tpu.memref_squeeze %dma_start3A_189 : memref<1x40xi32, #tpu.memory_space<vmem>> -> memref<40xi32, #tpu.memory_space<vmem>>
        %dma_start3A_191 = tpu.memref_slice %arg5[%add3A_86] : memref<320000xi32, #tpu.memory_space<hbm>> -> memref<40xi32, #tpu.memory_space<hbm>>
        tpu.enqueue_dma source(%dma_start3A_191 : memref<40xi32, #tpu.memory_space<hbm>>) target(%dma_start3A_190 : memref<40xi32, #tpu.memory_space<vmem>>) target_semaphore(%run_scoped3A_183 : memref<!tpu.dma_semaphore, #tpu.memory_space<semaphore_mem>>)
        %dma_wait3A_192 = arith.constant 0 : i32
        %dma_wait3A_193 = tpu.memref_slice %arg11[%run_scoped3A_87, %dma_wait3A_192] : memref<2x40xi32, #tpu.memory_space<vmem>> -> memref<1x40xi32, #tpu.memory_space<vmem>>
        %dma_wait3A_194 = tpu.memref_squeeze %dma_wait3A_193 : memref<1x40xi32, #tpu.memory_space<vmem>> -> memref<40xi32, #tpu.memory_space<vmem>>
        %dma_wait3A_195 = tpu.memref_slice %arg5[%add3A_86] : memref<320000xi32, #tpu.memory_space<hbm>> -> memref<40xi32, #tpu.memory_space<hbm>>
        %dma_wait3A_196 = arith.constant 0 : i32
        %dma_wait3A_197 = tpu.memref_slice %arg11[%run_scoped3A_87, %dma_wait3A_196] : memref<2x40xi32, #tpu.memory_space<vmem>> -> memref<1x40xi32, #tpu.memory_space<vmem>>
        %dma_wait3A_198 = tpu.memref_squeeze %dma_wait3A_197 : memref<1x40xi32, #tpu.memory_space<vmem>> -> memref<40xi32, #tpu.memory_space<vmem>>
        %dma_wait3A_199 = tpu.memref_slice %arg5[%add3A_86] : memref<320000xi32, #tpu.memory_space<hbm>> -> memref<40xi32, #tpu.memory_space<hbm>>
        tpu.wait_dma2 semaphore(%run_scoped3A_183 : memref<!tpu.dma_semaphore, #tpu.memory_space<semaphore_mem>>) src(%dma_wait3A_199 : memref<40xi32, #tpu.memory_space<hbm>>) dst(%dma_wait3A_198 : memref<40xi32, #tpu.memory_space<vmem>>)
        tpu.yield
      }) : () -> ()
      %add3A_88 = arith.constant 40 : i32
      %add3A_89 = arith.addi %add3A_83, %add3A_88 : i32
      %run_scoped3A_90 = arith.constant 1 : i32
      "tpu.region"() ({
        %run_scoped3A_183 = tpu.sem_alloc : memref<!tpu.dma_semaphore, #tpu.memory_space<semaphore_mem>>
        %dma_start3A_184 = arith.constant 0 : i32
        %dma_start3A_185 = tpu.memref_slice %arg12[%run_scoped3A_90, %dma_start3A_184] : memref<2x40xi32, #tpu.memory_space<vmem>> -> memref<1x40xi32, #tpu.memory_space<vmem>>
        %dma_start3A_186 = tpu.memref_squeeze %dma_start3A_185 : memref<1x40xi32, #tpu.memory_space<vmem>> -> memref<40xi32, #tpu.memory_space<vmem>>
        %dma_start3A_187 = tpu.memref_slice %arg6[%add3A_89] : memref<320000xi32, #tpu.memory_space<hbm>> -> memref<40xi32, #tpu.memory_space<hbm>>
        %dma_start3A_188 = arith.constant 0 : i32
        %dma_start3A_189 = tpu.memref_slice %arg12[%run_scoped3A_90, %dma_start3A_188] : memref<2x40xi32, #tpu.memory_space<vmem>> -> memref<1x40xi32, #tpu.memory_space<vmem>>
        %dma_start3A_190 = tpu.memref_squeeze %dma_start3A_189 : memref<1x40xi32, #tpu.memory_space<vmem>> -> memref<40xi32, #tpu.memory_space<vmem>>
        %dma_start3A_191 = tpu.memref_slice %arg6[%add3A_89] : memref<320000xi32, #tpu.memory_space<hbm>> -> memref<40xi32, #tpu.memory_space<hbm>>
        tpu.enqueue_dma source(%dma_start3A_191 : memref<40xi32, #tpu.memory_space<hbm>>) target(%dma_start3A_190 : memref<40xi32, #tpu.memory_space<vmem>>) target_semaphore(%run_scoped3A_183 : memref<!tpu.dma_semaphore, #tpu.memory_space<semaphore_mem>>)
        %dma_wait3A_192 = arith.constant 0 : i32
        %dma_wait3A_193 = tpu.memref_slice %arg12[%run_scoped3A_90, %dma_wait3A_192] : memref<2x40xi32, #tpu.memory_space<vmem>> -> memref<1x40xi32, #tpu.memory_space<vmem>>
        %dma_wait3A_194 = tpu.memref_squeeze %dma_wait3A_193 : memref<1x40xi32, #tpu.memory_space<vmem>> -> memref<40xi32, #tpu.memory_space<vmem>>
        %dma_wait3A_195 = tpu.memref_slice %arg6[%add3A_89] : memref<320000xi32, #tpu.memory_space<hbm>> -> memref<40xi32, #tpu.memory_space<hbm>>
        %dma_wait3A_196 = arith.constant 0 : i32
        %dma_wait3A_197 = tpu.memref_slice %arg12[%run_scoped3A_90, %dma_wait3A_196] : memref<2x40xi32, #tpu.memory_space<vmem>> -> memref<1x40xi32, #tpu.memory_space<vmem>>
        %dma_wait3A_198 = tpu.memref_squeeze %dma_wait3A_197 : memref<1x40xi32, #tpu.memory_space<vmem>> -> memref<40xi32, #tpu.memory_space<vmem>>
        %dma_wait3A_199 = tpu.memref_slice %arg6[%add3A_89] : memref<320000xi32, #tpu.memory_space<hbm>> -> memref<40xi32, #tpu.memory_space<hbm>>
        tpu.wait_dma2 semaphore(%run_scoped3A_183 : memref<!tpu.dma_semaphore, #tpu.memory_space<semaphore_mem>>) src(%dma_wait3A_199 : memref<40xi32, #tpu.memory_space<hbm>>) dst(%dma_wait3A_198 : memref<40xi32, #tpu.memory_space<vmem>>)
        tpu.yield
      }) : () -> ()
      %add3A_91 = arith.constant 0 : i32
      %add3A_92 = arith.addi %add3A_83, %add3A_91 : i32
      %dma_start3A = arith.constant 0 : i32
      %dma_start3A_93 = arith.constant 0 : i32
      %dma_start3A_94 = tpu.memref_slice %arg11[%dma_start3A, %dma_start3A_93] : memref<2x40xi32, #tpu.memory_space<vmem>> -> memref<1x40xi32, #tpu.memory_space<vmem>>
      %dma_start3A_95 = tpu.memref_squeeze %dma_start3A_94 : memref<1x40xi32, #tpu.memory_space<vmem>> -> memref<40xi32, #tpu.memory_space<vmem>>
      %dma_start3A_96 = arith.constant 0 : i32
      %dma_start3A_97 = arith.constant 0 : i32
      %dma_start3A_98 = tpu.memref_slice %arg2[%dma_start3A_96, %dma_start3A_97] : memref<10000x128xf32, #tpu.memory_space<hbm>> -> memref<10000x128xf32, #tpu.memory_space<hbm>>
      tpu.enqueue_indirect_dma source(%dma_start3A_98 : memref<10000x128xf32, #tpu.memory_space<hbm>>) target(%arg13 : memref<40x128xf32, #tpu.memory_space<vmem>>) offsets(%dma_start3A_95 : memref<40xi32, #tpu.memory_space<vmem>>) semaphore(%arg23 : memref<!tpu.dma_semaphore, #tpu.memory_space<semaphore_mem>>)
      %dma_start3A_99 = arith.constant 0 : i32
      %dma_start3A_100 = arith.constant 0 : i32
      %dma_start3A_101 = tpu.memref_slice %arg12[%dma_start3A_99, %dma_start3A_100] : memref<2x40xi32, #tpu.memory_space<vmem>> -> memref<1x40xi32, #tpu.memory_space<vmem>>
      %dma_start3A_102 = tpu.memref_squeeze %dma_start3A_101 : memref<1x40xi32, #tpu.memory_space<vmem>> -> memref<40xi32, #tpu.memory_space<vmem>>
      %dma_start3A_103 = arith.constant 0 : i32
      %dma_start3A_104 = arith.constant 0 : i32
      %dma_start3A_105 = tpu.memref_slice %arg3[%dma_start3A_103, %dma_start3A_104] : memref<10000x128xf32, #tpu.memory_space<hbm>> -> memref<10000x128xf32, #tpu.memory_space<hbm>>
      tpu.enqueue_indirect_dma source(%dma_start3A_105 : memref<10000x128xf32, #tpu.memory_space<hbm>>) target(%arg15 : memref<40x128xf32, #tpu.memory_space<vmem>>) offsets(%dma_start3A_102 : memref<40xi32, #tpu.memory_space<vmem>>) semaphore(%arg23 : memref<!tpu.dma_semaphore, #tpu.memory_space<semaphore_mem>>)
      %dma_start3A_106 = arith.constant 0 : i32
      %dma_start3A_107 = tpu.memref_slice %arg4[%add3A_92, %dma_start3A_106] : memref<320000x64xi32, #tpu.memory_space<hbm>> -> memref<40x64xi32, #tpu.memory_space<hbm>>
      %dma_start3A_108 = arith.constant 0 : i32
      %dma_start3A_109 = tpu.memref_slice %arg4[%add3A_92, %dma_start3A_108] : memref<320000x64xi32, #tpu.memory_space<hbm>> -> memref<40x64xi32, #tpu.memory_space<hbm>>
      tpu.enqueue_dma source(%dma_start3A_109 : memref<40x64xi32, #tpu.memory_space<hbm>>) target(%arg17 : memref<40x64xi32, #tpu.memory_space<vmem>>) target_semaphore(%arg23 : memref<!tpu.dma_semaphore, #tpu.memory_space<semaphore_mem>>)
      %add3A_110 = arith.constant 40 : i32
      %add3A_111 = arith.addi %add3A_83, %add3A_110 : i32
      %dma_start3A_112 = arith.constant 1 : i32
      %dma_start3A_113 = arith.constant 0 : i32
      %dma_start3A_114 = tpu.memref_slice %arg11[%dma_start3A_112, %dma_start3A_113] : memref<2x40xi32, #tpu.memory_space<vmem>> -> memref<1x40xi32, #tpu.memory_space<vmem>>
      %dma_start3A_115 = tpu.memref_squeeze %dma_start3A_114 : memref<1x40xi32, #tpu.memory_space<vmem>> -> memref<40xi32, #tpu.memory_space<vmem>>
      %dma_start3A_116 = arith.constant 0 : i32
      %dma_start3A_117 = arith.constant 0 : i32
      %dma_start3A_118 = tpu.memref_slice %arg2[%dma_start3A_116, %dma_start3A_117] : memref<10000x128xf32, #tpu.memory_space<hbm>> -> memref<10000x128xf32, #tpu.memory_space<hbm>>
      tpu.enqueue_indirect_dma source(%dma_start3A_118 : memref<10000x128xf32, #tpu.memory_space<hbm>>) target(%arg14 : memref<40x128xf32, #tpu.memory_space<vmem>>) offsets(%dma_start3A_115 : memref<40xi32, #tpu.memory_space<vmem>>) semaphore(%arg24 : memref<!tpu.dma_semaphore, #tpu.memory_space<semaphore_mem>>)
      %dma_start3A_119 = arith.constant 1 : i32
      %dma_start3A_120 = arith.constant 0 : i32
      %dma_start3A_121 = tpu.memref_slice %arg12[%dma_start3A_119, %dma_start3A_120] : memref<2x40xi32, #tpu.memory_space<vmem>> -> memref<1x40xi32, #tpu.memory_space<vmem>>
      %dma_start3A_122 = tpu.memref_squeeze %dma_start3A_121 : memref<1x40xi32, #tpu.memory_space<vmem>> -> memref<40xi32, #tpu.memory_space<vmem>>
      %dma_start3A_123 = arith.constant 0 : i32
      %dma_start3A_124 = arith.constant 0 : i32
      %dma_start3A_125 = tpu.memref_slice %arg3[%dma_start3A_123, %dma_start3A_124] : memref<10000x128xf32, #tpu.memory_space<hbm>> -> memref<10000x128xf32, #tpu.memory_space<hbm>>
      tpu.enqueue_indirect_dma source(%dma_start3A_125 : memref<10000x128xf32, #tpu.memory_space<hbm>>) target(%arg16 : memref<40x128xf32, #tpu.memory_space<vmem>>) offsets(%dma_start3A_122 : memref<40xi32, #tpu.memory_space<vmem>>) semaphore(%arg24 : memref<!tpu.dma_semaphore, #tpu.memory_space<semaphore_mem>>)
      %dma_start3A_126 = arith.constant 0 : i32
      %dma_start3A_127 = tpu.memref_slice %arg4[%add3A_111, %dma_start3A_126] : memref<320000x64xi32, #tpu.memory_space<hbm>> -> memref<40x64xi32, #tpu.memory_space<hbm>>
      %dma_start3A_128 = arith.constant 0 : i32
      %dma_start3A_129 = tpu.memref_slice %arg4[%add3A_111, %dma_start3A_128] : memref<320000x64xi32, #tpu.memory_space<hbm>> -> memref<40x64xi32, #tpu.memory_space<hbm>>
      tpu.enqueue_dma source(%dma_start3A_129 : memref<40x64xi32, #tpu.memory_space<hbm>>) target(%arg18 : memref<40x64xi32, #tpu.memory_space<vmem>>) target_semaphore(%arg24 : memref<!tpu.dma_semaphore, #tpu.memory_space<semaphore_mem>>)
      %dma_wait3A = arith.constant 0 : i32
      %dma_wait3A_130 = arith.constant 0 : i32
      %dma_wait3A_131 = tpu.memref_slice %arg11[%dma_wait3A, %dma_wait3A_130] : memref<2x40xi32, #tpu.memory_space<vmem>> -> memref<1x40xi32, #tpu.memory_space<vmem>>
      %dma_wait3A_132 = tpu.memref_squeeze %dma_wait3A_131 : memref<1x40xi32, #tpu.memory_space<vmem>> -> memref<40xi32, #tpu.memory_space<vmem>>
      %dma_wait3A_133 = arith.constant 0 : i32
      %dma_wait3A_134 = arith.constant 0 : i32
      %dma_wait3A_135 = tpu.memref_slice %arg2[%dma_wait3A_133, %dma_wait3A_134] : memref<10000x128xf32, #tpu.memory_space<hbm>> -> memref<10000x128xf32, #tpu.memory_space<hbm>>
      tpu.wait_indirect_dma semaphore(%arg23 : memref<!tpu.dma_semaphore, #tpu.memory_space<semaphore_mem>>) src(%dma_wait3A_135 : memref<10000x128xf32, #tpu.memory_space<hbm>>) dst(%arg13 : memref<40x128xf32, #tpu.memory_space<vmem>>)
      %dma_wait3A_136 = arith.constant 0 : i32
      %dma_wait3A_137 = arith.constant 0 : i32
      %dma_wait3A_138 = tpu.memref_slice %arg12[%dma_wait3A_136, %dma_wait3A_137] : memref<2x40xi32, #tpu.memory_space<vmem>> -> memref<1x40xi32, #tpu.memory_space<vmem>>
      %dma_wait3A_139 = tpu.memref_squeeze %dma_wait3A_138 : memref<1x40xi32, #tpu.memory_space<vmem>> -> memref<40xi32, #tpu.memory_space<vmem>>
      %dma_wait3A_140 = arith.constant 0 : i32
      %dma_wait3A_141 = arith.constant 0 : i32
      %dma_wait3A_142 = tpu.memref_slice %arg3[%dma_wait3A_140, %dma_wait3A_141] : memref<10000x128xf32, #tpu.memory_space<hbm>> -> memref<10000x128xf32, #tpu.memory_space<hbm>>
      tpu.wait_indirect_dma semaphore(%arg23 : memref<!tpu.dma_semaphore, #tpu.memory_space<semaphore_mem>>) src(%dma_wait3A_142 : memref<10000x128xf32, #tpu.memory_space<hbm>>) dst(%arg15 : memref<40x128xf32, #tpu.memory_space<vmem>>)
      %dma_wait3A_143 = arith.constant 0 : i32
      %dma_wait3A_144 = tpu.memref_slice %arg4[%add3A_92, %dma_wait3A_143] : memref<320000x64xi32, #tpu.memory_space<hbm>> -> memref<40x64xi32, #tpu.memory_space<hbm>>
      %dma_wait3A_145 = arith.constant 0 : i32
      %dma_wait3A_146 = tpu.memref_slice %arg4[%add3A_92, %dma_wait3A_145] : memref<320000x64xi32, #tpu.memory_space<hbm>> -> memref<40x64xi32, #tpu.memory_space<hbm>>
      tpu.wait_dma2 semaphore(%arg23 : memref<!tpu.dma_semaphore, #tpu.memory_space<semaphore_mem>>) src(%dma_wait3A_146 : memref<40x64xi32, #tpu.memory_space<hbm>>) dst(%arg17 : memref<40x64xi32, #tpu.memory_space<vmem>>)
      %add3A_147 = arith.constant 0 : i32
      %add3A_148 = arith.addi %add3A_83, %add3A_147 : i32
      %scan3A_149 = arith.constant 0 : i32
      %scan3A_150 = arith.constant 0 : i32
      %scan3A_151 = arith.constant 40 : i32
      %scan3A_152 = arith.addi %scan3A_150, %scan3A_151 : i32
      %scan3A_153 = arith.constant 1 : i32
      scf.for %scan3A_183 = %scan3A_150 to %scan3A_152 step %scan3A_153  : i32 {
        %broadcast_in_dim3A = arith.constant 0.000000e+00 : f32
        %broadcast_in_dim3A_184 = vector.broadcast %broadcast_in_dim3A : f32 to vector<16xf32>
        %get3A_185 = arith.index_cast %scan3A_183 : i32 to index
        %get3A_186 = arith.constant 0 : index
        %get3A_187 = tpu.vector_load %arg17[%get3A_185, %get3A_186] {strides = array<i32>} : memref<40x64xi32, #tpu.memory_space<vmem>>, vector<1x16xi32>,
        %get3A_188 = vector.shape_cast %get3A_187 : vector<1x16xi32> to vector<16xi32>
        %shift_left3A = arith.constant 16 : i32
        %shift_left3A_189 = vector.broadcast %shift_left3A : i32 to vector<16xi32>
        %shift_left3A_190 = arith.shli %get3A_188, %shift_left3A_189 : vector<16xi32>
        %bitcast_convert_type3A = tpu.bitcast %shift_left3A_190 : vector<16xi32> -> vector<16xf32>
        %and3A = arith.constant -65536 : i32
        %and3A_191 = vector.broadcast %and3A : i32 to vector<16xi32>
        %and3A_192 = arith.andi %get3A_188, %and3A_191 : vector<16xi32>
        %bitcast_convert_type3A_193 = tpu.bitcast %and3A_192 : vector<16xi32> -> vector<16xf32>
        %get3A_194 = arith.index_cast %scan3A_183 : i32 to index
        %get3A_195 = arith.constant 0 : index
        %get3A_196 = tpu.vector_load %arg13[%get3A_194, %get3A_195] {strides = array<i32>} : memref<40x128xf32, #tpu.memory_space<vmem>>, vector<1x16xf32>,
        %get3A_197 = vector.shape_cast %get3A_196 : vector<1x16xf32> to vector<16xf32>
        %get3A_198 = arith.index_cast %scan3A_183 : i32 to index
        %get3A_199 = arith.constant 0 : index
        %get3A_200 = tpu.vector_load %arg15[%get3A_198, %get3A_199] {strides = array<i32>} : memref<40x128xf32, #tpu.memory_space<vmem>>, vector<1x16xf32>,
        %get3A_201 = vector.shape_cast %get3A_200 : vector<1x16xf32> to vector<16xf32>
        %add3A_202 = arith.addf %get3A_197, %get3A_201 : vector<16xf32>
        %add3A_203 = arith.addf %add3A_202, %bitcast_convert_type3A : vector<16xf32>
        %mul3A_204 = arith.constant 2.000000e-01 : f32
        %mul3A_205 = vector.broadcast %mul3A_204 : f32 to vector<16xf32>
        %mul3A_206 = arith.mulf %mul3A_205, %add3A_203 : vector<16xf32>
        %max3A = arith.maximumf %add3A_203, %mul3A_206 : vector<16xf32>
        %mul3A_207 = arith.mulf %max3A, %get3A_6 : vector<16xf32>
        %broadcast_in_dim3A_208 = vector.shape_cast %xor3A_29 : vector<16xi32> to vector<16x1xi32>
        %gather3A = vector.shape_cast %broadcast_in_dim3A_208 : vector<16x1xi32> to vector<16xi32>
        %gather3A_209 = tpu.dynamic_gather %mul3A_207[%gather3A] in [0] : vector<16xf32>, vector<16xi32> -> vector<16xf32>
        %add3A_210 = arith.addf %mul3A_207, %gather3A_209 : vector<16xf32>
        %broadcast_in_dim3A_211 = vector.shape_cast %xor3A_32 : vector<16xi32> to vector<16x1xi32>
        %gather3A_212 = vector.shape_cast %broadcast_in_dim3A_211 : vector<16x1xi32> to vector<16xi32>
        %gather3A_213 = tpu.dynamic_gather %add3A_210[%gather3A_212] in [0] : vector<16xf32>, vector<16xi32> -> vector<16xf32>
        %add3A_214 = arith.addf %add3A_210, %gather3A_213 : vector<16xf32>
        %broadcast_in_dim3A_215 = vector.shape_cast %xor3A_35 : vector<16xi32> to vector<16x1xi32>
        %gather3A_216 = vector.shape_cast %broadcast_in_dim3A_215 : vector<16x1xi32> to vector<16xi32>
        %gather3A_217 = tpu.dynamic_gather %add3A_214[%gather3A_216] in [0] : vector<16xf32>, vector<16xi32> -> vector<16xf32>
        %add3A_218 = arith.addf %add3A_214, %gather3A_217 : vector<16xf32>
        %broadcast_in_dim3A_219 = vector.shape_cast %xor3A_38 : vector<16xi32> to vector<16x1xi32>
        %gather3A_220 = vector.shape_cast %broadcast_in_dim3A_219 : vector<16x1xi32> to vector<16xi32>
        %gather3A_221 = tpu.dynamic_gather %add3A_218[%gather3A_220] in [0] : vector<16xf32>, vector<16xi32> -> vector<16xf32>
        %add3A_222 = arith.addf %add3A_218, %gather3A_221 : vector<16xf32>
        %eq3A = arith.constant 0 : i32
        %eq3A_223 = vector.broadcast %eq3A : i32 to vector<16xi32>
        %eq3A_224 = arith.cmpi eq, %iota3A, %eq3A_223 : vector<16xi32>
        %select_n3A = arith.select %eq3A_224, %add3A_222, %broadcast_in_dim3A_184 : vector<16xi1>, vector<16xf32>
        %get3A_225 = arith.index_cast %scan3A_183 : i32 to index
        %get3A_226 = arith.constant 16 : index
        %get3A_227 = tpu.vector_load %arg13[%get3A_225, %get3A_226] {strides = array<i32>} : memref<40x128xf32, #tpu.memory_space<vmem>>, vector<1x16xf32>,
        %get3A_228 = vector.shape_cast %get3A_227 : vector<1x16xf32> to vector<16xf32>
        %get3A_229 = arith.index_cast %scan3A_183 : i32 to index
        %get3A_230 = arith.constant 16 : index
        %get3A_231 = tpu.vector_load %arg15[%get3A_229, %get3A_230] {strides = array<i32>} : memref<40x128xf32, #tpu.memory_space<vmem>>, vector<1x16xf32>,
        %get3A_232 = vector.shape_cast %get3A_231 : vector<1x16xf32> to vector<16xf32>
        %add3A_233 = arith.addf %get3A_228, %get3A_232 : vector<16xf32>
        %add3A_234 = arith.addf %add3A_233, %bitcast_convert_type3A_193 : vector<16xf32>
        %mul3A_235 = arith.constant 2.000000e-01 : f32
        %mul3A_236 = vector.broadcast %mul3A_235 : f32 to vector<16xf32>
        %mul3A_237 = arith.mulf %mul3A_236, %add3A_234 : vector<16xf32>
        %max3A_238 = arith.maximumf %add3A_234, %mul3A_237 : vector<16xf32>
        %mul3A_239 = arith.mulf %max3A_238, %get3A_9 : vector<16xf32>
        %broadcast_in_dim3A_240 = vector.shape_cast %xor3A_29 : vector<16xi32> to vector<16x1xi32>
        %gather3A_241 = vector.shape_cast %broadcast_in_dim3A_240 : vector<16x1xi32> to vector<16xi32>
        %gather3A_242 = tpu.dynamic_gather %mul3A_239[%gather3A_241] in [0] : vector<16xf32>, vector<16xi32> -> vector<16xf32>
        %add3A_243 = arith.addf %mul3A_239, %gather3A_242 : vector<16xf32>
        %broadcast_in_dim3A_244 = vector.shape_cast %xor3A_32 : vector<16xi32> to vector<16x1xi32>
        %gather3A_245 = vector.shape_cast %broadcast_in_dim3A_244 : vector<16x1xi32> to vector<16xi32>
        %gather3A_246 = tpu.dynamic_gather %add3A_243[%gather3A_245] in [0] : vector<16xf32>, vector<16xi32> -> vector<16xf32>
        %add3A_247 = arith.addf %add3A_243, %gather3A_246 : vector<16xf32>
        %broadcast_in_dim3A_248 = vector.shape_cast %xor3A_35 : vector<16xi32> to vector<16x1xi32>
        %gather3A_249 = vector.shape_cast %broadcast_in_dim3A_248 : vector<16x1xi32> to vector<16xi32>
        %gather3A_250 = tpu.dynamic_gather %add3A_247[%gather3A_249] in [0] : vector<16xf32>, vector<16xi32> -> vector<16xf32>
        %add3A_251 = arith.addf %add3A_247, %gather3A_250 : vector<16xf32>
        %broadcast_in_dim3A_252 = vector.shape_cast %xor3A_38 : vector<16xi32> to vector<16x1xi32>
        %gather3A_253 = vector.shape_cast %broadcast_in_dim3A_252 : vector<16x1xi32> to vector<16xi32>
        %gather3A_254 = tpu.dynamic_gather %add3A_251[%gather3A_253] in [0] : vector<16xf32>, vector<16xi32> -> vector<16xf32>
        %add3A_255 = arith.addf %add3A_251, %gather3A_254 : vector<16xf32>
        %eq3A_256 = arith.constant 1 : i32
        %eq3A_257 = vector.broadcast %eq3A_256 : i32 to vector<16xi32>
        %eq3A_258 = arith.cmpi eq, %iota3A, %eq3A_257 : vector<16xi32>
        %select_n3A_259 = arith.select %eq3A_258, %add3A_255, %select_n3A : vector<16xi1>, vector<16xf32>
        %get3A_260 = arith.index_cast %scan3A_183 : i32 to index
        %get3A_261 = arith.constant 16 : index
        %get3A_262 = tpu.vector_load %arg17[%get3A_260, %get3A_261] {strides = array<i32>} : memref<40x64xi32, #tpu.memory_space<vmem>>, vector<1x16xi32>,
        %get3A_263 = vector.shape_cast %get3A_262 : vector<1x16xi32> to vector<16xi32>
        %shift_left3A_264 = arith.constant 16 : i32
        %shift_left3A_265 = vector.broadcast %shift_left3A_264 : i32 to vector<16xi32>
        %shift_left3A_266 = arith.shli %get3A_263, %shift_left3A_265 : vector<16xi32>
        %bitcast_convert_type3A_267 = tpu.bitcast %shift_left3A_266 : vector<16xi32> -> vector<16xf32>
        %and3A_268 = arith.constant -65536 : i32
        %and3A_269 = vector.broadcast %and3A_268 : i32 to vector<16xi32>
        %and3A_270 = arith.andi %get3A_263, %and3A_269 : vector<16xi32>
        %bitcast_convert_type3A_271 = tpu.bitcast %and3A_270 : vector<16xi32> -> vector<16xf32>
        %get3A_272 = arith.index_cast %scan3A_183 : i32 to index
        %get3A_273 = arith.constant 32 : index
        %get3A_274 = tpu.vector_load %arg13[%get3A_272, %get3A_273] {strides = array<i32>} : memref<40x128xf32, #tpu.memory_space<vmem>>, vector<1x16xf32>,
        %get3A_275 = vector.shape_cast %get3A_274 : vector<1x16xf32> to vector<16xf32>
        %get3A_276 = arith.index_cast %scan3A_183 : i32 to index
        %get3A_277 = arith.constant 32 : index
        %get3A_278 = tpu.vector_load %arg15[%get3A_276, %get3A_277] {strides = array<i32>} : memref<40x128xf32, #tpu.memory_space<vmem>>, vector<1x16xf32>,
        %get3A_279 = vector.shape_cast %get3A_278 : vector<1x16xf32> to vector<16xf32>
        %add3A_280 = arith.addf %get3A_275, %get3A_279 : vector<16xf32>
        %add3A_281 = arith.addf %add3A_280, %bitcast_convert_type3A_267 : vector<16xf32>
        %mul3A_282 = arith.constant 2.000000e-01 : f32
        %mul3A_283 = vector.broadcast %mul3A_282 : f32 to vector<16xf32>
        %mul3A_284 = arith.mulf %mul3A_283, %add3A_281 : vector<16xf32>
        %max3A_285 = arith.maximumf %add3A_281, %mul3A_284 : vector<16xf32>
        %mul3A_286 = arith.mulf %max3A_285, %get3A_12 : vector<16xf32>
        %broadcast_in_dim3A_287 = vector.shape_cast %xor3A_29 : vector<16xi32> to vector<16x1xi32>
        %gather3A_288 = vector.shape_cast %broadcast_in_dim3A_287 : vector<16x1xi32> to vector<16xi32>
        %gather3A_289 = tpu.dynamic_gather %mul3A_286[%gather3A_288] in [0] : vector<16xf32>, vector<16xi32> -> vector<16xf32>
        %add3A_290 = arith.addf %mul3A_286, %gather3A_289 : vector<16xf32>
        %broadcast_in_dim3A_291 = vector.shape_cast %xor3A_32 : vector<16xi32> to vector<16x1xi32>
        %gather3A_292 = vector.shape_cast %broadcast_in_dim3A_291 : vector<16x1xi32> to vector<16xi32>
        %gather3A_293 = tpu.dynamic_gather %add3A_290[%gather3A_292] in [0] : vector<16xf32>, vector<16xi32> -> vector<16xf32>
        %add3A_294 = arith.addf %add3A_290, %gather3A_293 : vector<16xf32>
        %broadcast_in_dim3A_295 = vector.shape_cast %xor3A_35 : vector<16xi32> to vector<16x1xi32>
        %gather3A_296 = vector.shape_cast %broadcast_in_dim3A_295 : vector<16x1xi32> to vector<16xi32>
        %gather3A_297 = tpu.dynamic_gather %add3A_294[%gather3A_296] in [0] : vector<16xf32>, vector<16xi32> -> vector<16xf32>
        %add3A_298 = arith.addf %add3A_294, %gather3A_297 : vector<16xf32>
        %broadcast_in_dim3A_299 = vector.shape_cast %xor3A_38 : vector<16xi32> to vector<16x1xi32>
        %gather3A_300 = vector.shape_cast %broadcast_in_dim3A_299 : vector<16x1xi32> to vector<16xi32>
        %gather3A_301 = tpu.dynamic_gather %add3A_298[%gather3A_300] in [0] : vector<16xf32>, vector<16xi32> -> vector<16xf32>
        %add3A_302 = arith.addf %add3A_298, %gather3A_301 : vector<16xf32>
        %eq3A_303 = arith.constant 2 : i32
        %eq3A_304 = vector.broadcast %eq3A_303 : i32 to vector<16xi32>
        %eq3A_305 = arith.cmpi eq, %iota3A, %eq3A_304 : vector<16xi32>
        %select_n3A_306 = arith.select %eq3A_305, %add3A_302, %select_n3A_259 : vector<16xi1>, vector<16xf32>
        %get3A_307 = arith.index_cast %scan3A_183 : i32 to index
        %get3A_308 = arith.constant 48 : index
        %get3A_309 = tpu.vector_load %arg13[%get3A_307, %get3A_308] {strides = array<i32>} : memref<40x128xf32, #tpu.memory_space<vmem>>, vector<1x16xf32>,
        %get3A_310 = vector.shape_cast %get3A_309 : vector<1x16xf32> to vector<16xf32>
        %get3A_311 = arith.index_cast %scan3A_183 : i32 to index
        %get3A_312 = arith.constant 48 : index
        %get3A_313 = tpu.vector_load %arg15[%get3A_311, %get3A_312] {strides = array<i32>} : memref<40x128xf32, #tpu.memory_space<vmem>>, vector<1x16xf32>,
        %get3A_314 = vector.shape_cast %get3A_313 : vector<1x16xf32> to vector<16xf32>
        %add3A_315 = arith.addf %get3A_310, %get3A_314 : vector<16xf32>
        %add3A_316 = arith.addf %add3A_315, %bitcast_convert_type3A_271 : vector<16xf32>
        %mul3A_317 = arith.constant 2.000000e-01 : f32
        %mul3A_318 = vector.broadcast %mul3A_317 : f32 to vector<16xf32>
        %mul3A_319 = arith.mulf %mul3A_318, %add3A_316 : vector<16xf32>
        %max3A_320 = arith.maximumf %add3A_316, %mul3A_319 : vector<16xf32>
        %mul3A_321 = arith.mulf %max3A_320, %get3A_15 : vector<16xf32>
        %broadcast_in_dim3A_322 = vector.shape_cast %xor3A_29 : vector<16xi32> to vector<16x1xi32>
        %gather3A_323 = vector.shape_cast %broadcast_in_dim3A_322 : vector<16x1xi32> to vector<16xi32>
        %gather3A_324 = tpu.dynamic_gather %mul3A_321[%gather3A_323] in [0] : vector<16xf32>, vector<16xi32> -> vector<16xf32>
        %add3A_325 = arith.addf %mul3A_321, %gather3A_324 : vector<16xf32>
        %broadcast_in_dim3A_326 = vector.shape_cast %xor3A_32 : vector<16xi32> to vector<16x1xi32>
        %gather3A_327 = vector.shape_cast %broadcast_in_dim3A_326 : vector<16x1xi32> to vector<16xi32>
        %gather3A_328 = tpu.dynamic_gather %add3A_325[%gather3A_327] in [0] : vector<16xf32>, vector<16xi32> -> vector<16xf32>
        %add3A_329 = arith.addf %add3A_325, %gather3A_328 : vector<16xf32>
        %broadcast_in_dim3A_330 = vector.shape_cast %xor3A_35 : vector<16xi32> to vector<16x1xi32>
        %gather3A_331 = vector.shape_cast %broadcast_in_dim3A_330 : vector<16x1xi32> to vector<16xi32>
        %gather3A_332 = tpu.dynamic_gather %add3A_329[%gather3A_331] in [0] : vector<16xf32>, vector<16xi32> -> vector<16xf32>
        %add3A_333 = arith.addf %add3A_329, %gather3A_332 : vector<16xf32>
        %broadcast_in_dim3A_334 = vector.shape_cast %xor3A_38 : vector<16xi32> to vector<16x1xi32>
        %gather3A_335 = vector.shape_cast %broadcast_in_dim3A_334 : vector<16x1xi32> to vector<16xi32>
        %gather3A_336 = tpu.dynamic_gather %add3A_333[%gather3A_335] in [0] : vector<16xf32>, vector<16xi32> -> vector<16xf32>
        %add3A_337 = arith.addf %add3A_333, %gather3A_336 : vector<16xf32>
        %eq3A_338 = arith.constant 3 : i32
        %eq3A_339 = vector.broadcast %eq3A_338 : i32 to vector<16xi32>
        %eq3A_340 = arith.cmpi eq, %iota3A, %eq3A_339 : vector<16xi32>
        %select_n3A_341 = arith.select %eq3A_340, %add3A_337, %select_n3A_306 : vector<16xi1>, vector<16xf32>
        %get3A_342 = arith.index_cast %scan3A_183 : i32 to index
        %get3A_343 = arith.constant 32 : index
        %get3A_344 = tpu.vector_load %arg17[%get3A_342, %get3A_343] {strides = array<i32>} : memref<40x64xi32, #tpu.memory_space<vmem>>, vector<1x16xi32>,
        %get3A_345 = vector.shape_cast %get3A_344 : vector<1x16xi32> to vector<16xi32>
        %shift_left3A_346 = arith.constant 16 : i32
        %shift_left3A_347 = vector.broadcast %shift_left3A_346 : i32 to vector<16xi32>
        %shift_left3A_348 = arith.shli %get3A_345, %shift_left3A_347 : vector<16xi32>
        %bitcast_convert_type3A_349 = tpu.bitcast %shift_left3A_348 : vector<16xi32> -> vector<16xf32>
        %and3A_350 = arith.constant -65536 : i32
        %and3A_351 = vector.broadcast %and3A_350 : i32 to vector<16xi32>
        %and3A_352 = arith.andi %get3A_345, %and3A_351 : vector<16xi32>
        %bitcast_convert_type3A_353 = tpu.bitcast %and3A_352 : vector<16xi32> -> vector<16xf32>
        %get3A_354 = arith.index_cast %scan3A_183 : i32 to index
        %get3A_355 = arith.constant 64 : index
        %get3A_356 = tpu.vector_load %arg13[%get3A_354, %get3A_355] {strides = array<i32>} : memref<40x128xf32, #tpu.memory_space<vmem>>, vector<1x16xf32>,
        %get3A_357 = vector.shape_cast %get3A_356 : vector<1x16xf32> to vector<16xf32>
        %get3A_358 = arith.index_cast %scan3A_183 : i32 to index
        %get3A_359 = arith.constant 64 : index
        %get3A_360 = tpu.vector_load %arg15[%get3A_358, %get3A_359] {strides = array<i32>} : memref<40x128xf32, #tpu.memory_space<vmem>>, vector<1x16xf32>,
        %get3A_361 = vector.shape_cast %get3A_360 : vector<1x16xf32> to vector<16xf32>
        %add3A_362 = arith.addf %get3A_357, %get3A_361 : vector<16xf32>
        %add3A_363 = arith.addf %add3A_362, %bitcast_convert_type3A_349 : vector<16xf32>
        %mul3A_364 = arith.constant 2.000000e-01 : f32
        %mul3A_365 = vector.broadcast %mul3A_364 : f32 to vector<16xf32>
        %mul3A_366 = arith.mulf %mul3A_365, %add3A_363 : vector<16xf32>
        %max3A_367 = arith.maximumf %add3A_363, %mul3A_366 : vector<16xf32>
        %mul3A_368 = arith.mulf %max3A_367, %get3A_18 : vector<16xf32>
        %broadcast_in_dim3A_369 = vector.shape_cast %xor3A_29 : vector<16xi32> to vector<16x1xi32>
        %gather3A_370 = vector.shape_cast %broadcast_in_dim3A_369 : vector<16x1xi32> to vector<16xi32>
        %gather3A_371 = tpu.dynamic_gather %mul3A_368[%gather3A_370] in [0] : vector<16xf32>, vector<16xi32> -> vector<16xf32>
        %add3A_372 = arith.addf %mul3A_368, %gather3A_371 : vector<16xf32>
        %broadcast_in_dim3A_373 = vector.shape_cast %xor3A_32 : vector<16xi32> to vector<16x1xi32>
        %gather3A_374 = vector.shape_cast %broadcast_in_dim3A_373 : vector<16x1xi32> to vector<16xi32>
        %gather3A_375 = tpu.dynamic_gather %add3A_372[%gather3A_374] in [0] : vector<16xf32>, vector<16xi32> -> vector<16xf32>
        %add3A_376 = arith.addf %add3A_372, %gather3A_375 : vector<16xf32>
        %broadcast_in_dim3A_377 = vector.shape_cast %xor3A_35 : vector<16xi32> to vector<16x1xi32>
        %gather3A_378 = vector.shape_cast %broadcast_in_dim3A_377 : vector<16x1xi32> to vector<16xi32>
        %gather3A_379 = tpu.dynamic_gather %add3A_376[%gather3A_378] in [0] : vector<16xf32>, vector<16xi32> -> vector<16xf32>
        %add3A_380 = arith.addf %add3A_376, %gather3A_379 : vector<16xf32>
        %broadcast_in_dim3A_381 = vector.shape_cast %xor3A_38 : vector<16xi32> to vector<16x1xi32>
        %gather3A_382 = vector.shape_cast %broadcast_in_dim3A_381 : vector<16x1xi32> to vector<16xi32>
        %gather3A_383 = tpu.dynamic_gather %add3A_380[%gather3A_382] in [0] : vector<16xf32>, vector<16xi32> -> vector<16xf32>
        %add3A_384 = arith.addf %add3A_380, %gather3A_383 : vector<16xf32>
        %eq3A_385 = arith.constant 4 : i32
        %eq3A_386 = vector.broadcast %eq3A_385 : i32 to vector<16xi32>
        %eq3A_387 = arith.cmpi eq, %iota3A, %eq3A_386 : vector<16xi32>
        %select_n3A_388 = arith.select %eq3A_387, %add3A_384, %select_n3A_341 : vector<16xi1>, vector<16xf32>
        %get3A_389 = arith.index_cast %scan3A_183 : i32 to index
        %get3A_390 = arith.constant 80 : index
        %get3A_391 = tpu.vector_load %arg13[%get3A_389, %get3A_390] {strides = array<i32>} : memref<40x128xf32, #tpu.memory_space<vmem>>, vector<1x16xf32>,
        %get3A_392 = vector.shape_cast %get3A_391 : vector<1x16xf32> to vector<16xf32>
        %get3A_393 = arith.index_cast %scan3A_183 : i32 to index
        %get3A_394 = arith.constant 80 : index
        %get3A_395 = tpu.vector_load %arg15[%get3A_393, %get3A_394] {strides = array<i32>} : memref<40x128xf32, #tpu.memory_space<vmem>>, vector<1x16xf32>,
        %get3A_396 = vector.shape_cast %get3A_395 : vector<1x16xf32> to vector<16xf32>
        %add3A_397 = arith.addf %get3A_392, %get3A_396 : vector<16xf32>
        %add3A_398 = arith.addf %add3A_397, %bitcast_convert_type3A_353 : vector<16xf32>
        %mul3A_399 = arith.constant 2.000000e-01 : f32
        %mul3A_400 = vector.broadcast %mul3A_399 : f32 to vector<16xf32>
        %mul3A_401 = arith.mulf %mul3A_400, %add3A_398 : vector<16xf32>
        %max3A_402 = arith.maximumf %add3A_398, %mul3A_401 : vector<16xf32>
        %mul3A_403 = arith.mulf %max3A_402, %get3A_21 : vector<16xf32>
        %broadcast_in_dim3A_404 = vector.shape_cast %xor3A_29 : vector<16xi32> to vector<16x1xi32>
        %gather3A_405 = vector.shape_cast %broadcast_in_dim3A_404 : vector<16x1xi32> to vector<16xi32>
        %gather3A_406 = tpu.dynamic_gather %mul3A_403[%gather3A_405] in [0] : vector<16xf32>, vector<16xi32> -> vector<16xf32>
        %add3A_407 = arith.addf %mul3A_403, %gather3A_406 : vector<16xf32>
        %broadcast_in_dim3A_408 = vector.shape_cast %xor3A_32 : vector<16xi32> to vector<16x1xi32>
        %gather3A_409 = vector.shape_cast %broadcast_in_dim3A_408 : vector<16x1xi32> to vector<16xi32>
        %gather3A_410 = tpu.dynamic_gather %add3A_407[%gather3A_409] in [0] : vector<16xf32>, vector<16xi32> -> vector<16xf32>
        %add3A_411 = arith.addf %add3A_407, %gather3A_410 : vector<16xf32>
        %broadcast_in_dim3A_412 = vector.shape_cast %xor3A_35 : vector<16xi32> to vector<16x1xi32>
        %gather3A_413 = vector.shape_cast %broadcast_in_dim3A_412 : vector<16x1xi32> to vector<16xi32>
        %gather3A_414 = tpu.dynamic_gather %add3A_411[%gather3A_413] in [0] : vector<16xf32>, vector<16xi32> -> vector<16xf32>
        %add3A_415 = arith.addf %add3A_411, %gather3A_414 : vector<16xf32>
        %broadcast_in_dim3A_416 = vector.shape_cast %xor3A_38 : vector<16xi32> to vector<16x1xi32>
        %gather3A_417 = vector.shape_cast %broadcast_in_dim3A_416 : vector<16x1xi32> to vector<16xi32>
        %gather3A_418 = tpu.dynamic_gather %add3A_415[%gather3A_417] in [0] : vector<16xf32>, vector<16xi32> -> vector<16xf32>
        %add3A_419 = arith.addf %add3A_415, %gather3A_418 : vector<16xf32>
        %eq3A_420 = arith.constant 5 : i32
        %eq3A_421 = vector.broadcast %eq3A_420 : i32 to vector<16xi32>
        %eq3A_422 = arith.cmpi eq, %iota3A, %eq3A_421 : vector<16xi32>
        %select_n3A_423 = arith.select %eq3A_422, %add3A_419, %select_n3A_388 : vector<16xi1>, vector<16xf32>
        %get3A_424 = arith.index_cast %scan3A_183 : i32 to index
        %get3A_425 = arith.constant 48 : index
        %get3A_426 = tpu.vector_load %arg17[%get3A_424, %get3A_425] {strides = array<i32>} : memref<40x64xi32, #tpu.memory_space<vmem>>, vector<1x16xi32>,
        %get3A_427 = vector.shape_cast %get3A_426 : vector<1x16xi32> to vector<16xi32>
        %shift_left3A_428 = arith.constant 16 : i32
        %shift_left3A_429 = vector.broadcast %shift_left3A_428 : i32 to vector<16xi32>
        %shift_left3A_430 = arith.shli %get3A_427, %shift_left3A_429 : vector<16xi32>
        %bitcast_convert_type3A_431 = tpu.bitcast %shift_left3A_430 : vector<16xi32> -> vector<16xf32>
        %and3A_432 = arith.constant -65536 : i32
        %and3A_433 = vector.broadcast %and3A_432 : i32 to vector<16xi32>
        %and3A_434 = arith.andi %get3A_427, %and3A_433 : vector<16xi32>
        %bitcast_convert_type3A_435 = tpu.bitcast %and3A_434 : vector<16xi32> -> vector<16xf32>
        %get3A_436 = arith.index_cast %scan3A_183 : i32 to index
        %get3A_437 = arith.constant 96 : index
        %get3A_438 = tpu.vector_load %arg13[%get3A_436, %get3A_437] {strides = array<i32>} : memref<40x128xf32, #tpu.memory_space<vmem>>, vector<1x16xf32>,
        %get3A_439 = vector.shape_cast %get3A_438 : vector<1x16xf32> to vector<16xf32>
        %get3A_440 = arith.index_cast %scan3A_183 : i32 to index
        %get3A_441 = arith.constant 96 : index
        %get3A_442 = tpu.vector_load %arg15[%get3A_440, %get3A_441] {strides = array<i32>} : memref<40x128xf32, #tpu.memory_space<vmem>>, vector<1x16xf32>,
        %get3A_443 = vector.shape_cast %get3A_442 : vector<1x16xf32> to vector<16xf32>
        %add3A_444 = arith.addf %get3A_439, %get3A_443 : vector<16xf32>
        %add3A_445 = arith.addf %add3A_444, %bitcast_convert_type3A_431 : vector<16xf32>
        %mul3A_446 = arith.constant 2.000000e-01 : f32
        %mul3A_447 = vector.broadcast %mul3A_446 : f32 to vector<16xf32>
        %mul3A_448 = arith.mulf %mul3A_447, %add3A_445 : vector<16xf32>
        %max3A_449 = arith.maximumf %add3A_445, %mul3A_448 : vector<16xf32>
        %mul3A_450 = arith.mulf %max3A_449, %get3A_24 : vector<16xf32>
        %broadcast_in_dim3A_451 = vector.shape_cast %xor3A_29 : vector<16xi32> to vector<16x1xi32>
        %gather3A_452 = vector.shape_cast %broadcast_in_dim3A_451 : vector<16x1xi32> to vector<16xi32>
        %gather3A_453 = tpu.dynamic_gather %mul3A_450[%gather3A_452] in [0] : vector<16xf32>, vector<16xi32> -> vector<16xf32>
        %add3A_454 = arith.addf %mul3A_450, %gather3A_453 : vector<16xf32>
        %broadcast_in_dim3A_455 = vector.shape_cast %xor3A_32 : vector<16xi32> to vector<16x1xi32>
        %gather3A_456 = vector.shape_cast %broadcast_in_dim3A_455 : vector<16x1xi32> to vector<16xi32>
        %gather3A_457 = tpu.dynamic_gather %add3A_454[%gather3A_456] in [0] : vector<16xf32>, vector<16xi32> -> vector<16xf32>
        %add3A_458 = arith.addf %add3A_454, %gather3A_457 : vector<16xf32>
        %broadcast_in_dim3A_459 = vector.shape_cast %xor3A_35 : vector<16xi32> to vector<16x1xi32>
        %gather3A_460 = vector.shape_cast %broadcast_in_dim3A_459 : vector<16x1xi32> to vector<16xi32>
        %gather3A_461 = tpu.dynamic_gather %add3A_458[%gather3A_460] in [0] : vector<16xf32>, vector<16xi32> -> vector<16xf32>
        %add3A_462 = arith.addf %add3A_458, %gather3A_461 : vector<16xf32>
        %broadcast_in_dim3A_463 = vector.shape_cast %xor3A_38 : vector<16xi32> to vector<16x1xi32>
        %gather3A_464 = vector.shape_cast %broadcast_in_dim3A_463 : vector<16x1xi32> to vector<16xi32>
        %gather3A_465 = tpu.dynamic_gather %add3A_462[%gather3A_464] in [0] : vector<16xf32>, vector<16xi32> -> vector<16xf32>
        %add3A_466 = arith.addf %add3A_462, %gather3A_465 : vector<16xf32>
        %eq3A_467 = arith.constant 6 : i32
        %eq3A_468 = vector.broadcast %eq3A_467 : i32 to vector<16xi32>
        %eq3A_469 = arith.cmpi eq, %iota3A, %eq3A_468 : vector<16xi32>
        %select_n3A_470 = arith.select %eq3A_469, %add3A_466, %select_n3A_423 : vector<16xi1>, vector<16xf32>
        %get3A_471 = arith.index_cast %scan3A_183 : i32 to index
        %get3A_472 = arith.constant 112 : index
        %get3A_473 = tpu.vector_load %arg13[%get3A_471, %get3A_472] {strides = array<i32>} : memref<40x128xf32, #tpu.memory_space<vmem>>, vector<1x16xf32>,
        %get3A_474 = vector.shape_cast %get3A_473 : vector<1x16xf32> to vector<16xf32>
        %get3A_475 = arith.index_cast %scan3A_183 : i32 to index
        %get3A_476 = arith.constant 112 : index
        %get3A_477 = tpu.vector_load %arg15[%get3A_475, %get3A_476] {strides = array<i32>} : memref<40x128xf32, #tpu.memory_space<vmem>>, vector<1x16xf32>,
        %get3A_478 = vector.shape_cast %get3A_477 : vector<1x16xf32> to vector<16xf32>
        %add3A_479 = arith.addf %get3A_474, %get3A_478 : vector<16xf32>
        %add3A_480 = arith.addf %add3A_479, %bitcast_convert_type3A_435 : vector<16xf32>
        %mul3A_481 = arith.constant 2.000000e-01 : f32
        %mul3A_482 = vector.broadcast %mul3A_481 : f32 to vector<16xf32>
        %mul3A_483 = arith.mulf %mul3A_482, %add3A_480 : vector<16xf32>
        %max3A_484 = arith.maximumf %add3A_480, %mul3A_483 : vector<16xf32>
        %mul3A_485 = arith.mulf %max3A_484, %get3A_27 : vector<16xf32>
        %broadcast_in_dim3A_486 = vector.shape_cast %xor3A_29 : vector<16xi32> to vector<16x1xi32>
        %gather3A_487 = vector.shape_cast %broadcast_in_dim3A_486 : vector<16x1xi32> to vector<16xi32>
        %gather3A_488 = tpu.dynamic_gather %mul3A_485[%gather3A_487] in [0] : vector<16xf32>, vector<16xi32> -> vector<16xf32>
        %add3A_489 = arith.addf %mul3A_485, %gather3A_488 : vector<16xf32>
        %broadcast_in_dim3A_490 = vector.shape_cast %xor3A_32 : vector<16xi32> to vector<16x1xi32>
        %gather3A_491 = vector.shape_cast %broadcast_in_dim3A_490 : vector<16x1xi32> to vector<16xi32>
        %gather3A_492 = tpu.dynamic_gather %add3A_489[%gather3A_491] in [0] : vector<16xf32>, vector<16xi32> -> vector<16xf32>
        %add3A_493 = arith.addf %add3A_489, %gather3A_492 : vector<16xf32>
        %broadcast_in_dim3A_494 = vector.shape_cast %xor3A_35 : vector<16xi32> to vector<16x1xi32>
        %gather3A_495 = vector.shape_cast %broadcast_in_dim3A_494 : vector<16x1xi32> to vector<16xi32>
        %gather3A_496 = tpu.dynamic_gather %add3A_493[%gather3A_495] in [0] : vector<16xf32>, vector<16xi32> -> vector<16xf32>
        %add3A_497 = arith.addf %add3A_493, %gather3A_496 : vector<16xf32>
        %broadcast_in_dim3A_498 = vector.shape_cast %xor3A_38 : vector<16xi32> to vector<16x1xi32>
        %gather3A_499 = vector.shape_cast %broadcast_in_dim3A_498 : vector<16x1xi32> to vector<16xi32>
        %gather3A_500 = tpu.dynamic_gather %add3A_497[%gather3A_499] in [0] : vector<16xf32>, vector<16xi32> -> vector<16xf32>
        %add3A_501 = arith.addf %add3A_497, %gather3A_500 : vector<16xf32>
        %eq3A_502 = arith.constant 7 : i32
        %eq3A_503 = vector.broadcast %eq3A_502 : i32 to vector<16xi32>
        %eq3A_504 = arith.cmpi eq, %iota3A, %eq3A_503 : vector<16xi32>
        %select_n3A_505 = arith.select %eq3A_504, %add3A_501, %select_n3A_470 : vector<16xi1>, vector<16xf32>
        %exp3A = math.exp %select_n3A_505 : vector<16xf32>
        %swap3A = arith.index_cast %scan3A_183 : i32 to index
        %swap3A_506 = arith.constant 0 : index
        %swap3A_507 = tpu.vector_load %arg19[%swap3A, %swap3A_506] {strides = array<i32>} : memref<40x16xf32, #tpu.memory_space<vmem>>, vector<1x16xf32>,
        %swap3A_508 = vector.shape_cast %swap3A_507 : vector<1x16xf32> to vector<16xf32>
        %swap3A_509 = vector.shape_cast %exp3A : vector<16xf32> to vector<1x16xf32>
        tpu.vector_store %arg19[%swap3A, %swap3A_506], %swap3A_509 {strides = array<i32>} : memref<40x16xf32, #tpu.memory_space<vmem>>, vector<1x16xf32>,
        %swap3A_510 = arith.index_cast %scan3A_183 : i32 to index
        %swap3A_511 = arith.constant 0 : index
        %swap3A_512 = tpu.vector_load %arg20[%swap3A_510, %swap3A_511] {strides = array<i32>} : memref<40x128xf32, #tpu.memory_space<vmem>>, vector<1x16xf32>,
        %swap3A_513 = vector.shape_cast %swap3A_512 : vector<1x16xf32> to vector<16xf32>
        %swap3A_514 = vector.shape_cast %exp3A : vector<16xf32> to vector<1x16xf32>
        tpu.vector_store %arg20[%swap3A_510, %swap3A_511], %swap3A_514 {strides = array<i32>} : memref<40x128xf32, #tpu.memory_space<vmem>>, vector<1x16xf32>,
        %swap3A_515 = arith.index_cast %scan3A_183 : i32 to index
        %swap3A_516 = arith.constant 16 : index
        %swap3A_517 = tpu.vector_load %arg20[%swap3A_515, %swap3A_516] {strides = array<i32>} : memref<40x128xf32, #tpu.memory_space<vmem>>, vector<1x16xf32>,
        %swap3A_518 = vector.shape_cast %swap3A_517 : vector<1x16xf32> to vector<16xf32>
        %swap3A_519 = vector.shape_cast %exp3A : vector<16xf32> to vector<1x16xf32>
        tpu.vector_store %arg20[%swap3A_515, %swap3A_516], %swap3A_519 {strides = array<i32>} : memref<40x128xf32, #tpu.memory_space<vmem>>, vector<1x16xf32>,
        %swap3A_520 = arith.index_cast %scan3A_183 : i32 to index
        %swap3A_521 = arith.constant 32 : index
        %swap3A_522 = tpu.vector_load %arg20[%swap3A_520, %swap3A_521] {strides = array<i32>} : memref<40x128xf32, #tpu.memory_space<vmem>>, vector<1x16xf32>,
        %swap3A_523 = vector.shape_cast %swap3A_522 : vector<1x16xf32> to vector<16xf32>
        %swap3A_524 = vector.shape_cast %exp3A : vector<16xf32> to vector<1x16xf32>
        tpu.vector_store %arg20[%swap3A_520, %swap3A_521], %swap3A_524 {strides = array<i32>} : memref<40x128xf32, #tpu.memory_space<vmem>>, vector<1x16xf32>,
        %swap3A_525 = arith.index_cast %scan3A_183 : i32 to index
        %swap3A_526 = arith.constant 48 : index
        %swap3A_527 = tpu.vector_load %arg20[%swap3A_525, %swap3A_526] {strides = array<i32>} : memref<40x128xf32, #tpu.memory_space<vmem>>, vector<1x16xf32>,
        %swap3A_528 = vector.shape_cast %swap3A_527 : vector<1x16xf32> to vector<16xf32>
        %swap3A_529 = vector.shape_cast %exp3A : vector<16xf32> to vector<1x16xf32>
        tpu.vector_store %arg20[%swap3A_525, %swap3A_526], %swap3A_529 {strides = array<i32>} : memref<40x128xf32, #tpu.memory_space<vmem>>, vector<1x16xf32>,
        %swap3A_530 = arith.index_cast %scan3A_183 : i32 to index
        %swap3A_531 = arith.constant 64 : index
        %swap3A_532 = tpu.vector_load %arg20[%swap3A_530, %swap3A_531] {strides = array<i32>} : memref<40x128xf32, #tpu.memory_space<vmem>>, vector<1x16xf32>,
        %swap3A_533 = vector.shape_cast %swap3A_532 : vector<1x16xf32> to vector<16xf32>
        %swap3A_534 = vector.shape_cast %exp3A : vector<16xf32> to vector<1x16xf32>
        tpu.vector_store %arg20[%swap3A_530, %swap3A_531], %swap3A_534 {strides = array<i32>} : memref<40x128xf32, #tpu.memory_space<vmem>>, vector<1x16xf32>,
        %swap3A_535 = arith.index_cast %scan3A_183 : i32 to index
        %swap3A_536 = arith.constant 80 : index
        %swap3A_537 = tpu.vector_load %arg20[%swap3A_535, %swap3A_536] {strides = array<i32>} : memref<40x128xf32, #tpu.memory_space<vmem>>, vector<1x16xf32>,
        %swap3A_538 = vector.shape_cast %swap3A_537 : vector<1x16xf32> to vector<16xf32>
        %swap3A_539 = vector.shape_cast %exp3A : vector<16xf32> to vector<1x16xf32>
        tpu.vector_store %arg20[%swap3A_535, %swap3A_536], %swap3A_539 {strides = array<i32>} : memref<40x128xf32, #tpu.memory_space<vmem>>, vector<1x16xf32>,
        %swap3A_540 = arith.index_cast %scan3A_183 : i32 to index
        %swap3A_541 = arith.constant 96 : index
        %swap3A_542 = tpu.vector_load %arg20[%swap3A_540, %swap3A_541] {strides = array<i32>} : memref<40x128xf32, #tpu.memory_space<vmem>>, vector<1x16xf32>,
        %swap3A_543 = vector.shape_cast %swap3A_542 : vector<1x16xf32> to vector<16xf32>
        %swap3A_544 = vector.shape_cast %exp3A : vector<16xf32> to vector<1x16xf32>
        tpu.vector_store %arg20[%swap3A_540, %swap3A_541], %swap3A_544 {strides = array<i32>} : memref<40x128xf32, #tpu.memory_space<vmem>>, vector<1x16xf32>,
        %swap3A_545 = arith.index_cast %scan3A_183 : i32 to index
        %swap3A_546 = arith.constant 112 : index
        %swap3A_547 = tpu.vector_load %arg20[%swap3A_545, %swap3A_546] {strides = array<i32>} : memref<40x128xf32, #tpu.memory_space<vmem>>, vector<1x16xf32>,
        %swap3A_548 = vector.shape_cast %swap3A_547 : vector<1x16xf32> to vector<16xf32>
        %swap3A_549 = vector.shape_cast %exp3A : vector<16xf32> to vector<1x16xf32>
        tpu.vector_store %arg20[%swap3A_545, %swap3A_546], %swap3A_549 {strides = array<i32>} : memref<40x128xf32, #tpu.memory_space<vmem>>, vector<1x16xf32>,
      }
      %scan3A_154 = arith.constant 40 : i32
      "tpu.region"() ({
        %run_scoped3A_183 = tpu.sem_alloc : memref<!tpu.dma_semaphore, #tpu.memory_space<semaphore_mem>>
        %dma_start3A_184 = arith.constant 0 : i32
        %dma_start3A_185 = tpu.memref_slice %arg9[%add3A_148, %dma_start3A_184] : memref<320000x16xf32, #tpu.memory_space<hbm>> -> memref<40x16xf32, #tpu.memory_space<hbm>>
        %dma_start3A_186 = arith.constant 0 : i32
        %dma_start3A_187 = tpu.memref_slice %arg9[%add3A_148, %dma_start3A_186] : memref<320000x16xf32, #tpu.memory_space<hbm>> -> memref<40x16xf32, #tpu.memory_space<hbm>>
        tpu.enqueue_dma source(%arg19 : memref<40x16xf32, #tpu.memory_space<vmem>>) target(%dma_start3A_187 : memref<40x16xf32, #tpu.memory_space<hbm>>) target_semaphore(%run_scoped3A_183 : memref<!tpu.dma_semaphore, #tpu.memory_space<semaphore_mem>>)
        %dma_wait3A_188 = arith.constant 0 : i32
        %dma_wait3A_189 = tpu.memref_slice %arg9[%add3A_148, %dma_wait3A_188] : memref<320000x16xf32, #tpu.memory_space<hbm>> -> memref<40x16xf32, #tpu.memory_space<hbm>>
        %dma_wait3A_190 = arith.constant 0 : i32
        %dma_wait3A_191 = tpu.memref_slice %arg9[%add3A_148, %dma_wait3A_190] : memref<320000x16xf32, #tpu.memory_space<hbm>> -> memref<40x16xf32, #tpu.memory_space<hbm>>
        tpu.wait_dma2 semaphore(%run_scoped3A_183 : memref<!tpu.dma_semaphore, #tpu.memory_space<semaphore_mem>>) src(%arg19 : memref<40x16xf32, #tpu.memory_space<vmem>>) dst(%dma_wait3A_191 : memref<40x16xf32, #tpu.memory_space<hbm>>)
        tpu.yield
      }) : () -> ()
      %run_scoped3A_155 = arith.constant 0 : i32
      "tpu.region"() ({
        %run_scoped3A_183 = tpu.sem_alloc : memref<!tpu.dma_semaphore, #tpu.memory_space<semaphore_mem>>
        %dma_start3A_184 = arith.constant 0 : i32
        %dma_start3A_185 = tpu.memref_slice %arg12[%run_scoped3A_155, %dma_start3A_184] : memref<2x40xi32, #tpu.memory_space<vmem>> -> memref<1x40xi32, #tpu.memory_space<vmem>>
        %dma_start3A_186 = tpu.memref_squeeze %dma_start3A_185 : memref<1x40xi32, #tpu.memory_space<vmem>> -> memref<40xi32, #tpu.memory_space<vmem>>
        %dma_start3A_187 = arith.constant 0 : i32
        %dma_start3A_188 = arith.constant 0 : i32
        %dma_start3A_189 = tpu.memref_slice %arg22[%dma_start3A_187, %dma_start3A_188] : memref<10240x128xf32, #tpu.memory_space<vmem_shared>> -> memref<10240x128xf32, #tpu.memory_space<vmem_shared>>
        tpu.enqueue_indirect_dma source(%arg20 : memref<40x128xf32, #tpu.memory_space<vmem>>) target(%dma_start3A_189 : memref<10240x128xf32, #tpu.memory_space<vmem_shared>>) offsets(%dma_start3A_186 : memref<40xi32, #tpu.memory_space<vmem>>) semaphore(%run_scoped3A_183 : memref<!tpu.dma_semaphore, #tpu.memory_space<semaphore_mem>>) {add = true}
        %dma_wait3A_190 = arith.constant 0 : i32
        %dma_wait3A_191 = tpu.memref_slice %arg12[%run_scoped3A_155, %dma_wait3A_190] : memref<2x40xi32, #tpu.memory_space<vmem>> -> memref<1x40xi32, #tpu.memory_space<vmem>>
        %dma_wait3A_192 = tpu.memref_squeeze %dma_wait3A_191 : memref<1x40xi32, #tpu.memory_space<vmem>> -> memref<40xi32, #tpu.memory_space<vmem>>
        %dma_wait3A_193 = arith.constant 0 : i32
        %dma_wait3A_194 = arith.constant 0 : i32
        %dma_wait3A_195 = tpu.memref_slice %arg22[%dma_wait3A_193, %dma_wait3A_194] : memref<10240x128xf32, #tpu.memory_space<vmem_shared>> -> memref<10240x128xf32, #tpu.memory_space<vmem_shared>>
        tpu.wait_indirect_dma semaphore(%run_scoped3A_183 : memref<!tpu.dma_semaphore, #tpu.memory_space<semaphore_mem>>) src(%arg20 : memref<40x128xf32, #tpu.memory_space<vmem>>) dst(%dma_wait3A_195 : memref<10240x128xf32, #tpu.memory_space<vmem_shared>>)
        tpu.yield
      }) : () -> ()
      %dma_wait3A_156 = arith.constant 1 : i32
      %dma_wait3A_157 = arith.constant 0 : i32
      %dma_wait3A_158 = tpu.memref_slice %arg11[%dma_wait3A_156, %dma_wait3A_157] : memref<2x40xi32, #tpu.memory_space<vmem>> -> memref<1x40xi32, #tpu.memory_space<vmem>>
      %dma_wait3A_159 = tpu.memref_squeeze %dma_wait3A_158 : memref<1x40xi32, #tpu.memory_space<vmem>> -> memref<40xi32, #tpu.memory_space<vmem>>
      %dma_wait3A_160 = arith.constant 0 : i32
      %dma_wait3A_161 = arith.constant 0 : i32
      %dma_wait3A_162 = tpu.memref_slice %arg2[%dma_wait3A_160, %dma_wait3A_161] : memref<10000x128xf32, #tpu.memory_space<hbm>> -> memref<10000x128xf32, #tpu.memory_space<hbm>>
      tpu.wait_indirect_dma semaphore(%arg24 : memref<!tpu.dma_semaphore, #tpu.memory_space<semaphore_mem>>) src(%dma_wait3A_162 : memref<10000x128xf32, #tpu.memory_space<hbm>>) dst(%arg14 : memref<40x128xf32, #tpu.memory_space<vmem>>)
      %dma_wait3A_163 = arith.constant 1 : i32
      %dma_wait3A_164 = arith.constant 0 : i32
      %dma_wait3A_165 = tpu.memref_slice %arg12[%dma_wait3A_163, %dma_wait3A_164] : memref<2x40xi32, #tpu.memory_space<vmem>> -> memref<1x40xi32, #tpu.memory_space<vmem>>
      %dma_wait3A_166 = tpu.memref_squeeze %dma_wait3A_165 : memref<1x40xi32, #tpu.memory_space<vmem>> -> memref<40xi32, #tpu.memory_space<vmem>>
      %dma_wait3A_167 = arith.constant 0 : i32
      %dma_wait3A_168 = arith.constant 0 : i32
      %dma_wait3A_169 = tpu.memref_slice %arg3[%dma_wait3A_167, %dma_wait3A_168] : memref<10000x128xf32, #tpu.memory_space<hbm>> -> memref<10000x128xf32, #tpu.memory_space<hbm>>
      tpu.wait_indirect_dma semaphore(%arg24 : memref<!tpu.dma_semaphore, #tpu.memory_space<semaphore_mem>>) src(%dma_wait3A_169 : memref<10000x128xf32, #tpu.memory_space<hbm>>) dst(%arg16 : memref<40x128xf32, #tpu.memory_space<vmem>>)
      %dma_wait3A_170 = arith.constant 0 : i32
      %dma_wait3A_171 = tpu.memref_slice %arg4[%add3A_111, %dma_wait3A_170] : memref<320000x64xi32, #tpu.memory_space<hbm>> -> memref<40x64xi32, #tpu.memory_space<hbm>>
      %dma_wait3A_172 = arith.constant 0 : i32
      %dma_wait3A_173 = tpu.memref_slice %arg4[%add3A_111, %dma_wait3A_172] : memref<320000x64xi32, #tpu.memory_space<hbm>> -> memref<40x64xi32, #tpu.memory_space<hbm>>
      tpu.wait_dma2 semaphore(%arg24 : memref<!tpu.dma_semaphore, #tpu.memory_space<semaphore_mem>>) src(%dma_wait3A_173 : memref<40x64xi32, #tpu.memory_space<hbm>>) dst(%arg18 : memref<40x64xi32, #tpu.memory_space<vmem>>)
      %add3A_174 = arith.constant 40 : i32
      %add3A_175 = arith.addi %add3A_83, %add3A_174 : i32
      %scan3A_176 = arith.constant 0 : i32
      %scan3A_177 = arith.constant 0 : i32
      %scan3A_178 = arith.constant 40 : i32
      %scan3A_179 = arith.addi %scan3A_177, %scan3A_178 : i32
      %scan3A_180 = arith.constant 1 : i32
      scf.for %scan3A_183 = %scan3A_177 to %scan3A_179 step %scan3A_180  : i32 {
        %broadcast_in_dim3A = arith.constant 0.000000e+00 : f32
        %broadcast_in_dim3A_184 = vector.broadcast %broadcast_in_dim3A : f32 to vector<16xf32>
        %get3A_185 = arith.index_cast %scan3A_183 : i32 to index
        %get3A_186 = arith.constant 0 : index
        %get3A_187 = tpu.vector_load %arg18[%get3A_185, %get3A_186] {strides = array<i32>} : memref<40x64xi32, #tpu.memory_space<vmem>>, vector<1x16xi32>,
        %get3A_188 = vector.shape_cast %get3A_187 : vector<1x16xi32> to vector<16xi32>
        %shift_left3A = arith.constant 16 : i32
        %shift_left3A_189 = vector.broadcast %shift_left3A : i32 to vector<16xi32>
        %shift_left3A_190 = arith.shli %get3A_188, %shift_left3A_189 : vector<16xi32>
        %bitcast_convert_type3A = tpu.bitcast %shift_left3A_190 : vector<16xi32> -> vector<16xf32>
        %and3A = arith.constant -65536 : i32
        %and3A_191 = vector.broadcast %and3A : i32 to vector<16xi32>
        %and3A_192 = arith.andi %get3A_188, %and3A_191 : vector<16xi32>
        %bitcast_convert_type3A_193 = tpu.bitcast %and3A_192 : vector<16xi32> -> vector<16xf32>
        %get3A_194 = arith.index_cast %scan3A_183 : i32 to index
        %get3A_195 = arith.constant 0 : index
        %get3A_196 = tpu.vector_load %arg14[%get3A_194, %get3A_195] {strides = array<i32>} : memref<40x128xf32, #tpu.memory_space<vmem>>, vector<1x16xf32>,
        %get3A_197 = vector.shape_cast %get3A_196 : vector<1x16xf32> to vector<16xf32>
        %get3A_198 = arith.index_cast %scan3A_183 : i32 to index
        %get3A_199 = arith.constant 0 : index
        %get3A_200 = tpu.vector_load %arg16[%get3A_198, %get3A_199] {strides = array<i32>} : memref<40x128xf32, #tpu.memory_space<vmem>>, vector<1x16xf32>,
        %get3A_201 = vector.shape_cast %get3A_200 : vector<1x16xf32> to vector<16xf32>
        %add3A_202 = arith.addf %get3A_197, %get3A_201 : vector<16xf32>
        %add3A_203 = arith.addf %add3A_202, %bitcast_convert_type3A : vector<16xf32>
        %mul3A_204 = arith.constant 2.000000e-01 : f32
        %mul3A_205 = vector.broadcast %mul3A_204 : f32 to vector<16xf32>
        %mul3A_206 = arith.mulf %mul3A_205, %add3A_203 : vector<16xf32>
        %max3A = arith.maximumf %add3A_203, %mul3A_206 : vector<16xf32>
        %mul3A_207 = arith.mulf %max3A, %get3A_6 : vector<16xf32>
        %broadcast_in_dim3A_208 = vector.shape_cast %xor3A_29 : vector<16xi32> to vector<16x1xi32>
        %gather3A = vector.shape_cast %broadcast_in_dim3A_208 : vector<16x1xi32> to vector<16xi32>
        %gather3A_209 = tpu.dynamic_gather %mul3A_207[%gather3A] in [0] : vector<16xf32>, vector<16xi32> -> vector<16xf32>
        %add3A_210 = arith.addf %mul3A_207, %gather3A_209 : vector<16xf32>
        %broadcast_in_dim3A_211 = vector.shape_cast %xor3A_32 : vector<16xi32> to vector<16x1xi32>
        %gather3A_212 = vector.shape_cast %broadcast_in_dim3A_211 : vector<16x1xi32> to vector<16xi32>
        %gather3A_213 = tpu.dynamic_gather %add3A_210[%gather3A_212] in [0] : vector<16xf32>, vector<16xi32> -> vector<16xf32>
        %add3A_214 = arith.addf %add3A_210, %gather3A_213 : vector<16xf32>
        %broadcast_in_dim3A_215 = vector.shape_cast %xor3A_35 : vector<16xi32> to vector<16x1xi32>
        %gather3A_216 = vector.shape_cast %broadcast_in_dim3A_215 : vector<16x1xi32> to vector<16xi32>
        %gather3A_217 = tpu.dynamic_gather %add3A_214[%gather3A_216] in [0] : vector<16xf32>, vector<16xi32> -> vector<16xf32>
        %add3A_218 = arith.addf %add3A_214, %gather3A_217 : vector<16xf32>
        %broadcast_in_dim3A_219 = vector.shape_cast %xor3A_38 : vector<16xi32> to vector<16x1xi32>
        %gather3A_220 = vector.shape_cast %broadcast_in_dim3A_219 : vector<16x1xi32> to vector<16xi32>
        %gather3A_221 = tpu.dynamic_gather %add3A_218[%gather3A_220] in [0] : vector<16xf32>, vector<16xi32> -> vector<16xf32>
        %add3A_222 = arith.addf %add3A_218, %gather3A_221 : vector<16xf32>
        %eq3A = arith.constant 0 : i32
        %eq3A_223 = vector.broadcast %eq3A : i32 to vector<16xi32>
        %eq3A_224 = arith.cmpi eq, %iota3A, %eq3A_223 : vector<16xi32>
        %select_n3A = arith.select %eq3A_224, %add3A_222, %broadcast_in_dim3A_184 : vector<16xi1>, vector<16xf32>
        %get3A_225 = arith.index_cast %scan3A_183 : i32 to index
        %get3A_226 = arith.constant 16 : index
        %get3A_227 = tpu.vector_load %arg14[%get3A_225, %get3A_226] {strides = array<i32>} : memref<40x128xf32, #tpu.memory_space<vmem>>, vector<1x16xf32>,
        %get3A_228 = vector.shape_cast %get3A_227 : vector<1x16xf32> to vector<16xf32>
        %get3A_229 = arith.index_cast %scan3A_183 : i32 to index
        %get3A_230 = arith.constant 16 : index
        %get3A_231 = tpu.vector_load %arg16[%get3A_229, %get3A_230] {strides = array<i32>} : memref<40x128xf32, #tpu.memory_space<vmem>>, vector<1x16xf32>,
        %get3A_232 = vector.shape_cast %get3A_231 : vector<1x16xf32> to vector<16xf32>
        %add3A_233 = arith.addf %get3A_228, %get3A_232 : vector<16xf32>
        %add3A_234 = arith.addf %add3A_233, %bitcast_convert_type3A_193 : vector<16xf32>
        %mul3A_235 = arith.constant 2.000000e-01 : f32
        %mul3A_236 = vector.broadcast %mul3A_235 : f32 to vector<16xf32>
        %mul3A_237 = arith.mulf %mul3A_236, %add3A_234 : vector<16xf32>
        %max3A_238 = arith.maximumf %add3A_234, %mul3A_237 : vector<16xf32>
        %mul3A_239 = arith.mulf %max3A_238, %get3A_9 : vector<16xf32>
        %broadcast_in_dim3A_240 = vector.shape_cast %xor3A_29 : vector<16xi32> to vector<16x1xi32>
        %gather3A_241 = vector.shape_cast %broadcast_in_dim3A_240 : vector<16x1xi32> to vector<16xi32>
        %gather3A_242 = tpu.dynamic_gather %mul3A_239[%gather3A_241] in [0] : vector<16xf32>, vector<16xi32> -> vector<16xf32>
        %add3A_243 = arith.addf %mul3A_239, %gather3A_242 : vector<16xf32>
        %broadcast_in_dim3A_244 = vector.shape_cast %xor3A_32 : vector<16xi32> to vector<16x1xi32>
        %gather3A_245 = vector.shape_cast %broadcast_in_dim3A_244 : vector<16x1xi32> to vector<16xi32>
        %gather3A_246 = tpu.dynamic_gather %add3A_243[%gather3A_245] in [0] : vector<16xf32>, vector<16xi32> -> vector<16xf32>
        %add3A_247 = arith.addf %add3A_243, %gather3A_246 : vector<16xf32>
        %broadcast_in_dim3A_248 = vector.shape_cast %xor3A_35 : vector<16xi32> to vector<16x1xi32>
        %gather3A_249 = vector.shape_cast %broadcast_in_dim3A_248 : vector<16x1xi32> to vector<16xi32>
        %gather3A_250 = tpu.dynamic_gather %add3A_247[%gather3A_249] in [0] : vector<16xf32>, vector<16xi32> -> vector<16xf32>
        %add3A_251 = arith.addf %add3A_247, %gather3A_250 : vector<16xf32>
        %broadcast_in_dim3A_252 = vector.shape_cast %xor3A_38 : vector<16xi32> to vector<16x1xi32>
        %gather3A_253 = vector.shape_cast %broadcast_in_dim3A_252 : vector<16x1xi32> to vector<16xi32>
        %gather3A_254 = tpu.dynamic_gather %add3A_251[%gather3A_253] in [0] : vector<16xf32>, vector<16xi32> -> vector<16xf32>
        %add3A_255 = arith.addf %add3A_251, %gather3A_254 : vector<16xf32>
        %eq3A_256 = arith.constant 1 : i32
        %eq3A_257 = vector.broadcast %eq3A_256 : i32 to vector<16xi32>
        %eq3A_258 = arith.cmpi eq, %iota3A, %eq3A_257 : vector<16xi32>
        %select_n3A_259 = arith.select %eq3A_258, %add3A_255, %select_n3A : vector<16xi1>, vector<16xf32>
        %get3A_260 = arith.index_cast %scan3A_183 : i32 to index
        %get3A_261 = arith.constant 16 : index
        %get3A_262 = tpu.vector_load %arg18[%get3A_260, %get3A_261] {strides = array<i32>} : memref<40x64xi32, #tpu.memory_space<vmem>>, vector<1x16xi32>,
        %get3A_263 = vector.shape_cast %get3A_262 : vector<1x16xi32> to vector<16xi32>
        %shift_left3A_264 = arith.constant 16 : i32
        %shift_left3A_265 = vector.broadcast %shift_left3A_264 : i32 to vector<16xi32>
        %shift_left3A_266 = arith.shli %get3A_263, %shift_left3A_265 : vector<16xi32>
        %bitcast_convert_type3A_267 = tpu.bitcast %shift_left3A_266 : vector<16xi32> -> vector<16xf32>
        %and3A_268 = arith.constant -65536 : i32
        %and3A_269 = vector.broadcast %and3A_268 : i32 to vector<16xi32>
        %and3A_270 = arith.andi %get3A_263, %and3A_269 : vector<16xi32>
        %bitcast_convert_type3A_271 = tpu.bitcast %and3A_270 : vector<16xi32> -> vector<16xf32>
        %get3A_272 = arith.index_cast %scan3A_183 : i32 to index
        %get3A_273 = arith.constant 32 : index
        %get3A_274 = tpu.vector_load %arg14[%get3A_272, %get3A_273] {strides = array<i32>} : memref<40x128xf32, #tpu.memory_space<vmem>>, vector<1x16xf32>,
        %get3A_275 = vector.shape_cast %get3A_274 : vector<1x16xf32> to vector<16xf32>
        %get3A_276 = arith.index_cast %scan3A_183 : i32 to index
        %get3A_277 = arith.constant 32 : index
        %get3A_278 = tpu.vector_load %arg16[%get3A_276, %get3A_277] {strides = array<i32>} : memref<40x128xf32, #tpu.memory_space<vmem>>, vector<1x16xf32>,
        %get3A_279 = vector.shape_cast %get3A_278 : vector<1x16xf32> to vector<16xf32>
        %add3A_280 = arith.addf %get3A_275, %get3A_279 : vector<16xf32>
        %add3A_281 = arith.addf %add3A_280, %bitcast_convert_type3A_267 : vector<16xf32>
        %mul3A_282 = arith.constant 2.000000e-01 : f32
        %mul3A_283 = vector.broadcast %mul3A_282 : f32 to vector<16xf32>
        %mul3A_284 = arith.mulf %mul3A_283, %add3A_281 : vector<16xf32>
        %max3A_285 = arith.maximumf %add3A_281, %mul3A_284 : vector<16xf32>
        %mul3A_286 = arith.mulf %max3A_285, %get3A_12 : vector<16xf32>
        %broadcast_in_dim3A_287 = vector.shape_cast %xor3A_29 : vector<16xi32> to vector<16x1xi32>
        %gather3A_288 = vector.shape_cast %broadcast_in_dim3A_287 : vector<16x1xi32> to vector<16xi32>
        %gather3A_289 = tpu.dynamic_gather %mul3A_286[%gather3A_288] in [0] : vector<16xf32>, vector<16xi32> -> vector<16xf32>
        %add3A_290 = arith.addf %mul3A_286, %gather3A_289 : vector<16xf32>
        %broadcast_in_dim3A_291 = vector.shape_cast %xor3A_32 : vector<16xi32> to vector<16x1xi32>
        %gather3A_292 = vector.shape_cast %broadcast_in_dim3A_291 : vector<16x1xi32> to vector<16xi32>
        %gather3A_293 = tpu.dynamic_gather %add3A_290[%gather3A_292] in [0] : vector<16xf32>, vector<16xi32> -> vector<16xf32>
        %add3A_294 = arith.addf %add3A_290, %gather3A_293 : vector<16xf32>
        %broadcast_in_dim3A_295 = vector.shape_cast %xor3A_35 : vector<16xi32> to vector<16x1xi32>
        %gather3A_296 = vector.shape_cast %broadcast_in_dim3A_295 : vector<16x1xi32> to vector<16xi32>
        %gather3A_297 = tpu.dynamic_gather %add3A_294[%gather3A_296] in [0] : vector<16xf32>, vector<16xi32> -> vector<16xf32>
        %add3A_298 = arith.addf %add3A_294, %gather3A_297 : vector<16xf32>
        %broadcast_in_dim3A_299 = vector.shape_cast %xor3A_38 : vector<16xi32> to vector<16x1xi32>
        %gather3A_300 = vector.shape_cast %broadcast_in_dim3A_299 : vector<16x1xi32> to vector<16xi32>
        %gather3A_301 = tpu.dynamic_gather %add3A_298[%gather3A_300] in [0] : vector<16xf32>, vector<16xi32> -> vector<16xf32>
        %add3A_302 = arith.addf %add3A_298, %gather3A_301 : vector<16xf32>
        %eq3A_303 = arith.constant 2 : i32
        %eq3A_304 = vector.broadcast %eq3A_303 : i32 to vector<16xi32>
        %eq3A_305 = arith.cmpi eq, %iota3A, %eq3A_304 : vector<16xi32>
        %select_n3A_306 = arith.select %eq3A_305, %add3A_302, %select_n3A_259 : vector<16xi1>, vector<16xf32>
        %get3A_307 = arith.index_cast %scan3A_183 : i32 to index
        %get3A_308 = arith.constant 48 : index
        %get3A_309 = tpu.vector_load %arg14[%get3A_307, %get3A_308] {strides = array<i32>} : memref<40x128xf32, #tpu.memory_space<vmem>>, vector<1x16xf32>,
        %get3A_310 = vector.shape_cast %get3A_309 : vector<1x16xf32> to vector<16xf32>
        %get3A_311 = arith.index_cast %scan3A_183 : i32 to index
        %get3A_312 = arith.constant 48 : index
        %get3A_313 = tpu.vector_load %arg16[%get3A_311, %get3A_312] {strides = array<i32>} : memref<40x128xf32, #tpu.memory_space<vmem>>, vector<1x16xf32>,
        %get3A_314 = vector.shape_cast %get3A_313 : vector<1x16xf32> to vector<16xf32>
        %add3A_315 = arith.addf %get3A_310, %get3A_314 : vector<16xf32>
        %add3A_316 = arith.addf %add3A_315, %bitcast_convert_type3A_271 : vector<16xf32>
        %mul3A_317 = arith.constant 2.000000e-01 : f32
        %mul3A_318 = vector.broadcast %mul3A_317 : f32 to vector<16xf32>
        %mul3A_319 = arith.mulf %mul3A_318, %add3A_316 : vector<16xf32>
        %max3A_320 = arith.maximumf %add3A_316, %mul3A_319 : vector<16xf32>
        %mul3A_321 = arith.mulf %max3A_320, %get3A_15 : vector<16xf32>
        %broadcast_in_dim3A_322 = vector.shape_cast %xor3A_29 : vector<16xi32> to vector<16x1xi32>
        %gather3A_323 = vector.shape_cast %broadcast_in_dim3A_322 : vector<16x1xi32> to vector<16xi32>
        %gather3A_324 = tpu.dynamic_gather %mul3A_321[%gather3A_323] in [0] : vector<16xf32>, vector<16xi32> -> vector<16xf32>
        %add3A_325 = arith.addf %mul3A_321, %gather3A_324 : vector<16xf32>
        %broadcast_in_dim3A_326 = vector.shape_cast %xor3A_32 : vector<16xi32> to vector<16x1xi32>
        %gather3A_327 = vector.shape_cast %broadcast_in_dim3A_326 : vector<16x1xi32> to vector<16xi32>
        %gather3A_328 = tpu.dynamic_gather %add3A_325[%gather3A_327] in [0] : vector<16xf32>, vector<16xi32> -> vector<16xf32>
        %add3A_329 = arith.addf %add3A_325, %gather3A_328 : vector<16xf32>
        %broadcast_in_dim3A_330 = vector.shape_cast %xor3A_35 : vector<16xi32> to vector<16x1xi32>
        %gather3A_331 = vector.shape_cast %broadcast_in_dim3A_330 : vector<16x1xi32> to vector<16xi32>
        %gather3A_332 = tpu.dynamic_gather %add3A_329[%gather3A_331] in [0] : vector<16xf32>, vector<16xi32> -> vector<16xf32>
        %add3A_333 = arith.addf %add3A_329, %gather3A_332 : vector<16xf32>
        %broadcast_in_dim3A_334 = vector.shape_cast %xor3A_38 : vector<16xi32> to vector<16x1xi32>
        %gather3A_335 = vector.shape_cast %broadcast_in_dim3A_334 : vector<16x1xi32> to vector<16xi32>
        %gather3A_336 = tpu.dynamic_gather %add3A_333[%gather3A_335] in [0] : vector<16xf32>, vector<16xi32> -> vector<16xf32>
        %add3A_337 = arith.addf %add3A_333, %gather3A_336 : vector<16xf32>
        %eq3A_338 = arith.constant 3 : i32
        %eq3A_339 = vector.broadcast %eq3A_338 : i32 to vector<16xi32>
        %eq3A_340 = arith.cmpi eq, %iota3A, %eq3A_339 : vector<16xi32>
        %select_n3A_341 = arith.select %eq3A_340, %add3A_337, %select_n3A_306 : vector<16xi1>, vector<16xf32>
        %get3A_342 = arith.index_cast %scan3A_183 : i32 to index
        %get3A_343 = arith.constant 32 : index
        %get3A_344 = tpu.vector_load %arg18[%get3A_342, %get3A_343] {strides = array<i32>} : memref<40x64xi32, #tpu.memory_space<vmem>>, vector<1x16xi32>,
        %get3A_345 = vector.shape_cast %get3A_344 : vector<1x16xi32> to vector<16xi32>
        %shift_left3A_346 = arith.constant 16 : i32
        %shift_left3A_347 = vector.broadcast %shift_left3A_346 : i32 to vector<16xi32>
        %shift_left3A_348 = arith.shli %get3A_345, %shift_left3A_347 : vector<16xi32>
        %bitcast_convert_type3A_349 = tpu.bitcast %shift_left3A_348 : vector<16xi32> -> vector<16xf32>
        %and3A_350 = arith.constant -65536 : i32
        %and3A_351 = vector.broadcast %and3A_350 : i32 to vector<16xi32>
        %and3A_352 = arith.andi %get3A_345, %and3A_351 : vector<16xi32>
        %bitcast_convert_type3A_353 = tpu.bitcast %and3A_352 : vector<16xi32> -> vector<16xf32>
        %get3A_354 = arith.index_cast %scan3A_183 : i32 to index
        %get3A_355 = arith.constant 64 : index
        %get3A_356 = tpu.vector_load %arg14[%get3A_354, %get3A_355] {strides = array<i32>} : memref<40x128xf32, #tpu.memory_space<vmem>>, vector<1x16xf32>,
        %get3A_357 = vector.shape_cast %get3A_356 : vector<1x16xf32> to vector<16xf32>
        %get3A_358 = arith.index_cast %scan3A_183 : i32 to index
        %get3A_359 = arith.constant 64 : index
        %get3A_360 = tpu.vector_load %arg16[%get3A_358, %get3A_359] {strides = array<i32>} : memref<40x128xf32, #tpu.memory_space<vmem>>, vector<1x16xf32>,
        %get3A_361 = vector.shape_cast %get3A_360 : vector<1x16xf32> to vector<16xf32>
        %add3A_362 = arith.addf %get3A_357, %get3A_361 : vector<16xf32>
        %add3A_363 = arith.addf %add3A_362, %bitcast_convert_type3A_349 : vector<16xf32>
        %mul3A_364 = arith.constant 2.000000e-01 : f32
        %mul3A_365 = vector.broadcast %mul3A_364 : f32 to vector<16xf32>
        %mul3A_366 = arith.mulf %mul3A_365, %add3A_363 : vector<16xf32>
        %max3A_367 = arith.maximumf %add3A_363, %mul3A_366 : vector<16xf32>
        %mul3A_368 = arith.mulf %max3A_367, %get3A_18 : vector<16xf32>
        %broadcast_in_dim3A_369 = vector.shape_cast %xor3A_29 : vector<16xi32> to vector<16x1xi32>
        %gather3A_370 = vector.shape_cast %broadcast_in_dim3A_369 : vector<16x1xi32> to vector<16xi32>
        %gather3A_371 = tpu.dynamic_gather %mul3A_368[%gather3A_370] in [0] : vector<16xf32>, vector<16xi32> -> vector<16xf32>
        %add3A_372 = arith.addf %mul3A_368, %gather3A_371 : vector<16xf32>
        %broadcast_in_dim3A_373 = vector.shape_cast %xor3A_32 : vector<16xi32> to vector<16x1xi32>
        %gather3A_374 = vector.shape_cast %broadcast_in_dim3A_373 : vector<16x1xi32> to vector<16xi32>
        %gather3A_375 = tpu.dynamic_gather %add3A_372[%gather3A_374] in [0] : vector<16xf32>, vector<16xi32> -> vector<16xf32>
        %add3A_376 = arith.addf %add3A_372, %gather3A_375 : vector<16xf32>
        %broadcast_in_dim3A_377 = vector.shape_cast %xor3A_35 : vector<16xi32> to vector<16x1xi32>
        %gather3A_378 = vector.shape_cast %broadcast_in_dim3A_377 : vector<16x1xi32> to vector<16xi32>
        %gather3A_379 = tpu.dynamic_gather %add3A_376[%gather3A_378] in [0] : vector<16xf32>, vector<16xi32> -> vector<16xf32>
        %add3A_380 = arith.addf %add3A_376, %gather3A_379 : vector<16xf32>
        %broadcast_in_dim3A_381 = vector.shape_cast %xor3A_38 : vector<16xi32> to vector<16x1xi32>
        %gather3A_382 = vector.shape_cast %broadcast_in_dim3A_381 : vector<16x1xi32> to vector<16xi32>
        %gather3A_383 = tpu.dynamic_gather %add3A_380[%gather3A_382] in [0] : vector<16xf32>, vector<16xi32> -> vector<16xf32>
        %add3A_384 = arith.addf %add3A_380, %gather3A_383 : vector<16xf32>
        %eq3A_385 = arith.constant 4 : i32
        %eq3A_386 = vector.broadcast %eq3A_385 : i32 to vector<16xi32>
        %eq3A_387 = arith.cmpi eq, %iota3A, %eq3A_386 : vector<16xi32>
        %select_n3A_388 = arith.select %eq3A_387, %add3A_384, %select_n3A_341 : vector<16xi1>, vector<16xf32>
        %get3A_389 = arith.index_cast %scan3A_183 : i32 to index
        %get3A_390 = arith.constant 80 : index
        %get3A_391 = tpu.vector_load %arg14[%get3A_389, %get3A_390] {strides = array<i32>} : memref<40x128xf32, #tpu.memory_space<vmem>>, vector<1x16xf32>,
        %get3A_392 = vector.shape_cast %get3A_391 : vector<1x16xf32> to vector<16xf32>
        %get3A_393 = arith.index_cast %scan3A_183 : i32 to index
        %get3A_394 = arith.constant 80 : index
        %get3A_395 = tpu.vector_load %arg16[%get3A_393, %get3A_394] {strides = array<i32>} : memref<40x128xf32, #tpu.memory_space<vmem>>, vector<1x16xf32>,
        %get3A_396 = vector.shape_cast %get3A_395 : vector<1x16xf32> to vector<16xf32>
        %add3A_397 = arith.addf %get3A_392, %get3A_396 : vector<16xf32>
        %add3A_398 = arith.addf %add3A_397, %bitcast_convert_type3A_353 : vector<16xf32>
        %mul3A_399 = arith.constant 2.000000e-01 : f32
        %mul3A_400 = vector.broadcast %mul3A_399 : f32 to vector<16xf32>
        %mul3A_401 = arith.mulf %mul3A_400, %add3A_398 : vector<16xf32>
        %max3A_402 = arith.maximumf %add3A_398, %mul3A_401 : vector<16xf32>
        %mul3A_403 = arith.mulf %max3A_402, %get3A_21 : vector<16xf32>
        %broadcast_in_dim3A_404 = vector.shape_cast %xor3A_29 : vector<16xi32> to vector<16x1xi32>
        %gather3A_405 = vector.shape_cast %broadcast_in_dim3A_404 : vector<16x1xi32> to vector<16xi32>
        %gather3A_406 = tpu.dynamic_gather %mul3A_403[%gather3A_405] in [0] : vector<16xf32>, vector<16xi32> -> vector<16xf32>
        %add3A_407 = arith.addf %mul3A_403, %gather3A_406 : vector<16xf32>
        %broadcast_in_dim3A_408 = vector.shape_cast %xor3A_32 : vector<16xi32> to vector<16x1xi32>
        %gather3A_409 = vector.shape_cast %broadcast_in_dim3A_408 : vector<16x1xi32> to vector<16xi32>
        %gather3A_410 = tpu.dynamic_gather %add3A_407[%gather3A_409] in [0] : vector<16xf32>, vector<16xi32> -> vector<16xf32>
        %add3A_411 = arith.addf %add3A_407, %gather3A_410 : vector<16xf32>
        %broadcast_in_dim3A_412 = vector.shape_cast %xor3A_35 : vector<16xi32> to vector<16x1xi32>
        %gather3A_413 = vector.shape_cast %broadcast_in_dim3A_412 : vector<16x1xi32> to vector<16xi32>
        %gather3A_414 = tpu.dynamic_gather %add3A_411[%gather3A_413] in [0] : vector<16xf32>, vector<16xi32> -> vector<16xf32>
        %add3A_415 = arith.addf %add3A_411, %gather3A_414 : vector<16xf32>
        %broadcast_in_dim3A_416 = vector.shape_cast %xor3A_38 : vector<16xi32> to vector<16x1xi32>
        %gather3A_417 = vector.shape_cast %broadcast_in_dim3A_416 : vector<16x1xi32> to vector<16xi32>
        %gather3A_418 = tpu.dynamic_gather %add3A_415[%gather3A_417] in [0] : vector<16xf32>, vector<16xi32> -> vector<16xf32>
        %add3A_419 = arith.addf %add3A_415, %gather3A_418 : vector<16xf32>
        %eq3A_420 = arith.constant 5 : i32
        %eq3A_421 = vector.broadcast %eq3A_420 : i32 to vector<16xi32>
        %eq3A_422 = arith.cmpi eq, %iota3A, %eq3A_421 : vector<16xi32>
        %select_n3A_423 = arith.select %eq3A_422, %add3A_419, %select_n3A_388 : vector<16xi1>, vector<16xf32>
        %get3A_424 = arith.index_cast %scan3A_183 : i32 to index
        %get3A_425 = arith.constant 48 : index
        %get3A_426 = tpu.vector_load %arg18[%get3A_424, %get3A_425] {strides = array<i32>} : memref<40x64xi32, #tpu.memory_space<vmem>>, vector<1x16xi32>,
        %get3A_427 = vector.shape_cast %get3A_426 : vector<1x16xi32> to vector<16xi32>
        %shift_left3A_428 = arith.constant 16 : i32
        %shift_left3A_429 = vector.broadcast %shift_left3A_428 : i32 to vector<16xi32>
        %shift_left3A_430 = arith.shli %get3A_427, %shift_left3A_429 : vector<16xi32>
        %bitcast_convert_type3A_431 = tpu.bitcast %shift_left3A_430 : vector<16xi32> -> vector<16xf32>
        %and3A_432 = arith.constant -65536 : i32
        %and3A_433 = vector.broadcast %and3A_432 : i32 to vector<16xi32>
        %and3A_434 = arith.andi %get3A_427, %and3A_433 : vector<16xi32>
        %bitcast_convert_type3A_435 = tpu.bitcast %and3A_434 : vector<16xi32> -> vector<16xf32>
        %get3A_436 = arith.index_cast %scan3A_183 : i32 to index
        %get3A_437 = arith.constant 96 : index
        %get3A_438 = tpu.vector_load %arg14[%get3A_436, %get3A_437] {strides = array<i32>} : memref<40x128xf32, #tpu.memory_space<vmem>>, vector<1x16xf32>,
        %get3A_439 = vector.shape_cast %get3A_438 : vector<1x16xf32> to vector<16xf32>
        %get3A_440 = arith.index_cast %scan3A_183 : i32 to index
        %get3A_441 = arith.constant 96 : index
        %get3A_442 = tpu.vector_load %arg16[%get3A_440, %get3A_441] {strides = array<i32>} : memref<40x128xf32, #tpu.memory_space<vmem>>, vector<1x16xf32>,
        %get3A_443 = vector.shape_cast %get3A_442 : vector<1x16xf32> to vector<16xf32>
        %add3A_444 = arith.addf %get3A_439, %get3A_443 : vector<16xf32>
        %add3A_445 = arith.addf %add3A_444, %bitcast_convert_type3A_431 : vector<16xf32>
        %mul3A_446 = arith.constant 2.000000e-01 : f32
        %mul3A_447 = vector.broadcast %mul3A_446 : f32 to vector<16xf32>
        %mul3A_448 = arith.mulf %mul3A_447, %add3A_445 : vector<16xf32>
        %max3A_449 = arith.maximumf %add3A_445, %mul3A_448 : vector<16xf32>
        %mul3A_450 = arith.mulf %max3A_449, %get3A_24 : vector<16xf32>
        %broadcast_in_dim3A_451 = vector.shape_cast %xor3A_29 : vector<16xi32> to vector<16x1xi32>
        %gather3A_452 = vector.shape_cast %broadcast_in_dim3A_451 : vector<16x1xi32> to vector<16xi32>
        %gather3A_453 = tpu.dynamic_gather %mul3A_450[%gather3A_452] in [0] : vector<16xf32>, vector<16xi32> -> vector<16xf32>
        %add3A_454 = arith.addf %mul3A_450, %gather3A_453 : vector<16xf32>
        %broadcast_in_dim3A_455 = vector.shape_cast %xor3A_32 : vector<16xi32> to vector<16x1xi32>
        %gather3A_456 = vector.shape_cast %broadcast_in_dim3A_455 : vector<16x1xi32> to vector<16xi32>
        %gather3A_457 = tpu.dynamic_gather %add3A_454[%gather3A_456] in [0] : vector<16xf32>, vector<16xi32> -> vector<16xf32>
        %add3A_458 = arith.addf %add3A_454, %gather3A_457 : vector<16xf32>
        %broadcast_in_dim3A_459 = vector.shape_cast %xor3A_35 : vector<16xi32> to vector<16x1xi32>
        %gather3A_460 = vector.shape_cast %broadcast_in_dim3A_459 : vector<16x1xi32> to vector<16xi32>
        %gather3A_461 = tpu.dynamic_gather %add3A_458[%gather3A_460] in [0] : vector<16xf32>, vector<16xi32> -> vector<16xf32>
        %add3A_462 = arith.addf %add3A_458, %gather3A_461 : vector<16xf32>
        %broadcast_in_dim3A_463 = vector.shape_cast %xor3A_38 : vector<16xi32> to vector<16x1xi32>
        %gather3A_464 = vector.shape_cast %broadcast_in_dim3A_463 : vector<16x1xi32> to vector<16xi32>
        %gather3A_465 = tpu.dynamic_gather %add3A_462[%gather3A_464] in [0] : vector<16xf32>, vector<16xi32> -> vector<16xf32>
        %add3A_466 = arith.addf %add3A_462, %gather3A_465 : vector<16xf32>
        %eq3A_467 = arith.constant 6 : i32
        %eq3A_468 = vector.broadcast %eq3A_467 : i32 to vector<16xi32>
        %eq3A_469 = arith.cmpi eq, %iota3A, %eq3A_468 : vector<16xi32>
        %select_n3A_470 = arith.select %eq3A_469, %add3A_466, %select_n3A_423 : vector<16xi1>, vector<16xf32>
        %get3A_471 = arith.index_cast %scan3A_183 : i32 to index
        %get3A_472 = arith.constant 112 : index
        %get3A_473 = tpu.vector_load %arg14[%get3A_471, %get3A_472] {strides = array<i32>} : memref<40x128xf32, #tpu.memory_space<vmem>>, vector<1x16xf32>,
        %get3A_474 = vector.shape_cast %get3A_473 : vector<1x16xf32> to vector<16xf32>
        %get3A_475 = arith.index_cast %scan3A_183 : i32 to index
        %get3A_476 = arith.constant 112 : index
        %get3A_477 = tpu.vector_load %arg16[%get3A_475, %get3A_476] {strides = array<i32>} : memref<40x128xf32, #tpu.memory_space<vmem>>, vector<1x16xf32>,
        %get3A_478 = vector.shape_cast %get3A_477 : vector<1x16xf32> to vector<16xf32>
        %add3A_479 = arith.addf %get3A_474, %get3A_478 : vector<16xf32>
        %add3A_480 = arith.addf %add3A_479, %bitcast_convert_type3A_435 : vector<16xf32>
        %mul3A_481 = arith.constant 2.000000e-01 : f32
        %mul3A_482 = vector.broadcast %mul3A_481 : f32 to vector<16xf32>
        %mul3A_483 = arith.mulf %mul3A_482, %add3A_480 : vector<16xf32>
        %max3A_484 = arith.maximumf %add3A_480, %mul3A_483 : vector<16xf32>
        %mul3A_485 = arith.mulf %max3A_484, %get3A_27 : vector<16xf32>
        %broadcast_in_dim3A_486 = vector.shape_cast %xor3A_29 : vector<16xi32> to vector<16x1xi32>
        %gather3A_487 = vector.shape_cast %broadcast_in_dim3A_486 : vector<16x1xi32> to vector<16xi32>
        %gather3A_488 = tpu.dynamic_gather %mul3A_485[%gather3A_487] in [0] : vector<16xf32>, vector<16xi32> -> vector<16xf32>
        %add3A_489 = arith.addf %mul3A_485, %gather3A_488 : vector<16xf32>
        %broadcast_in_dim3A_490 = vector.shape_cast %xor3A_32 : vector<16xi32> to vector<16x1xi32>
        %gather3A_491 = vector.shape_cast %broadcast_in_dim3A_490 : vector<16x1xi32> to vector<16xi32>
        %gather3A_492 = tpu.dynamic_gather %add3A_489[%gather3A_491] in [0] : vector<16xf32>, vector<16xi32> -> vector<16xf32>
        %add3A_493 = arith.addf %add3A_489, %gather3A_492 : vector<16xf32>
        %broadcast_in_dim3A_494 = vector.shape_cast %xor3A_35 : vector<16xi32> to vector<16x1xi32>
        %gather3A_495 = vector.shape_cast %broadcast_in_dim3A_494 : vector<16x1xi32> to vector<16xi32>
        %gather3A_496 = tpu.dynamic_gather %add3A_493[%gather3A_495] in [0] : vector<16xf32>, vector<16xi32> -> vector<16xf32>
        %add3A_497 = arith.addf %add3A_493, %gather3A_496 : vector<16xf32>
        %broadcast_in_dim3A_498 = vector.shape_cast %xor3A_38 : vector<16xi32> to vector<16x1xi32>
        %gather3A_499 = vector.shape_cast %broadcast_in_dim3A_498 : vector<16x1xi32> to vector<16xi32>
        %gather3A_500 = tpu.dynamic_gather %add3A_497[%gather3A_499] in [0] : vector<16xf32>, vector<16xi32> -> vector<16xf32>
        %add3A_501 = arith.addf %add3A_497, %gather3A_500 : vector<16xf32>
        %eq3A_502 = arith.constant 7 : i32
        %eq3A_503 = vector.broadcast %eq3A_502 : i32 to vector<16xi32>
        %eq3A_504 = arith.cmpi eq, %iota3A, %eq3A_503 : vector<16xi32>
        %select_n3A_505 = arith.select %eq3A_504, %add3A_501, %select_n3A_470 : vector<16xi1>, vector<16xf32>
        %exp3A = math.exp %select_n3A_505 : vector<16xf32>
        %swap3A = arith.index_cast %scan3A_183 : i32 to index
        %swap3A_506 = arith.constant 0 : index
        %swap3A_507 = tpu.vector_load %arg19[%swap3A, %swap3A_506] {strides = array<i32>} : memref<40x16xf32, #tpu.memory_space<vmem>>, vector<1x16xf32>,
        %swap3A_508 = vector.shape_cast %swap3A_507 : vector<1x16xf32> to vector<16xf32>
        %swap3A_509 = vector.shape_cast %exp3A : vector<16xf32> to vector<1x16xf32>
        tpu.vector_store %arg19[%swap3A, %swap3A_506], %swap3A_509 {strides = array<i32>} : memref<40x16xf32, #tpu.memory_space<vmem>>, vector<1x16xf32>,
        %swap3A_510 = arith.index_cast %scan3A_183 : i32 to index
        %swap3A_511 = arith.constant 0 : index
        %swap3A_512 = tpu.vector_load %arg20[%swap3A_510, %swap3A_511] {strides = array<i32>} : memref<40x128xf32, #tpu.memory_space<vmem>>, vector<1x16xf32>,
        %swap3A_513 = vector.shape_cast %swap3A_512 : vector<1x16xf32> to vector<16xf32>
        %swap3A_514 = vector.shape_cast %exp3A : vector<16xf32> to vector<1x16xf32>
        tpu.vector_store %arg20[%swap3A_510, %swap3A_511], %swap3A_514 {strides = array<i32>} : memref<40x128xf32, #tpu.memory_space<vmem>>, vector<1x16xf32>,
        %swap3A_515 = arith.index_cast %scan3A_183 : i32 to index
        %swap3A_516 = arith.constant 16 : index
        %swap3A_517 = tpu.vector_load %arg20[%swap3A_515, %swap3A_516] {strides = array<i32>} : memref<40x128xf32, #tpu.memory_space<vmem>>, vector<1x16xf32>,
        %swap3A_518 = vector.shape_cast %swap3A_517 : vector<1x16xf32> to vector<16xf32>
        %swap3A_519 = vector.shape_cast %exp3A : vector<16xf32> to vector<1x16xf32>
        tpu.vector_store %arg20[%swap3A_515, %swap3A_516], %swap3A_519 {strides = array<i32>} : memref<40x128xf32, #tpu.memory_space<vmem>>, vector<1x16xf32>,
        %swap3A_520 = arith.index_cast %scan3A_183 : i32 to index
        %swap3A_521 = arith.constant 32 : index
        %swap3A_522 = tpu.vector_load %arg20[%swap3A_520, %swap3A_521] {strides = array<i32>} : memref<40x128xf32, #tpu.memory_space<vmem>>, vector<1x16xf32>,
        %swap3A_523 = vector.shape_cast %swap3A_522 : vector<1x16xf32> to vector<16xf32>
        %swap3A_524 = vector.shape_cast %exp3A : vector<16xf32> to vector<1x16xf32>
        tpu.vector_store %arg20[%swap3A_520, %swap3A_521], %swap3A_524 {strides = array<i32>} : memref<40x128xf32, #tpu.memory_space<vmem>>, vector<1x16xf32>,
        %swap3A_525 = arith.index_cast %scan3A_183 : i32 to index
        %swap3A_526 = arith.constant 48 : index
        %swap3A_527 = tpu.vector_load %arg20[%swap3A_525, %swap3A_526] {strides = array<i32>} : memref<40x128xf32, #tpu.memory_space<vmem>>, vector<1x16xf32>,
        %swap3A_528 = vector.shape_cast %swap3A_527 : vector<1x16xf32> to vector<16xf32>
        %swap3A_529 = vector.shape_cast %exp3A : vector<16xf32> to vector<1x16xf32>
        tpu.vector_store %arg20[%swap3A_525, %swap3A_526], %swap3A_529 {strides = array<i32>} : memref<40x128xf32, #tpu.memory_space<vmem>>, vector<1x16xf32>,
        %swap3A_530 = arith.index_cast %scan3A_183 : i32 to index
        %swap3A_531 = arith.constant 64 : index
        %swap3A_532 = tpu.vector_load %arg20[%swap3A_530, %swap3A_531] {strides = array<i32>} : memref<40x128xf32, #tpu.memory_space<vmem>>, vector<1x16xf32>,
        %swap3A_533 = vector.shape_cast %swap3A_532 : vector<1x16xf32> to vector<16xf32>
        %swap3A_534 = vector.shape_cast %exp3A : vector<16xf32> to vector<1x16xf32>
        tpu.vector_store %arg20[%swap3A_530, %swap3A_531], %swap3A_534 {strides = array<i32>} : memref<40x128xf32, #tpu.memory_space<vmem>>, vector<1x16xf32>,
        %swap3A_535 = arith.index_cast %scan3A_183 : i32 to index
        %swap3A_536 = arith.constant 80 : index
        %swap3A_537 = tpu.vector_load %arg20[%swap3A_535, %swap3A_536] {strides = array<i32>} : memref<40x128xf32, #tpu.memory_space<vmem>>, vector<1x16xf32>,
        %swap3A_538 = vector.shape_cast %swap3A_537 : vector<1x16xf32> to vector<16xf32>
        %swap3A_539 = vector.shape_cast %exp3A : vector<16xf32> to vector<1x16xf32>
        tpu.vector_store %arg20[%swap3A_535, %swap3A_536], %swap3A_539 {strides = array<i32>} : memref<40x128xf32, #tpu.memory_space<vmem>>, vector<1x16xf32>,
        %swap3A_540 = arith.index_cast %scan3A_183 : i32 to index
        %swap3A_541 = arith.constant 96 : index
        %swap3A_542 = tpu.vector_load %arg20[%swap3A_540, %swap3A_541] {strides = array<i32>} : memref<40x128xf32, #tpu.memory_space<vmem>>, vector<1x16xf32>,
        %swap3A_543 = vector.shape_cast %swap3A_542 : vector<1x16xf32> to vector<16xf32>
        %swap3A_544 = vector.shape_cast %exp3A : vector<16xf32> to vector<1x16xf32>
        tpu.vector_store %arg20[%swap3A_540, %swap3A_541], %swap3A_544 {strides = array<i32>} : memref<40x128xf32, #tpu.memory_space<vmem>>, vector<1x16xf32>,
        %swap3A_545 = arith.index_cast %scan3A_183 : i32 to index
        %swap3A_546 = arith.constant 112 : index
        %swap3A_547 = tpu.vector_load %arg20[%swap3A_545, %swap3A_546] {strides = array<i32>} : memref<40x128xf32, #tpu.memory_space<vmem>>, vector<1x16xf32>,
        %swap3A_548 = vector.shape_cast %swap3A_547 : vector<1x16xf32> to vector<16xf32>
        %swap3A_549 = vector.shape_cast %exp3A : vector<16xf32> to vector<1x16xf32>
        tpu.vector_store %arg20[%swap3A_545, %swap3A_546], %swap3A_549 {strides = array<i32>} : memref<40x128xf32, #tpu.memory_space<vmem>>, vector<1x16xf32>,
      }
      %scan3A_181 = arith.constant 40 : i32
      "tpu.region"() ({
        %run_scoped3A_183 = tpu.sem_alloc : memref<!tpu.dma_semaphore, #tpu.memory_space<semaphore_mem>>
        %dma_start3A_184 = arith.constant 0 : i32
        %dma_start3A_185 = tpu.memref_slice %arg9[%add3A_175, %dma_start3A_184] : memref<320000x16xf32, #tpu.memory_space<hbm>> -> memref<40x16xf32, #tpu.memory_space<hbm>>
        %dma_start3A_186 = arith.constant 0 : i32
        %dma_start3A_187 = tpu.memref_slice %arg9[%add3A_175, %dma_start3A_186] : memref<320000x16xf32, #tpu.memory_space<hbm>> -> memref<40x16xf32, #tpu.memory_space<hbm>>
        tpu.enqueue_dma source(%arg19 : memref<40x16xf32, #tpu.memory_space<vmem>>) target(%dma_start3A_187 : memref<40x16xf32, #tpu.memory_space<hbm>>) target_semaphore(%run_scoped3A_183 : memref<!tpu.dma_semaphore, #tpu.memory_space<semaphore_mem>>)
        %dma_wait3A_188 = arith.constant 0 : i32
        %dma_wait3A_189 = tpu.memref_slice %arg9[%add3A_175, %dma_wait3A_188] : memref<320000x16xf32, #tpu.memory_space<hbm>> -> memref<40x16xf32, #tpu.memory_space<hbm>>
        %dma_wait3A_190 = arith.constant 0 : i32
        %dma_wait3A_191 = tpu.memref_slice %arg9[%add3A_175, %dma_wait3A_190] : memref<320000x16xf32, #tpu.memory_space<hbm>> -> memref<40x16xf32, #tpu.memory_space<hbm>>
        tpu.wait_dma2 semaphore(%run_scoped3A_183 : memref<!tpu.dma_semaphore, #tpu.memory_space<semaphore_mem>>) src(%arg19 : memref<40x16xf32, #tpu.memory_space<vmem>>) dst(%dma_wait3A_191 : memref<40x16xf32, #tpu.memory_space<hbm>>)
        tpu.yield
      }) : () -> ()
      %run_scoped3A_182 = arith.constant 1 : i32
      "tpu.region"() ({
        %run_scoped3A_183 = tpu.sem_alloc : memref<!tpu.dma_semaphore, #tpu.memory_space<semaphore_mem>>
        %dma_start3A_184 = arith.constant 0 : i32
        %dma_start3A_185 = tpu.memref_slice %arg12[%run_scoped3A_182, %dma_start3A_184] : memref<2x40xi32, #tpu.memory_space<vmem>> -> memref<1x40xi32, #tpu.memory_space<vmem>>
        %dma_start3A_186 = tpu.memref_squeeze %dma_start3A_185 : memref<1x40xi32, #tpu.memory_space<vmem>> -> memref<40xi32, #tpu.memory_space<vmem>>
        %dma_start3A_187 = arith.constant 0 : i32
        %dma_start3A_188 = arith.constant 0 : i32
        %dma_start3A_189 = tpu.memref_slice %arg22[%dma_start3A_187, %dma_start3A_188] : memref<10240x128xf32, #tpu.memory_space<vmem_shared>> -> memref<10240x128xf32, #tpu.memory_space<vmem_shared>>
        tpu.enqueue_indirect_dma source(%arg20 : memref<40x128xf32, #tpu.memory_space<vmem>>) target(%dma_start3A_189 : memref<10240x128xf32, #tpu.memory_space<vmem_shared>>) offsets(%dma_start3A_186 : memref<40xi32, #tpu.memory_space<vmem>>) semaphore(%run_scoped3A_183 : memref<!tpu.dma_semaphore, #tpu.memory_space<semaphore_mem>>) {add = true}
        %dma_wait3A_190 = arith.constant 0 : i32
        %dma_wait3A_191 = tpu.memref_slice %arg12[%run_scoped3A_182, %dma_wait3A_190] : memref<2x40xi32, #tpu.memory_space<vmem>> -> memref<1x40xi32, #tpu.memory_space<vmem>>
        %dma_wait3A_192 = tpu.memref_squeeze %dma_wait3A_191 : memref<1x40xi32, #tpu.memory_space<vmem>> -> memref<40xi32, #tpu.memory_space<vmem>>
        %dma_wait3A_193 = arith.constant 0 : i32
        %dma_wait3A_194 = arith.constant 0 : i32
        %dma_wait3A_195 = tpu.memref_slice %arg22[%dma_wait3A_193, %dma_wait3A_194] : memref<10240x128xf32, #tpu.memory_space<vmem_shared>> -> memref<10240x128xf32, #tpu.memory_space<vmem_shared>>
        tpu.wait_indirect_dma semaphore(%run_scoped3A_183 : memref<!tpu.dma_semaphore, #tpu.memory_space<semaphore_mem>>) src(%arg20 : memref<40x128xf32, #tpu.memory_space<vmem>>) dst(%dma_wait3A_195 : memref<10240x128xf32, #tpu.memory_space<vmem_shared>>)
        tpu.yield
      }) : () -> ()
    }
    %scan3A_43 = arith.constant 125 : i32
    %barrier3A_44 = arith.constant 0 : index
    tpu.barrier barrier_id(%barrier3A_44)
    %mul3A_45 = arith.constant 640 : i32
    %mul3A_46 = arith.muli %arg1, %mul3A_45 : i32
    %add3A_47 = arith.constant 0 : i32
    %add3A_48 = arith.addi %mul3A_46, %add3A_47 : i32
    %mul3A_49 = arith.constant 10240 : i32
    %mul3A_50 = arith.muli %arg0, %mul3A_49 : i32
    %add3A_51 = arith.addi %mul3A_50, %add3A_48 : i32
    "tpu.region"() ({
      %run_scoped3A = tpu.sem_alloc : memref<!tpu.dma_semaphore, #tpu.memory_space<semaphore_mem>>
      %dma_start3A = arith.constant 0 : i32
      %dma_start3A_80 = tpu.memref_slice %arg10[%add3A_51, %dma_start3A] : memref<20480x128xf32, #tpu.memory_space<hbm>> -> memref<128x128xf32, #tpu.memory_space<hbm>>
      %dma_start3A_81 = arith.constant 0 : i32
      %dma_start3A_82 = tpu.memref_slice %arg22[%add3A_48, %dma_start3A_81] : memref<10240x128xf32, #tpu.memory_space<vmem_shared>> -> memref<128x128xf32, #tpu.memory_space<vmem_shared>>
      tpu.enqueue_dma source(%dma_start3A_82 : memref<128x128xf32, #tpu.memory_space<vmem_shared>>) target(%dma_start3A_80 : memref<128x128xf32, #tpu.memory_space<hbm>>) target_semaphore(%run_scoped3A : memref<!tpu.dma_semaphore, #tpu.memory_space<semaphore_mem>>)
      %dma_wait3A = arith.constant 0 : i32
      %dma_wait3A_83 = tpu.memref_slice %arg10[%add3A_51, %dma_wait3A] : memref<20480x128xf32, #tpu.memory_space<hbm>> -> memref<128x128xf32, #tpu.memory_space<hbm>>
      %dma_wait3A_84 = arith.constant 0 : i32
      %dma_wait3A_85 = tpu.memref_slice %arg22[%add3A_48, %dma_wait3A_84] : memref<10240x128xf32, #tpu.memory_space<vmem_shared>> -> memref<128x128xf32, #tpu.memory_space<vmem_shared>>
      tpu.wait_dma2 semaphore(%run_scoped3A : memref<!tpu.dma_semaphore, #tpu.memory_space<semaphore_mem>>) src(%dma_wait3A_85 : memref<128x128xf32, #tpu.memory_space<vmem_shared>>) dst(%dma_wait3A_83 : memref<128x128xf32, #tpu.memory_space<hbm>>)
      tpu.yield
    }) : () -> ()
    %mul3A_52 = arith.constant 640 : i32
    %mul3A_53 = arith.muli %arg1, %mul3A_52 : i32
    %add3A_54 = arith.constant 128 : i32
    %add3A_55 = arith.addi %mul3A_53, %add3A_54 : i32
    %mul3A_56 = arith.constant 10240 : i32
    %mul3A_57 = arith.muli %arg0, %mul3A_56 : i32
    %add3A_58 = arith.addi %mul3A_57, %add3A_55 : i32
    "tpu.region"() ({
      %run_scoped3A = tpu.sem_alloc : memref<!tpu.dma_semaphore, #tpu.memory_space<semaphore_mem>>
      %dma_start3A = arith.constant 0 : i32
      %dma_start3A_80 = tpu.memref_slice %arg10[%add3A_58, %dma_start3A] : memref<20480x128xf32, #tpu.memory_space<hbm>> -> memref<128x128xf32, #tpu.memory_space<hbm>>
      %dma_start3A_81 = arith.constant 0 : i32
      %dma_start3A_82 = tpu.memref_slice %arg22[%add3A_55, %dma_start3A_81] : memref<10240x128xf32, #tpu.memory_space<vmem_shared>> -> memref<128x128xf32, #tpu.memory_space<vmem_shared>>
      tpu.enqueue_dma source(%dma_start3A_82 : memref<128x128xf32, #tpu.memory_space<vmem_shared>>) target(%dma_start3A_80 : memref<128x128xf32, #tpu.memory_space<hbm>>) target_semaphore(%run_scoped3A : memref<!tpu.dma_semaphore, #tpu.memory_space<semaphore_mem>>)
      %dma_wait3A = arith.constant 0 : i32
      %dma_wait3A_83 = tpu.memref_slice %arg10[%add3A_58, %dma_wait3A] : memref<20480x128xf32, #tpu.memory_space<hbm>> -> memref<128x128xf32, #tpu.memory_space<hbm>>
      %dma_wait3A_84 = arith.constant 0 : i32
      %dma_wait3A_85 = tpu.memref_slice %arg22[%add3A_55, %dma_wait3A_84] : memref<10240x128xf32, #tpu.memory_space<vmem_shared>> -> memref<128x128xf32, #tpu.memory_space<vmem_shared>>
      tpu.wait_dma2 semaphore(%run_scoped3A : memref<!tpu.dma_semaphore, #tpu.memory_space<semaphore_mem>>) src(%dma_wait3A_85 : memref<128x128xf32, #tpu.memory_space<vmem_shared>>) dst(%dma_wait3A_83 : memref<128x128xf32, #tpu.memory_space<hbm>>)
      tpu.yield
    }) : () -> ()
    %mul3A_59 = arith.constant 640 : i32
    %mul3A_60 = arith.muli %arg1, %mul3A_59 : i32
    %add3A_61 = arith.constant 256 : i32
    %add3A_62 = arith.addi %mul3A_60, %add3A_61 : i32
    %mul3A_63 = arith.constant 10240 : i32
    %mul3A_64 = arith.muli %arg0, %mul3A_63 : i32
    %add3A_65 = arith.addi %mul3A_64, %add3A_62 : i32
    "tpu.region"() ({
      %run_scoped3A = tpu.sem_alloc : memref<!tpu.dma_semaphore, #tpu.memory_space<semaphore_mem>>
      %dma_start3A = arith.constant 0 : i32
      %dma_start3A_80 = tpu.memref_slice %arg10[%add3A_65, %dma_start3A] : memref<20480x128xf32, #tpu.memory_space<hbm>> -> memref<128x128xf32, #tpu.memory_space<hbm>>
      %dma_start3A_81 = arith.constant 0 : i32
      %dma_start3A_82 = tpu.memref_slice %arg22[%add3A_62, %dma_start3A_81] : memref<10240x128xf32, #tpu.memory_space<vmem_shared>> -> memref<128x128xf32, #tpu.memory_space<vmem_shared>>
      tpu.enqueue_dma source(%dma_start3A_82 : memref<128x128xf32, #tpu.memory_space<vmem_shared>>) target(%dma_start3A_80 : memref<128x128xf32, #tpu.memory_space<hbm>>) target_semaphore(%run_scoped3A : memref<!tpu.dma_semaphore, #tpu.memory_space<semaphore_mem>>)
      %dma_wait3A = arith.constant 0 : i32
      %dma_wait3A_83 = tpu.memref_slice %arg10[%add3A_65, %dma_wait3A] : memref<20480x128xf32, #tpu.memory_space<hbm>> -> memref<128x128xf32, #tpu.memory_space<hbm>>
      %dma_wait3A_84 = arith.constant 0 : i32
      %dma_wait3A_85 = tpu.memref_slice %arg22[%add3A_62, %dma_wait3A_84] : memref<10240x128xf32, #tpu.memory_space<vmem_shared>> -> memref<128x128xf32, #tpu.memory_space<vmem_shared>>
      tpu.wait_dma2 semaphore(%run_scoped3A : memref<!tpu.dma_semaphore, #tpu.memory_space<semaphore_mem>>) src(%dma_wait3A_85 : memref<128x128xf32, #tpu.memory_space<vmem_shared>>) dst(%dma_wait3A_83 : memref<128x128xf32, #tpu.memory_space<hbm>>)
      tpu.yield
    }) : () -> ()
    %mul3A_66 = arith.constant 640 : i32
    %mul3A_67 = arith.muli %arg1, %mul3A_66 : i32
    %add3A_68 = arith.constant 384 : i32
    %add3A_69 = arith.addi %mul3A_67, %add3A_68 : i32
    %mul3A_70 = arith.constant 10240 : i32
    %mul3A_71 = arith.muli %arg0, %mul3A_70 : i32
    %add3A_72 = arith.addi %mul3A_71, %add3A_69 : i32
    "tpu.region"() ({
      %run_scoped3A = tpu.sem_alloc : memref<!tpu.dma_semaphore, #tpu.memory_space<semaphore_mem>>
      %dma_start3A = arith.constant 0 : i32
      %dma_start3A_80 = tpu.memref_slice %arg10[%add3A_72, %dma_start3A] : memref<20480x128xf32, #tpu.memory_space<hbm>> -> memref<128x128xf32, #tpu.memory_space<hbm>>
      %dma_start3A_81 = arith.constant 0 : i32
      %dma_start3A_82 = tpu.memref_slice %arg22[%add3A_69, %dma_start3A_81] : memref<10240x128xf32, #tpu.memory_space<vmem_shared>> -> memref<128x128xf32, #tpu.memory_space<vmem_shared>>
      tpu.enqueue_dma source(%dma_start3A_82 : memref<128x128xf32, #tpu.memory_space<vmem_shared>>) target(%dma_start3A_80 : memref<128x128xf32, #tpu.memory_space<hbm>>) target_semaphore(%run_scoped3A : memref<!tpu.dma_semaphore, #tpu.memory_space<semaphore_mem>>)
      %dma_wait3A = arith.constant 0 : i32
      %dma_wait3A_83 = tpu.memref_slice %arg10[%add3A_72, %dma_wait3A] : memref<20480x128xf32, #tpu.memory_space<hbm>> -> memref<128x128xf32, #tpu.memory_space<hbm>>
      %dma_wait3A_84 = arith.constant 0 : i32
      %dma_wait3A_85 = tpu.memref_slice %arg22[%add3A_69, %dma_wait3A_84] : memref<10240x128xf32, #tpu.memory_space<vmem_shared>> -> memref<128x128xf32, #tpu.memory_space<vmem_shared>>
      tpu.wait_dma2 semaphore(%run_scoped3A : memref<!tpu.dma_semaphore, #tpu.memory_space<semaphore_mem>>) src(%dma_wait3A_85 : memref<128x128xf32, #tpu.memory_space<vmem_shared>>) dst(%dma_wait3A_83 : memref<128x128xf32, #tpu.memory_space<hbm>>)
      tpu.yield
    }) : () -> ()
    %mul3A_73 = arith.constant 640 : i32
    %mul3A_74 = arith.muli %arg1, %mul3A_73 : i32
    %add3A_75 = arith.constant 512 : i32
    %add3A_76 = arith.addi %mul3A_74, %add3A_75 : i32
    %mul3A_77 = arith.constant 10240 : i32
    %mul3A_78 = arith.muli %arg0, %mul3A_77 : i32
    %add3A_79 = arith.addi %mul3A_78, %add3A_76 : i32
    "tpu.region"() ({
      %run_scoped3A = tpu.sem_alloc : memref<!tpu.dma_semaphore, #tpu.memory_space<semaphore_mem>>
      %dma_start3A = arith.constant 0 : i32
      %dma_start3A_80 = tpu.memref_slice %arg10[%add3A_79, %dma_start3A] : memref<20480x128xf32, #tpu.memory_space<hbm>> -> memref<128x128xf32, #tpu.memory_space<hbm>>
      %dma_start3A_81 = arith.constant 0 : i32
      %dma_start3A_82 = tpu.memref_slice %arg22[%add3A_76, %dma_start3A_81] : memref<10240x128xf32, #tpu.memory_space<vmem_shared>> -> memref<128x128xf32, #tpu.memory_space<vmem_shared>>
      tpu.enqueue_dma source(%dma_start3A_82 : memref<128x128xf32, #tpu.memory_space<vmem_shared>>) target(%dma_start3A_80 : memref<128x128xf32, #tpu.memory_space<hbm>>) target_semaphore(%run_scoped3A : memref<!tpu.dma_semaphore, #tpu.memory_space<semaphore_mem>>)
      %dma_wait3A = arith.constant 0 : i32
      %dma_wait3A_83 = tpu.memref_slice %arg10[%add3A_79, %dma_wait3A] : memref<20480x128xf32, #tpu.memory_space<hbm>> -> memref<128x128xf32, #tpu.memory_space<hbm>>
      %dma_wait3A_84 = arith.constant 0 : i32
      %dma_wait3A_85 = tpu.memref_slice %arg22[%add3A_76, %dma_wait3A_84] : memref<10240x128xf32, #tpu.memory_space<vmem_shared>> -> memref<128x128xf32, #tpu.memory_space<vmem_shared>>
      tpu.wait_dma2 semaphore(%run_scoped3A : memref<!tpu.dma_semaphore, #tpu.memory_space<semaphore_mem>>) src(%dma_wait3A_85 : memref<128x128xf32, #tpu.memory_space<vmem_shared>>) dst(%dma_wait3A_83 : memref<128x128xf32, #tpu.memory_space<hbm>>)
      tpu.yield
    }) : () -> ()
    return
  }
}

#map = affine_map<(d0, d1) -> (0, 0)>
#map1 = affine_map<(d0, d1) -> (0)>
module attributes {stable_mosaic.version = 14 : i64} {
  func.func @_sc_pass2(%arg0: i32, %arg1: i32, %arg2: memref<10000x128xf32, #tpu.memory_space<hbm>>, %arg3: memref<320000x16xf32, #tpu.memory_space<hbm>>, %arg4: memref<320000xi32, #tpu.memory_space<hbm>>, %arg5: memref<320000xi32, #tpu.memory_space<hbm>>, %arg6: memref<640x128xf32, #tpu.memory_space<hbm>>, %arg7: memref<20480x128xf32, #tpu.memory_space<hbm>>, %arg8: memref<4x40xi32, #tpu.memory_space<vmem>>, %arg9: memref<4x40xi32, #tpu.memory_space<vmem>>, %arg10: memref<40x128xf32, #tpu.memory_space<vmem>>, %arg11: memref<40x128xf32, #tpu.memory_space<vmem>>, %arg12: memref<40x128xf32, #tpu.memory_space<vmem>>, %arg13: memref<40x128xf32, #tpu.memory_space<vmem>>, %arg14: memref<40x16xf32, #tpu.memory_space<vmem>>, %arg15: memref<40x16xf32, #tpu.memory_space<vmem>>, %arg16: memref<40x16xf32, #tpu.memory_space<vmem>>, %arg17: memref<40x16xf32, #tpu.memory_space<vmem>>, %arg18: memref<40x128xf32, #tpu.memory_space<vmem>>, %arg19: memref<10240x128xf32, #tpu.memory_space<vmem_shared>>, %arg20: memref<!tpu.dma_semaphore, #tpu.memory_space<semaphore_mem>>, %arg21: memref<!tpu.dma_semaphore, #tpu.memory_space<semaphore_mem>>, %arg22: memref<!tpu.dma_semaphore, #tpu.memory_space<semaphore_mem>>, %arg23: memref<!tpu.dma_semaphore, #tpu.memory_space<semaphore_mem>>) attributes {dimension_semantics = [#tpu.dimension_semantics<core_parallel>, #tpu.dimension_semantics<subcore_parallel>], iteration_bounds = array<i64: 2, 16>, scalar_prefetch = 0 : i64, scratch_operands = 16 : i64, tpu.core_type = #tpu.core_type<sc_vector_subcore>, window_params = [{transform_indices = #map}, {transform_indices = #map}, {transform_indices = #map1}, {transform_indices = #map1}, {transform_indices = #map}, {transform_indices = #map}]} {
    %mul3A = arith.constant 2 : i32
    %mul3A_0 = arith.muli %arg1, %mul3A : i32
    %add3A = arith.addi %mul3A_0, %arg0 : i32
    %mul3A_1 = arith.constant 10000 : i32
    %mul3A_2 = arith.muli %add3A, %mul3A_1 : i32
    %mul3A_3 = arith.constant 640 : i32
    %mul3A_4 = arith.muli %arg1, %mul3A_3 : i32
    "tpu.region"() ({
      %run_scoped3A_111 = tpu.sem_alloc : memref<!tpu.dma_semaphore, #tpu.memory_space<semaphore_mem>>
      %dma_start3A_112 = arith.constant 0 : i32
      %dma_start3A_113 = tpu.memref_slice %arg19[%mul3A_4, %dma_start3A_112] : memref<10240x128xf32, #tpu.memory_space<vmem_shared>> -> memref<640x128xf32, #tpu.memory_space<vmem_shared>>
      tpu.enqueue_dma source(%arg6 : memref<640x128xf32, #tpu.memory_space<hbm>>) target(%dma_start3A_113 : memref<640x128xf32, #tpu.memory_space<vmem_shared>>) target_semaphore(%run_scoped3A_111 : memref<!tpu.dma_semaphore, #tpu.memory_space<semaphore_mem>>)
      %dma_wait3A_114 = arith.constant 0 : i32
      %dma_wait3A_115 = tpu.memref_slice %arg19[%mul3A_4, %dma_wait3A_114] : memref<10240x128xf32, #tpu.memory_space<vmem_shared>> -> memref<640x128xf32, #tpu.memory_space<vmem_shared>>
      tpu.wait_dma2 semaphore(%run_scoped3A_111 : memref<!tpu.dma_semaphore, #tpu.memory_space<semaphore_mem>>) src(%arg6 : memref<640x128xf32, #tpu.memory_space<hbm>>) dst(%dma_wait3A_115 : memref<640x128xf32, #tpu.memory_space<vmem_shared>>)
      tpu.yield
    }) : () -> ()
    %barrier3A = arith.constant 0 : index
    tpu.barrier barrier_id(%barrier3A)
    %scan3A = arith.constant 0 : i32
    %scan3A_5 = arith.constant 0 : i32
    %scan3A_6 = arith.constant 62 : i32
    %scan3A_7 = arith.addi %scan3A_5, %scan3A_6 : i32
    %scan3A_8 = arith.constant 1 : i32
    scf.for %scan3A_111 = %scan3A_5 to %scan3A_7 step %scan3A_8  : i32 {
      %mul3A_112 = arith.constant 160 : i32
      %mul3A_113 = arith.muli %scan3A_111, %mul3A_112 : i32
      %add3A_114 = arith.addi %mul3A_2, %mul3A_113 : i32
      %add3A_115 = arith.constant 0 : i32
      %add3A_116 = arith.addi %add3A_114, %add3A_115 : i32
      %run_scoped3A_117 = arith.constant 0 : i32
      "tpu.region"() ({
        %run_scoped3A_247 = tpu.sem_alloc : memref<!tpu.dma_semaphore, #tpu.memory_space<semaphore_mem>>
        %dma_start3A_248 = arith.constant 0 : i32
        %dma_start3A_249 = tpu.memref_slice %arg8[%run_scoped3A_117, %dma_start3A_248] : memref<4x40xi32, #tpu.memory_space<vmem>> -> memref<1x40xi32, #tpu.memory_space<vmem>>
        %dma_start3A_250 = tpu.memref_squeeze %dma_start3A_249 : memref<1x40xi32, #tpu.memory_space<vmem>> -> memref<40xi32, #tpu.memory_space<vmem>>
        %dma_start3A_251 = tpu.memref_slice %arg4[%add3A_116] : memref<320000xi32, #tpu.memory_space<hbm>> -> memref<40xi32, #tpu.memory_space<hbm>>
        %dma_start3A_252 = arith.constant 0 : i32
        %dma_start3A_253 = tpu.memref_slice %arg8[%run_scoped3A_117, %dma_start3A_252] : memref<4x40xi32, #tpu.memory_space<vmem>> -> memref<1x40xi32, #tpu.memory_space<vmem>>
        %dma_start3A_254 = tpu.memref_squeeze %dma_start3A_253 : memref<1x40xi32, #tpu.memory_space<vmem>> -> memref<40xi32, #tpu.memory_space<vmem>>
        %dma_start3A_255 = tpu.memref_slice %arg4[%add3A_116] : memref<320000xi32, #tpu.memory_space<hbm>> -> memref<40xi32, #tpu.memory_space<hbm>>
        tpu.enqueue_dma source(%dma_start3A_255 : memref<40xi32, #tpu.memory_space<hbm>>) target(%dma_start3A_254 : memref<40xi32, #tpu.memory_space<vmem>>) target_semaphore(%run_scoped3A_247 : memref<!tpu.dma_semaphore, #tpu.memory_space<semaphore_mem>>)
        %dma_wait3A_256 = arith.constant 0 : i32
        %dma_wait3A_257 = tpu.memref_slice %arg8[%run_scoped3A_117, %dma_wait3A_256] : memref<4x40xi32, #tpu.memory_space<vmem>> -> memref<1x40xi32, #tpu.memory_space<vmem>>
        %dma_wait3A_258 = tpu.memref_squeeze %dma_wait3A_257 : memref<1x40xi32, #tpu.memory_space<vmem>> -> memref<40xi32, #tpu.memory_space<vmem>>
        %dma_wait3A_259 = tpu.memref_slice %arg4[%add3A_116] : memref<320000xi32, #tpu.memory_space<hbm>> -> memref<40xi32, #tpu.memory_space<hbm>>
        %dma_wait3A_260 = arith.constant 0 : i32
        %dma_wait3A_261 = tpu.memref_slice %arg8[%run_scoped3A_117, %dma_wait3A_260] : memref<4x40xi32, #tpu.memory_space<vmem>> -> memref<1x40xi32, #tpu.memory_space<vmem>>
        %dma_wait3A_262 = tpu.memref_squeeze %dma_wait3A_261 : memref<1x40xi32, #tpu.memory_space<vmem>> -> memref<40xi32, #tpu.memory_space<vmem>>
        %dma_wait3A_263 = tpu.memref_slice %arg4[%add3A_116] : memref<320000xi32, #tpu.memory_space<hbm>> -> memref<40xi32, #tpu.memory_space<hbm>>
        tpu.wait_dma2 semaphore(%run_scoped3A_247 : memref<!tpu.dma_semaphore, #tpu.memory_space<semaphore_mem>>) src(%dma_wait3A_263 : memref<40xi32, #tpu.memory_space<hbm>>) dst(%dma_wait3A_262 : memref<40xi32, #tpu.memory_space<vmem>>)
        tpu.yield
      }) : () -> ()
      %run_scoped3A_118 = arith.constant 0 : i32
      "tpu.region"() ({
        %run_scoped3A_247 = tpu.sem_alloc : memref<!tpu.dma_semaphore, #tpu.memory_space<semaphore_mem>>
        %dma_start3A_248 = arith.constant 0 : i32
        %dma_start3A_249 = tpu.memref_slice %arg9[%run_scoped3A_118, %dma_start3A_248] : memref<4x40xi32, #tpu.memory_space<vmem>> -> memref<1x40xi32, #tpu.memory_space<vmem>>
        %dma_start3A_250 = tpu.memref_squeeze %dma_start3A_249 : memref<1x40xi32, #tpu.memory_space<vmem>> -> memref<40xi32, #tpu.memory_space<vmem>>
        %dma_start3A_251 = tpu.memref_slice %arg5[%add3A_116] : memref<320000xi32, #tpu.memory_space<hbm>> -> memref<40xi32, #tpu.memory_space<hbm>>
        %dma_start3A_252 = arith.constant 0 : i32
        %dma_start3A_253 = tpu.memref_slice %arg9[%run_scoped3A_118, %dma_start3A_252] : memref<4x40xi32, #tpu.memory_space<vmem>> -> memref<1x40xi32, #tpu.memory_space<vmem>>
        %dma_start3A_254 = tpu.memref_squeeze %dma_start3A_253 : memref<1x40xi32, #tpu.memory_space<vmem>> -> memref<40xi32, #tpu.memory_space<vmem>>
        %dma_start3A_255 = tpu.memref_slice %arg5[%add3A_116] : memref<320000xi32, #tpu.memory_space<hbm>> -> memref<40xi32, #tpu.memory_space<hbm>>
        tpu.enqueue_dma source(%dma_start3A_255 : memref<40xi32, #tpu.memory_space<hbm>>) target(%dma_start3A_254 : memref<40xi32, #tpu.memory_space<vmem>>) target_semaphore(%run_scoped3A_247 : memref<!tpu.dma_semaphore, #tpu.memory_space<semaphore_mem>>)
        %dma_wait3A_256 = arith.constant 0 : i32
        %dma_wait3A_257 = tpu.memref_slice %arg9[%run_scoped3A_118, %dma_wait3A_256] : memref<4x40xi32, #tpu.memory_space<vmem>> -> memref<1x40xi32, #tpu.memory_space<vmem>>
        %dma_wait3A_258 = tpu.memref_squeeze %dma_wait3A_257 : memref<1x40xi32, #tpu.memory_space<vmem>> -> memref<40xi32, #tpu.memory_space<vmem>>
        %dma_wait3A_259 = tpu.memref_slice %arg5[%add3A_116] : memref<320000xi32, #tpu.memory_space<hbm>> -> memref<40xi32, #tpu.memory_space<hbm>>
        %dma_wait3A_260 = arith.constant 0 : i32
        %dma_wait3A_261 = tpu.memref_slice %arg9[%run_scoped3A_118, %dma_wait3A_260] : memref<4x40xi32, #tpu.memory_space<vmem>> -> memref<1x40xi32, #tpu.memory_space<vmem>>
        %dma_wait3A_262 = tpu.memref_squeeze %dma_wait3A_261 : memref<1x40xi32, #tpu.memory_space<vmem>> -> memref<40xi32, #tpu.memory_space<vmem>>
        %dma_wait3A_263 = tpu.memref_slice %arg5[%add3A_116] : memref<320000xi32, #tpu.memory_space<hbm>> -> memref<40xi32, #tpu.memory_space<hbm>>
        tpu.wait_dma2 semaphore(%run_scoped3A_247 : memref<!tpu.dma_semaphore, #tpu.memory_space<semaphore_mem>>) src(%dma_wait3A_263 : memref<40xi32, #tpu.memory_space<hbm>>) dst(%dma_wait3A_262 : memref<40xi32, #tpu.memory_space<vmem>>)
        tpu.yield
      }) : () -> ()
      %dma_start3A_119 = arith.constant 0 : i32
      %dma_start3A_120 = arith.constant 0 : i32
      %dma_start3A_121 = tpu.memref_slice %arg8[%dma_start3A_119, %dma_start3A_120] : memref<4x40xi32, #tpu.memory_space<vmem>> -> memref<1x40xi32, #tpu.memory_space<vmem>>
      %dma_start3A_122 = tpu.memref_squeeze %dma_start3A_121 : memref<1x40xi32, #tpu.memory_space<vmem>> -> memref<40xi32, #tpu.memory_space<vmem>>
      %dma_start3A_123 = arith.constant 0 : i32
      %dma_start3A_124 = arith.constant 0 : i32
      %dma_start3A_125 = tpu.memref_slice %arg2[%dma_start3A_123, %dma_start3A_124] : memref<10000x128xf32, #tpu.memory_space<hbm>> -> memref<10000x128xf32, #tpu.memory_space<hbm>>
      tpu.enqueue_indirect_dma source(%dma_start3A_125 : memref<10000x128xf32, #tpu.memory_space<hbm>>) target(%arg10 : memref<40x128xf32, #tpu.memory_space<vmem>>) offsets(%dma_start3A_122 : memref<40xi32, #tpu.memory_space<vmem>>) semaphore(%arg20 : memref<!tpu.dma_semaphore, #tpu.memory_space<semaphore_mem>>)
      %dma_start3A_126 = arith.constant 0 : i32
      %dma_start3A_127 = tpu.memref_slice %arg3[%add3A_116, %dma_start3A_126] : memref<320000x16xf32, #tpu.memory_space<hbm>> -> memref<40x16xf32, #tpu.memory_space<hbm>>
      %dma_start3A_128 = arith.constant 0 : i32
      %dma_start3A_129 = tpu.memref_slice %arg3[%add3A_116, %dma_start3A_128] : memref<320000x16xf32, #tpu.memory_space<hbm>> -> memref<40x16xf32, #tpu.memory_space<hbm>>
      tpu.enqueue_dma source(%dma_start3A_129 : memref<40x16xf32, #tpu.memory_space<hbm>>) target(%arg14 : memref<40x16xf32, #tpu.memory_space<vmem>>) target_semaphore(%arg20 : memref<!tpu.dma_semaphore, #tpu.memory_space<semaphore_mem>>)
      %add3A_130 = arith.constant 40 : i32
      %add3A_131 = arith.addi %add3A_114, %add3A_130 : i32
      %run_scoped3A_132 = arith.constant 1 : i32
      "tpu.region"() ({
        %run_scoped3A_247 = tpu.sem_alloc : memref<!tpu.dma_semaphore, #tpu.memory_space<semaphore_mem>>
        %dma_start3A_248 = arith.constant 0 : i32
        %dma_start3A_249 = tpu.memref_slice %arg8[%run_scoped3A_132, %dma_start3A_248] : memref<4x40xi32, #tpu.memory_space<vmem>> -> memref<1x40xi32, #tpu.memory_space<vmem>>
        %dma_start3A_250 = tpu.memref_squeeze %dma_start3A_249 : memref<1x40xi32, #tpu.memory_space<vmem>> -> memref<40xi32, #tpu.memory_space<vmem>>
        %dma_start3A_251 = tpu.memref_slice %arg4[%add3A_131] : memref<320000xi32, #tpu.memory_space<hbm>> -> memref<40xi32, #tpu.memory_space<hbm>>
        %dma_start3A_252 = arith.constant 0 : i32
        %dma_start3A_253 = tpu.memref_slice %arg8[%run_scoped3A_132, %dma_start3A_252] : memref<4x40xi32, #tpu.memory_space<vmem>> -> memref<1x40xi32, #tpu.memory_space<vmem>>
        %dma_start3A_254 = tpu.memref_squeeze %dma_start3A_253 : memref<1x40xi32, #tpu.memory_space<vmem>> -> memref<40xi32, #tpu.memory_space<vmem>>
        %dma_start3A_255 = tpu.memref_slice %arg4[%add3A_131] : memref<320000xi32, #tpu.memory_space<hbm>> -> memref<40xi32, #tpu.memory_space<hbm>>
        tpu.enqueue_dma source(%dma_start3A_255 : memref<40xi32, #tpu.memory_space<hbm>>) target(%dma_start3A_254 : memref<40xi32, #tpu.memory_space<vmem>>) target_semaphore(%run_scoped3A_247 : memref<!tpu.dma_semaphore, #tpu.memory_space<semaphore_mem>>)
        %dma_wait3A_256 = arith.constant 0 : i32
        %dma_wait3A_257 = tpu.memref_slice %arg8[%run_scoped3A_132, %dma_wait3A_256] : memref<4x40xi32, #tpu.memory_space<vmem>> -> memref<1x40xi32, #tpu.memory_space<vmem>>
        %dma_wait3A_258 = tpu.memref_squeeze %dma_wait3A_257 : memref<1x40xi32, #tpu.memory_space<vmem>> -> memref<40xi32, #tpu.memory_space<vmem>>
        %dma_wait3A_259 = tpu.memref_slice %arg4[%add3A_131] : memref<320000xi32, #tpu.memory_space<hbm>> -> memref<40xi32, #tpu.memory_space<hbm>>
        %dma_wait3A_260 = arith.constant 0 : i32
        %dma_wait3A_261 = tpu.memref_slice %arg8[%run_scoped3A_132, %dma_wait3A_260] : memref<4x40xi32, #tpu.memory_space<vmem>> -> memref<1x40xi32, #tpu.memory_space<vmem>>
        %dma_wait3A_262 = tpu.memref_squeeze %dma_wait3A_261 : memref<1x40xi32, #tpu.memory_space<vmem>> -> memref<40xi32, #tpu.memory_space<vmem>>
        %dma_wait3A_263 = tpu.memref_slice %arg4[%add3A_131] : memref<320000xi32, #tpu.memory_space<hbm>> -> memref<40xi32, #tpu.memory_space<hbm>>
        tpu.wait_dma2 semaphore(%run_scoped3A_247 : memref<!tpu.dma_semaphore, #tpu.memory_space<semaphore_mem>>) src(%dma_wait3A_263 : memref<40xi32, #tpu.memory_space<hbm>>) dst(%dma_wait3A_262 : memref<40xi32, #tpu.memory_space<vmem>>)
        tpu.yield
      }) : () -> ()
      %run_scoped3A_133 = arith.constant 1 : i32
      "tpu.region"() ({
        %run_scoped3A_247 = tpu.sem_alloc : memref<!tpu.dma_semaphore, #tpu.memory_space<semaphore_mem>>
        %dma_start3A_248 = arith.constant 0 : i32
        %dma_start3A_249 = tpu.memref_slice %arg9[%run_scoped3A_133, %dma_start3A_248] : memref<4x40xi32, #tpu.memory_space<vmem>> -> memref<1x40xi32, #tpu.memory_space<vmem>>
        %dma_start3A_250 = tpu.memref_squeeze %dma_start3A_249 : memref<1x40xi32, #tpu.memory_space<vmem>> -> memref<40xi32, #tpu.memory_space<vmem>>
        %dma_start3A_251 = tpu.memref_slice %arg5[%add3A_131] : memref<320000xi32, #tpu.memory_space<hbm>> -> memref<40xi32, #tpu.memory_space<hbm>>
        %dma_start3A_252 = arith.constant 0 : i32
        %dma_start3A_253 = tpu.memref_slice %arg9[%run_scoped3A_133, %dma_start3A_252] : memref<4x40xi32, #tpu.memory_space<vmem>> -> memref<1x40xi32, #tpu.memory_space<vmem>>
        %dma_start3A_254 = tpu.memref_squeeze %dma_start3A_253 : memref<1x40xi32, #tpu.memory_space<vmem>> -> memref<40xi32, #tpu.memory_space<vmem>>
        %dma_start3A_255 = tpu.memref_slice %arg5[%add3A_131] : memref<320000xi32, #tpu.memory_space<hbm>> -> memref<40xi32, #tpu.memory_space<hbm>>
        tpu.enqueue_dma source(%dma_start3A_255 : memref<40xi32, #tpu.memory_space<hbm>>) target(%dma_start3A_254 : memref<40xi32, #tpu.memory_space<vmem>>) target_semaphore(%run_scoped3A_247 : memref<!tpu.dma_semaphore, #tpu.memory_space<semaphore_mem>>)
        %dma_wait3A_256 = arith.constant 0 : i32
        %dma_wait3A_257 = tpu.memref_slice %arg9[%run_scoped3A_133, %dma_wait3A_256] : memref<4x40xi32, #tpu.memory_space<vmem>> -> memref<1x40xi32, #tpu.memory_space<vmem>>
        %dma_wait3A_258 = tpu.memref_squeeze %dma_wait3A_257 : memref<1x40xi32, #tpu.memory_space<vmem>> -> memref<40xi32, #tpu.memory_space<vmem>>
        %dma_wait3A_259 = tpu.memref_slice %arg5[%add3A_131] : memref<320000xi32, #tpu.memory_space<hbm>> -> memref<40xi32, #tpu.memory_space<hbm>>
        %dma_wait3A_260 = arith.constant 0 : i32
        %dma_wait3A_261 = tpu.memref_slice %arg9[%run_scoped3A_133, %dma_wait3A_260] : memref<4x40xi32, #tpu.memory_space<vmem>> -> memref<1x40xi32, #tpu.memory_space<vmem>>
        %dma_wait3A_262 = tpu.memref_squeeze %dma_wait3A_261 : memref<1x40xi32, #tpu.memory_space<vmem>> -> memref<40xi32, #tpu.memory_space<vmem>>
        %dma_wait3A_263 = tpu.memref_slice %arg5[%add3A_131] : memref<320000xi32, #tpu.memory_space<hbm>> -> memref<40xi32, #tpu.memory_space<hbm>>
        tpu.wait_dma2 semaphore(%run_scoped3A_247 : memref<!tpu.dma_semaphore, #tpu.memory_space<semaphore_mem>>) src(%dma_wait3A_263 : memref<40xi32, #tpu.memory_space<hbm>>) dst(%dma_wait3A_262 : memref<40xi32, #tpu.memory_space<vmem>>)
        tpu.yield
      }) : () -> ()
      %dma_start3A_134 = arith.constant 1 : i32
      %dma_start3A_135 = arith.constant 0 : i32
      %dma_start3A_136 = tpu.memref_slice %arg8[%dma_start3A_134, %dma_start3A_135] : memref<4x40xi32, #tpu.memory_space<vmem>> -> memref<1x40xi32, #tpu.memory_space<vmem>>
      %dma_start3A_137 = tpu.memref_squeeze %dma_start3A_136 : memref<1x40xi32, #tpu.memory_space<vmem>> -> memref<40xi32, #tpu.memory_space<vmem>>
      %dma_start3A_138 = arith.constant 0 : i32
      %dma_start3A_139 = arith.constant 0 : i32
      %dma_start3A_140 = tpu.memref_slice %arg2[%dma_start3A_138, %dma_start3A_139] : memref<10000x128xf32, #tpu.memory_space<hbm>> -> memref<10000x128xf32, #tpu.memory_space<hbm>>
      tpu.enqueue_indirect_dma source(%dma_start3A_140 : memref<10000x128xf32, #tpu.memory_space<hbm>>) target(%arg11 : memref<40x128xf32, #tpu.memory_space<vmem>>) offsets(%dma_start3A_137 : memref<40xi32, #tpu.memory_space<vmem>>) semaphore(%arg21 : memref<!tpu.dma_semaphore, #tpu.memory_space<semaphore_mem>>)
      %dma_start3A_141 = arith.constant 0 : i32
      %dma_start3A_142 = tpu.memref_slice %arg3[%add3A_131, %dma_start3A_141] : memref<320000x16xf32, #tpu.memory_space<hbm>> -> memref<40x16xf32, #tpu.memory_space<hbm>>
      %dma_start3A_143 = arith.constant 0 : i32
      %dma_start3A_144 = tpu.memref_slice %arg3[%add3A_131, %dma_start3A_143] : memref<320000x16xf32, #tpu.memory_space<hbm>> -> memref<40x16xf32, #tpu.memory_space<hbm>>
      tpu.enqueue_dma source(%dma_start3A_144 : memref<40x16xf32, #tpu.memory_space<hbm>>) target(%arg15 : memref<40x16xf32, #tpu.memory_space<vmem>>) target_semaphore(%arg21 : memref<!tpu.dma_semaphore, #tpu.memory_space<semaphore_mem>>)
      %add3A_145 = arith.constant 80 : i32
      %add3A_146 = arith.addi %add3A_114, %add3A_145 : i32
      %run_scoped3A_147 = arith.constant 2 : i32
      "tpu.region"() ({
        %run_scoped3A_247 = tpu.sem_alloc : memref<!tpu.dma_semaphore, #tpu.memory_space<semaphore_mem>>
        %dma_start3A_248 = arith.constant 0 : i32
        %dma_start3A_249 = tpu.memref_slice %arg8[%run_scoped3A_147, %dma_start3A_248] : memref<4x40xi32, #tpu.memory_space<vmem>> -> memref<1x40xi32, #tpu.memory_space<vmem>>
        %dma_start3A_250 = tpu.memref_squeeze %dma_start3A_249 : memref<1x40xi32, #tpu.memory_space<vmem>> -> memref<40xi32, #tpu.memory_space<vmem>>
        %dma_start3A_251 = tpu.memref_slice %arg4[%add3A_146] : memref<320000xi32, #tpu.memory_space<hbm>> -> memref<40xi32, #tpu.memory_space<hbm>>
        %dma_start3A_252 = arith.constant 0 : i32
        %dma_start3A_253 = tpu.memref_slice %arg8[%run_scoped3A_147, %dma_start3A_252] : memref<4x40xi32, #tpu.memory_space<vmem>> -> memref<1x40xi32, #tpu.memory_space<vmem>>
        %dma_start3A_254 = tpu.memref_squeeze %dma_start3A_253 : memref<1x40xi32, #tpu.memory_space<vmem>> -> memref<40xi32, #tpu.memory_space<vmem>>
        %dma_start3A_255 = tpu.memref_slice %arg4[%add3A_146] : memref<320000xi32, #tpu.memory_space<hbm>> -> memref<40xi32, #tpu.memory_space<hbm>>
        tpu.enqueue_dma source(%dma_start3A_255 : memref<40xi32, #tpu.memory_space<hbm>>) target(%dma_start3A_254 : memref<40xi32, #tpu.memory_space<vmem>>) target_semaphore(%run_scoped3A_247 : memref<!tpu.dma_semaphore, #tpu.memory_space<semaphore_mem>>)
        %dma_wait3A_256 = arith.constant 0 : i32
        %dma_wait3A_257 = tpu.memref_slice %arg8[%run_scoped3A_147, %dma_wait3A_256] : memref<4x40xi32, #tpu.memory_space<vmem>> -> memref<1x40xi32, #tpu.memory_space<vmem>>
        %dma_wait3A_258 = tpu.memref_squeeze %dma_wait3A_257 : memref<1x40xi32, #tpu.memory_space<vmem>> -> memref<40xi32, #tpu.memory_space<vmem>>
        %dma_wait3A_259 = tpu.memref_slice %arg4[%add3A_146] : memref<320000xi32, #tpu.memory_space<hbm>> -> memref<40xi32, #tpu.memory_space<hbm>>
        %dma_wait3A_260 = arith.constant 0 : i32
        %dma_wait3A_261 = tpu.memref_slice %arg8[%run_scoped3A_147, %dma_wait3A_260] : memref<4x40xi32, #tpu.memory_space<vmem>> -> memref<1x40xi32, #tpu.memory_space<vmem>>
        %dma_wait3A_262 = tpu.memref_squeeze %dma_wait3A_261 : memref<1x40xi32, #tpu.memory_space<vmem>> -> memref<40xi32, #tpu.memory_space<vmem>>
        %dma_wait3A_263 = tpu.memref_slice %arg4[%add3A_146] : memref<320000xi32, #tpu.memory_space<hbm>> -> memref<40xi32, #tpu.memory_space<hbm>>
        tpu.wait_dma2 semaphore(%run_scoped3A_247 : memref<!tpu.dma_semaphore, #tpu.memory_space<semaphore_mem>>) src(%dma_wait3A_263 : memref<40xi32, #tpu.memory_space<hbm>>) dst(%dma_wait3A_262 : memref<40xi32, #tpu.memory_space<vmem>>)
        tpu.yield
      }) : () -> ()
      %run_scoped3A_148 = arith.constant 2 : i32
      "tpu.region"() ({
        %run_scoped3A_247 = tpu.sem_alloc : memref<!tpu.dma_semaphore, #tpu.memory_space<semaphore_mem>>
        %dma_start3A_248 = arith.constant 0 : i32
        %dma_start3A_249 = tpu.memref_slice %arg9[%run_scoped3A_148, %dma_start3A_248] : memref<4x40xi32, #tpu.memory_space<vmem>> -> memref<1x40xi32, #tpu.memory_space<vmem>>
        %dma_start3A_250 = tpu.memref_squeeze %dma_start3A_249 : memref<1x40xi32, #tpu.memory_space<vmem>> -> memref<40xi32, #tpu.memory_space<vmem>>
        %dma_start3A_251 = tpu.memref_slice %arg5[%add3A_146] : memref<320000xi32, #tpu.memory_space<hbm>> -> memref<40xi32, #tpu.memory_space<hbm>>
        %dma_start3A_252 = arith.constant 0 : i32
        %dma_start3A_253 = tpu.memref_slice %arg9[%run_scoped3A_148, %dma_start3A_252] : memref<4x40xi32, #tpu.memory_space<vmem>> -> memref<1x40xi32, #tpu.memory_space<vmem>>
        %dma_start3A_254 = tpu.memref_squeeze %dma_start3A_253 : memref<1x40xi32, #tpu.memory_space<vmem>> -> memref<40xi32, #tpu.memory_space<vmem>>
        %dma_start3A_255 = tpu.memref_slice %arg5[%add3A_146] : memref<320000xi32, #tpu.memory_space<hbm>> -> memref<40xi32, #tpu.memory_space<hbm>>
        tpu.enqueue_dma source(%dma_start3A_255 : memref<40xi32, #tpu.memory_space<hbm>>) target(%dma_start3A_254 : memref<40xi32, #tpu.memory_space<vmem>>) target_semaphore(%run_scoped3A_247 : memref<!tpu.dma_semaphore, #tpu.memory_space<semaphore_mem>>)
        %dma_wait3A_256 = arith.constant 0 : i32
        %dma_wait3A_257 = tpu.memref_slice %arg9[%run_scoped3A_148, %dma_wait3A_256] : memref<4x40xi32, #tpu.memory_space<vmem>> -> memref<1x40xi32, #tpu.memory_space<vmem>>
        %dma_wait3A_258 = tpu.memref_squeeze %dma_wait3A_257 : memref<1x40xi32, #tpu.memory_space<vmem>> -> memref<40xi32, #tpu.memory_space<vmem>>
        %dma_wait3A_259 = tpu.memref_slice %arg5[%add3A_146] : memref<320000xi32, #tpu.memory_space<hbm>> -> memref<40xi32, #tpu.memory_space<hbm>>
        %dma_wait3A_260 = arith.constant 0 : i32
        %dma_wait3A_261 = tpu.memref_slice %arg9[%run_scoped3A_148, %dma_wait3A_260] : memref<4x40xi32, #tpu.memory_space<vmem>> -> memref<1x40xi32, #tpu.memory_space<vmem>>
        %dma_wait3A_262 = tpu.memref_squeeze %dma_wait3A_261 : memref<1x40xi32, #tpu.memory_space<vmem>> -> memref<40xi32, #tpu.memory_space<vmem>>
        %dma_wait3A_263 = tpu.memref_slice %arg5[%add3A_146] : memref<320000xi32, #tpu.memory_space<hbm>> -> memref<40xi32, #tpu.memory_space<hbm>>
        tpu.wait_dma2 semaphore(%run_scoped3A_247 : memref<!tpu.dma_semaphore, #tpu.memory_space<semaphore_mem>>) src(%dma_wait3A_263 : memref<40xi32, #tpu.memory_space<hbm>>) dst(%dma_wait3A_262 : memref<40xi32, #tpu.memory_space<vmem>>)
        tpu.yield
      }) : () -> ()
      %dma_start3A_149 = arith.constant 2 : i32
      %dma_start3A_150 = arith.constant 0 : i32
      %dma_start3A_151 = tpu.memref_slice %arg8[%dma_start3A_149, %dma_start3A_150] : memref<4x40xi32, #tpu.memory_space<vmem>> -> memref<1x40xi32, #tpu.memory_space<vmem>>
      %dma_start3A_152 = tpu.memref_squeeze %dma_start3A_151 : memref<1x40xi32, #tpu.memory_space<vmem>> -> memref<40xi32, #tpu.memory_space<vmem>>
      %dma_start3A_153 = arith.constant 0 : i32
      %dma_start3A_154 = arith.constant 0 : i32
      %dma_start3A_155 = tpu.memref_slice %arg2[%dma_start3A_153, %dma_start3A_154] : memref<10000x128xf32, #tpu.memory_space<hbm>> -> memref<10000x128xf32, #tpu.memory_space<hbm>>
      tpu.enqueue_indirect_dma source(%dma_start3A_155 : memref<10000x128xf32, #tpu.memory_space<hbm>>) target(%arg12 : memref<40x128xf32, #tpu.memory_space<vmem>>) offsets(%dma_start3A_152 : memref<40xi32, #tpu.memory_space<vmem>>) semaphore(%arg22 : memref<!tpu.dma_semaphore, #tpu.memory_space<semaphore_mem>>)
      %dma_start3A_156 = arith.constant 0 : i32
      %dma_start3A_157 = tpu.memref_slice %arg3[%add3A_146, %dma_start3A_156] : memref<320000x16xf32, #tpu.memory_space<hbm>> -> memref<40x16xf32, #tpu.memory_space<hbm>>
      %dma_start3A_158 = arith.constant 0 : i32
      %dma_start3A_159 = tpu.memref_slice %arg3[%add3A_146, %dma_start3A_158] : memref<320000x16xf32, #tpu.memory_space<hbm>> -> memref<40x16xf32, #tpu.memory_space<hbm>>
      tpu.enqueue_dma source(%dma_start3A_159 : memref<40x16xf32, #tpu.memory_space<hbm>>) target(%arg16 : memref<40x16xf32, #tpu.memory_space<vmem>>) target_semaphore(%arg22 : memref<!tpu.dma_semaphore, #tpu.memory_space<semaphore_mem>>)
      %add3A_160 = arith.constant 120 : i32
      %add3A_161 = arith.addi %add3A_114, %add3A_160 : i32
      %run_scoped3A_162 = arith.constant 3 : i32
      "tpu.region"() ({
        %run_scoped3A_247 = tpu.sem_alloc : memref<!tpu.dma_semaphore, #tpu.memory_space<semaphore_mem>>
        %dma_start3A_248 = arith.constant 0 : i32
        %dma_start3A_249 = tpu.memref_slice %arg8[%run_scoped3A_162, %dma_start3A_248] : memref<4x40xi32, #tpu.memory_space<vmem>> -> memref<1x40xi32, #tpu.memory_space<vmem>>
        %dma_start3A_250 = tpu.memref_squeeze %dma_start3A_249 : memref<1x40xi32, #tpu.memory_space<vmem>> -> memref<40xi32, #tpu.memory_space<vmem>>
        %dma_start3A_251 = tpu.memref_slice %arg4[%add3A_161] : memref<320000xi32, #tpu.memory_space<hbm>> -> memref<40xi32, #tpu.memory_space<hbm>>
        %dma_start3A_252 = arith.constant 0 : i32
        %dma_start3A_253 = tpu.memref_slice %arg8[%run_scoped3A_162, %dma_start3A_252] : memref<4x40xi32, #tpu.memory_space<vmem>> -> memref<1x40xi32, #tpu.memory_space<vmem>>
        %dma_start3A_254 = tpu.memref_squeeze %dma_start3A_253 : memref<1x40xi32, #tpu.memory_space<vmem>> -> memref<40xi32, #tpu.memory_space<vmem>>
        %dma_start3A_255 = tpu.memref_slice %arg4[%add3A_161] : memref<320000xi32, #tpu.memory_space<hbm>> -> memref<40xi32, #tpu.memory_space<hbm>>
        tpu.enqueue_dma source(%dma_start3A_255 : memref<40xi32, #tpu.memory_space<hbm>>) target(%dma_start3A_254 : memref<40xi32, #tpu.memory_space<vmem>>) target_semaphore(%run_scoped3A_247 : memref<!tpu.dma_semaphore, #tpu.memory_space<semaphore_mem>>)
        %dma_wait3A_256 = arith.constant 0 : i32
        %dma_wait3A_257 = tpu.memref_slice %arg8[%run_scoped3A_162, %dma_wait3A_256] : memref<4x40xi32, #tpu.memory_space<vmem>> -> memref<1x40xi32, #tpu.memory_space<vmem>>
        %dma_wait3A_258 = tpu.memref_squeeze %dma_wait3A_257 : memref<1x40xi32, #tpu.memory_space<vmem>> -> memref<40xi32, #tpu.memory_space<vmem>>
        %dma_wait3A_259 = tpu.memref_slice %arg4[%add3A_161] : memref<320000xi32, #tpu.memory_space<hbm>> -> memref<40xi32, #tpu.memory_space<hbm>>
        %dma_wait3A_260 = arith.constant 0 : i32
        %dma_wait3A_261 = tpu.memref_slice %arg8[%run_scoped3A_162, %dma_wait3A_260] : memref<4x40xi32, #tpu.memory_space<vmem>> -> memref<1x40xi32, #tpu.memory_space<vmem>>
        %dma_wait3A_262 = tpu.memref_squeeze %dma_wait3A_261 : memref<1x40xi32, #tpu.memory_space<vmem>> -> memref<40xi32, #tpu.memory_space<vmem>>
        %dma_wait3A_263 = tpu.memref_slice %arg4[%add3A_161] : memref<320000xi32, #tpu.memory_space<hbm>> -> memref<40xi32, #tpu.memory_space<hbm>>
        tpu.wait_dma2 semaphore(%run_scoped3A_247 : memref<!tpu.dma_semaphore, #tpu.memory_space<semaphore_mem>>) src(%dma_wait3A_263 : memref<40xi32, #tpu.memory_space<hbm>>) dst(%dma_wait3A_262 : memref<40xi32, #tpu.memory_space<vmem>>)
        tpu.yield
      }) : () -> ()
      %run_scoped3A_163 = arith.constant 3 : i32
      "tpu.region"() ({
        %run_scoped3A_247 = tpu.sem_alloc : memref<!tpu.dma_semaphore, #tpu.memory_space<semaphore_mem>>
        %dma_start3A_248 = arith.constant 0 : i32
        %dma_start3A_249 = tpu.memref_slice %arg9[%run_scoped3A_163, %dma_start3A_248] : memref<4x40xi32, #tpu.memory_space<vmem>> -> memref<1x40xi32, #tpu.memory_space<vmem>>
        %dma_start3A_250 = tpu.memref_squeeze %dma_start3A_249 : memref<1x40xi32, #tpu.memory_space<vmem>> -> memref<40xi32, #tpu.memory_space<vmem>>
        %dma_start3A_251 = tpu.memref_slice %arg5[%add3A_161] : memref<320000xi32, #tpu.memory_space<hbm>> -> memref<40xi32, #tpu.memory_space<hbm>>
        %dma_start3A_252 = arith.constant 0 : i32
        %dma_start3A_253 = tpu.memref_slice %arg9[%run_scoped3A_163, %dma_start3A_252] : memref<4x40xi32, #tpu.memory_space<vmem>> -> memref<1x40xi32, #tpu.memory_space<vmem>>
        %dma_start3A_254 = tpu.memref_squeeze %dma_start3A_253 : memref<1x40xi32, #tpu.memory_space<vmem>> -> memref<40xi32, #tpu.memory_space<vmem>>
        %dma_start3A_255 = tpu.memref_slice %arg5[%add3A_161] : memref<320000xi32, #tpu.memory_space<hbm>> -> memref<40xi32, #tpu.memory_space<hbm>>
        tpu.enqueue_dma source(%dma_start3A_255 : memref<40xi32, #tpu.memory_space<hbm>>) target(%dma_start3A_254 : memref<40xi32, #tpu.memory_space<vmem>>) target_semaphore(%run_scoped3A_247 : memref<!tpu.dma_semaphore, #tpu.memory_space<semaphore_mem>>)
        %dma_wait3A_256 = arith.constant 0 : i32
        %dma_wait3A_257 = tpu.memref_slice %arg9[%run_scoped3A_163, %dma_wait3A_256] : memref<4x40xi32, #tpu.memory_space<vmem>> -> memref<1x40xi32, #tpu.memory_space<vmem>>
        %dma_wait3A_258 = tpu.memref_squeeze %dma_wait3A_257 : memref<1x40xi32, #tpu.memory_space<vmem>> -> memref<40xi32, #tpu.memory_space<vmem>>
        %dma_wait3A_259 = tpu.memref_slice %arg5[%add3A_161] : memref<320000xi32, #tpu.memory_space<hbm>> -> memref<40xi32, #tpu.memory_space<hbm>>
        %dma_wait3A_260 = arith.constant 0 : i32
        %dma_wait3A_261 = tpu.memref_slice %arg9[%run_scoped3A_163, %dma_wait3A_260] : memref<4x40xi32, #tpu.memory_space<vmem>> -> memref<1x40xi32, #tpu.memory_space<vmem>>
        %dma_wait3A_262 = tpu.memref_squeeze %dma_wait3A_261 : memref<1x40xi32, #tpu.memory_space<vmem>> -> memref<40xi32, #tpu.memory_space<vmem>>
        %dma_wait3A_263 = tpu.memref_slice %arg5[%add3A_161] : memref<320000xi32, #tpu.memory_space<hbm>> -> memref<40xi32, #tpu.memory_space<hbm>>
        tpu.wait_dma2 semaphore(%run_scoped3A_247 : memref<!tpu.dma_semaphore, #tpu.memory_space<semaphore_mem>>) src(%dma_wait3A_263 : memref<40xi32, #tpu.memory_space<hbm>>) dst(%dma_wait3A_262 : memref<40xi32, #tpu.memory_space<vmem>>)
        tpu.yield
      }) : () -> ()
      %dma_start3A_164 = arith.constant 3 : i32
      %dma_start3A_165 = arith.constant 0 : i32
      %dma_start3A_166 = tpu.memref_slice %arg8[%dma_start3A_164, %dma_start3A_165] : memref<4x40xi32, #tpu.memory_space<vmem>> -> memref<1x40xi32, #tpu.memory_space<vmem>>
      %dma_start3A_167 = tpu.memref_squeeze %dma_start3A_166 : memref<1x40xi32, #tpu.memory_space<vmem>> -> memref<40xi32, #tpu.memory_space<vmem>>
      %dma_start3A_168 = arith.constant 0 : i32
      %dma_start3A_169 = arith.constant 0 : i32
      %dma_start3A_170 = tpu.memref_slice %arg2[%dma_start3A_168, %dma_start3A_169] : memref<10000x128xf32, #tpu.memory_space<hbm>> -> memref<10000x128xf32, #tpu.memory_space<hbm>>
      tpu.enqueue_indirect_dma source(%dma_start3A_170 : memref<10000x128xf32, #tpu.memory_space<hbm>>) target(%arg13 : memref<40x128xf32, #tpu.memory_space<vmem>>) offsets(%dma_start3A_167 : memref<40xi32, #tpu.memory_space<vmem>>) semaphore(%arg23 : memref<!tpu.dma_semaphore, #tpu.memory_space<semaphore_mem>>)
      %dma_start3A_171 = arith.constant 0 : i32
      %dma_start3A_172 = tpu.memref_slice %arg3[%add3A_161, %dma_start3A_171] : memref<320000x16xf32, #tpu.memory_space<hbm>> -> memref<40x16xf32, #tpu.memory_space<hbm>>
      %dma_start3A_173 = arith.constant 0 : i32
      %dma_start3A_174 = tpu.memref_slice %arg3[%add3A_161, %dma_start3A_173] : memref<320000x16xf32, #tpu.memory_space<hbm>> -> memref<40x16xf32, #tpu.memory_space<hbm>>
      tpu.enqueue_dma source(%dma_start3A_174 : memref<40x16xf32, #tpu.memory_space<hbm>>) target(%arg17 : memref<40x16xf32, #tpu.memory_space<vmem>>) target_semaphore(%arg23 : memref<!tpu.dma_semaphore, #tpu.memory_space<semaphore_mem>>)
      %dma_wait3A_175 = arith.constant 0 : i32
      %dma_wait3A_176 = arith.constant 0 : i32
      %dma_wait3A_177 = tpu.memref_slice %arg8[%dma_wait3A_175, %dma_wait3A_176] : memref<4x40xi32, #tpu.memory_space<vmem>> -> memref<1x40xi32, #tpu.memory_space<vmem>>
      %dma_wait3A_178 = tpu.memref_squeeze %dma_wait3A_177 : memref<1x40xi32, #tpu.memory_space<vmem>> -> memref<40xi32, #tpu.memory_space<vmem>>
      %dma_wait3A_179 = arith.constant 0 : i32
      %dma_wait3A_180 = arith.constant 0 : i32
      %dma_wait3A_181 = tpu.memref_slice %arg2[%dma_wait3A_179, %dma_wait3A_180] : memref<10000x128xf32, #tpu.memory_space<hbm>> -> memref<10000x128xf32, #tpu.memory_space<hbm>>
      tpu.wait_indirect_dma semaphore(%arg20 : memref<!tpu.dma_semaphore, #tpu.memory_space<semaphore_mem>>) src(%dma_wait3A_181 : memref<10000x128xf32, #tpu.memory_space<hbm>>) dst(%arg10 : memref<40x128xf32, #tpu.memory_space<vmem>>)
      %dma_wait3A_182 = arith.constant 0 : i32
      %dma_wait3A_183 = tpu.memref_slice %arg3[%add3A_116, %dma_wait3A_182] : memref<320000x16xf32, #tpu.memory_space<hbm>> -> memref<40x16xf32, #tpu.memory_space<hbm>>
      %dma_wait3A_184 = arith.constant 0 : i32
      %dma_wait3A_185 = tpu.memref_slice %arg3[%add3A_116, %dma_wait3A_184] : memref<320000x16xf32, #tpu.memory_space<hbm>> -> memref<40x16xf32, #tpu.memory_space<hbm>>
      tpu.wait_dma2 semaphore(%arg20 : memref<!tpu.dma_semaphore, #tpu.memory_space<semaphore_mem>>) src(%dma_wait3A_185 : memref<40x16xf32, #tpu.memory_space<hbm>>) dst(%arg14 : memref<40x16xf32, #tpu.memory_space<vmem>>)
      %scan3A_186 = arith.constant 0 : i32
      %scan3A_187 = arith.constant 0 : i32
      %scan3A_188 = arith.constant 40 : i32
      %scan3A_189 = arith.addi %scan3A_187, %scan3A_188 : i32
      %scan3A_190 = arith.constant 1 : i32
      scf.for %scan3A_247 = %scan3A_187 to %scan3A_189 step %scan3A_190  : i32 {
        %get3A = arith.index_cast %scan3A_247 : i32 to index
        %get3A_248 = arith.constant 0 : index
        %get3A_249 = tpu.vector_load %arg14[%get3A, %get3A_248] {strides = array<i32>} : memref<40x16xf32, #tpu.memory_space<vmem>>, vector<1x16xf32>,
        %get3A_250 = vector.shape_cast %get3A_249 : vector<1x16xf32> to vector<16xf32>
        %broadcast_in_dim3A = arith.constant 0 : i32
        %broadcast_in_dim3A_251 = vector.broadcast %broadcast_in_dim3A : i32 to vector<16xi32>
        %broadcast_in_dim3A_252 = vector.shape_cast %broadcast_in_dim3A_251 : vector<16xi32> to vector<16x1xi32>
        %gather3A = vector.shape_cast %broadcast_in_dim3A_252 : vector<16x1xi32> to vector<16xi32>
        %gather3A_253 = tpu.dynamic_gather %get3A_250[%gather3A] in [0] : vector<16xf32>, vector<16xi32> -> vector<16xf32>
        %get3A_254 = arith.index_cast %scan3A_247 : i32 to index
        %get3A_255 = arith.constant 0 : index
        %get3A_256 = tpu.vector_load %arg10[%get3A_254, %get3A_255] {strides = array<i32>} : memref<40x128xf32, #tpu.memory_space<vmem>>, vector<1x16xf32>,
        %get3A_257 = vector.shape_cast %get3A_256 : vector<1x16xf32> to vector<16xf32>
        %mul3A_258 = arith.mulf %get3A_257, %gather3A_253 : vector<16xf32>
        %swap3A = arith.index_cast %scan3A_247 : i32 to index
        %swap3A_259 = arith.constant 0 : index
        %swap3A_260 = tpu.vector_load %arg18[%swap3A, %swap3A_259] {strides = array<i32>} : memref<40x128xf32, #tpu.memory_space<vmem>>, vector<1x16xf32>,
        %swap3A_261 = vector.shape_cast %swap3A_260 : vector<1x16xf32> to vector<16xf32>
        %swap3A_262 = vector.shape_cast %mul3A_258 : vector<16xf32> to vector<1x16xf32>
        tpu.vector_store %arg18[%swap3A, %swap3A_259], %swap3A_262 {strides = array<i32>} : memref<40x128xf32, #tpu.memory_space<vmem>>, vector<1x16xf32>,
        %broadcast_in_dim3A_263 = arith.constant 1 : i32
        %broadcast_in_dim3A_264 = vector.broadcast %broadcast_in_dim3A_263 : i32 to vector<16xi32>
        %broadcast_in_dim3A_265 = vector.shape_cast %broadcast_in_dim3A_264 : vector<16xi32> to vector<16x1xi32>
        %gather3A_266 = vector.shape_cast %broadcast_in_dim3A_265 : vector<16x1xi32> to vector<16xi32>
        %gather3A_267 = tpu.dynamic_gather %get3A_250[%gather3A_266] in [0] : vector<16xf32>, vector<16xi32> -> vector<16xf32>
        %get3A_268 = arith.index_cast %scan3A_247 : i32 to index
        %get3A_269 = arith.constant 16 : index
        %get3A_270 = tpu.vector_load %arg10[%get3A_268, %get3A_269] {strides = array<i32>} : memref<40x128xf32, #tpu.memory_space<vmem>>, vector<1x16xf32>,
        %get3A_271 = vector.shape_cast %get3A_270 : vector<1x16xf32> to vector<16xf32>
        %mul3A_272 = arith.mulf %get3A_271, %gather3A_267 : vector<16xf32>
        %swap3A_273 = arith.index_cast %scan3A_247 : i32 to index
        %swap3A_274 = arith.constant 16 : index
        %swap3A_275 = tpu.vector_load %arg18[%swap3A_273, %swap3A_274] {strides = array<i32>} : memref<40x128xf32, #tpu.memory_space<vmem>>, vector<1x16xf32>,
        %swap3A_276 = vector.shape_cast %swap3A_275 : vector<1x16xf32> to vector<16xf32>
        %swap3A_277 = vector.shape_cast %mul3A_272 : vector<16xf32> to vector<1x16xf32>
        tpu.vector_store %arg18[%swap3A_273, %swap3A_274], %swap3A_277 {strides = array<i32>} : memref<40x128xf32, #tpu.memory_space<vmem>>, vector<1x16xf32>,
        %broadcast_in_dim3A_278 = arith.constant 2 : i32
        %broadcast_in_dim3A_279 = vector.broadcast %broadcast_in_dim3A_278 : i32 to vector<16xi32>
        %broadcast_in_dim3A_280 = vector.shape_cast %broadcast_in_dim3A_279 : vector<16xi32> to vector<16x1xi32>
        %gather3A_281 = vector.shape_cast %broadcast_in_dim3A_280 : vector<16x1xi32> to vector<16xi32>
        %gather3A_282 = tpu.dynamic_gather %get3A_250[%gather3A_281] in [0] : vector<16xf32>, vector<16xi32> -> vector<16xf32>
        %get3A_283 = arith.index_cast %scan3A_247 : i32 to index
        %get3A_284 = arith.constant 32 : index
        %get3A_285 = tpu.vector_load %arg10[%get3A_283, %get3A_284] {strides = array<i32>} : memref<40x128xf32, #tpu.memory_space<vmem>>, vector<1x16xf32>,
        %get3A_286 = vector.shape_cast %get3A_285 : vector<1x16xf32> to vector<16xf32>
        %mul3A_287 = arith.mulf %get3A_286, %gather3A_282 : vector<16xf32>
        %swap3A_288 = arith.index_cast %scan3A_247 : i32 to index
        %swap3A_289 = arith.constant 32 : index
        %swap3A_290 = tpu.vector_load %arg18[%swap3A_288, %swap3A_289] {strides = array<i32>} : memref<40x128xf32, #tpu.memory_space<vmem>>, vector<1x16xf32>,
        %swap3A_291 = vector.shape_cast %swap3A_290 : vector<1x16xf32> to vector<16xf32>
        %swap3A_292 = vector.shape_cast %mul3A_287 : vector<16xf32> to vector<1x16xf32>
        tpu.vector_store %arg18[%swap3A_288, %swap3A_289], %swap3A_292 {strides = array<i32>} : memref<40x128xf32, #tpu.memory_space<vmem>>, vector<1x16xf32>,
        %broadcast_in_dim3A_293 = arith.constant 3 : i32
        %broadcast_in_dim3A_294 = vector.broadcast %broadcast_in_dim3A_293 : i32 to vector<16xi32>
        %broadcast_in_dim3A_295 = vector.shape_cast %broadcast_in_dim3A_294 : vector<16xi32> to vector<16x1xi32>
        %gather3A_296 = vector.shape_cast %broadcast_in_dim3A_295 : vector<16x1xi32> to vector<16xi32>
        %gather3A_297 = tpu.dynamic_gather %get3A_250[%gather3A_296] in [0] : vector<16xf32>, vector<16xi32> -> vector<16xf32>
        %get3A_298 = arith.index_cast %scan3A_247 : i32 to index
        %get3A_299 = arith.constant 48 : index
        %get3A_300 = tpu.vector_load %arg10[%get3A_298, %get3A_299] {strides = array<i32>} : memref<40x128xf32, #tpu.memory_space<vmem>>, vector<1x16xf32>,
        %get3A_301 = vector.shape_cast %get3A_300 : vector<1x16xf32> to vector<16xf32>
        %mul3A_302 = arith.mulf %get3A_301, %gather3A_297 : vector<16xf32>
        %swap3A_303 = arith.index_cast %scan3A_247 : i32 to index
        %swap3A_304 = arith.constant 48 : index
        %swap3A_305 = tpu.vector_load %arg18[%swap3A_303, %swap3A_304] {strides = array<i32>} : memref<40x128xf32, #tpu.memory_space<vmem>>, vector<1x16xf32>,
        %swap3A_306 = vector.shape_cast %swap3A_305 : vector<1x16xf32> to vector<16xf32>
        %swap3A_307 = vector.shape_cast %mul3A_302 : vector<16xf32> to vector<1x16xf32>
        tpu.vector_store %arg18[%swap3A_303, %swap3A_304], %swap3A_307 {strides = array<i32>} : memref<40x128xf32, #tpu.memory_space<vmem>>, vector<1x16xf32>,
        %broadcast_in_dim3A_308 = arith.constant 4 : i32
        %broadcast_in_dim3A_309 = vector.broadcast %broadcast_in_dim3A_308 : i32 to vector<16xi32>
        %broadcast_in_dim3A_310 = vector.shape_cast %broadcast_in_dim3A_309 : vector<16xi32> to vector<16x1xi32>
        %gather3A_311 = vector.shape_cast %broadcast_in_dim3A_310 : vector<16x1xi32> to vector<16xi32>
        %gather3A_312 = tpu.dynamic_gather %get3A_250[%gather3A_311] in [0] : vector<16xf32>, vector<16xi32> -> vector<16xf32>
        %get3A_313 = arith.index_cast %scan3A_247 : i32 to index
        %get3A_314 = arith.constant 64 : index
        %get3A_315 = tpu.vector_load %arg10[%get3A_313, %get3A_314] {strides = array<i32>} : memref<40x128xf32, #tpu.memory_space<vmem>>, vector<1x16xf32>,
        %get3A_316 = vector.shape_cast %get3A_315 : vector<1x16xf32> to vector<16xf32>
        %mul3A_317 = arith.mulf %get3A_316, %gather3A_312 : vector<16xf32>
        %swap3A_318 = arith.index_cast %scan3A_247 : i32 to index
        %swap3A_319 = arith.constant 64 : index
        %swap3A_320 = tpu.vector_load %arg18[%swap3A_318, %swap3A_319] {strides = array<i32>} : memref<40x128xf32, #tpu.memory_space<vmem>>, vector<1x16xf32>,
        %swap3A_321 = vector.shape_cast %swap3A_320 : vector<1x16xf32> to vector<16xf32>
        %swap3A_322 = vector.shape_cast %mul3A_317 : vector<16xf32> to vector<1x16xf32>
        tpu.vector_store %arg18[%swap3A_318, %swap3A_319], %swap3A_322 {strides = array<i32>} : memref<40x128xf32, #tpu.memory_space<vmem>>, vector<1x16xf32>,
        %broadcast_in_dim3A_323 = arith.constant 5 : i32
        %broadcast_in_dim3A_324 = vector.broadcast %broadcast_in_dim3A_323 : i32 to vector<16xi32>
        %broadcast_in_dim3A_325 = vector.shape_cast %broadcast_in_dim3A_324 : vector<16xi32> to vector<16x1xi32>
        %gather3A_326 = vector.shape_cast %broadcast_in_dim3A_325 : vector<16x1xi32> to vector<16xi32>
        %gather3A_327 = tpu.dynamic_gather %get3A_250[%gather3A_326] in [0] : vector<16xf32>, vector<16xi32> -> vector<16xf32>
        %get3A_328 = arith.index_cast %scan3A_247 : i32 to index
        %get3A_329 = arith.constant 80 : index
        %get3A_330 = tpu.vector_load %arg10[%get3A_328, %get3A_329] {strides = array<i32>} : memref<40x128xf32, #tpu.memory_space<vmem>>, vector<1x16xf32>,
        %get3A_331 = vector.shape_cast %get3A_330 : vector<1x16xf32> to vector<16xf32>
        %mul3A_332 = arith.mulf %get3A_331, %gather3A_327 : vector<16xf32>
        %swap3A_333 = arith.index_cast %scan3A_247 : i32 to index
        %swap3A_334 = arith.constant 80 : index
        %swap3A_335 = tpu.vector_load %arg18[%swap3A_333, %swap3A_334] {strides = array<i32>} : memref<40x128xf32, #tpu.memory_space<vmem>>, vector<1x16xf32>,
        %swap3A_336 = vector.shape_cast %swap3A_335 : vector<1x16xf32> to vector<16xf32>
        %swap3A_337 = vector.shape_cast %mul3A_332 : vector<16xf32> to vector<1x16xf32>
        tpu.vector_store %arg18[%swap3A_333, %swap3A_334], %swap3A_337 {strides = array<i32>} : memref<40x128xf32, #tpu.memory_space<vmem>>, vector<1x16xf32>,
        %broadcast_in_dim3A_338 = arith.constant 6 : i32
        %broadcast_in_dim3A_339 = vector.broadcast %broadcast_in_dim3A_338 : i32 to vector<16xi32>
        %broadcast_in_dim3A_340 = vector.shape_cast %broadcast_in_dim3A_339 : vector<16xi32> to vector<16x1xi32>
        %gather3A_341 = vector.shape_cast %broadcast_in_dim3A_340 : vector<16x1xi32> to vector<16xi32>
        %gather3A_342 = tpu.dynamic_gather %get3A_250[%gather3A_341] in [0] : vector<16xf32>, vector<16xi32> -> vector<16xf32>
        %get3A_343 = arith.index_cast %scan3A_247 : i32 to index
        %get3A_344 = arith.constant 96 : index
        %get3A_345 = tpu.vector_load %arg10[%get3A_343, %get3A_344] {strides = array<i32>} : memref<40x128xf32, #tpu.memory_space<vmem>>, vector<1x16xf32>,
        %get3A_346 = vector.shape_cast %get3A_345 : vector<1x16xf32> to vector<16xf32>
        %mul3A_347 = arith.mulf %get3A_346, %gather3A_342 : vector<16xf32>
        %swap3A_348 = arith.index_cast %scan3A_247 : i32 to index
        %swap3A_349 = arith.constant 96 : index
        %swap3A_350 = tpu.vector_load %arg18[%swap3A_348, %swap3A_349] {strides = array<i32>} : memref<40x128xf32, #tpu.memory_space<vmem>>, vector<1x16xf32>,
        %swap3A_351 = vector.shape_cast %swap3A_350 : vector<1x16xf32> to vector<16xf32>
        %swap3A_352 = vector.shape_cast %mul3A_347 : vector<16xf32> to vector<1x16xf32>
        tpu.vector_store %arg18[%swap3A_348, %swap3A_349], %swap3A_352 {strides = array<i32>} : memref<40x128xf32, #tpu.memory_space<vmem>>, vector<1x16xf32>,
        %broadcast_in_dim3A_353 = arith.constant 7 : i32
        %broadcast_in_dim3A_354 = vector.broadcast %broadcast_in_dim3A_353 : i32 to vector<16xi32>
        %broadcast_in_dim3A_355 = vector.shape_cast %broadcast_in_dim3A_354 : vector<16xi32> to vector<16x1xi32>
        %gather3A_356 = vector.shape_cast %broadcast_in_dim3A_355 : vector<16x1xi32> to vector<16xi32>
        %gather3A_357 = tpu.dynamic_gather %get3A_250[%gather3A_356] in [0] : vector<16xf32>, vector<16xi32> -> vector<16xf32>
        %get3A_358 = arith.index_cast %scan3A_247 : i32 to index
        %get3A_359 = arith.constant 112 : index
        %get3A_360 = tpu.vector_load %arg10[%get3A_358, %get3A_359] {strides = array<i32>} : memref<40x128xf32, #tpu.memory_space<vmem>>, vector<1x16xf32>,
        %get3A_361 = vector.shape_cast %get3A_360 : vector<1x16xf32> to vector<16xf32>
        %mul3A_362 = arith.mulf %get3A_361, %gather3A_357 : vector<16xf32>
        %swap3A_363 = arith.index_cast %scan3A_247 : i32 to index
        %swap3A_364 = arith.constant 112 : index
        %swap3A_365 = tpu.vector_load %arg18[%swap3A_363, %swap3A_364] {strides = array<i32>} : memref<40x128xf32, #tpu.memory_space<vmem>>, vector<1x16xf32>,
        %swap3A_366 = vector.shape_cast %swap3A_365 : vector<1x16xf32> to vector<16xf32>
        %swap3A_367 = vector.shape_cast %mul3A_362 : vector<16xf32> to vector<1x16xf32>
        tpu.vector_store %arg18[%swap3A_363, %swap3A_364], %swap3A_367 {strides = array<i32>} : memref<40x128xf32, #tpu.memory_space<vmem>>, vector<1x16xf32>,
      }
      %scan3A_191 = arith.constant 40 : i32
      %run_scoped3A_192 = arith.constant 0 : i32
      "tpu.region"() ({
        %run_scoped3A_247 = tpu.sem_alloc : memref<!tpu.dma_semaphore, #tpu.memory_space<semaphore_mem>>
        %dma_start3A_248 = arith.constant 0 : i32
        %dma_start3A_249 = tpu.memref_slice %arg9[%run_scoped3A_192, %dma_start3A_248] : memref<4x40xi32, #tpu.memory_space<vmem>> -> memref<1x40xi32, #tpu.memory_space<vmem>>
        %dma_start3A_250 = tpu.memref_squeeze %dma_start3A_249 : memref<1x40xi32, #tpu.memory_space<vmem>> -> memref<40xi32, #tpu.memory_space<vmem>>
        %dma_start3A_251 = arith.constant 0 : i32
        %dma_start3A_252 = arith.constant 0 : i32
        %dma_start3A_253 = tpu.memref_slice %arg19[%dma_start3A_251, %dma_start3A_252] : memref<10240x128xf32, #tpu.memory_space<vmem_shared>> -> memref<10240x128xf32, #tpu.memory_space<vmem_shared>>
        tpu.enqueue_indirect_dma source(%arg18 : memref<40x128xf32, #tpu.memory_space<vmem>>) target(%dma_start3A_253 : memref<10240x128xf32, #tpu.memory_space<vmem_shared>>) offsets(%dma_start3A_250 : memref<40xi32, #tpu.memory_space<vmem>>) semaphore(%run_scoped3A_247 : memref<!tpu.dma_semaphore, #tpu.memory_space<semaphore_mem>>) {add = true}
        %dma_wait3A_254 = arith.constant 0 : i32
        %dma_wait3A_255 = tpu.memref_slice %arg9[%run_scoped3A_192, %dma_wait3A_254] : memref<4x40xi32, #tpu.memory_space<vmem>> -> memref<1x40xi32, #tpu.memory_space<vmem>>
        %dma_wait3A_256 = tpu.memref_squeeze %dma_wait3A_255 : memref<1x40xi32, #tpu.memory_space<vmem>> -> memref<40xi32, #tpu.memory_space<vmem>>
        %dma_wait3A_257 = arith.constant 0 : i32
        %dma_wait3A_258 = arith.constant 0 : i32
        %dma_wait3A_259 = tpu.memref_slice %arg19[%dma_wait3A_257, %dma_wait3A_258] : memref<10240x128xf32, #tpu.memory_space<vmem_shared>> -> memref<10240x128xf32, #tpu.memory_space<vmem_shared>>
        tpu.wait_indirect_dma semaphore(%run_scoped3A_247 : memref<!tpu.dma_semaphore, #tpu.memory_space<semaphore_mem>>) src(%arg18 : memref<40x128xf32, #tpu.memory_space<vmem>>) dst(%dma_wait3A_259 : memref<10240x128xf32, #tpu.memory_space<vmem_shared>>)
        tpu.yield
      }) : () -> ()
      %dma_wait3A_193 = arith.constant 1 : i32
      %dma_wait3A_194 = arith.constant 0 : i32
      %dma_wait3A_195 = tpu.memref_slice %arg8[%dma_wait3A_193, %dma_wait3A_194] : memref<4x40xi32, #tpu.memory_space<vmem>> -> memref<1x40xi32, #tpu.memory_space<vmem>>
      %dma_wait3A_196 = tpu.memref_squeeze %dma_wait3A_195 : memref<1x40xi32, #tpu.memory_space<vmem>> -> memref<40xi32, #tpu.memory_space<vmem>>
      %dma_wait3A_197 = arith.constant 0 : i32
      %dma_wait3A_198 = arith.constant 0 : i32
      %dma_wait3A_199 = tpu.memref_slice %arg2[%dma_wait3A_197, %dma_wait3A_198] : memref<10000x128xf32, #tpu.memory_space<hbm>> -> memref<10000x128xf32, #tpu.memory_space<hbm>>
      tpu.wait_indirect_dma semaphore(%arg21 : memref<!tpu.dma_semaphore, #tpu.memory_space<semaphore_mem>>) src(%dma_wait3A_199 : memref<10000x128xf32, #tpu.memory_space<hbm>>) dst(%arg11 : memref<40x128xf32, #tpu.memory_space<vmem>>)
      %dma_wait3A_200 = arith.constant 0 : i32
      %dma_wait3A_201 = tpu.memref_slice %arg3[%add3A_131, %dma_wait3A_200] : memref<320000x16xf32, #tpu.memory_space<hbm>> -> memref<40x16xf32, #tpu.memory_space<hbm>>
      %dma_wait3A_202 = arith.constant 0 : i32
      %dma_wait3A_203 = tpu.memref_slice %arg3[%add3A_131, %dma_wait3A_202] : memref<320000x16xf32, #tpu.memory_space<hbm>> -> memref<40x16xf32, #tpu.memory_space<hbm>>
      tpu.wait_dma2 semaphore(%arg21 : memref<!tpu.dma_semaphore, #tpu.memory_space<semaphore_mem>>) src(%dma_wait3A_203 : memref<40x16xf32, #tpu.memory_space<hbm>>) dst(%arg15 : memref<40x16xf32, #tpu.memory_space<vmem>>)
      %scan3A_204 = arith.constant 0 : i32
      %scan3A_205 = arith.constant 0 : i32
      %scan3A_206 = arith.constant 40 : i32
      %scan3A_207 = arith.addi %scan3A_205, %scan3A_206 : i32
      %scan3A_208 = arith.constant 1 : i32
      scf.for %scan3A_247 = %scan3A_205 to %scan3A_207 step %scan3A_208  : i32 {
        %get3A = arith.index_cast %scan3A_247 : i32 to index
        %get3A_248 = arith.constant 0 : index
        %get3A_249 = tpu.vector_load %arg15[%get3A, %get3A_248] {strides = array<i32>} : memref<40x16xf32, #tpu.memory_space<vmem>>, vector<1x16xf32>,
        %get3A_250 = vector.shape_cast %get3A_249 : vector<1x16xf32> to vector<16xf32>
        %broadcast_in_dim3A = arith.constant 0 : i32
        %broadcast_in_dim3A_251 = vector.broadcast %broadcast_in_dim3A : i32 to vector<16xi32>
        %broadcast_in_dim3A_252 = vector.shape_cast %broadcast_in_dim3A_251 : vector<16xi32> to vector<16x1xi32>
        %gather3A = vector.shape_cast %broadcast_in_dim3A_252 : vector<16x1xi32> to vector<16xi32>
        %gather3A_253 = tpu.dynamic_gather %get3A_250[%gather3A] in [0] : vector<16xf32>, vector<16xi32> -> vector<16xf32>
        %get3A_254 = arith.index_cast %scan3A_247 : i32 to index
        %get3A_255 = arith.constant 0 : index
        %get3A_256 = tpu.vector_load %arg11[%get3A_254, %get3A_255] {strides = array<i32>} : memref<40x128xf32, #tpu.memory_space<vmem>>, vector<1x16xf32>,
        %get3A_257 = vector.shape_cast %get3A_256 : vector<1x16xf32> to vector<16xf32>
        %mul3A_258 = arith.mulf %get3A_257, %gather3A_253 : vector<16xf32>
        %swap3A = arith.index_cast %scan3A_247 : i32 to index
        %swap3A_259 = arith.constant 0 : index
        %swap3A_260 = tpu.vector_load %arg18[%swap3A, %swap3A_259] {strides = array<i32>} : memref<40x128xf32, #tpu.memory_space<vmem>>, vector<1x16xf32>,
        %swap3A_261 = vector.shape_cast %swap3A_260 : vector<1x16xf32> to vector<16xf32>
        %swap3A_262 = vector.shape_cast %mul3A_258 : vector<16xf32> to vector<1x16xf32>
        tpu.vector_store %arg18[%swap3A, %swap3A_259], %swap3A_262 {strides = array<i32>} : memref<40x128xf32, #tpu.memory_space<vmem>>, vector<1x16xf32>,
        %broadcast_in_dim3A_263 = arith.constant 1 : i32
        %broadcast_in_dim3A_264 = vector.broadcast %broadcast_in_dim3A_263 : i32 to vector<16xi32>
        %broadcast_in_dim3A_265 = vector.shape_cast %broadcast_in_dim3A_264 : vector<16xi32> to vector<16x1xi32>
        %gather3A_266 = vector.shape_cast %broadcast_in_dim3A_265 : vector<16x1xi32> to vector<16xi32>
        %gather3A_267 = tpu.dynamic_gather %get3A_250[%gather3A_266] in [0] : vector<16xf32>, vector<16xi32> -> vector<16xf32>
        %get3A_268 = arith.index_cast %scan3A_247 : i32 to index
        %get3A_269 = arith.constant 16 : index
        %get3A_270 = tpu.vector_load %arg11[%get3A_268, %get3A_269] {strides = array<i32>} : memref<40x128xf32, #tpu.memory_space<vmem>>, vector<1x16xf32>,
        %get3A_271 = vector.shape_cast %get3A_270 : vector<1x16xf32> to vector<16xf32>
        %mul3A_272 = arith.mulf %get3A_271, %gather3A_267 : vector<16xf32>
        %swap3A_273 = arith.index_cast %scan3A_247 : i32 to index
        %swap3A_274 = arith.constant 16 : index
        %swap3A_275 = tpu.vector_load %arg18[%swap3A_273, %swap3A_274] {strides = array<i32>} : memref<40x128xf32, #tpu.memory_space<vmem>>, vector<1x16xf32>,
        %swap3A_276 = vector.shape_cast %swap3A_275 : vector<1x16xf32> to vector<16xf32>
        %swap3A_277 = vector.shape_cast %mul3A_272 : vector<16xf32> to vector<1x16xf32>
        tpu.vector_store %arg18[%swap3A_273, %swap3A_274], %swap3A_277 {strides = array<i32>} : memref<40x128xf32, #tpu.memory_space<vmem>>, vector<1x16xf32>,
        %broadcast_in_dim3A_278 = arith.constant 2 : i32
        %broadcast_in_dim3A_279 = vector.broadcast %broadcast_in_dim3A_278 : i32 to vector<16xi32>
        %broadcast_in_dim3A_280 = vector.shape_cast %broadcast_in_dim3A_279 : vector<16xi32> to vector<16x1xi32>
        %gather3A_281 = vector.shape_cast %broadcast_in_dim3A_280 : vector<16x1xi32> to vector<16xi32>
        %gather3A_282 = tpu.dynamic_gather %get3A_250[%gather3A_281] in [0] : vector<16xf32>, vector<16xi32> -> vector<16xf32>
        %get3A_283 = arith.index_cast %scan3A_247 : i32 to index
        %get3A_284 = arith.constant 32 : index
        %get3A_285 = tpu.vector_load %arg11[%get3A_283, %get3A_284] {strides = array<i32>} : memref<40x128xf32, #tpu.memory_space<vmem>>, vector<1x16xf32>,
        %get3A_286 = vector.shape_cast %get3A_285 : vector<1x16xf32> to vector<16xf32>
        %mul3A_287 = arith.mulf %get3A_286, %gather3A_282 : vector<16xf32>
        %swap3A_288 = arith.index_cast %scan3A_247 : i32 to index
        %swap3A_289 = arith.constant 32 : index
        %swap3A_290 = tpu.vector_load %arg18[%swap3A_288, %swap3A_289] {strides = array<i32>} : memref<40x128xf32, #tpu.memory_space<vmem>>, vector<1x16xf32>,
        %swap3A_291 = vector.shape_cast %swap3A_290 : vector<1x16xf32> to vector<16xf32>
        %swap3A_292 = vector.shape_cast %mul3A_287 : vector<16xf32> to vector<1x16xf32>
        tpu.vector_store %arg18[%swap3A_288, %swap3A_289], %swap3A_292 {strides = array<i32>} : memref<40x128xf32, #tpu.memory_space<vmem>>, vector<1x16xf32>,
        %broadcast_in_dim3A_293 = arith.constant 3 : i32
        %broadcast_in_dim3A_294 = vector.broadcast %broadcast_in_dim3A_293 : i32 to vector<16xi32>
        %broadcast_in_dim3A_295 = vector.shape_cast %broadcast_in_dim3A_294 : vector<16xi32> to vector<16x1xi32>
        %gather3A_296 = vector.shape_cast %broadcast_in_dim3A_295 : vector<16x1xi32> to vector<16xi32>
        %gather3A_297 = tpu.dynamic_gather %get3A_250[%gather3A_296] in [0] : vector<16xf32>, vector<16xi32> -> vector<16xf32>
        %get3A_298 = arith.index_cast %scan3A_247 : i32 to index
        %get3A_299 = arith.constant 48 : index
        %get3A_300 = tpu.vector_load %arg11[%get3A_298, %get3A_299] {strides = array<i32>} : memref<40x128xf32, #tpu.memory_space<vmem>>, vector<1x16xf32>,
        %get3A_301 = vector.shape_cast %get3A_300 : vector<1x16xf32> to vector<16xf32>
        %mul3A_302 = arith.mulf %get3A_301, %gather3A_297 : vector<16xf32>
        %swap3A_303 = arith.index_cast %scan3A_247 : i32 to index
        %swap3A_304 = arith.constant 48 : index
        %swap3A_305 = tpu.vector_load %arg18[%swap3A_303, %swap3A_304] {strides = array<i32>} : memref<40x128xf32, #tpu.memory_space<vmem>>, vector<1x16xf32>,
        %swap3A_306 = vector.shape_cast %swap3A_305 : vector<1x16xf32> to vector<16xf32>
        %swap3A_307 = vector.shape_cast %mul3A_302 : vector<16xf32> to vector<1x16xf32>
        tpu.vector_store %arg18[%swap3A_303, %swap3A_304], %swap3A_307 {strides = array<i32>} : memref<40x128xf32, #tpu.memory_space<vmem>>, vector<1x16xf32>,
        %broadcast_in_dim3A_308 = arith.constant 4 : i32
        %broadcast_in_dim3A_309 = vector.broadcast %broadcast_in_dim3A_308 : i32 to vector<16xi32>
        %broadcast_in_dim3A_310 = vector.shape_cast %broadcast_in_dim3A_309 : vector<16xi32> to vector<16x1xi32>
        %gather3A_311 = vector.shape_cast %broadcast_in_dim3A_310 : vector<16x1xi32> to vector<16xi32>
        %gather3A_312 = tpu.dynamic_gather %get3A_250[%gather3A_311] in [0] : vector<16xf32>, vector<16xi32> -> vector<16xf32>
        %get3A_313 = arith.index_cast %scan3A_247 : i32 to index
        %get3A_314 = arith.constant 64 : index
        %get3A_315 = tpu.vector_load %arg11[%get3A_313, %get3A_314] {strides = array<i32>} : memref<40x128xf32, #tpu.memory_space<vmem>>, vector<1x16xf32>,
        %get3A_316 = vector.shape_cast %get3A_315 : vector<1x16xf32> to vector<16xf32>
        %mul3A_317 = arith.mulf %get3A_316, %gather3A_312 : vector<16xf32>
        %swap3A_318 = arith.index_cast %scan3A_247 : i32 to index
        %swap3A_319 = arith.constant 64 : index
        %swap3A_320 = tpu.vector_load %arg18[%swap3A_318, %swap3A_319] {strides = array<i32>} : memref<40x128xf32, #tpu.memory_space<vmem>>, vector<1x16xf32>,
        %swap3A_321 = vector.shape_cast %swap3A_320 : vector<1x16xf32> to vector<16xf32>
        %swap3A_322 = vector.shape_cast %mul3A_317 : vector<16xf32> to vector<1x16xf32>
        tpu.vector_store %arg18[%swap3A_318, %swap3A_319], %swap3A_322 {strides = array<i32>} : memref<40x128xf32, #tpu.memory_space<vmem>>, vector<1x16xf32>,
        %broadcast_in_dim3A_323 = arith.constant 5 : i32
        %broadcast_in_dim3A_324 = vector.broadcast %broadcast_in_dim3A_323 : i32 to vector<16xi32>
        %broadcast_in_dim3A_325 = vector.shape_cast %broadcast_in_dim3A_324 : vector<16xi32> to vector<16x1xi32>
        %gather3A_326 = vector.shape_cast %broadcast_in_dim3A_325 : vector<16x1xi32> to vector<16xi32>
        %gather3A_327 = tpu.dynamic_gather %get3A_250[%gather3A_326] in [0] : vector<16xf32>, vector<16xi32> -> vector<16xf32>
        %get3A_328 = arith.index_cast %scan3A_247 : i32 to index
        %get3A_329 = arith.constant 80 : index
        %get3A_330 = tpu.vector_load %arg11[%get3A_328, %get3A_329] {strides = array<i32>} : memref<40x128xf32, #tpu.memory_space<vmem>>, vector<1x16xf32>,
        %get3A_331 = vector.shape_cast %get3A_330 : vector<1x16xf32> to vector<16xf32>
        %mul3A_332 = arith.mulf %get3A_331, %gather3A_327 : vector<16xf32>
        %swap3A_333 = arith.index_cast %scan3A_247 : i32 to index
        %swap3A_334 = arith.constant 80 : index
        %swap3A_335 = tpu.vector_load %arg18[%swap3A_333, %swap3A_334] {strides = array<i32>} : memref<40x128xf32, #tpu.memory_space<vmem>>, vector<1x16xf32>,
        %swap3A_336 = vector.shape_cast %swap3A_335 : vector<1x16xf32> to vector<16xf32>
        %swap3A_337 = vector.shape_cast %mul3A_332 : vector<16xf32> to vector<1x16xf32>
        tpu.vector_store %arg18[%swap3A_333, %swap3A_334], %swap3A_337 {strides = array<i32>} : memref<40x128xf32, #tpu.memory_space<vmem>>, vector<1x16xf32>,
        %broadcast_in_dim3A_338 = arith.constant 6 : i32
        %broadcast_in_dim3A_339 = vector.broadcast %broadcast_in_dim3A_338 : i32 to vector<16xi32>
        %broadcast_in_dim3A_340 = vector.shape_cast %broadcast_in_dim3A_339 : vector<16xi32> to vector<16x1xi32>
        %gather3A_341 = vector.shape_cast %broadcast_in_dim3A_340 : vector<16x1xi32> to vector<16xi32>
        %gather3A_342 = tpu.dynamic_gather %get3A_250[%gather3A_341] in [0] : vector<16xf32>, vector<16xi32> -> vector<16xf32>
        %get3A_343 = arith.index_cast %scan3A_247 : i32 to index
        %get3A_344 = arith.constant 96 : index
        %get3A_345 = tpu.vector_load %arg11[%get3A_343, %get3A_344] {strides = array<i32>} : memref<40x128xf32, #tpu.memory_space<vmem>>, vector<1x16xf32>,
        %get3A_346 = vector.shape_cast %get3A_345 : vector<1x16xf32> to vector<16xf32>
        %mul3A_347 = arith.mulf %get3A_346, %gather3A_342 : vector<16xf32>
        %swap3A_348 = arith.index_cast %scan3A_247 : i32 to index
        %swap3A_349 = arith.constant 96 : index
        %swap3A_350 = tpu.vector_load %arg18[%swap3A_348, %swap3A_349] {strides = array<i32>} : memref<40x128xf32, #tpu.memory_space<vmem>>, vector<1x16xf32>,
        %swap3A_351 = vector.shape_cast %swap3A_350 : vector<1x16xf32> to vector<16xf32>
        %swap3A_352 = vector.shape_cast %mul3A_347 : vector<16xf32> to vector<1x16xf32>
        tpu.vector_store %arg18[%swap3A_348, %swap3A_349], %swap3A_352 {strides = array<i32>} : memref<40x128xf32, #tpu.memory_space<vmem>>, vector<1x16xf32>,
        %broadcast_in_dim3A_353 = arith.constant 7 : i32
        %broadcast_in_dim3A_354 = vector.broadcast %broadcast_in_dim3A_353 : i32 to vector<16xi32>
        %broadcast_in_dim3A_355 = vector.shape_cast %broadcast_in_dim3A_354 : vector<16xi32> to vector<16x1xi32>
        %gather3A_356 = vector.shape_cast %broadcast_in_dim3A_355 : vector<16x1xi32> to vector<16xi32>
        %gather3A_357 = tpu.dynamic_gather %get3A_250[%gather3A_356] in [0] : vector<16xf32>, vector<16xi32> -> vector<16xf32>
        %get3A_358 = arith.index_cast %scan3A_247 : i32 to index
        %get3A_359 = arith.constant 112 : index
        %get3A_360 = tpu.vector_load %arg11[%get3A_358, %get3A_359] {strides = array<i32>} : memref<40x128xf32, #tpu.memory_space<vmem>>, vector<1x16xf32>,
        %get3A_361 = vector.shape_cast %get3A_360 : vector<1x16xf32> to vector<16xf32>
        %mul3A_362 = arith.mulf %get3A_361, %gather3A_357 : vector<16xf32>
        %swap3A_363 = arith.index_cast %scan3A_247 : i32 to index
        %swap3A_364 = arith.constant 112 : index
        %swap3A_365 = tpu.vector_load %arg18[%swap3A_363, %swap3A_364] {strides = array<i32>} : memref<40x128xf32, #tpu.memory_space<vmem>>, vector<1x16xf32>,
        %swap3A_366 = vector.shape_cast %swap3A_365 : vector<1x16xf32> to vector<16xf32>
        %swap3A_367 = vector.shape_cast %mul3A_362 : vector<16xf32> to vector<1x16xf32>
        tpu.vector_store %arg18[%swap3A_363, %swap3A_364], %swap3A_367 {strides = array<i32>} : memref<40x128xf32, #tpu.memory_space<vmem>>, vector<1x16xf32>,
      }
      %scan3A_209 = arith.constant 40 : i32
      %run_scoped3A_210 = arith.constant 1 : i32
      "tpu.region"() ({
        %run_scoped3A_247 = tpu.sem_alloc : memref<!tpu.dma_semaphore, #tpu.memory_space<semaphore_mem>>
        %dma_start3A_248 = arith.constant 0 : i32
        %dma_start3A_249 = tpu.memref_slice %arg9[%run_scoped3A_210, %dma_start3A_248] : memref<4x40xi32, #tpu.memory_space<vmem>> -> memref<1x40xi32, #tpu.memory_space<vmem>>
        %dma_start3A_250 = tpu.memref_squeeze %dma_start3A_249 : memref<1x40xi32, #tpu.memory_space<vmem>> -> memref<40xi32, #tpu.memory_space<vmem>>
        %dma_start3A_251 = arith.constant 0 : i32
        %dma_start3A_252 = arith.constant 0 : i32
        %dma_start3A_253 = tpu.memref_slice %arg19[%dma_start3A_251, %dma_start3A_252] : memref<10240x128xf32, #tpu.memory_space<vmem_shared>> -> memref<10240x128xf32, #tpu.memory_space<vmem_shared>>
        tpu.enqueue_indirect_dma source(%arg18 : memref<40x128xf32, #tpu.memory_space<vmem>>) target(%dma_start3A_253 : memref<10240x128xf32, #tpu.memory_space<vmem_shared>>) offsets(%dma_start3A_250 : memref<40xi32, #tpu.memory_space<vmem>>) semaphore(%run_scoped3A_247 : memref<!tpu.dma_semaphore, #tpu.memory_space<semaphore_mem>>) {add = true}
        %dma_wait3A_254 = arith.constant 0 : i32
        %dma_wait3A_255 = tpu.memref_slice %arg9[%run_scoped3A_210, %dma_wait3A_254] : memref<4x40xi32, #tpu.memory_space<vmem>> -> memref<1x40xi32, #tpu.memory_space<vmem>>
        %dma_wait3A_256 = tpu.memref_squeeze %dma_wait3A_255 : memref<1x40xi32, #tpu.memory_space<vmem>> -> memref<40xi32, #tpu.memory_space<vmem>>
        %dma_wait3A_257 = arith.constant 0 : i32
        %dma_wait3A_258 = arith.constant 0 : i32
        %dma_wait3A_259 = tpu.memref_slice %arg19[%dma_wait3A_257, %dma_wait3A_258] : memref<10240x128xf32, #tpu.memory_space<vmem_shared>> -> memref<10240x128xf32, #tpu.memory_space<vmem_shared>>
        tpu.wait_indirect_dma semaphore(%run_scoped3A_247 : memref<!tpu.dma_semaphore, #tpu.memory_space<semaphore_mem>>) src(%arg18 : memref<40x128xf32, #tpu.memory_space<vmem>>) dst(%dma_wait3A_259 : memref<10240x128xf32, #tpu.memory_space<vmem_shared>>)
        tpu.yield
      }) : () -> ()
      %dma_wait3A_211 = arith.constant 2 : i32
      %dma_wait3A_212 = arith.constant 0 : i32
      %dma_wait3A_213 = tpu.memref_slice %arg8[%dma_wait3A_211, %dma_wait3A_212] : memref<4x40xi32, #tpu.memory_space<vmem>> -> memref<1x40xi32, #tpu.memory_space<vmem>>
      %dma_wait3A_214 = tpu.memref_squeeze %dma_wait3A_213 : memref<1x40xi32, #tpu.memory_space<vmem>> -> memref<40xi32, #tpu.memory_space<vmem>>
      %dma_wait3A_215 = arith.constant 0 : i32
      %dma_wait3A_216 = arith.constant 0 : i32
      %dma_wait3A_217 = tpu.memref_slice %arg2[%dma_wait3A_215, %dma_wait3A_216] : memref<10000x128xf32, #tpu.memory_space<hbm>> -> memref<10000x128xf32, #tpu.memory_space<hbm>>
      tpu.wait_indirect_dma semaphore(%arg22 : memref<!tpu.dma_semaphore, #tpu.memory_space<semaphore_mem>>) src(%dma_wait3A_217 : memref<10000x128xf32, #tpu.memory_space<hbm>>) dst(%arg12 : memref<40x128xf32, #tpu.memory_space<vmem>>)
      %dma_wait3A_218 = arith.constant 0 : i32
      %dma_wait3A_219 = tpu.memref_slice %arg3[%add3A_146, %dma_wait3A_218] : memref<320000x16xf32, #tpu.memory_space<hbm>> -> memref<40x16xf32, #tpu.memory_space<hbm>>
      %dma_wait3A_220 = arith.constant 0 : i32
      %dma_wait3A_221 = tpu.memref_slice %arg3[%add3A_146, %dma_wait3A_220] : memref<320000x16xf32, #tpu.memory_space<hbm>> -> memref<40x16xf32, #tpu.memory_space<hbm>>
      tpu.wait_dma2 semaphore(%arg22 : memref<!tpu.dma_semaphore, #tpu.memory_space<semaphore_mem>>) src(%dma_wait3A_221 : memref<40x16xf32, #tpu.memory_space<hbm>>) dst(%arg16 : memref<40x16xf32, #tpu.memory_space<vmem>>)
      %scan3A_222 = arith.constant 0 : i32
      %scan3A_223 = arith.constant 0 : i32
      %scan3A_224 = arith.constant 40 : i32
      %scan3A_225 = arith.addi %scan3A_223, %scan3A_224 : i32
      %scan3A_226 = arith.constant 1 : i32
      scf.for %scan3A_247 = %scan3A_223 to %scan3A_225 step %scan3A_226  : i32 {
        %get3A = arith.index_cast %scan3A_247 : i32 to index
        %get3A_248 = arith.constant 0 : index
        %get3A_249 = tpu.vector_load %arg16[%get3A, %get3A_248] {strides = array<i32>} : memref<40x16xf32, #tpu.memory_space<vmem>>, vector<1x16xf32>,
        %get3A_250 = vector.shape_cast %get3A_249 : vector<1x16xf32> to vector<16xf32>
        %broadcast_in_dim3A = arith.constant 0 : i32
        %broadcast_in_dim3A_251 = vector.broadcast %broadcast_in_dim3A : i32 to vector<16xi32>
        %broadcast_in_dim3A_252 = vector.shape_cast %broadcast_in_dim3A_251 : vector<16xi32> to vector<16x1xi32>
        %gather3A = vector.shape_cast %broadcast_in_dim3A_252 : vector<16x1xi32> to vector<16xi32>
        %gather3A_253 = tpu.dynamic_gather %get3A_250[%gather3A] in [0] : vector<16xf32>, vector<16xi32> -> vector<16xf32>
        %get3A_254 = arith.index_cast %scan3A_247 : i32 to index
        %get3A_255 = arith.constant 0 : index
        %get3A_256 = tpu.vector_load %arg12[%get3A_254, %get3A_255] {strides = array<i32>} : memref<40x128xf32, #tpu.memory_space<vmem>>, vector<1x16xf32>,
        %get3A_257 = vector.shape_cast %get3A_256 : vector<1x16xf32> to vector<16xf32>
        %mul3A_258 = arith.mulf %get3A_257, %gather3A_253 : vector<16xf32>
        %swap3A = arith.index_cast %scan3A_247 : i32 to index
        %swap3A_259 = arith.constant 0 : index
        %swap3A_260 = tpu.vector_load %arg18[%swap3A, %swap3A_259] {strides = array<i32>} : memref<40x128xf32, #tpu.memory_space<vmem>>, vector<1x16xf32>,
        %swap3A_261 = vector.shape_cast %swap3A_260 : vector<1x16xf32> to vector<16xf32>
        %swap3A_262 = vector.shape_cast %mul3A_258 : vector<16xf32> to vector<1x16xf32>
        tpu.vector_store %arg18[%swap3A, %swap3A_259], %swap3A_262 {strides = array<i32>} : memref<40x128xf32, #tpu.memory_space<vmem>>, vector<1x16xf32>,
        %broadcast_in_dim3A_263 = arith.constant 1 : i32
        %broadcast_in_dim3A_264 = vector.broadcast %broadcast_in_dim3A_263 : i32 to vector<16xi32>
        %broadcast_in_dim3A_265 = vector.shape_cast %broadcast_in_dim3A_264 : vector<16xi32> to vector<16x1xi32>
        %gather3A_266 = vector.shape_cast %broadcast_in_dim3A_265 : vector<16x1xi32> to vector<16xi32>
        %gather3A_267 = tpu.dynamic_gather %get3A_250[%gather3A_266] in [0] : vector<16xf32>, vector<16xi32> -> vector<16xf32>
        %get3A_268 = arith.index_cast %scan3A_247 : i32 to index
        %get3A_269 = arith.constant 16 : index
        %get3A_270 = tpu.vector_load %arg12[%get3A_268, %get3A_269] {strides = array<i32>} : memref<40x128xf32, #tpu.memory_space<vmem>>, vector<1x16xf32>,
        %get3A_271 = vector.shape_cast %get3A_270 : vector<1x16xf32> to vector<16xf32>
        %mul3A_272 = arith.mulf %get3A_271, %gather3A_267 : vector<16xf32>
        %swap3A_273 = arith.index_cast %scan3A_247 : i32 to index
        %swap3A_274 = arith.constant 16 : index
        %swap3A_275 = tpu.vector_load %arg18[%swap3A_273, %swap3A_274] {strides = array<i32>} : memref<40x128xf32, #tpu.memory_space<vmem>>, vector<1x16xf32>,
        %swap3A_276 = vector.shape_cast %swap3A_275 : vector<1x16xf32> to vector<16xf32>
        %swap3A_277 = vector.shape_cast %mul3A_272 : vector<16xf32> to vector<1x16xf32>
        tpu.vector_store %arg18[%swap3A_273, %swap3A_274], %swap3A_277 {strides = array<i32>} : memref<40x128xf32, #tpu.memory_space<vmem>>, vector<1x16xf32>,
        %broadcast_in_dim3A_278 = arith.constant 2 : i32
        %broadcast_in_dim3A_279 = vector.broadcast %broadcast_in_dim3A_278 : i32 to vector<16xi32>
        %broadcast_in_dim3A_280 = vector.shape_cast %broadcast_in_dim3A_279 : vector<16xi32> to vector<16x1xi32>
        %gather3A_281 = vector.shape_cast %broadcast_in_dim3A_280 : vector<16x1xi32> to vector<16xi32>
        %gather3A_282 = tpu.dynamic_gather %get3A_250[%gather3A_281] in [0] : vector<16xf32>, vector<16xi32> -> vector<16xf32>
        %get3A_283 = arith.index_cast %scan3A_247 : i32 to index
        %get3A_284 = arith.constant 32 : index
        %get3A_285 = tpu.vector_load %arg12[%get3A_283, %get3A_284] {strides = array<i32>} : memref<40x128xf32, #tpu.memory_space<vmem>>, vector<1x16xf32>,
        %get3A_286 = vector.shape_cast %get3A_285 : vector<1x16xf32> to vector<16xf32>
        %mul3A_287 = arith.mulf %get3A_286, %gather3A_282 : vector<16xf32>
        %swap3A_288 = arith.index_cast %scan3A_247 : i32 to index
        %swap3A_289 = arith.constant 32 : index
        %swap3A_290 = tpu.vector_load %arg18[%swap3A_288, %swap3A_289] {strides = array<i32>} : memref<40x128xf32, #tpu.memory_space<vmem>>, vector<1x16xf32>,
        %swap3A_291 = vector.shape_cast %swap3A_290 : vector<1x16xf32> to vector<16xf32>
        %swap3A_292 = vector.shape_cast %mul3A_287 : vector<16xf32> to vector<1x16xf32>
        tpu.vector_store %arg18[%swap3A_288, %swap3A_289], %swap3A_292 {strides = array<i32>} : memref<40x128xf32, #tpu.memory_space<vmem>>, vector<1x16xf32>,
        %broadcast_in_dim3A_293 = arith.constant 3 : i32
        %broadcast_in_dim3A_294 = vector.broadcast %broadcast_in_dim3A_293 : i32 to vector<16xi32>
        %broadcast_in_dim3A_295 = vector.shape_cast %broadcast_in_dim3A_294 : vector<16xi32> to vector<16x1xi32>
        %gather3A_296 = vector.shape_cast %broadcast_in_dim3A_295 : vector<16x1xi32> to vector<16xi32>
        %gather3A_297 = tpu.dynamic_gather %get3A_250[%gather3A_296] in [0] : vector<16xf32>, vector<16xi32> -> vector<16xf32>
        %get3A_298 = arith.index_cast %scan3A_247 : i32 to index
        %get3A_299 = arith.constant 48 : index
        %get3A_300 = tpu.vector_load %arg12[%get3A_298, %get3A_299] {strides = array<i32>} : memref<40x128xf32, #tpu.memory_space<vmem>>, vector<1x16xf32>,
        %get3A_301 = vector.shape_cast %get3A_300 : vector<1x16xf32> to vector<16xf32>
        %mul3A_302 = arith.mulf %get3A_301, %gather3A_297 : vector<16xf32>
        %swap3A_303 = arith.index_cast %scan3A_247 : i32 to index
        %swap3A_304 = arith.constant 48 : index
        %swap3A_305 = tpu.vector_load %arg18[%swap3A_303, %swap3A_304] {strides = array<i32>} : memref<40x128xf32, #tpu.memory_space<vmem>>, vector<1x16xf32>,
        %swap3A_306 = vector.shape_cast %swap3A_305 : vector<1x16xf32> to vector<16xf32>
        %swap3A_307 = vector.shape_cast %mul3A_302 : vector<16xf32> to vector<1x16xf32>
        tpu.vector_store %arg18[%swap3A_303, %swap3A_304], %swap3A_307 {strides = array<i32>} : memref<40x128xf32, #tpu.memory_space<vmem>>, vector<1x16xf32>,
        %broadcast_in_dim3A_308 = arith.constant 4 : i32
        %broadcast_in_dim3A_309 = vector.broadcast %broadcast_in_dim3A_308 : i32 to vector<16xi32>
        %broadcast_in_dim3A_310 = vector.shape_cast %broadcast_in_dim3A_309 : vector<16xi32> to vector<16x1xi32>
        %gather3A_311 = vector.shape_cast %broadcast_in_dim3A_310 : vector<16x1xi32> to vector<16xi32>
        %gather3A_312 = tpu.dynamic_gather %get3A_250[%gather3A_311] in [0] : vector<16xf32>, vector<16xi32> -> vector<16xf32>
        %get3A_313 = arith.index_cast %scan3A_247 : i32 to index
        %get3A_314 = arith.constant 64 : index
        %get3A_315 = tpu.vector_load %arg12[%get3A_313, %get3A_314] {strides = array<i32>} : memref<40x128xf32, #tpu.memory_space<vmem>>, vector<1x16xf32>,
        %get3A_316 = vector.shape_cast %get3A_315 : vector<1x16xf32> to vector<16xf32>
        %mul3A_317 = arith.mulf %get3A_316, %gather3A_312 : vector<16xf32>
        %swap3A_318 = arith.index_cast %scan3A_247 : i32 to index
        %swap3A_319 = arith.constant 64 : index
        %swap3A_320 = tpu.vector_load %arg18[%swap3A_318, %swap3A_319] {strides = array<i32>} : memref<40x128xf32, #tpu.memory_space<vmem>>, vector<1x16xf32>,
        %swap3A_321 = vector.shape_cast %swap3A_320 : vector<1x16xf32> to vector<16xf32>
        %swap3A_322 = vector.shape_cast %mul3A_317 : vector<16xf32> to vector<1x16xf32>
        tpu.vector_store %arg18[%swap3A_318, %swap3A_319], %swap3A_322 {strides = array<i32>} : memref<40x128xf32, #tpu.memory_space<vmem>>, vector<1x16xf32>,
        %broadcast_in_dim3A_323 = arith.constant 5 : i32
        %broadcast_in_dim3A_324 = vector.broadcast %broadcast_in_dim3A_323 : i32 to vector<16xi32>
        %broadcast_in_dim3A_325 = vector.shape_cast %broadcast_in_dim3A_324 : vector<16xi32> to vector<16x1xi32>
        %gather3A_326 = vector.shape_cast %broadcast_in_dim3A_325 : vector<16x1xi32> to vector<16xi32>
        %gather3A_327 = tpu.dynamic_gather %get3A_250[%gather3A_326] in [0] : vector<16xf32>, vector<16xi32> -> vector<16xf32>
        %get3A_328 = arith.index_cast %scan3A_247 : i32 to index
        %get3A_329 = arith.constant 80 : index
        %get3A_330 = tpu.vector_load %arg12[%get3A_328, %get3A_329] {strides = array<i32>} : memref<40x128xf32, #tpu.memory_space<vmem>>, vector<1x16xf32>,
        %get3A_331 = vector.shape_cast %get3A_330 : vector<1x16xf32> to vector<16xf32>
        %mul3A_332 = arith.mulf %get3A_331, %gather3A_327 : vector<16xf32>
        %swap3A_333 = arith.index_cast %scan3A_247 : i32 to index
        %swap3A_334 = arith.constant 80 : index
        %swap3A_335 = tpu.vector_load %arg18[%swap3A_333, %swap3A_334] {strides = array<i32>} : memref<40x128xf32, #tpu.memory_space<vmem>>, vector<1x16xf32>,
        %swap3A_336 = vector.shape_cast %swap3A_335 : vector<1x16xf32> to vector<16xf32>
        %swap3A_337 = vector.shape_cast %mul3A_332 : vector<16xf32> to vector<1x16xf32>
        tpu.vector_store %arg18[%swap3A_333, %swap3A_334], %swap3A_337 {strides = array<i32>} : memref<40x128xf32, #tpu.memory_space<vmem>>, vector<1x16xf32>,
        %broadcast_in_dim3A_338 = arith.constant 6 : i32
        %broadcast_in_dim3A_339 = vector.broadcast %broadcast_in_dim3A_338 : i32 to vector<16xi32>
        %broadcast_in_dim3A_340 = vector.shape_cast %broadcast_in_dim3A_339 : vector<16xi32> to vector<16x1xi32>
        %gather3A_341 = vector.shape_cast %broadcast_in_dim3A_340 : vector<16x1xi32> to vector<16xi32>
        %gather3A_342 = tpu.dynamic_gather %get3A_250[%gather3A_341] in [0] : vector<16xf32>, vector<16xi32> -> vector<16xf32>
        %get3A_343 = arith.index_cast %scan3A_247 : i32 to index
        %get3A_344 = arith.constant 96 : index
        %get3A_345 = tpu.vector_load %arg12[%get3A_343, %get3A_344] {strides = array<i32>} : memref<40x128xf32, #tpu.memory_space<vmem>>, vector<1x16xf32>,
        %get3A_346 = vector.shape_cast %get3A_345 : vector<1x16xf32> to vector<16xf32>
        %mul3A_347 = arith.mulf %get3A_346, %gather3A_342 : vector<16xf32>
        %swap3A_348 = arith.index_cast %scan3A_247 : i32 to index
        %swap3A_349 = arith.constant 96 : index
        %swap3A_350 = tpu.vector_load %arg18[%swap3A_348, %swap3A_349] {strides = array<i32>} : memref<40x128xf32, #tpu.memory_space<vmem>>, vector<1x16xf32>,
        %swap3A_351 = vector.shape_cast %swap3A_350 : vector<1x16xf32> to vector<16xf32>
        %swap3A_352 = vector.shape_cast %mul3A_347 : vector<16xf32> to vector<1x16xf32>
        tpu.vector_store %arg18[%swap3A_348, %swap3A_349], %swap3A_352 {strides = array<i32>} : memref<40x128xf32, #tpu.memory_space<vmem>>, vector<1x16xf32>,
        %broadcast_in_dim3A_353 = arith.constant 7 : i32
        %broadcast_in_dim3A_354 = vector.broadcast %broadcast_in_dim3A_353 : i32 to vector<16xi32>
        %broadcast_in_dim3A_355 = vector.shape_cast %broadcast_in_dim3A_354 : vector<16xi32> to vector<16x1xi32>
        %gather3A_356 = vector.shape_cast %broadcast_in_dim3A_355 : vector<16x1xi32> to vector<16xi32>
        %gather3A_357 = tpu.dynamic_gather %get3A_250[%gather3A_356] in [0] : vector<16xf32>, vector<16xi32> -> vector<16xf32>
        %get3A_358 = arith.index_cast %scan3A_247 : i32 to index
        %get3A_359 = arith.constant 112 : index
        %get3A_360 = tpu.vector_load %arg12[%get3A_358, %get3A_359] {strides = array<i32>} : memref<40x128xf32, #tpu.memory_space<vmem>>, vector<1x16xf32>,
        %get3A_361 = vector.shape_cast %get3A_360 : vector<1x16xf32> to vector<16xf32>
        %mul3A_362 = arith.mulf %get3A_361, %gather3A_357 : vector<16xf32>
        %swap3A_363 = arith.index_cast %scan3A_247 : i32 to index
        %swap3A_364 = arith.constant 112 : index
        %swap3A_365 = tpu.vector_load %arg18[%swap3A_363, %swap3A_364] {strides = array<i32>} : memref<40x128xf32, #tpu.memory_space<vmem>>, vector<1x16xf32>,
        %swap3A_366 = vector.shape_cast %swap3A_365 : vector<1x16xf32> to vector<16xf32>
        %swap3A_367 = vector.shape_cast %mul3A_362 : vector<16xf32> to vector<1x16xf32>
        tpu.vector_store %arg18[%swap3A_363, %swap3A_364], %swap3A_367 {strides = array<i32>} : memref<40x128xf32, #tpu.memory_space<vmem>>, vector<1x16xf32>,
      }
      %scan3A_227 = arith.constant 40 : i32
      %run_scoped3A_228 = arith.constant 2 : i32
      "tpu.region"() ({
        %run_scoped3A_247 = tpu.sem_alloc : memref<!tpu.dma_semaphore, #tpu.memory_space<semaphore_mem>>
        %dma_start3A_248 = arith.constant 0 : i32
        %dma_start3A_249 = tpu.memref_slice %arg9[%run_scoped3A_228, %dma_start3A_248] : memref<4x40xi32, #tpu.memory_space<vmem>> -> memref<1x40xi32, #tpu.memory_space<vmem>>
        %dma_start3A_250 = tpu.memref_squeeze %dma_start3A_249 : memref<1x40xi32, #tpu.memory_space<vmem>> -> memref<40xi32, #tpu.memory_space<vmem>>
        %dma_start3A_251 = arith.constant 0 : i32
        %dma_start3A_252 = arith.constant 0 : i32
        %dma_start3A_253 = tpu.memref_slice %arg19[%dma_start3A_251, %dma_start3A_252] : memref<10240x128xf32, #tpu.memory_space<vmem_shared>> -> memref<10240x128xf32, #tpu.memory_space<vmem_shared>>
        tpu.enqueue_indirect_dma source(%arg18 : memref<40x128xf32, #tpu.memory_space<vmem>>) target(%dma_start3A_253 : memref<10240x128xf32, #tpu.memory_space<vmem_shared>>) offsets(%dma_start3A_250 : memref<40xi32, #tpu.memory_space<vmem>>) semaphore(%run_scoped3A_247 : memref<!tpu.dma_semaphore, #tpu.memory_space<semaphore_mem>>) {add = true}
        %dma_wait3A_254 = arith.constant 0 : i32
        %dma_wait3A_255 = tpu.memref_slice %arg9[%run_scoped3A_228, %dma_wait3A_254] : memref<4x40xi32, #tpu.memory_space<vmem>> -> memref<1x40xi32, #tpu.memory_space<vmem>>
        %dma_wait3A_256 = tpu.memref_squeeze %dma_wait3A_255 : memref<1x40xi32, #tpu.memory_space<vmem>> -> memref<40xi32, #tpu.memory_space<vmem>>
        %dma_wait3A_257 = arith.constant 0 : i32
        %dma_wait3A_258 = arith.constant 0 : i32
        %dma_wait3A_259 = tpu.memref_slice %arg19[%dma_wait3A_257, %dma_wait3A_258] : memref<10240x128xf32, #tpu.memory_space<vmem_shared>> -> memref<10240x128xf32, #tpu.memory_space<vmem_shared>>
        tpu.wait_indirect_dma semaphore(%run_scoped3A_247 : memref<!tpu.dma_semaphore, #tpu.memory_space<semaphore_mem>>) src(%arg18 : memref<40x128xf32, #tpu.memory_space<vmem>>) dst(%dma_wait3A_259 : memref<10240x128xf32, #tpu.memory_space<vmem_shared>>)
        tpu.yield
      }) : () -> ()
      %dma_wait3A_229 = arith.constant 3 : i32
      %dma_wait3A_230 = arith.constant 0 : i32
      %dma_wait3A_231 = tpu.memref_slice %arg8[%dma_wait3A_229, %dma_wait3A_230] : memref<4x40xi32, #tpu.memory_space<vmem>> -> memref<1x40xi32, #tpu.memory_space<vmem>>
      %dma_wait3A_232 = tpu.memref_squeeze %dma_wait3A_231 : memref<1x40xi32, #tpu.memory_space<vmem>> -> memref<40xi32, #tpu.memory_space<vmem>>
      %dma_wait3A_233 = arith.constant 0 : i32
      %dma_wait3A_234 = arith.constant 0 : i32
      %dma_wait3A_235 = tpu.memref_slice %arg2[%dma_wait3A_233, %dma_wait3A_234] : memref<10000x128xf32, #tpu.memory_space<hbm>> -> memref<10000x128xf32, #tpu.memory_space<hbm>>
      tpu.wait_indirect_dma semaphore(%arg23 : memref<!tpu.dma_semaphore, #tpu.memory_space<semaphore_mem>>) src(%dma_wait3A_235 : memref<10000x128xf32, #tpu.memory_space<hbm>>) dst(%arg13 : memref<40x128xf32, #tpu.memory_space<vmem>>)
      %dma_wait3A_236 = arith.constant 0 : i32
      %dma_wait3A_237 = tpu.memref_slice %arg3[%add3A_161, %dma_wait3A_236] : memref<320000x16xf32, #tpu.memory_space<hbm>> -> memref<40x16xf32, #tpu.memory_space<hbm>>
      %dma_wait3A_238 = arith.constant 0 : i32
      %dma_wait3A_239 = tpu.memref_slice %arg3[%add3A_161, %dma_wait3A_238] : memref<320000x16xf32, #tpu.memory_space<hbm>> -> memref<40x16xf32, #tpu.memory_space<hbm>>
      tpu.wait_dma2 semaphore(%arg23 : memref<!tpu.dma_semaphore, #tpu.memory_space<semaphore_mem>>) src(%dma_wait3A_239 : memref<40x16xf32, #tpu.memory_space<hbm>>) dst(%arg17 : memref<40x16xf32, #tpu.memory_space<vmem>>)
      %scan3A_240 = arith.constant 0 : i32
      %scan3A_241 = arith.constant 0 : i32
      %scan3A_242 = arith.constant 40 : i32
      %scan3A_243 = arith.addi %scan3A_241, %scan3A_242 : i32
      %scan3A_244 = arith.constant 1 : i32
      scf.for %scan3A_247 = %scan3A_241 to %scan3A_243 step %scan3A_244  : i32 {
        %get3A = arith.index_cast %scan3A_247 : i32 to index
        %get3A_248 = arith.constant 0 : index
        %get3A_249 = tpu.vector_load %arg17[%get3A, %get3A_248] {strides = array<i32>} : memref<40x16xf32, #tpu.memory_space<vmem>>, vector<1x16xf32>,
        %get3A_250 = vector.shape_cast %get3A_249 : vector<1x16xf32> to vector<16xf32>
        %broadcast_in_dim3A = arith.constant 0 : i32
        %broadcast_in_dim3A_251 = vector.broadcast %broadcast_in_dim3A : i32 to vector<16xi32>
        %broadcast_in_dim3A_252 = vector.shape_cast %broadcast_in_dim3A_251 : vector<16xi32> to vector<16x1xi32>
        %gather3A = vector.shape_cast %broadcast_in_dim3A_252 : vector<16x1xi32> to vector<16xi32>
        %gather3A_253 = tpu.dynamic_gather %get3A_250[%gather3A] in [0] : vector<16xf32>, vector<16xi32> -> vector<16xf32>
        %get3A_254 = arith.index_cast %scan3A_247 : i32 to index
        %get3A_255 = arith.constant 0 : index
        %get3A_256 = tpu.vector_load %arg13[%get3A_254, %get3A_255] {strides = array<i32>} : memref<40x128xf32, #tpu.memory_space<vmem>>, vector<1x16xf32>,
        %get3A_257 = vector.shape_cast %get3A_256 : vector<1x16xf32> to vector<16xf32>
        %mul3A_258 = arith.mulf %get3A_257, %gather3A_253 : vector<16xf32>
        %swap3A = arith.index_cast %scan3A_247 : i32 to index
        %swap3A_259 = arith.constant 0 : index
        %swap3A_260 = tpu.vector_load %arg18[%swap3A, %swap3A_259] {strides = array<i32>} : memref<40x128xf32, #tpu.memory_space<vmem>>, vector<1x16xf32>,
        %swap3A_261 = vector.shape_cast %swap3A_260 : vector<1x16xf32> to vector<16xf32>
        %swap3A_262 = vector.shape_cast %mul3A_258 : vector<16xf32> to vector<1x16xf32>
        tpu.vector_store %arg18[%swap3A, %swap3A_259], %swap3A_262 {strides = array<i32>} : memref<40x128xf32, #tpu.memory_space<vmem>>, vector<1x16xf32>,
        %broadcast_in_dim3A_263 = arith.constant 1 : i32
        %broadcast_in_dim3A_264 = vector.broadcast %broadcast_in_dim3A_263 : i32 to vector<16xi32>
        %broadcast_in_dim3A_265 = vector.shape_cast %broadcast_in_dim3A_264 : vector<16xi32> to vector<16x1xi32>
        %gather3A_266 = vector.shape_cast %broadcast_in_dim3A_265 : vector<16x1xi32> to vector<16xi32>
        %gather3A_267 = tpu.dynamic_gather %get3A_250[%gather3A_266] in [0] : vector<16xf32>, vector<16xi32> -> vector<16xf32>
        %get3A_268 = arith.index_cast %scan3A_247 : i32 to index
        %get3A_269 = arith.constant 16 : index
        %get3A_270 = tpu.vector_load %arg13[%get3A_268, %get3A_269] {strides = array<i32>} : memref<40x128xf32, #tpu.memory_space<vmem>>, vector<1x16xf32>,
        %get3A_271 = vector.shape_cast %get3A_270 : vector<1x16xf32> to vector<16xf32>
        %mul3A_272 = arith.mulf %get3A_271, %gather3A_267 : vector<16xf32>
        %swap3A_273 = arith.index_cast %scan3A_247 : i32 to index
        %swap3A_274 = arith.constant 16 : index
        %swap3A_275 = tpu.vector_load %arg18[%swap3A_273, %swap3A_274] {strides = array<i32>} : memref<40x128xf32, #tpu.memory_space<vmem>>, vector<1x16xf32>,
        %swap3A_276 = vector.shape_cast %swap3A_275 : vector<1x16xf32> to vector<16xf32>
        %swap3A_277 = vector.shape_cast %mul3A_272 : vector<16xf32> to vector<1x16xf32>
        tpu.vector_store %arg18[%swap3A_273, %swap3A_274], %swap3A_277 {strides = array<i32>} : memref<40x128xf32, #tpu.memory_space<vmem>>, vector<1x16xf32>,
        %broadcast_in_dim3A_278 = arith.constant 2 : i32
        %broadcast_in_dim3A_279 = vector.broadcast %broadcast_in_dim3A_278 : i32 to vector<16xi32>
        %broadcast_in_dim3A_280 = vector.shape_cast %broadcast_in_dim3A_279 : vector<16xi32> to vector<16x1xi32>
        %gather3A_281 = vector.shape_cast %broadcast_in_dim3A_280 : vector<16x1xi32> to vector<16xi32>
        %gather3A_282 = tpu.dynamic_gather %get3A_250[%gather3A_281] in [0] : vector<16xf32>, vector<16xi32> -> vector<16xf32>
        %get3A_283 = arith.index_cast %scan3A_247 : i32 to index
        %get3A_284 = arith.constant 32 : index
        %get3A_285 = tpu.vector_load %arg13[%get3A_283, %get3A_284] {strides = array<i32>} : memref<40x128xf32, #tpu.memory_space<vmem>>, vector<1x16xf32>,
        %get3A_286 = vector.shape_cast %get3A_285 : vector<1x16xf32> to vector<16xf32>
        %mul3A_287 = arith.mulf %get3A_286, %gather3A_282 : vector<16xf32>
        %swap3A_288 = arith.index_cast %scan3A_247 : i32 to index
        %swap3A_289 = arith.constant 32 : index
        %swap3A_290 = tpu.vector_load %arg18[%swap3A_288, %swap3A_289] {strides = array<i32>} : memref<40x128xf32, #tpu.memory_space<vmem>>, vector<1x16xf32>,
        %swap3A_291 = vector.shape_cast %swap3A_290 : vector<1x16xf32> to vector<16xf32>
        %swap3A_292 = vector.shape_cast %mul3A_287 : vector<16xf32> to vector<1x16xf32>
        tpu.vector_store %arg18[%swap3A_288, %swap3A_289], %swap3A_292 {strides = array<i32>} : memref<40x128xf32, #tpu.memory_space<vmem>>, vector<1x16xf32>,
        %broadcast_in_dim3A_293 = arith.constant 3 : i32
        %broadcast_in_dim3A_294 = vector.broadcast %broadcast_in_dim3A_293 : i32 to vector<16xi32>
        %broadcast_in_dim3A_295 = vector.shape_cast %broadcast_in_dim3A_294 : vector<16xi32> to vector<16x1xi32>
        %gather3A_296 = vector.shape_cast %broadcast_in_dim3A_295 : vector<16x1xi32> to vector<16xi32>
        %gather3A_297 = tpu.dynamic_gather %get3A_250[%gather3A_296] in [0] : vector<16xf32>, vector<16xi32> -> vector<16xf32>
        %get3A_298 = arith.index_cast %scan3A_247 : i32 to index
        %get3A_299 = arith.constant 48 : index
        %get3A_300 = tpu.vector_load %arg13[%get3A_298, %get3A_299] {strides = array<i32>} : memref<40x128xf32, #tpu.memory_space<vmem>>, vector<1x16xf32>,
        %get3A_301 = vector.shape_cast %get3A_300 : vector<1x16xf32> to vector<16xf32>
        %mul3A_302 = arith.mulf %get3A_301, %gather3A_297 : vector<16xf32>
        %swap3A_303 = arith.index_cast %scan3A_247 : i32 to index
        %swap3A_304 = arith.constant 48 : index
        %swap3A_305 = tpu.vector_load %arg18[%swap3A_303, %swap3A_304] {strides = array<i32>} : memref<40x128xf32, #tpu.memory_space<vmem>>, vector<1x16xf32>,
        %swap3A_306 = vector.shape_cast %swap3A_305 : vector<1x16xf32> to vector<16xf32>
        %swap3A_307 = vector.shape_cast %mul3A_302 : vector<16xf32> to vector<1x16xf32>
        tpu.vector_store %arg18[%swap3A_303, %swap3A_304], %swap3A_307 {strides = array<i32>} : memref<40x128xf32, #tpu.memory_space<vmem>>, vector<1x16xf32>,
        %broadcast_in_dim3A_308 = arith.constant 4 : i32
        %broadcast_in_dim3A_309 = vector.broadcast %broadcast_in_dim3A_308 : i32 to vector<16xi32>
        %broadcast_in_dim3A_310 = vector.shape_cast %broadcast_in_dim3A_309 : vector<16xi32> to vector<16x1xi32>
        %gather3A_311 = vector.shape_cast %broadcast_in_dim3A_310 : vector<16x1xi32> to vector<16xi32>
        %gather3A_312 = tpu.dynamic_gather %get3A_250[%gather3A_311] in [0] : vector<16xf32>, vector<16xi32> -> vector<16xf32>
        %get3A_313 = arith.index_cast %scan3A_247 : i32 to index
        %get3A_314 = arith.constant 64 : index
        %get3A_315 = tpu.vector_load %arg13[%get3A_313, %get3A_314] {strides = array<i32>} : memref<40x128xf32, #tpu.memory_space<vmem>>, vector<1x16xf32>,
        %get3A_316 = vector.shape_cast %get3A_315 : vector<1x16xf32> to vector<16xf32>
        %mul3A_317 = arith.mulf %get3A_316, %gather3A_312 : vector<16xf32>
        %swap3A_318 = arith.index_cast %scan3A_247 : i32 to index
        %swap3A_319 = arith.constant 64 : index
        %swap3A_320 = tpu.vector_load %arg18[%swap3A_318, %swap3A_319] {strides = array<i32>} : memref<40x128xf32, #tpu.memory_space<vmem>>, vector<1x16xf32>,
        %swap3A_321 = vector.shape_cast %swap3A_320 : vector<1x16xf32> to vector<16xf32>
        %swap3A_322 = vector.shape_cast %mul3A_317 : vector<16xf32> to vector<1x16xf32>
        tpu.vector_store %arg18[%swap3A_318, %swap3A_319], %swap3A_322 {strides = array<i32>} : memref<40x128xf32, #tpu.memory_space<vmem>>, vector<1x16xf32>,
        %broadcast_in_dim3A_323 = arith.constant 5 : i32
        %broadcast_in_dim3A_324 = vector.broadcast %broadcast_in_dim3A_323 : i32 to vector<16xi32>
        %broadcast_in_dim3A_325 = vector.shape_cast %broadcast_in_dim3A_324 : vector<16xi32> to vector<16x1xi32>
        %gather3A_326 = vector.shape_cast %broadcast_in_dim3A_325 : vector<16x1xi32> to vector<16xi32>
        %gather3A_327 = tpu.dynamic_gather %get3A_250[%gather3A_326] in [0] : vector<16xf32>, vector<16xi32> -> vector<16xf32>
        %get3A_328 = arith.index_cast %scan3A_247 : i32 to index
        %get3A_329 = arith.constant 80 : index
        %get3A_330 = tpu.vector_load %arg13[%get3A_328, %get3A_329] {strides = array<i32>} : memref<40x128xf32, #tpu.memory_space<vmem>>, vector<1x16xf32>,
        %get3A_331 = vector.shape_cast %get3A_330 : vector<1x16xf32> to vector<16xf32>
        %mul3A_332 = arith.mulf %get3A_331, %gather3A_327 : vector<16xf32>
        %swap3A_333 = arith.index_cast %scan3A_247 : i32 to index
        %swap3A_334 = arith.constant 80 : index
        %swap3A_335 = tpu.vector_load %arg18[%swap3A_333, %swap3A_334] {strides = array<i32>} : memref<40x128xf32, #tpu.memory_space<vmem>>, vector<1x16xf32>,
        %swap3A_336 = vector.shape_cast %swap3A_335 : vector<1x16xf32> to vector<16xf32>
        %swap3A_337 = vector.shape_cast %mul3A_332 : vector<16xf32> to vector<1x16xf32>
        tpu.vector_store %arg18[%swap3A_333, %swap3A_334], %swap3A_337 {strides = array<i32>} : memref<40x128xf32, #tpu.memory_space<vmem>>, vector<1x16xf32>,
        %broadcast_in_dim3A_338 = arith.constant 6 : i32
        %broadcast_in_dim3A_339 = vector.broadcast %broadcast_in_dim3A_338 : i32 to vector<16xi32>
        %broadcast_in_dim3A_340 = vector.shape_cast %broadcast_in_dim3A_339 : vector<16xi32> to vector<16x1xi32>
        %gather3A_341 = vector.shape_cast %broadcast_in_dim3A_340 : vector<16x1xi32> to vector<16xi32>
        %gather3A_342 = tpu.dynamic_gather %get3A_250[%gather3A_341] in [0] : vector<16xf32>, vector<16xi32> -> vector<16xf32>
        %get3A_343 = arith.index_cast %scan3A_247 : i32 to index
        %get3A_344 = arith.constant 96 : index
        %get3A_345 = tpu.vector_load %arg13[%get3A_343, %get3A_344] {strides = array<i32>} : memref<40x128xf32, #tpu.memory_space<vmem>>, vector<1x16xf32>,
        %get3A_346 = vector.shape_cast %get3A_345 : vector<1x16xf32> to vector<16xf32>
        %mul3A_347 = arith.mulf %get3A_346, %gather3A_342 : vector<16xf32>
        %swap3A_348 = arith.index_cast %scan3A_247 : i32 to index
        %swap3A_349 = arith.constant 96 : index
        %swap3A_350 = tpu.vector_load %arg18[%swap3A_348, %swap3A_349] {strides = array<i32>} : memref<40x128xf32, #tpu.memory_space<vmem>>, vector<1x16xf32>,
        %swap3A_351 = vector.shape_cast %swap3A_350 : vector<1x16xf32> to vector<16xf32>
        %swap3A_352 = vector.shape_cast %mul3A_347 : vector<16xf32> to vector<1x16xf32>
        tpu.vector_store %arg18[%swap3A_348, %swap3A_349], %swap3A_352 {strides = array<i32>} : memref<40x128xf32, #tpu.memory_space<vmem>>, vector<1x16xf32>,
        %broadcast_in_dim3A_353 = arith.constant 7 : i32
        %broadcast_in_dim3A_354 = vector.broadcast %broadcast_in_dim3A_353 : i32 to vector<16xi32>
        %broadcast_in_dim3A_355 = vector.shape_cast %broadcast_in_dim3A_354 : vector<16xi32> to vector<16x1xi32>
        %gather3A_356 = vector.shape_cast %broadcast_in_dim3A_355 : vector<16x1xi32> to vector<16xi32>
        %gather3A_357 = tpu.dynamic_gather %get3A_250[%gather3A_356] in [0] : vector<16xf32>, vector<16xi32> -> vector<16xf32>
        %get3A_358 = arith.index_cast %scan3A_247 : i32 to index
        %get3A_359 = arith.constant 112 : index
        %get3A_360 = tpu.vector_load %arg13[%get3A_358, %get3A_359] {strides = array<i32>} : memref<40x128xf32, #tpu.memory_space<vmem>>, vector<1x16xf32>,
        %get3A_361 = vector.shape_cast %get3A_360 : vector<1x16xf32> to vector<16xf32>
        %mul3A_362 = arith.mulf %get3A_361, %gather3A_357 : vector<16xf32>
        %swap3A_363 = arith.index_cast %scan3A_247 : i32 to index
        %swap3A_364 = arith.constant 112 : index
        %swap3A_365 = tpu.vector_load %arg18[%swap3A_363, %swap3A_364] {strides = array<i32>} : memref<40x128xf32, #tpu.memory_space<vmem>>, vector<1x16xf32>,
        %swap3A_366 = vector.shape_cast %swap3A_365 : vector<1x16xf32> to vector<16xf32>
        %swap3A_367 = vector.shape_cast %mul3A_362 : vector<16xf32> to vector<1x16xf32>
        tpu.vector_store %arg18[%swap3A_363, %swap3A_364], %swap3A_367 {strides = array<i32>} : memref<40x128xf32, #tpu.memory_space<vmem>>, vector<1x16xf32>,
      }
      %scan3A_245 = arith.constant 40 : i32
      %run_scoped3A_246 = arith.constant 3 : i32
      "tpu.region"() ({
        %run_scoped3A_247 = tpu.sem_alloc : memref<!tpu.dma_semaphore, #tpu.memory_space<semaphore_mem>>
        %dma_start3A_248 = arith.constant 0 : i32
        %dma_start3A_249 = tpu.memref_slice %arg9[%run_scoped3A_246, %dma_start3A_248] : memref<4x40xi32, #tpu.memory_space<vmem>> -> memref<1x40xi32, #tpu.memory_space<vmem>>
        %dma_start3A_250 = tpu.memref_squeeze %dma_start3A_249 : memref<1x40xi32, #tpu.memory_space<vmem>> -> memref<40xi32, #tpu.memory_space<vmem>>
        %dma_start3A_251 = arith.constant 0 : i32
        %dma_start3A_252 = arith.constant 0 : i32
        %dma_start3A_253 = tpu.memref_slice %arg19[%dma_start3A_251, %dma_start3A_252] : memref<10240x128xf32, #tpu.memory_space<vmem_shared>> -> memref<10240x128xf32, #tpu.memory_space<vmem_shared>>
        tpu.enqueue_indirect_dma source(%arg18 : memref<40x128xf32, #tpu.memory_space<vmem>>) target(%dma_start3A_253 : memref<10240x128xf32, #tpu.memory_space<vmem_shared>>) offsets(%dma_start3A_250 : memref<40xi32, #tpu.memory_space<vmem>>) semaphore(%run_scoped3A_247 : memref<!tpu.dma_semaphore, #tpu.memory_space<semaphore_mem>>) {add = true}
        %dma_wait3A_254 = arith.constant 0 : i32
        %dma_wait3A_255 = tpu.memref_slice %arg9[%run_scoped3A_246, %dma_wait3A_254] : memref<4x40xi32, #tpu.memory_space<vmem>> -> memref<1x40xi32, #tpu.memory_space<vmem>>
        %dma_wait3A_256 = tpu.memref_squeeze %dma_wait3A_255 : memref<1x40xi32, #tpu.memory_space<vmem>> -> memref<40xi32, #tpu.memory_space<vmem>>
        %dma_wait3A_257 = arith.constant 0 : i32
        %dma_wait3A_258 = arith.constant 0 : i32
        %dma_wait3A_259 = tpu.memref_slice %arg19[%dma_wait3A_257, %dma_wait3A_258] : memref<10240x128xf32, #tpu.memory_space<vmem_shared>> -> memref<10240x128xf32, #tpu.memory_space<vmem_shared>>
        tpu.wait_indirect_dma semaphore(%run_scoped3A_247 : memref<!tpu.dma_semaphore, #tpu.memory_space<semaphore_mem>>) src(%arg18 : memref<40x128xf32, #tpu.memory_space<vmem>>) dst(%dma_wait3A_259 : memref<10240x128xf32, #tpu.memory_space<vmem_shared>>)
        tpu.yield
      }) : () -> ()
    }
    %scan3A_9 = arith.constant 62 : i32
    %add3A_10 = arith.constant 9920 : i32
    %add3A_11 = arith.addi %mul3A_2, %add3A_10 : i32
    %add3A_12 = arith.constant 0 : i32
    %add3A_13 = arith.addi %add3A_11, %add3A_12 : i32
    %run_scoped3A = arith.constant 0 : i32
    "tpu.region"() ({
      %run_scoped3A_111 = tpu.sem_alloc : memref<!tpu.dma_semaphore, #tpu.memory_space<semaphore_mem>>
      %dma_start3A_112 = arith.constant 0 : i32
      %dma_start3A_113 = tpu.memref_slice %arg8[%run_scoped3A, %dma_start3A_112] : memref<4x40xi32, #tpu.memory_space<vmem>> -> memref<1x40xi32, #tpu.memory_space<vmem>>
      %dma_start3A_114 = tpu.memref_squeeze %dma_start3A_113 : memref<1x40xi32, #tpu.memory_space<vmem>> -> memref<40xi32, #tpu.memory_space<vmem>>
      %dma_start3A_115 = tpu.memref_slice %arg4[%add3A_13] : memref<320000xi32, #tpu.memory_space<hbm>> -> memref<40xi32, #tpu.memory_space<hbm>>
      %dma_start3A_116 = arith.constant 0 : i32
      %dma_start3A_117 = tpu.memref_slice %arg8[%run_scoped3A, %dma_start3A_116] : memref<4x40xi32, #tpu.memory_space<vmem>> -> memref<1x40xi32, #tpu.memory_space<vmem>>
      %dma_start3A_118 = tpu.memref_squeeze %dma_start3A_117 : memref<1x40xi32, #tpu.memory_space<vmem>> -> memref<40xi32, #tpu.memory_space<vmem>>
      %dma_start3A_119 = tpu.memref_slice %arg4[%add3A_13] : memref<320000xi32, #tpu.memory_space<hbm>> -> memref<40xi32, #tpu.memory_space<hbm>>
      tpu.enqueue_dma source(%dma_start3A_119 : memref<40xi32, #tpu.memory_space<hbm>>) target(%dma_start3A_118 : memref<40xi32, #tpu.memory_space<vmem>>) target_semaphore(%run_scoped3A_111 : memref<!tpu.dma_semaphore, #tpu.memory_space<semaphore_mem>>)
      %dma_wait3A_120 = arith.constant 0 : i32
      %dma_wait3A_121 = tpu.memref_slice %arg8[%run_scoped3A, %dma_wait3A_120] : memref<4x40xi32, #tpu.memory_space<vmem>> -> memref<1x40xi32, #tpu.memory_space<vmem>>
      %dma_wait3A_122 = tpu.memref_squeeze %dma_wait3A_121 : memref<1x40xi32, #tpu.memory_space<vmem>> -> memref<40xi32, #tpu.memory_space<vmem>>
      %dma_wait3A_123 = tpu.memref_slice %arg4[%add3A_13] : memref<320000xi32, #tpu.memory_space<hbm>> -> memref<40xi32, #tpu.memory_space<hbm>>
      %dma_wait3A_124 = arith.constant 0 : i32
      %dma_wait3A_125 = tpu.memref_slice %arg8[%run_scoped3A, %dma_wait3A_124] : memref<4x40xi32, #tpu.memory_space<vmem>> -> memref<1x40xi32, #tpu.memory_space<vmem>>
      %dma_wait3A_126 = tpu.memref_squeeze %dma_wait3A_125 : memref<1x40xi32, #tpu.memory_space<vmem>> -> memref<40xi32, #tpu.memory_space<vmem>>
      %dma_wait3A_127 = tpu.memref_slice %arg4[%add3A_13] : memref<320000xi32, #tpu.memory_space<hbm>> -> memref<40xi32, #tpu.memory_space<hbm>>
      tpu.wait_dma2 semaphore(%run_scoped3A_111 : memref<!tpu.dma_semaphore, #tpu.memory_space<semaphore_mem>>) src(%dma_wait3A_127 : memref<40xi32, #tpu.memory_space<hbm>>) dst(%dma_wait3A_126 : memref<40xi32, #tpu.memory_space<vmem>>)
      tpu.yield
    }) : () -> ()
    %run_scoped3A_14 = arith.constant 0 : i32
    "tpu.region"() ({
      %run_scoped3A_111 = tpu.sem_alloc : memref<!tpu.dma_semaphore, #tpu.memory_space<semaphore_mem>>
      %dma_start3A_112 = arith.constant 0 : i32
      %dma_start3A_113 = tpu.memref_slice %arg9[%run_scoped3A_14, %dma_start3A_112] : memref<4x40xi32, #tpu.memory_space<vmem>> -> memref<1x40xi32, #tpu.memory_space<vmem>>
      %dma_start3A_114 = tpu.memref_squeeze %dma_start3A_113 : memref<1x40xi32, #tpu.memory_space<vmem>> -> memref<40xi32, #tpu.memory_space<vmem>>
      %dma_start3A_115 = tpu.memref_slice %arg5[%add3A_13] : memref<320000xi32, #tpu.memory_space<hbm>> -> memref<40xi32, #tpu.memory_space<hbm>>
      %dma_start3A_116 = arith.constant 0 : i32
      %dma_start3A_117 = tpu.memref_slice %arg9[%run_scoped3A_14, %dma_start3A_116] : memref<4x40xi32, #tpu.memory_space<vmem>> -> memref<1x40xi32, #tpu.memory_space<vmem>>
      %dma_start3A_118 = tpu.memref_squeeze %dma_start3A_117 : memref<1x40xi32, #tpu.memory_space<vmem>> -> memref<40xi32, #tpu.memory_space<vmem>>
      %dma_start3A_119 = tpu.memref_slice %arg5[%add3A_13] : memref<320000xi32, #tpu.memory_space<hbm>> -> memref<40xi32, #tpu.memory_space<hbm>>
      tpu.enqueue_dma source(%dma_start3A_119 : memref<40xi32, #tpu.memory_space<hbm>>) target(%dma_start3A_118 : memref<40xi32, #tpu.memory_space<vmem>>) target_semaphore(%run_scoped3A_111 : memref<!tpu.dma_semaphore, #tpu.memory_space<semaphore_mem>>)
      %dma_wait3A_120 = arith.constant 0 : i32
      %dma_wait3A_121 = tpu.memref_slice %arg9[%run_scoped3A_14, %dma_wait3A_120] : memref<4x40xi32, #tpu.memory_space<vmem>> -> memref<1x40xi32, #tpu.memory_space<vmem>>
      %dma_wait3A_122 = tpu.memref_squeeze %dma_wait3A_121 : memref<1x40xi32, #tpu.memory_space<vmem>> -> memref<40xi32, #tpu.memory_space<vmem>>
      %dma_wait3A_123 = tpu.memref_slice %arg5[%add3A_13] : memref<320000xi32, #tpu.memory_space<hbm>> -> memref<40xi32, #tpu.memory_space<hbm>>
      %dma_wait3A_124 = arith.constant 0 : i32
      %dma_wait3A_125 = tpu.memref_slice %arg9[%run_scoped3A_14, %dma_wait3A_124] : memref<4x40xi32, #tpu.memory_space<vmem>> -> memref<1x40xi32, #tpu.memory_space<vmem>>
      %dma_wait3A_126 = tpu.memref_squeeze %dma_wait3A_125 : memref<1x40xi32, #tpu.memory_space<vmem>> -> memref<40xi32, #tpu.memory_space<vmem>>
      %dma_wait3A_127 = tpu.memref_slice %arg5[%add3A_13] : memref<320000xi32, #tpu.memory_space<hbm>> -> memref<40xi32, #tpu.memory_space<hbm>>
      tpu.wait_dma2 semaphore(%run_scoped3A_111 : memref<!tpu.dma_semaphore, #tpu.memory_space<semaphore_mem>>) src(%dma_wait3A_127 : memref<40xi32, #tpu.memory_space<hbm>>) dst(%dma_wait3A_126 : memref<40xi32, #tpu.memory_space<vmem>>)
      tpu.yield
    }) : () -> ()
    %dma_start3A = arith.constant 0 : i32
    %dma_start3A_15 = arith.constant 0 : i32
    %dma_start3A_16 = tpu.memref_slice %arg8[%dma_start3A, %dma_start3A_15] : memref<4x40xi32, #tpu.memory_space<vmem>> -> memref<1x40xi32, #tpu.memory_space<vmem>>
    %dma_start3A_17 = tpu.memref_squeeze %dma_start3A_16 : memref<1x40xi32, #tpu.memory_space<vmem>> -> memref<40xi32, #tpu.memory_space<vmem>>
    %dma_start3A_18 = arith.constant 0 : i32
    %dma_start3A_19 = arith.constant 0 : i32
    %dma_start3A_20 = tpu.memref_slice %arg2[%dma_start3A_18, %dma_start3A_19] : memref<10000x128xf32, #tpu.memory_space<hbm>> -> memref<10000x128xf32, #tpu.memory_space<hbm>>
    tpu.enqueue_indirect_dma source(%dma_start3A_20 : memref<10000x128xf32, #tpu.memory_space<hbm>>) target(%arg10 : memref<40x128xf32, #tpu.memory_space<vmem>>) offsets(%dma_start3A_17 : memref<40xi32, #tpu.memory_space<vmem>>) semaphore(%arg20 : memref<!tpu.dma_semaphore, #tpu.memory_space<semaphore_mem>>)
    %dma_start3A_21 = arith.constant 0 : i32
    %dma_start3A_22 = tpu.memref_slice %arg3[%add3A_13, %dma_start3A_21] : memref<320000x16xf32, #tpu.memory_space<hbm>> -> memref<40x16xf32, #tpu.memory_space<hbm>>
    %dma_start3A_23 = arith.constant 0 : i32
    %dma_start3A_24 = tpu.memref_slice %arg3[%add3A_13, %dma_start3A_23] : memref<320000x16xf32, #tpu.memory_space<hbm>> -> memref<40x16xf32, #tpu.memory_space<hbm>>
    tpu.enqueue_dma source(%dma_start3A_24 : memref<40x16xf32, #tpu.memory_space<hbm>>) target(%arg14 : memref<40x16xf32, #tpu.memory_space<vmem>>) target_semaphore(%arg20 : memref<!tpu.dma_semaphore, #tpu.memory_space<semaphore_mem>>)
    %add3A_25 = arith.constant 40 : i32
    %add3A_26 = arith.addi %add3A_11, %add3A_25 : i32
    %run_scoped3A_27 = arith.constant 1 : i32
    "tpu.region"() ({
      %run_scoped3A_111 = tpu.sem_alloc : memref<!tpu.dma_semaphore, #tpu.memory_space<semaphore_mem>>
      %dma_start3A_112 = arith.constant 0 : i32
      %dma_start3A_113 = tpu.memref_slice %arg8[%run_scoped3A_27, %dma_start3A_112] : memref<4x40xi32, #tpu.memory_space<vmem>> -> memref<1x40xi32, #tpu.memory_space<vmem>>
      %dma_start3A_114 = tpu.memref_squeeze %dma_start3A_113 : memref<1x40xi32, #tpu.memory_space<vmem>> -> memref<40xi32, #tpu.memory_space<vmem>>
      %dma_start3A_115 = tpu.memref_slice %arg4[%add3A_26] : memref<320000xi32, #tpu.memory_space<hbm>> -> memref<40xi32, #tpu.memory_space<hbm>>
      %dma_start3A_116 = arith.constant 0 : i32
      %dma_start3A_117 = tpu.memref_slice %arg8[%run_scoped3A_27, %dma_start3A_116] : memref<4x40xi32, #tpu.memory_space<vmem>> -> memref<1x40xi32, #tpu.memory_space<vmem>>
      %dma_start3A_118 = tpu.memref_squeeze %dma_start3A_117 : memref<1x40xi32, #tpu.memory_space<vmem>> -> memref<40xi32, #tpu.memory_space<vmem>>
      %dma_start3A_119 = tpu.memref_slice %arg4[%add3A_26] : memref<320000xi32, #tpu.memory_space<hbm>> -> memref<40xi32, #tpu.memory_space<hbm>>
      tpu.enqueue_dma source(%dma_start3A_119 : memref<40xi32, #tpu.memory_space<hbm>>) target(%dma_start3A_118 : memref<40xi32, #tpu.memory_space<vmem>>) target_semaphore(%run_scoped3A_111 : memref<!tpu.dma_semaphore, #tpu.memory_space<semaphore_mem>>)
      %dma_wait3A_120 = arith.constant 0 : i32
      %dma_wait3A_121 = tpu.memref_slice %arg8[%run_scoped3A_27, %dma_wait3A_120] : memref<4x40xi32, #tpu.memory_space<vmem>> -> memref<1x40xi32, #tpu.memory_space<vmem>>
      %dma_wait3A_122 = tpu.memref_squeeze %dma_wait3A_121 : memref<1x40xi32, #tpu.memory_space<vmem>> -> memref<40xi32, #tpu.memory_space<vmem>>
      %dma_wait3A_123 = tpu.memref_slice %arg4[%add3A_26] : memref<320000xi32, #tpu.memory_space<hbm>> -> memref<40xi32, #tpu.memory_space<hbm>>
      %dma_wait3A_124 = arith.constant 0 : i32
      %dma_wait3A_125 = tpu.memref_slice %arg8[%run_scoped3A_27, %dma_wait3A_124] : memref<4x40xi32, #tpu.memory_space<vmem>> -> memref<1x40xi32, #tpu.memory_space<vmem>>
      %dma_wait3A_126 = tpu.memref_squeeze %dma_wait3A_125 : memref<1x40xi32, #tpu.memory_space<vmem>> -> memref<40xi32, #tpu.memory_space<vmem>>
      %dma_wait3A_127 = tpu.memref_slice %arg4[%add3A_26] : memref<320000xi32, #tpu.memory_space<hbm>> -> memref<40xi32, #tpu.memory_space<hbm>>
      tpu.wait_dma2 semaphore(%run_scoped3A_111 : memref<!tpu.dma_semaphore, #tpu.memory_space<semaphore_mem>>) src(%dma_wait3A_127 : memref<40xi32, #tpu.memory_space<hbm>>) dst(%dma_wait3A_126 : memref<40xi32, #tpu.memory_space<vmem>>)
      tpu.yield
    }) : () -> ()
    %run_scoped3A_28 = arith.constant 1 : i32
    "tpu.region"() ({
      %run_scoped3A_111 = tpu.sem_alloc : memref<!tpu.dma_semaphore, #tpu.memory_space<semaphore_mem>>
      %dma_start3A_112 = arith.constant 0 : i32
      %dma_start3A_113 = tpu.memref_slice %arg9[%run_scoped3A_28, %dma_start3A_112] : memref<4x40xi32, #tpu.memory_space<vmem>> -> memref<1x40xi32, #tpu.memory_space<vmem>>
      %dma_start3A_114 = tpu.memref_squeeze %dma_start3A_113 : memref<1x40xi32, #tpu.memory_space<vmem>> -> memref<40xi32, #tpu.memory_space<vmem>>
      %dma_start3A_115 = tpu.memref_slice %arg5[%add3A_26] : memref<320000xi32, #tpu.memory_space<hbm>> -> memref<40xi32, #tpu.memory_space<hbm>>
      %dma_start3A_116 = arith.constant 0 : i32
      %dma_start3A_117 = tpu.memref_slice %arg9[%run_scoped3A_28, %dma_start3A_116] : memref<4x40xi32, #tpu.memory_space<vmem>> -> memref<1x40xi32, #tpu.memory_space<vmem>>
      %dma_start3A_118 = tpu.memref_squeeze %dma_start3A_117 : memref<1x40xi32, #tpu.memory_space<vmem>> -> memref<40xi32, #tpu.memory_space<vmem>>
      %dma_start3A_119 = tpu.memref_slice %arg5[%add3A_26] : memref<320000xi32, #tpu.memory_space<hbm>> -> memref<40xi32, #tpu.memory_space<hbm>>
      tpu.enqueue_dma source(%dma_start3A_119 : memref<40xi32, #tpu.memory_space<hbm>>) target(%dma_start3A_118 : memref<40xi32, #tpu.memory_space<vmem>>) target_semaphore(%run_scoped3A_111 : memref<!tpu.dma_semaphore, #tpu.memory_space<semaphore_mem>>)
      %dma_wait3A_120 = arith.constant 0 : i32
      %dma_wait3A_121 = tpu.memref_slice %arg9[%run_scoped3A_28, %dma_wait3A_120] : memref<4x40xi32, #tpu.memory_space<vmem>> -> memref<1x40xi32, #tpu.memory_space<vmem>>
      %dma_wait3A_122 = tpu.memref_squeeze %dma_wait3A_121 : memref<1x40xi32, #tpu.memory_space<vmem>> -> memref<40xi32, #tpu.memory_space<vmem>>
      %dma_wait3A_123 = tpu.memref_slice %arg5[%add3A_26] : memref<320000xi32, #tpu.memory_space<hbm>> -> memref<40xi32, #tpu.memory_space<hbm>>
      %dma_wait3A_124 = arith.constant 0 : i32
      %dma_wait3A_125 = tpu.memref_slice %arg9[%run_scoped3A_28, %dma_wait3A_124] : memref<4x40xi32, #tpu.memory_space<vmem>> -> memref<1x40xi32, #tpu.memory_space<vmem>>
      %dma_wait3A_126 = tpu.memref_squeeze %dma_wait3A_125 : memref<1x40xi32, #tpu.memory_space<vmem>> -> memref<40xi32, #tpu.memory_space<vmem>>
      %dma_wait3A_127 = tpu.memref_slice %arg5[%add3A_26] : memref<320000xi32, #tpu.memory_space<hbm>> -> memref<40xi32, #tpu.memory_space<hbm>>
      tpu.wait_dma2 semaphore(%run_scoped3A_111 : memref<!tpu.dma_semaphore, #tpu.memory_space<semaphore_mem>>) src(%dma_wait3A_127 : memref<40xi32, #tpu.memory_space<hbm>>) dst(%dma_wait3A_126 : memref<40xi32, #tpu.memory_space<vmem>>)
      tpu.yield
    }) : () -> ()
    %dma_start3A_29 = arith.constant 1 : i32
    %dma_start3A_30 = arith.constant 0 : i32
    %dma_start3A_31 = tpu.memref_slice %arg8[%dma_start3A_29, %dma_start3A_30] : memref<4x40xi32, #tpu.memory_space<vmem>> -> memref<1x40xi32, #tpu.memory_space<vmem>>
    %dma_start3A_32 = tpu.memref_squeeze %dma_start3A_31 : memref<1x40xi32, #tpu.memory_space<vmem>> -> memref<40xi32, #tpu.memory_space<vmem>>
    %dma_start3A_33 = arith.constant 0 : i32
    %dma_start3A_34 = arith.constant 0 : i32
    %dma_start3A_35 = tpu.memref_slice %arg2[%dma_start3A_33, %dma_start3A_34] : memref<10000x128xf32, #tpu.memory_space<hbm>> -> memref<10000x128xf32, #tpu.memory_space<hbm>>
    tpu.enqueue_indirect_dma source(%dma_start3A_35 : memref<10000x128xf32, #tpu.memory_space<hbm>>) target(%arg11 : memref<40x128xf32, #tpu.memory_space<vmem>>) offsets(%dma_start3A_32 : memref<40xi32, #tpu.memory_space<vmem>>) semaphore(%arg21 : memref<!tpu.dma_semaphore, #tpu.memory_space<semaphore_mem>>)
    %dma_start3A_36 = arith.constant 0 : i32
    %dma_start3A_37 = tpu.memref_slice %arg3[%add3A_26, %dma_start3A_36] : memref<320000x16xf32, #tpu.memory_space<hbm>> -> memref<40x16xf32, #tpu.memory_space<hbm>>
    %dma_start3A_38 = arith.constant 0 : i32
    %dma_start3A_39 = tpu.memref_slice %arg3[%add3A_26, %dma_start3A_38] : memref<320000x16xf32, #tpu.memory_space<hbm>> -> memref<40x16xf32, #tpu.memory_space<hbm>>
    tpu.enqueue_dma source(%dma_start3A_39 : memref<40x16xf32, #tpu.memory_space<hbm>>) target(%arg15 : memref<40x16xf32, #tpu.memory_space<vmem>>) target_semaphore(%arg21 : memref<!tpu.dma_semaphore, #tpu.memory_space<semaphore_mem>>)
    %dma_wait3A = arith.constant 0 : i32
    %dma_wait3A_40 = arith.constant 0 : i32
    %dma_wait3A_41 = tpu.memref_slice %arg8[%dma_wait3A, %dma_wait3A_40] : memref<4x40xi32, #tpu.memory_space<vmem>> -> memref<1x40xi32, #tpu.memory_space<vmem>>
    %dma_wait3A_42 = tpu.memref_squeeze %dma_wait3A_41 : memref<1x40xi32, #tpu.memory_space<vmem>> -> memref<40xi32, #tpu.memory_space<vmem>>
    %dma_wait3A_43 = arith.constant 0 : i32
    %dma_wait3A_44 = arith.constant 0 : i32
    %dma_wait3A_45 = tpu.memref_slice %arg2[%dma_wait3A_43, %dma_wait3A_44] : memref<10000x128xf32, #tpu.memory_space<hbm>> -> memref<10000x128xf32, #tpu.memory_space<hbm>>
    tpu.wait_indirect_dma semaphore(%arg20 : memref<!tpu.dma_semaphore, #tpu.memory_space<semaphore_mem>>) src(%dma_wait3A_45 : memref<10000x128xf32, #tpu.memory_space<hbm>>) dst(%arg10 : memref<40x128xf32, #tpu.memory_space<vmem>>)
    %dma_wait3A_46 = arith.constant 0 : i32
    %dma_wait3A_47 = tpu.memref_slice %arg3[%add3A_13, %dma_wait3A_46] : memref<320000x16xf32, #tpu.memory_space<hbm>> -> memref<40x16xf32, #tpu.memory_space<hbm>>
    %dma_wait3A_48 = arith.constant 0 : i32
    %dma_wait3A_49 = tpu.memref_slice %arg3[%add3A_13, %dma_wait3A_48] : memref<320000x16xf32, #tpu.memory_space<hbm>> -> memref<40x16xf32, #tpu.memory_space<hbm>>
    tpu.wait_dma2 semaphore(%arg20 : memref<!tpu.dma_semaphore, #tpu.memory_space<semaphore_mem>>) src(%dma_wait3A_49 : memref<40x16xf32, #tpu.memory_space<hbm>>) dst(%arg14 : memref<40x16xf32, #tpu.memory_space<vmem>>)
    %scan3A_50 = arith.constant 0 : i32
    %scan3A_51 = arith.constant 0 : i32
    %scan3A_52 = arith.constant 40 : i32
    %scan3A_53 = arith.addi %scan3A_51, %scan3A_52 : i32
    %scan3A_54 = arith.constant 1 : i32
    scf.for %scan3A_111 = %scan3A_51 to %scan3A_53 step %scan3A_54  : i32 {
      %get3A = arith.index_cast %scan3A_111 : i32 to index
      %get3A_112 = arith.constant 0 : index
      %get3A_113 = tpu.vector_load %arg14[%get3A, %get3A_112] {strides = array<i32>} : memref<40x16xf32, #tpu.memory_space<vmem>>, vector<1x16xf32>,
      %get3A_114 = vector.shape_cast %get3A_113 : vector<1x16xf32> to vector<16xf32>
      %broadcast_in_dim3A = arith.constant 0 : i32
      %broadcast_in_dim3A_115 = vector.broadcast %broadcast_in_dim3A : i32 to vector<16xi32>
      %broadcast_in_dim3A_116 = vector.shape_cast %broadcast_in_dim3A_115 : vector<16xi32> to vector<16x1xi32>
      %gather3A = vector.shape_cast %broadcast_in_dim3A_116 : vector<16x1xi32> to vector<16xi32>
      %gather3A_117 = tpu.dynamic_gather %get3A_114[%gather3A] in [0] : vector<16xf32>, vector<16xi32> -> vector<16xf32>
      %get3A_118 = arith.index_cast %scan3A_111 : i32 to index
      %get3A_119 = arith.constant 0 : index
      %get3A_120 = tpu.vector_load %arg10[%get3A_118, %get3A_119] {strides = array<i32>} : memref<40x128xf32, #tpu.memory_space<vmem>>, vector<1x16xf32>,
      %get3A_121 = vector.shape_cast %get3A_120 : vector<1x16xf32> to vector<16xf32>
      %mul3A_122 = arith.mulf %get3A_121, %gather3A_117 : vector<16xf32>
      %swap3A = arith.index_cast %scan3A_111 : i32 to index
      %swap3A_123 = arith.constant 0 : index
      %swap3A_124 = tpu.vector_load %arg18[%swap3A, %swap3A_123] {strides = array<i32>} : memref<40x128xf32, #tpu.memory_space<vmem>>, vector<1x16xf32>,
      %swap3A_125 = vector.shape_cast %swap3A_124 : vector<1x16xf32> to vector<16xf32>
      %swap3A_126 = vector.shape_cast %mul3A_122 : vector<16xf32> to vector<1x16xf32>
      tpu.vector_store %arg18[%swap3A, %swap3A_123], %swap3A_126 {strides = array<i32>} : memref<40x128xf32, #tpu.memory_space<vmem>>, vector<1x16xf32>,
      %broadcast_in_dim3A_127 = arith.constant 1 : i32
      %broadcast_in_dim3A_128 = vector.broadcast %broadcast_in_dim3A_127 : i32 to vector<16xi32>
      %broadcast_in_dim3A_129 = vector.shape_cast %broadcast_in_dim3A_128 : vector<16xi32> to vector<16x1xi32>
      %gather3A_130 = vector.shape_cast %broadcast_in_dim3A_129 : vector<16x1xi32> to vector<16xi32>
      %gather3A_131 = tpu.dynamic_gather %get3A_114[%gather3A_130] in [0] : vector<16xf32>, vector<16xi32> -> vector<16xf32>
      %get3A_132 = arith.index_cast %scan3A_111 : i32 to index
      %get3A_133 = arith.constant 16 : index
      %get3A_134 = tpu.vector_load %arg10[%get3A_132, %get3A_133] {strides = array<i32>} : memref<40x128xf32, #tpu.memory_space<vmem>>, vector<1x16xf32>,
      %get3A_135 = vector.shape_cast %get3A_134 : vector<1x16xf32> to vector<16xf32>
      %mul3A_136 = arith.mulf %get3A_135, %gather3A_131 : vector<16xf32>
      %swap3A_137 = arith.index_cast %scan3A_111 : i32 to index
      %swap3A_138 = arith.constant 16 : index
      %swap3A_139 = tpu.vector_load %arg18[%swap3A_137, %swap3A_138] {strides = array<i32>} : memref<40x128xf32, #tpu.memory_space<vmem>>, vector<1x16xf32>,
      %swap3A_140 = vector.shape_cast %swap3A_139 : vector<1x16xf32> to vector<16xf32>
      %swap3A_141 = vector.shape_cast %mul3A_136 : vector<16xf32> to vector<1x16xf32>
      tpu.vector_store %arg18[%swap3A_137, %swap3A_138], %swap3A_141 {strides = array<i32>} : memref<40x128xf32, #tpu.memory_space<vmem>>, vector<1x16xf32>,
      %broadcast_in_dim3A_142 = arith.constant 2 : i32
      %broadcast_in_dim3A_143 = vector.broadcast %broadcast_in_dim3A_142 : i32 to vector<16xi32>
      %broadcast_in_dim3A_144 = vector.shape_cast %broadcast_in_dim3A_143 : vector<16xi32> to vector<16x1xi32>
      %gather3A_145 = vector.shape_cast %broadcast_in_dim3A_144 : vector<16x1xi32> to vector<16xi32>
      %gather3A_146 = tpu.dynamic_gather %get3A_114[%gather3A_145] in [0] : vector<16xf32>, vector<16xi32> -> vector<16xf32>
      %get3A_147 = arith.index_cast %scan3A_111 : i32 to index
      %get3A_148 = arith.constant 32 : index
      %get3A_149 = tpu.vector_load %arg10[%get3A_147, %get3A_148] {strides = array<i32>} : memref<40x128xf32, #tpu.memory_space<vmem>>, vector<1x16xf32>,
      %get3A_150 = vector.shape_cast %get3A_149 : vector<1x16xf32> to vector<16xf32>
      %mul3A_151 = arith.mulf %get3A_150, %gather3A_146 : vector<16xf32>
      %swap3A_152 = arith.index_cast %scan3A_111 : i32 to index
      %swap3A_153 = arith.constant 32 : index
      %swap3A_154 = tpu.vector_load %arg18[%swap3A_152, %swap3A_153] {strides = array<i32>} : memref<40x128xf32, #tpu.memory_space<vmem>>, vector<1x16xf32>,
      %swap3A_155 = vector.shape_cast %swap3A_154 : vector<1x16xf32> to vector<16xf32>
      %swap3A_156 = vector.shape_cast %mul3A_151 : vector<16xf32> to vector<1x16xf32>
      tpu.vector_store %arg18[%swap3A_152, %swap3A_153], %swap3A_156 {strides = array<i32>} : memref<40x128xf32, #tpu.memory_space<vmem>>, vector<1x16xf32>,
      %broadcast_in_dim3A_157 = arith.constant 3 : i32
      %broadcast_in_dim3A_158 = vector.broadcast %broadcast_in_dim3A_157 : i32 to vector<16xi32>
      %broadcast_in_dim3A_159 = vector.shape_cast %broadcast_in_dim3A_158 : vector<16xi32> to vector<16x1xi32>
      %gather3A_160 = vector.shape_cast %broadcast_in_dim3A_159 : vector<16x1xi32> to vector<16xi32>
      %gather3A_161 = tpu.dynamic_gather %get3A_114[%gather3A_160] in [0] : vector<16xf32>, vector<16xi32> -> vector<16xf32>
      %get3A_162 = arith.index_cast %scan3A_111 : i32 to index
      %get3A_163 = arith.constant 48 : index
      %get3A_164 = tpu.vector_load %arg10[%get3A_162, %get3A_163] {strides = array<i32>} : memref<40x128xf32, #tpu.memory_space<vmem>>, vector<1x16xf32>,
      %get3A_165 = vector.shape_cast %get3A_164 : vector<1x16xf32> to vector<16xf32>
      %mul3A_166 = arith.mulf %get3A_165, %gather3A_161 : vector<16xf32>
      %swap3A_167 = arith.index_cast %scan3A_111 : i32 to index
      %swap3A_168 = arith.constant 48 : index
      %swap3A_169 = tpu.vector_load %arg18[%swap3A_167, %swap3A_168] {strides = array<i32>} : memref<40x128xf32, #tpu.memory_space<vmem>>, vector<1x16xf32>,
      %swap3A_170 = vector.shape_cast %swap3A_169 : vector<1x16xf32> to vector<16xf32>
      %swap3A_171 = vector.shape_cast %mul3A_166 : vector<16xf32> to vector<1x16xf32>
      tpu.vector_store %arg18[%swap3A_167, %swap3A_168], %swap3A_171 {strides = array<i32>} : memref<40x128xf32, #tpu.memory_space<vmem>>, vector<1x16xf32>,
      %broadcast_in_dim3A_172 = arith.constant 4 : i32
      %broadcast_in_dim3A_173 = vector.broadcast %broadcast_in_dim3A_172 : i32 to vector<16xi32>
      %broadcast_in_dim3A_174 = vector.shape_cast %broadcast_in_dim3A_173 : vector<16xi32> to vector<16x1xi32>
      %gather3A_175 = vector.shape_cast %broadcast_in_dim3A_174 : vector<16x1xi32> to vector<16xi32>
      %gather3A_176 = tpu.dynamic_gather %get3A_114[%gather3A_175] in [0] : vector<16xf32>, vector<16xi32> -> vector<16xf32>
      %get3A_177 = arith.index_cast %scan3A_111 : i32 to index
      %get3A_178 = arith.constant 64 : index
      %get3A_179 = tpu.vector_load %arg10[%get3A_177, %get3A_178] {strides = array<i32>} : memref<40x128xf32, #tpu.memory_space<vmem>>, vector<1x16xf32>,
      %get3A_180 = vector.shape_cast %get3A_179 : vector<1x16xf32> to vector<16xf32>
      %mul3A_181 = arith.mulf %get3A_180, %gather3A_176 : vector<16xf32>
      %swap3A_182 = arith.index_cast %scan3A_111 : i32 to index
      %swap3A_183 = arith.constant 64 : index
      %swap3A_184 = tpu.vector_load %arg18[%swap3A_182, %swap3A_183] {strides = array<i32>} : memref<40x128xf32, #tpu.memory_space<vmem>>, vector<1x16xf32>,
      %swap3A_185 = vector.shape_cast %swap3A_184 : vector<1x16xf32> to vector<16xf32>
      %swap3A_186 = vector.shape_cast %mul3A_181 : vector<16xf32> to vector<1x16xf32>
      tpu.vector_store %arg18[%swap3A_182, %swap3A_183], %swap3A_186 {strides = array<i32>} : memref<40x128xf32, #tpu.memory_space<vmem>>, vector<1x16xf32>,
      %broadcast_in_dim3A_187 = arith.constant 5 : i32
      %broadcast_in_dim3A_188 = vector.broadcast %broadcast_in_dim3A_187 : i32 to vector<16xi32>
      %broadcast_in_dim3A_189 = vector.shape_cast %broadcast_in_dim3A_188 : vector<16xi32> to vector<16x1xi32>
      %gather3A_190 = vector.shape_cast %broadcast_in_dim3A_189 : vector<16x1xi32> to vector<16xi32>
      %gather3A_191 = tpu.dynamic_gather %get3A_114[%gather3A_190] in [0] : vector<16xf32>, vector<16xi32> -> vector<16xf32>
      %get3A_192 = arith.index_cast %scan3A_111 : i32 to index
      %get3A_193 = arith.constant 80 : index
      %get3A_194 = tpu.vector_load %arg10[%get3A_192, %get3A_193] {strides = array<i32>} : memref<40x128xf32, #tpu.memory_space<vmem>>, vector<1x16xf32>,
      %get3A_195 = vector.shape_cast %get3A_194 : vector<1x16xf32> to vector<16xf32>
      %mul3A_196 = arith.mulf %get3A_195, %gather3A_191 : vector<16xf32>
      %swap3A_197 = arith.index_cast %scan3A_111 : i32 to index
      %swap3A_198 = arith.constant 80 : index
      %swap3A_199 = tpu.vector_load %arg18[%swap3A_197, %swap3A_198] {strides = array<i32>} : memref<40x128xf32, #tpu.memory_space<vmem>>, vector<1x16xf32>,
      %swap3A_200 = vector.shape_cast %swap3A_199 : vector<1x16xf32> to vector<16xf32>
      %swap3A_201 = vector.shape_cast %mul3A_196 : vector<16xf32> to vector<1x16xf32>
      tpu.vector_store %arg18[%swap3A_197, %swap3A_198], %swap3A_201 {strides = array<i32>} : memref<40x128xf32, #tpu.memory_space<vmem>>, vector<1x16xf32>,
      %broadcast_in_dim3A_202 = arith.constant 6 : i32
      %broadcast_in_dim3A_203 = vector.broadcast %broadcast_in_dim3A_202 : i32 to vector<16xi32>
      %broadcast_in_dim3A_204 = vector.shape_cast %broadcast_in_dim3A_203 : vector<16xi32> to vector<16x1xi32>
      %gather3A_205 = vector.shape_cast %broadcast_in_dim3A_204 : vector<16x1xi32> to vector<16xi32>
      %gather3A_206 = tpu.dynamic_gather %get3A_114[%gather3A_205] in [0] : vector<16xf32>, vector<16xi32> -> vector<16xf32>
      %get3A_207 = arith.index_cast %scan3A_111 : i32 to index
      %get3A_208 = arith.constant 96 : index
      %get3A_209 = tpu.vector_load %arg10[%get3A_207, %get3A_208] {strides = array<i32>} : memref<40x128xf32, #tpu.memory_space<vmem>>, vector<1x16xf32>,
      %get3A_210 = vector.shape_cast %get3A_209 : vector<1x16xf32> to vector<16xf32>
      %mul3A_211 = arith.mulf %get3A_210, %gather3A_206 : vector<16xf32>
      %swap3A_212 = arith.index_cast %scan3A_111 : i32 to index
      %swap3A_213 = arith.constant 96 : index
      %swap3A_214 = tpu.vector_load %arg18[%swap3A_212, %swap3A_213] {strides = array<i32>} : memref<40x128xf32, #tpu.memory_space<vmem>>, vector<1x16xf32>,
      %swap3A_215 = vector.shape_cast %swap3A_214 : vector<1x16xf32> to vector<16xf32>
      %swap3A_216 = vector.shape_cast %mul3A_211 : vector<16xf32> to vector<1x16xf32>
      tpu.vector_store %arg18[%swap3A_212, %swap3A_213], %swap3A_216 {strides = array<i32>} : memref<40x128xf32, #tpu.memory_space<vmem>>, vector<1x16xf32>,
      %broadcast_in_dim3A_217 = arith.constant 7 : i32
      %broadcast_in_dim3A_218 = vector.broadcast %broadcast_in_dim3A_217 : i32 to vector<16xi32>
      %broadcast_in_dim3A_219 = vector.shape_cast %broadcast_in_dim3A_218 : vector<16xi32> to vector<16x1xi32>
      %gather3A_220 = vector.shape_cast %broadcast_in_dim3A_219 : vector<16x1xi32> to vector<16xi32>
      %gather3A_221 = tpu.dynamic_gather %get3A_114[%gather3A_220] in [0] : vector<16xf32>, vector<16xi32> -> vector<16xf32>
      %get3A_222 = arith.index_cast %scan3A_111 : i32 to index
      %get3A_223 = arith.constant 112 : index
      %get3A_224 = tpu.vector_load %arg10[%get3A_222, %get3A_223] {strides = array<i32>} : memref<40x128xf32, #tpu.memory_space<vmem>>, vector<1x16xf32>,
      %get3A_225 = vector.shape_cast %get3A_224 : vector<1x16xf32> to vector<16xf32>
      %mul3A_226 = arith.mulf %get3A_225, %gather3A_221 : vector<16xf32>
      %swap3A_227 = arith.index_cast %scan3A_111 : i32 to index
      %swap3A_228 = arith.constant 112 : index
      %swap3A_229 = tpu.vector_load %arg18[%swap3A_227, %swap3A_228] {strides = array<i32>} : memref<40x128xf32, #tpu.memory_space<vmem>>, vector<1x16xf32>,
      %swap3A_230 = vector.shape_cast %swap3A_229 : vector<1x16xf32> to vector<16xf32>
      %swap3A_231 = vector.shape_cast %mul3A_226 : vector<16xf32> to vector<1x16xf32>
      tpu.vector_store %arg18[%swap3A_227, %swap3A_228], %swap3A_231 {strides = array<i32>} : memref<40x128xf32, #tpu.memory_space<vmem>>, vector<1x16xf32>,
    }
    %scan3A_55 = arith.constant 40 : i32
    %run_scoped3A_56 = arith.constant 0 : i32
    "tpu.region"() ({
      %run_scoped3A_111 = tpu.sem_alloc : memref<!tpu.dma_semaphore, #tpu.memory_space<semaphore_mem>>
      %dma_start3A_112 = arith.constant 0 : i32
      %dma_start3A_113 = tpu.memref_slice %arg9[%run_scoped3A_56, %dma_start3A_112] : memref<4x40xi32, #tpu.memory_space<vmem>> -> memref<1x40xi32, #tpu.memory_space<vmem>>
      %dma_start3A_114 = tpu.memref_squeeze %dma_start3A_113 : memref<1x40xi32, #tpu.memory_space<vmem>> -> memref<40xi32, #tpu.memory_space<vmem>>
      %dma_start3A_115 = arith.constant 0 : i32
      %dma_start3A_116 = arith.constant 0 : i32
      %dma_start3A_117 = tpu.memref_slice %arg19[%dma_start3A_115, %dma_start3A_116] : memref<10240x128xf32, #tpu.memory_space<vmem_shared>> -> memref<10240x128xf32, #tpu.memory_space<vmem_shared>>
      tpu.enqueue_indirect_dma source(%arg18 : memref<40x128xf32, #tpu.memory_space<vmem>>) target(%dma_start3A_117 : memref<10240x128xf32, #tpu.memory_space<vmem_shared>>) offsets(%dma_start3A_114 : memref<40xi32, #tpu.memory_space<vmem>>) semaphore(%run_scoped3A_111 : memref<!tpu.dma_semaphore, #tpu.memory_space<semaphore_mem>>) {add = true}
      %dma_wait3A_118 = arith.constant 0 : i32
      %dma_wait3A_119 = tpu.memref_slice %arg9[%run_scoped3A_56, %dma_wait3A_118] : memref<4x40xi32, #tpu.memory_space<vmem>> -> memref<1x40xi32, #tpu.memory_space<vmem>>
      %dma_wait3A_120 = tpu.memref_squeeze %dma_wait3A_119 : memref<1x40xi32, #tpu.memory_space<vmem>> -> memref<40xi32, #tpu.memory_space<vmem>>
      %dma_wait3A_121 = arith.constant 0 : i32
      %dma_wait3A_122 = arith.constant 0 : i32
      %dma_wait3A_123 = tpu.memref_slice %arg19[%dma_wait3A_121, %dma_wait3A_122] : memref<10240x128xf32, #tpu.memory_space<vmem_shared>> -> memref<10240x128xf32, #tpu.memory_space<vmem_shared>>
      tpu.wait_indirect_dma semaphore(%run_scoped3A_111 : memref<!tpu.dma_semaphore, #tpu.memory_space<semaphore_mem>>) src(%arg18 : memref<40x128xf32, #tpu.memory_space<vmem>>) dst(%dma_wait3A_123 : memref<10240x128xf32, #tpu.memory_space<vmem_shared>>)
      tpu.yield
    }) : () -> ()
    %dma_wait3A_57 = arith.constant 1 : i32
    %dma_wait3A_58 = arith.constant 0 : i32
    %dma_wait3A_59 = tpu.memref_slice %arg8[%dma_wait3A_57, %dma_wait3A_58] : memref<4x40xi32, #tpu.memory_space<vmem>> -> memref<1x40xi32, #tpu.memory_space<vmem>>
    %dma_wait3A_60 = tpu.memref_squeeze %dma_wait3A_59 : memref<1x40xi32, #tpu.memory_space<vmem>> -> memref<40xi32, #tpu.memory_space<vmem>>
    %dma_wait3A_61 = arith.constant 0 : i32
    %dma_wait3A_62 = arith.constant 0 : i32
    %dma_wait3A_63 = tpu.memref_slice %arg2[%dma_wait3A_61, %dma_wait3A_62] : memref<10000x128xf32, #tpu.memory_space<hbm>> -> memref<10000x128xf32, #tpu.memory_space<hbm>>
    tpu.wait_indirect_dma semaphore(%arg21 : memref<!tpu.dma_semaphore, #tpu.memory_space<semaphore_mem>>) src(%dma_wait3A_63 : memref<10000x128xf32, #tpu.memory_space<hbm>>) dst(%arg11 : memref<40x128xf32, #tpu.memory_space<vmem>>)
    %dma_wait3A_64 = arith.constant 0 : i32
    %dma_wait3A_65 = tpu.memref_slice %arg3[%add3A_26, %dma_wait3A_64] : memref<320000x16xf32, #tpu.memory_space<hbm>> -> memref<40x16xf32, #tpu.memory_space<hbm>>
    %dma_wait3A_66 = arith.constant 0 : i32
    %dma_wait3A_67 = tpu.memref_slice %arg3[%add3A_26, %dma_wait3A_66] : memref<320000x16xf32, #tpu.memory_space<hbm>> -> memref<40x16xf32, #tpu.memory_space<hbm>>
    tpu.wait_dma2 semaphore(%arg21 : memref<!tpu.dma_semaphore, #tpu.memory_space<semaphore_mem>>) src(%dma_wait3A_67 : memref<40x16xf32, #tpu.memory_space<hbm>>) dst(%arg15 : memref<40x16xf32, #tpu.memory_space<vmem>>)
    %scan3A_68 = arith.constant 0 : i32
    %scan3A_69 = arith.constant 0 : i32
    %scan3A_70 = arith.constant 40 : i32
    %scan3A_71 = arith.addi %scan3A_69, %scan3A_70 : i32
    %scan3A_72 = arith.constant 1 : i32
    scf.for %scan3A_111 = %scan3A_69 to %scan3A_71 step %scan3A_72  : i32 {
      %get3A = arith.index_cast %scan3A_111 : i32 to index
      %get3A_112 = arith.constant 0 : index
      %get3A_113 = tpu.vector_load %arg15[%get3A, %get3A_112] {strides = array<i32>} : memref<40x16xf32, #tpu.memory_space<vmem>>, vector<1x16xf32>,
      %get3A_114 = vector.shape_cast %get3A_113 : vector<1x16xf32> to vector<16xf32>
      %broadcast_in_dim3A = arith.constant 0 : i32
      %broadcast_in_dim3A_115 = vector.broadcast %broadcast_in_dim3A : i32 to vector<16xi32>
      %broadcast_in_dim3A_116 = vector.shape_cast %broadcast_in_dim3A_115 : vector<16xi32> to vector<16x1xi32>
      %gather3A = vector.shape_cast %broadcast_in_dim3A_116 : vector<16x1xi32> to vector<16xi32>
      %gather3A_117 = tpu.dynamic_gather %get3A_114[%gather3A] in [0] : vector<16xf32>, vector<16xi32> -> vector<16xf32>
      %get3A_118 = arith.index_cast %scan3A_111 : i32 to index
      %get3A_119 = arith.constant 0 : index
      %get3A_120 = tpu.vector_load %arg11[%get3A_118, %get3A_119] {strides = array<i32>} : memref<40x128xf32, #tpu.memory_space<vmem>>, vector<1x16xf32>,
      %get3A_121 = vector.shape_cast %get3A_120 : vector<1x16xf32> to vector<16xf32>
      %mul3A_122 = arith.mulf %get3A_121, %gather3A_117 : vector<16xf32>
      %swap3A = arith.index_cast %scan3A_111 : i32 to index
      %swap3A_123 = arith.constant 0 : index
      %swap3A_124 = tpu.vector_load %arg18[%swap3A, %swap3A_123] {strides = array<i32>} : memref<40x128xf32, #tpu.memory_space<vmem>>, vector<1x16xf32>,
      %swap3A_125 = vector.shape_cast %swap3A_124 : vector<1x16xf32> to vector<16xf32>
      %swap3A_126 = vector.shape_cast %mul3A_122 : vector<16xf32> to vector<1x16xf32>
      tpu.vector_store %arg18[%swap3A, %swap3A_123], %swap3A_126 {strides = array<i32>} : memref<40x128xf32, #tpu.memory_space<vmem>>, vector<1x16xf32>,
      %broadcast_in_dim3A_127 = arith.constant 1 : i32
      %broadcast_in_dim3A_128 = vector.broadcast %broadcast_in_dim3A_127 : i32 to vector<16xi32>
      %broadcast_in_dim3A_129 = vector.shape_cast %broadcast_in_dim3A_128 : vector<16xi32> to vector<16x1xi32>
      %gather3A_130 = vector.shape_cast %broadcast_in_dim3A_129 : vector<16x1xi32> to vector<16xi32>
      %gather3A_131 = tpu.dynamic_gather %get3A_114[%gather3A_130] in [0] : vector<16xf32>, vector<16xi32> -> vector<16xf32>
      %get3A_132 = arith.index_cast %scan3A_111 : i32 to index
      %get3A_133 = arith.constant 16 : index
      %get3A_134 = tpu.vector_load %arg11[%get3A_132, %get3A_133] {strides = array<i32>} : memref<40x128xf32, #tpu.memory_space<vmem>>, vector<1x16xf32>,
      %get3A_135 = vector.shape_cast %get3A_134 : vector<1x16xf32> to vector<16xf32>
      %mul3A_136 = arith.mulf %get3A_135, %gather3A_131 : vector<16xf32>
      %swap3A_137 = arith.index_cast %scan3A_111 : i32 to index
      %swap3A_138 = arith.constant 16 : index
      %swap3A_139 = tpu.vector_load %arg18[%swap3A_137, %swap3A_138] {strides = array<i32>} : memref<40x128xf32, #tpu.memory_space<vmem>>, vector<1x16xf32>,
      %swap3A_140 = vector.shape_cast %swap3A_139 : vector<1x16xf32> to vector<16xf32>
      %swap3A_141 = vector.shape_cast %mul3A_136 : vector<16xf32> to vector<1x16xf32>
      tpu.vector_store %arg18[%swap3A_137, %swap3A_138], %swap3A_141 {strides = array<i32>} : memref<40x128xf32, #tpu.memory_space<vmem>>, vector<1x16xf32>,
      %broadcast_in_dim3A_142 = arith.constant 2 : i32
      %broadcast_in_dim3A_143 = vector.broadcast %broadcast_in_dim3A_142 : i32 to vector<16xi32>
      %broadcast_in_dim3A_144 = vector.shape_cast %broadcast_in_dim3A_143 : vector<16xi32> to vector<16x1xi32>
      %gather3A_145 = vector.shape_cast %broadcast_in_dim3A_144 : vector<16x1xi32> to vector<16xi32>
      %gather3A_146 = tpu.dynamic_gather %get3A_114[%gather3A_145] in [0] : vector<16xf32>, vector<16xi32> -> vector<16xf32>
      %get3A_147 = arith.index_cast %scan3A_111 : i32 to index
      %get3A_148 = arith.constant 32 : index
      %get3A_149 = tpu.vector_load %arg11[%get3A_147, %get3A_148] {strides = array<i32>} : memref<40x128xf32, #tpu.memory_space<vmem>>, vector<1x16xf32>,
      %get3A_150 = vector.shape_cast %get3A_149 : vector<1x16xf32> to vector<16xf32>
      %mul3A_151 = arith.mulf %get3A_150, %gather3A_146 : vector<16xf32>
      %swap3A_152 = arith.index_cast %scan3A_111 : i32 to index
      %swap3A_153 = arith.constant 32 : index
      %swap3A_154 = tpu.vector_load %arg18[%swap3A_152, %swap3A_153] {strides = array<i32>} : memref<40x128xf32, #tpu.memory_space<vmem>>, vector<1x16xf32>,
      %swap3A_155 = vector.shape_cast %swap3A_154 : vector<1x16xf32> to vector<16xf32>
      %swap3A_156 = vector.shape_cast %mul3A_151 : vector<16xf32> to vector<1x16xf32>
      tpu.vector_store %arg18[%swap3A_152, %swap3A_153], %swap3A_156 {strides = array<i32>} : memref<40x128xf32, #tpu.memory_space<vmem>>, vector<1x16xf32>,
      %broadcast_in_dim3A_157 = arith.constant 3 : i32
      %broadcast_in_dim3A_158 = vector.broadcast %broadcast_in_dim3A_157 : i32 to vector<16xi32>
      %broadcast_in_dim3A_159 = vector.shape_cast %broadcast_in_dim3A_158 : vector<16xi32> to vector<16x1xi32>
      %gather3A_160 = vector.shape_cast %broadcast_in_dim3A_159 : vector<16x1xi32> to vector<16xi32>
      %gather3A_161 = tpu.dynamic_gather %get3A_114[%gather3A_160] in [0] : vector<16xf32>, vector<16xi32> -> vector<16xf32>
      %get3A_162 = arith.index_cast %scan3A_111 : i32 to index
      %get3A_163 = arith.constant 48 : index
      %get3A_164 = tpu.vector_load %arg11[%get3A_162, %get3A_163] {strides = array<i32>} : memref<40x128xf32, #tpu.memory_space<vmem>>, vector<1x16xf32>,
      %get3A_165 = vector.shape_cast %get3A_164 : vector<1x16xf32> to vector<16xf32>
      %mul3A_166 = arith.mulf %get3A_165, %gather3A_161 : vector<16xf32>
      %swap3A_167 = arith.index_cast %scan3A_111 : i32 to index
      %swap3A_168 = arith.constant 48 : index
      %swap3A_169 = tpu.vector_load %arg18[%swap3A_167, %swap3A_168] {strides = array<i32>} : memref<40x128xf32, #tpu.memory_space<vmem>>, vector<1x16xf32>,
      %swap3A_170 = vector.shape_cast %swap3A_169 : vector<1x16xf32> to vector<16xf32>
      %swap3A_171 = vector.shape_cast %mul3A_166 : vector<16xf32> to vector<1x16xf32>
      tpu.vector_store %arg18[%swap3A_167, %swap3A_168], %swap3A_171 {strides = array<i32>} : memref<40x128xf32, #tpu.memory_space<vmem>>, vector<1x16xf32>,
      %broadcast_in_dim3A_172 = arith.constant 4 : i32
      %broadcast_in_dim3A_173 = vector.broadcast %broadcast_in_dim3A_172 : i32 to vector<16xi32>
      %broadcast_in_dim3A_174 = vector.shape_cast %broadcast_in_dim3A_173 : vector<16xi32> to vector<16x1xi32>
      %gather3A_175 = vector.shape_cast %broadcast_in_dim3A_174 : vector<16x1xi32> to vector<16xi32>
      %gather3A_176 = tpu.dynamic_gather %get3A_114[%gather3A_175] in [0] : vector<16xf32>, vector<16xi32> -> vector<16xf32>
      %get3A_177 = arith.index_cast %scan3A_111 : i32 to index
      %get3A_178 = arith.constant 64 : index
      %get3A_179 = tpu.vector_load %arg11[%get3A_177, %get3A_178] {strides = array<i32>} : memref<40x128xf32, #tpu.memory_space<vmem>>, vector<1x16xf32>,
      %get3A_180 = vector.shape_cast %get3A_179 : vector<1x16xf32> to vector<16xf32>
      %mul3A_181 = arith.mulf %get3A_180, %gather3A_176 : vector<16xf32>
      %swap3A_182 = arith.index_cast %scan3A_111 : i32 to index
      %swap3A_183 = arith.constant 64 : index
      %swap3A_184 = tpu.vector_load %arg18[%swap3A_182, %swap3A_183] {strides = array<i32>} : memref<40x128xf32, #tpu.memory_space<vmem>>, vector<1x16xf32>,
      %swap3A_185 = vector.shape_cast %swap3A_184 : vector<1x16xf32> to vector<16xf32>
      %swap3A_186 = vector.shape_cast %mul3A_181 : vector<16xf32> to vector<1x16xf32>
      tpu.vector_store %arg18[%swap3A_182, %swap3A_183], %swap3A_186 {strides = array<i32>} : memref<40x128xf32, #tpu.memory_space<vmem>>, vector<1x16xf32>,
      %broadcast_in_dim3A_187 = arith.constant 5 : i32
      %broadcast_in_dim3A_188 = vector.broadcast %broadcast_in_dim3A_187 : i32 to vector<16xi32>
      %broadcast_in_dim3A_189 = vector.shape_cast %broadcast_in_dim3A_188 : vector<16xi32> to vector<16x1xi32>
      %gather3A_190 = vector.shape_cast %broadcast_in_dim3A_189 : vector<16x1xi32> to vector<16xi32>
      %gather3A_191 = tpu.dynamic_gather %get3A_114[%gather3A_190] in [0] : vector<16xf32>, vector<16xi32> -> vector<16xf32>
      %get3A_192 = arith.index_cast %scan3A_111 : i32 to index
      %get3A_193 = arith.constant 80 : index
      %get3A_194 = tpu.vector_load %arg11[%get3A_192, %get3A_193] {strides = array<i32>} : memref<40x128xf32, #tpu.memory_space<vmem>>, vector<1x16xf32>,
      %get3A_195 = vector.shape_cast %get3A_194 : vector<1x16xf32> to vector<16xf32>
      %mul3A_196 = arith.mulf %get3A_195, %gather3A_191 : vector<16xf32>
      %swap3A_197 = arith.index_cast %scan3A_111 : i32 to index
      %swap3A_198 = arith.constant 80 : index
      %swap3A_199 = tpu.vector_load %arg18[%swap3A_197, %swap3A_198] {strides = array<i32>} : memref<40x128xf32, #tpu.memory_space<vmem>>, vector<1x16xf32>,
      %swap3A_200 = vector.shape_cast %swap3A_199 : vector<1x16xf32> to vector<16xf32>
      %swap3A_201 = vector.shape_cast %mul3A_196 : vector<16xf32> to vector<1x16xf32>
      tpu.vector_store %arg18[%swap3A_197, %swap3A_198], %swap3A_201 {strides = array<i32>} : memref<40x128xf32, #tpu.memory_space<vmem>>, vector<1x16xf32>,
      %broadcast_in_dim3A_202 = arith.constant 6 : i32
      %broadcast_in_dim3A_203 = vector.broadcast %broadcast_in_dim3A_202 : i32 to vector<16xi32>
      %broadcast_in_dim3A_204 = vector.shape_cast %broadcast_in_dim3A_203 : vector<16xi32> to vector<16x1xi32>
      %gather3A_205 = vector.shape_cast %broadcast_in_dim3A_204 : vector<16x1xi32> to vector<16xi32>
      %gather3A_206 = tpu.dynamic_gather %get3A_114[%gather3A_205] in [0] : vector<16xf32>, vector<16xi32> -> vector<16xf32>
      %get3A_207 = arith.index_cast %scan3A_111 : i32 to index
      %get3A_208 = arith.constant 96 : index
      %get3A_209 = tpu.vector_load %arg11[%get3A_207, %get3A_208] {strides = array<i32>} : memref<40x128xf32, #tpu.memory_space<vmem>>, vector<1x16xf32>,
      %get3A_210 = vector.shape_cast %get3A_209 : vector<1x16xf32> to vector<16xf32>
      %mul3A_211 = arith.mulf %get3A_210, %gather3A_206 : vector<16xf32>
      %swap3A_212 = arith.index_cast %scan3A_111 : i32 to index
      %swap3A_213 = arith.constant 96 : index
      %swap3A_214 = tpu.vector_load %arg18[%swap3A_212, %swap3A_213] {strides = array<i32>} : memref<40x128xf32, #tpu.memory_space<vmem>>, vector<1x16xf32>,
      %swap3A_215 = vector.shape_cast %swap3A_214 : vector<1x16xf32> to vector<16xf32>
      %swap3A_216 = vector.shape_cast %mul3A_211 : vector<16xf32> to vector<1x16xf32>
      tpu.vector_store %arg18[%swap3A_212, %swap3A_213], %swap3A_216 {strides = array<i32>} : memref<40x128xf32, #tpu.memory_space<vmem>>, vector<1x16xf32>,
      %broadcast_in_dim3A_217 = arith.constant 7 : i32
      %broadcast_in_dim3A_218 = vector.broadcast %broadcast_in_dim3A_217 : i32 to vector<16xi32>
      %broadcast_in_dim3A_219 = vector.shape_cast %broadcast_in_dim3A_218 : vector<16xi32> to vector<16x1xi32>
      %gather3A_220 = vector.shape_cast %broadcast_in_dim3A_219 : vector<16x1xi32> to vector<16xi32>
      %gather3A_221 = tpu.dynamic_gather %get3A_114[%gather3A_220] in [0] : vector<16xf32>, vector<16xi32> -> vector<16xf32>
      %get3A_222 = arith.index_cast %scan3A_111 : i32 to index
      %get3A_223 = arith.constant 112 : index
      %get3A_224 = tpu.vector_load %arg11[%get3A_222, %get3A_223] {strides = array<i32>} : memref<40x128xf32, #tpu.memory_space<vmem>>, vector<1x16xf32>,
      %get3A_225 = vector.shape_cast %get3A_224 : vector<1x16xf32> to vector<16xf32>
      %mul3A_226 = arith.mulf %get3A_225, %gather3A_221 : vector<16xf32>
      %swap3A_227 = arith.index_cast %scan3A_111 : i32 to index
      %swap3A_228 = arith.constant 112 : index
      %swap3A_229 = tpu.vector_load %arg18[%swap3A_227, %swap3A_228] {strides = array<i32>} : memref<40x128xf32, #tpu.memory_space<vmem>>, vector<1x16xf32>,
      %swap3A_230 = vector.shape_cast %swap3A_229 : vector<1x16xf32> to vector<16xf32>
      %swap3A_231 = vector.shape_cast %mul3A_226 : vector<16xf32> to vector<1x16xf32>
      tpu.vector_store %arg18[%swap3A_227, %swap3A_228], %swap3A_231 {strides = array<i32>} : memref<40x128xf32, #tpu.memory_space<vmem>>, vector<1x16xf32>,
    }
    %scan3A_73 = arith.constant 40 : i32
    %run_scoped3A_74 = arith.constant 1 : i32
    "tpu.region"() ({
      %run_scoped3A_111 = tpu.sem_alloc : memref<!tpu.dma_semaphore, #tpu.memory_space<semaphore_mem>>
      %dma_start3A_112 = arith.constant 0 : i32
      %dma_start3A_113 = tpu.memref_slice %arg9[%run_scoped3A_74, %dma_start3A_112] : memref<4x40xi32, #tpu.memory_space<vmem>> -> memref<1x40xi32, #tpu.memory_space<vmem>>
      %dma_start3A_114 = tpu.memref_squeeze %dma_start3A_113 : memref<1x40xi32, #tpu.memory_space<vmem>> -> memref<40xi32, #tpu.memory_space<vmem>>
      %dma_start3A_115 = arith.constant 0 : i32
      %dma_start3A_116 = arith.constant 0 : i32
      %dma_start3A_117 = tpu.memref_slice %arg19[%dma_start3A_115, %dma_start3A_116] : memref<10240x128xf32, #tpu.memory_space<vmem_shared>> -> memref<10240x128xf32, #tpu.memory_space<vmem_shared>>
      tpu.enqueue_indirect_dma source(%arg18 : memref<40x128xf32, #tpu.memory_space<vmem>>) target(%dma_start3A_117 : memref<10240x128xf32, #tpu.memory_space<vmem_shared>>) offsets(%dma_start3A_114 : memref<40xi32, #tpu.memory_space<vmem>>) semaphore(%run_scoped3A_111 : memref<!tpu.dma_semaphore, #tpu.memory_space<semaphore_mem>>) {add = true}
      %dma_wait3A_118 = arith.constant 0 : i32
      %dma_wait3A_119 = tpu.memref_slice %arg9[%run_scoped3A_74, %dma_wait3A_118] : memref<4x40xi32, #tpu.memory_space<vmem>> -> memref<1x40xi32, #tpu.memory_space<vmem>>
      %dma_wait3A_120 = tpu.memref_squeeze %dma_wait3A_119 : memref<1x40xi32, #tpu.memory_space<vmem>> -> memref<40xi32, #tpu.memory_space<vmem>>
      %dma_wait3A_121 = arith.constant 0 : i32
      %dma_wait3A_122 = arith.constant 0 : i32
      %dma_wait3A_123 = tpu.memref_slice %arg19[%dma_wait3A_121, %dma_wait3A_122] : memref<10240x128xf32, #tpu.memory_space<vmem_shared>> -> memref<10240x128xf32, #tpu.memory_space<vmem_shared>>
      tpu.wait_indirect_dma semaphore(%run_scoped3A_111 : memref<!tpu.dma_semaphore, #tpu.memory_space<semaphore_mem>>) src(%arg18 : memref<40x128xf32, #tpu.memory_space<vmem>>) dst(%dma_wait3A_123 : memref<10240x128xf32, #tpu.memory_space<vmem_shared>>)
      tpu.yield
    }) : () -> ()
    %barrier3A_75 = arith.constant 0 : index
    tpu.barrier barrier_id(%barrier3A_75)
    %mul3A_76 = arith.constant 640 : i32
    %mul3A_77 = arith.muli %arg1, %mul3A_76 : i32
    %add3A_78 = arith.constant 0 : i32
    %add3A_79 = arith.addi %mul3A_77, %add3A_78 : i32
    %mul3A_80 = arith.constant 10240 : i32
    %mul3A_81 = arith.muli %arg0, %mul3A_80 : i32
    %add3A_82 = arith.addi %mul3A_81, %add3A_79 : i32
    "tpu.region"() ({
      %run_scoped3A_111 = tpu.sem_alloc : memref<!tpu.dma_semaphore, #tpu.memory_space<semaphore_mem>>
      %dma_start3A_112 = arith.constant 0 : i32
      %dma_start3A_113 = tpu.memref_slice %arg7[%add3A_82, %dma_start3A_112] : memref<20480x128xf32, #tpu.memory_space<hbm>> -> memref<128x128xf32, #tpu.memory_space<hbm>>
      %dma_start3A_114 = arith.constant 0 : i32
      %dma_start3A_115 = tpu.memref_slice %arg19[%add3A_79, %dma_start3A_114] : memref<10240x128xf32, #tpu.memory_space<vmem_shared>> -> memref<128x128xf32, #tpu.memory_space<vmem_shared>>
      tpu.enqueue_dma source(%dma_start3A_115 : memref<128x128xf32, #tpu.memory_space<vmem_shared>>) target(%dma_start3A_113 : memref<128x128xf32, #tpu.memory_space<hbm>>) target_semaphore(%run_scoped3A_111 : memref<!tpu.dma_semaphore, #tpu.memory_space<semaphore_mem>>)
      %dma_wait3A_116 = arith.constant 0 : i32
      %dma_wait3A_117 = tpu.memref_slice %arg7[%add3A_82, %dma_wait3A_116] : memref<20480x128xf32, #tpu.memory_space<hbm>> -> memref<128x128xf32, #tpu.memory_space<hbm>>
      %dma_wait3A_118 = arith.constant 0 : i32
      %dma_wait3A_119 = tpu.memref_slice %arg19[%add3A_79, %dma_wait3A_118] : memref<10240x128xf32, #tpu.memory_space<vmem_shared>> -> memref<128x128xf32, #tpu.memory_space<vmem_shared>>
      tpu.wait_dma2 semaphore(%run_scoped3A_111 : memref<!tpu.dma_semaphore, #tpu.memory_space<semaphore_mem>>) src(%dma_wait3A_119 : memref<128x128xf32, #tpu.memory_space<vmem_shared>>) dst(%dma_wait3A_117 : memref<128x128xf32, #tpu.memory_space<hbm>>)
      tpu.yield
    }) : () -> ()
    %mul3A_83 = arith.constant 640 : i32
    %mul3A_84 = arith.muli %arg1, %mul3A_83 : i32
    %add3A_85 = arith.constant 128 : i32
    %add3A_86 = arith.addi %mul3A_84, %add3A_85 : i32
    %mul3A_87 = arith.constant 10240 : i32
    %mul3A_88 = arith.muli %arg0, %mul3A_87 : i32
    %add3A_89 = arith.addi %mul3A_88, %add3A_86 : i32
    "tpu.region"() ({
      %run_scoped3A_111 = tpu.sem_alloc : memref<!tpu.dma_semaphore, #tpu.memory_space<semaphore_mem>>
      %dma_start3A_112 = arith.constant 0 : i32
      %dma_start3A_113 = tpu.memref_slice %arg7[%add3A_89, %dma_start3A_112] : memref<20480x128xf32, #tpu.memory_space<hbm>> -> memref<128x128xf32, #tpu.memory_space<hbm>>
      %dma_start3A_114 = arith.constant 0 : i32
      %dma_start3A_115 = tpu.memref_slice %arg19[%add3A_86, %dma_start3A_114] : memref<10240x128xf32, #tpu.memory_space<vmem_shared>> -> memref<128x128xf32, #tpu.memory_space<vmem_shared>>
      tpu.enqueue_dma source(%dma_start3A_115 : memref<128x128xf32, #tpu.memory_space<vmem_shared>>) target(%dma_start3A_113 : memref<128x128xf32, #tpu.memory_space<hbm>>) target_semaphore(%run_scoped3A_111 : memref<!tpu.dma_semaphore, #tpu.memory_space<semaphore_mem>>)
      %dma_wait3A_116 = arith.constant 0 : i32
      %dma_wait3A_117 = tpu.memref_slice %arg7[%add3A_89, %dma_wait3A_116] : memref<20480x128xf32, #tpu.memory_space<hbm>> -> memref<128x128xf32, #tpu.memory_space<hbm>>
      %dma_wait3A_118 = arith.constant 0 : i32
      %dma_wait3A_119 = tpu.memref_slice %arg19[%add3A_86, %dma_wait3A_118] : memref<10240x128xf32, #tpu.memory_space<vmem_shared>> -> memref<128x128xf32, #tpu.memory_space<vmem_shared>>
      tpu.wait_dma2 semaphore(%run_scoped3A_111 : memref<!tpu.dma_semaphore, #tpu.memory_space<semaphore_mem>>) src(%dma_wait3A_119 : memref<128x128xf32, #tpu.memory_space<vmem_shared>>) dst(%dma_wait3A_117 : memref<128x128xf32, #tpu.memory_space<hbm>>)
      tpu.yield
    }) : () -> ()
    %mul3A_90 = arith.constant 640 : i32
    %mul3A_91 = arith.muli %arg1, %mul3A_90 : i32
    %add3A_92 = arith.constant 256 : i32
    %add3A_93 = arith.addi %mul3A_91, %add3A_92 : i32
    %mul3A_94 = arith.constant 10240 : i32
    %mul3A_95 = arith.muli %arg0, %mul3A_94 : i32
    %add3A_96 = arith.addi %mul3A_95, %add3A_93 : i32
    "tpu.region"() ({
      %run_scoped3A_111 = tpu.sem_alloc : memref<!tpu.dma_semaphore, #tpu.memory_space<semaphore_mem>>
      %dma_start3A_112 = arith.constant 0 : i32
      %dma_start3A_113 = tpu.memref_slice %arg7[%add3A_96, %dma_start3A_112] : memref<20480x128xf32, #tpu.memory_space<hbm>> -> memref<128x128xf32, #tpu.memory_space<hbm>>
      %dma_start3A_114 = arith.constant 0 : i32
      %dma_start3A_115 = tpu.memref_slice %arg19[%add3A_93, %dma_start3A_114] : memref<10240x128xf32, #tpu.memory_space<vmem_shared>> -> memref<128x128xf32, #tpu.memory_space<vmem_shared>>
      tpu.enqueue_dma source(%dma_start3A_115 : memref<128x128xf32, #tpu.memory_space<vmem_shared>>) target(%dma_start3A_113 : memref<128x128xf32, #tpu.memory_space<hbm>>) target_semaphore(%run_scoped3A_111 : memref<!tpu.dma_semaphore, #tpu.memory_space<semaphore_mem>>)
      %dma_wait3A_116 = arith.constant 0 : i32
      %dma_wait3A_117 = tpu.memref_slice %arg7[%add3A_96, %dma_wait3A_116] : memref<20480x128xf32, #tpu.memory_space<hbm>> -> memref<128x128xf32, #tpu.memory_space<hbm>>
      %dma_wait3A_118 = arith.constant 0 : i32
      %dma_wait3A_119 = tpu.memref_slice %arg19[%add3A_93, %dma_wait3A_118] : memref<10240x128xf32, #tpu.memory_space<vmem_shared>> -> memref<128x128xf32, #tpu.memory_space<vmem_shared>>
      tpu.wait_dma2 semaphore(%run_scoped3A_111 : memref<!tpu.dma_semaphore, #tpu.memory_space<semaphore_mem>>) src(%dma_wait3A_119 : memref<128x128xf32, #tpu.memory_space<vmem_shared>>) dst(%dma_wait3A_117 : memref<128x128xf32, #tpu.memory_space<hbm>>)
      tpu.yield
    }) : () -> ()
    %mul3A_97 = arith.constant 640 : i32
    %mul3A_98 = arith.muli %arg1, %mul3A_97 : i32
    %add3A_99 = arith.constant 384 : i32
    %add3A_100 = arith.addi %mul3A_98, %add3A_99 : i32
    %mul3A_101 = arith.constant 10240 : i32
    %mul3A_102 = arith.muli %arg0, %mul3A_101 : i32
    %add3A_103 = arith.addi %mul3A_102, %add3A_100 : i32
    "tpu.region"() ({
      %run_scoped3A_111 = tpu.sem_alloc : memref<!tpu.dma_semaphore, #tpu.memory_space<semaphore_mem>>
      %dma_start3A_112 = arith.constant 0 : i32
      %dma_start3A_113 = tpu.memref_slice %arg7[%add3A_103, %dma_start3A_112] : memref<20480x128xf32, #tpu.memory_space<hbm>> -> memref<128x128xf32, #tpu.memory_space<hbm>>
      %dma_start3A_114 = arith.constant 0 : i32
      %dma_start3A_115 = tpu.memref_slice %arg19[%add3A_100, %dma_start3A_114] : memref<10240x128xf32, #tpu.memory_space<vmem_shared>> -> memref<128x128xf32, #tpu.memory_space<vmem_shared>>
      tpu.enqueue_dma source(%dma_start3A_115 : memref<128x128xf32, #tpu.memory_space<vmem_shared>>) target(%dma_start3A_113 : memref<128x128xf32, #tpu.memory_space<hbm>>) target_semaphore(%run_scoped3A_111 : memref<!tpu.dma_semaphore, #tpu.memory_space<semaphore_mem>>)
      %dma_wait3A_116 = arith.constant 0 : i32
      %dma_wait3A_117 = tpu.memref_slice %arg7[%add3A_103, %dma_wait3A_116] : memref<20480x128xf32, #tpu.memory_space<hbm>> -> memref<128x128xf32, #tpu.memory_space<hbm>>
      %dma_wait3A_118 = arith.constant 0 : i32
      %dma_wait3A_119 = tpu.memref_slice %arg19[%add3A_100, %dma_wait3A_118] : memref<10240x128xf32, #tpu.memory_space<vmem_shared>> -> memref<128x128xf32, #tpu.memory_space<vmem_shared>>
      tpu.wait_dma2 semaphore(%run_scoped3A_111 : memref<!tpu.dma_semaphore, #tpu.memory_space<semaphore_mem>>) src(%dma_wait3A_119 : memref<128x128xf32, #tpu.memory_space<vmem_shared>>) dst(%dma_wait3A_117 : memref<128x128xf32, #tpu.memory_space<hbm>>)
      tpu.yield
    }) : () -> ()
    %mul3A_104 = arith.constant 640 : i32
    %mul3A_105 = arith.muli %arg1, %mul3A_104 : i32
    %add3A_106 = arith.constant 512 : i32
    %add3A_107 = arith.addi %mul3A_105, %add3A_106 : i32
    %mul3A_108 = arith.constant 10240 : i32
    %mul3A_109 = arith.muli %arg0, %mul3A_108 : i32
    %add3A_110 = arith.addi %mul3A_109, %add3A_107 : i32
    "tpu.region"() ({
      %run_scoped3A_111 = tpu.sem_alloc : memref<!tpu.dma_semaphore, #tpu.memory_space<semaphore_mem>>
      %dma_start3A_112 = arith.constant 0 : i32
      %dma_start3A_113 = tpu.memref_slice %arg7[%add3A_110, %dma_start3A_112] : memref<20480x128xf32, #tpu.memory_space<hbm>> -> memref<128x128xf32, #tpu.memory_space<hbm>>
      %dma_start3A_114 = arith.constant 0 : i32
      %dma_start3A_115 = tpu.memref_slice %arg19[%add3A_107, %dma_start3A_114] : memref<10240x128xf32, #tpu.memory_space<vmem_shared>> -> memref<128x128xf32, #tpu.memory_space<vmem_shared>>
      tpu.enqueue_dma source(%dma_start3A_115 : memref<128x128xf32, #tpu.memory_space<vmem_shared>>) target(%dma_start3A_113 : memref<128x128xf32, #tpu.memory_space<hbm>>) target_semaphore(%run_scoped3A_111 : memref<!tpu.dma_semaphore, #tpu.memory_space<semaphore_mem>>)
      %dma_wait3A_116 = arith.constant 0 : i32
      %dma_wait3A_117 = tpu.memref_slice %arg7[%add3A_110, %dma_wait3A_116] : memref<20480x128xf32, #tpu.memory_space<hbm>> -> memref<128x128xf32, #tpu.memory_space<hbm>>
      %dma_wait3A_118 = arith.constant 0 : i32
      %dma_wait3A_119 = tpu.memref_slice %arg19[%add3A_107, %dma_wait3A_118] : memref<10240x128xf32, #tpu.memory_space<vmem_shared>> -> memref<128x128xf32, #tpu.memory_space<vmem_shared>>
      tpu.wait_dma2 semaphore(%run_scoped3A_111 : memref<!tpu.dma_semaphore, #tpu.memory_space<semaphore_mem>>) src(%dma_wait3A_119 : memref<128x128xf32, #tpu.memory_space<vmem_shared>>) dst(%dma_wait3A_117 : memref<128x128xf32, #tpu.memory_space<hbm>>)
      tpu.yield
    }) : () -> ()
    return
  }
}

module attributes {stable_mosaic.version = 14 : i64} {
  func.func @_eproj_body(%arg0: i32, %arg1: memref<4000x16xf32, #tpu.memory_space<vmem>>, %arg2: memref<16x128xf32, #tpu.memory_space<vmem>>, %arg3: memref<4000x64xi32, #tpu.memory_space<vmem>>) attributes {dimension_semantics = [#tpu.dimension_semantics<arbitrary>], iteration_bounds = array<i64: 80>, scalar_prefetch = 0 : i64, scratch_operands = 0 : i64, tpu.core_type = #tpu.core_type<tc>, window_params = [{transform_indices = @transform_0, window_bounds = array<i64: 4000, 16>}, {pipeline_mode = #tpu.pipeline_mode<synchronous>, transform_indices = @transform_1, window_bounds = array<i64: 16, 128>}, {transform_indices = @transform_2, window_bounds = array<i64: 4000, 64>}]} {
    %get3A = arith.constant 0 : index
    %get3A_0 = arith.constant 0 : index
    %get3A_1 = vector.load %arg1[%get3A, %get3A_0] : memref<4000x16xf32, #tpu.memory_space<vmem>>, vector<4000x16xf32>
    %get3A_2 = arith.constant 0 : index
    %get3A_3 = arith.constant 0 : index
    %get3A_4 = vector.load %arg2[%get3A_2, %get3A_3] : memref<16x128xf32, #tpu.memory_space<vmem>>, vector<16x128xf32>
    %dot_general3A = arith.constant dense<0.000000e+00> : vector<4000x128xf32>
    %dot_general3A_5 = tpu.matmul %get3A_1, %get3A_4, %dot_general3A {dimension_numbers = #tpu.dot_dimension_numbers<[1], [0], [0], [1], [0, 0, 1, 1], [], []>, precision = #tpu.contract_precision<fp32>, transpose_lhs_hint = false} : vector<4000x16xf32>, vector<16x128xf32>, vector<4000x128xf32> -> vector<4000x128xf32>
    %slice3A = vector.extract_strided_slice %dot_general3A_5 {offsets = [0, 0], sizes = [4000, 16], strides = [1, 1]} : vector<4000x128xf32> to vector<4000x16xf32>
    %bitcast_convert_type3A = tpu.bitcast %slice3A : vector<4000x16xf32> -> vector<4000x16xi32>
    %slice3A_6 = vector.extract_strided_slice %dot_general3A_5 {offsets = [0, 16], sizes = [4000, 16], strides = [1, 1]} : vector<4000x128xf32> to vector<4000x16xf32>
    %bitcast_convert_type3A_7 = tpu.bitcast %slice3A_6 : vector<4000x16xf32> -> vector<4000x16xi32>
    %shift_right_logical3A = arith.constant 16 : i32
    %shift_right_logical3A_8 = vector.broadcast %shift_right_logical3A : i32 to vector<4000x16xi32>
    %shift_right_logical3A_9 = arith.shrui %bitcast_convert_type3A, %shift_right_logical3A_8 : vector<4000x16xi32>
    %and3A = arith.constant -65536 : i32
    %and3A_10 = vector.broadcast %and3A : i32 to vector<4000x16xi32>
    %and3A_11 = arith.andi %bitcast_convert_type3A_7, %and3A_10 : vector<4000x16xi32>
    %or3A = arith.ori %shift_right_logical3A_9, %and3A_11 : vector<4000x16xi32>
    %swap3A = arith.constant 0 : index
    %swap3A_12 = arith.constant 0 : index
    %swap3A_13 = vector.load %arg3[%swap3A, %swap3A_12] : memref<4000x64xi32, #tpu.memory_space<vmem>>, vector<4000x16xi32>
    tpu.vector_store %arg3[%swap3A, %swap3A_12], %or3A {strides = array<i32>} : memref<4000x64xi32, #tpu.memory_space<vmem>>, vector<4000x16xi32>,
    %slice3A_14 = vector.extract_strided_slice %dot_general3A_5 {offsets = [0, 32], sizes = [4000, 16], strides = [1, 1]} : vector<4000x128xf32> to vector<4000x16xf32>
    %bitcast_convert_type3A_15 = tpu.bitcast %slice3A_14 : vector<4000x16xf32> -> vector<4000x16xi32>
    %slice3A_16 = vector.extract_strided_slice %dot_general3A_5 {offsets = [0, 48], sizes = [4000, 16], strides = [1, 1]} : vector<4000x128xf32> to vector<4000x16xf32>
    %bitcast_convert_type3A_17 = tpu.bitcast %slice3A_16 : vector<4000x16xf32> -> vector<4000x16xi32>
    %shift_right_logical3A_18 = arith.constant 16 : i32
    %shift_right_logical3A_19 = vector.broadcast %shift_right_logical3A_18 : i32 to vector<4000x16xi32>
    %shift_right_logical3A_20 = arith.shrui %bitcast_convert_type3A_15, %shift_right_logical3A_19 : vector<4000x16xi32>
    %and3A_21 = arith.constant -65536 : i32
    %and3A_22 = vector.broadcast %and3A_21 : i32 to vector<4000x16xi32>
    %and3A_23 = arith.andi %bitcast_convert_type3A_17, %and3A_22 : vector<4000x16xi32>
    %or3A_24 = arith.ori %shift_right_logical3A_20, %and3A_23 : vector<4000x16xi32>
    %swap3A_25 = arith.constant 0 : index
    %swap3A_26 = arith.constant 16 : index
    %swap3A_27 = vector.load %arg3[%swap3A_25, %swap3A_26] : memref<4000x64xi32, #tpu.memory_space<vmem>>, vector<4000x16xi32>
    tpu.vector_store %arg3[%swap3A_25, %swap3A_26], %or3A_24 {strides = array<i32>} : memref<4000x64xi32, #tpu.memory_space<vmem>>, vector<4000x16xi32>,
    %slice3A_28 = vector.extract_strided_slice %dot_general3A_5 {offsets = [0, 64], sizes = [4000, 16], strides = [1, 1]} : vector<4000x128xf32> to vector<4000x16xf32>
    %bitcast_convert_type3A_29 = tpu.bitcast %slice3A_28 : vector<4000x16xf32> -> vector<4000x16xi32>
    %slice3A_30 = vector.extract_strided_slice %dot_general3A_5 {offsets = [0, 80], sizes = [4000, 16], strides = [1, 1]} : vector<4000x128xf32> to vector<4000x16xf32>
    %bitcast_convert_type3A_31 = tpu.bitcast %slice3A_30 : vector<4000x16xf32> -> vector<4000x16xi32>
    %shift_right_logical3A_32 = arith.constant 16 : i32
    %shift_right_logical3A_33 = vector.broadcast %shift_right_logical3A_32 : i32 to vector<4000x16xi32>
    %shift_right_logical3A_34 = arith.shrui %bitcast_convert_type3A_29, %shift_right_logical3A_33 : vector<4000x16xi32>
    %and3A_35 = arith.constant -65536 : i32
    %and3A_36 = vector.broadcast %and3A_35 : i32 to vector<4000x16xi32>
    %and3A_37 = arith.andi %bitcast_convert_type3A_31, %and3A_36 : vector<4000x16xi32>
    %or3A_38 = arith.ori %shift_right_logical3A_34, %and3A_37 : vector<4000x16xi32>
    %swap3A_39 = arith.constant 0 : index
    %swap3A_40 = arith.constant 32 : index
    %swap3A_41 = vector.load %arg3[%swap3A_39, %swap3A_40] : memref<4000x64xi32, #tpu.memory_space<vmem>>, vector<4000x16xi32>
    tpu.vector_store %arg3[%swap3A_39, %swap3A_40], %or3A_38 {strides = array<i32>} : memref<4000x64xi32, #tpu.memory_space<vmem>>, vector<4000x16xi32>,
    %slice3A_42 = vector.extract_strided_slice %dot_general3A_5 {offsets = [0, 96], sizes = [4000, 16], strides = [1, 1]} : vector<4000x128xf32> to vector<4000x16xf32>
    %bitcast_convert_type3A_43 = tpu.bitcast %slice3A_42 : vector<4000x16xf32> -> vector<4000x16xi32>
    %slice3A_44 = vector.extract_strided_slice %dot_general3A_5 {offsets = [0, 112], sizes = [4000, 16], strides = [1, 1]} : vector<4000x128xf32> to vector<4000x16xf32>
    %bitcast_convert_type3A_45 = tpu.bitcast %slice3A_44 : vector<4000x16xf32> -> vector<4000x16xi32>
    %shift_right_logical3A_46 = arith.constant 16 : i32
    %shift_right_logical3A_47 = vector.broadcast %shift_right_logical3A_46 : i32 to vector<4000x16xi32>
    %shift_right_logical3A_48 = arith.shrui %bitcast_convert_type3A_43, %shift_right_logical3A_47 : vector<4000x16xi32>
    %and3A_49 = arith.constant -65536 : i32
    %and3A_50 = vector.broadcast %and3A_49 : i32 to vector<4000x16xi32>
    %and3A_51 = arith.andi %bitcast_convert_type3A_45, %and3A_50 : vector<4000x16xi32>
    %or3A_52 = arith.ori %shift_right_logical3A_48, %and3A_51 : vector<4000x16xi32>
    %swap3A_53 = arith.constant 0 : index
    %swap3A_54 = arith.constant 48 : index
    %swap3A_55 = vector.load %arg3[%swap3A_53, %swap3A_54] : memref<4000x64xi32, #tpu.memory_space<vmem>>, vector<4000x16xi32>
    tpu.vector_store %arg3[%swap3A_53, %swap3A_54], %or3A_52 {strides = array<i32>} : memref<4000x64xi32, #tpu.memory_space<vmem>>, vector<4000x16xi32>,
    return
  }
  func.func @transform_0(%arg0: i32) -> (i32, i32) {
    %c0_i32 = arith.constant 0 : i32
    %c0_i32_0 = arith.constant 0 : i32
    return %arg0, %c0_i32 : i32, i32
  }
  func.func @transform_1(%arg0: i32) -> (i32, i32) {
    %c0_i32 = arith.constant 0 : i32
    %c0_i32_0 = arith.constant 0 : i32
    %c0_i32_1 = arith.constant 0 : i32
    return %c0_i32, %c0_i32_0 : i32, i32
  }
  func.func @transform_2(%arg0: i32) -> (i32, i32) {
    %c0_i32 = arith.constant 0 : i32
    %c0_i32_0 = arith.constant 0 : i32
    return %arg0, %c0_i32 : i32, i32
  }
}

module attributes {stable_mosaic.version = 14 : i64} {
  func.func @_proj_body(%arg0: i32, %arg1: memref<1000x128xf32, #tpu.memory_space<vmem>>, %arg2: memref<128x128xf32, #tpu.memory_space<vmem>>, %arg3: memref<1x128xf32, #tpu.memory_space<vmem>>, %arg4: memref<128x128xf32, #tpu.memory_space<vmem>>, %arg5: memref<1x128xf32, #tpu.memory_space<vmem>>, %arg6: memref<1000x128xf32, #tpu.memory_space<vmem>>, %arg7: memref<1000x128xf32, #tpu.memory_space<vmem>>) attributes {dimension_semantics = [#tpu.dimension_semantics<arbitrary>], iteration_bounds = array<i64: 10>, scalar_prefetch = 0 : i64, scratch_operands = 0 : i64, tpu.core_type = #tpu.core_type<tc>, window_params = [{transform_indices = @transform_0, window_bounds = array<i64: 1000, 128>}, {pipeline_mode = #tpu.pipeline_mode<synchronous>, transform_indices = @transform_1, window_bounds = array<i64: 128, 128>}, {pipeline_mode = #tpu.pipeline_mode<synchronous>, transform_indices = @transform_2, window_bounds = array<i64: 1, 128>}, {pipeline_mode = #tpu.pipeline_mode<synchronous>, transform_indices = @transform_3, window_bounds = array<i64: 128, 128>}, {pipeline_mode = #tpu.pipeline_mode<synchronous>, transform_indices = @transform_4, window_bounds = array<i64: 1, 128>}, {transform_indices = @transform_5, window_bounds = array<i64: 1000, 128>}, {transform_indices = @transform_6, window_bounds = array<i64: 1000, 128>}]} {
    %get3A = arith.constant 0 : index
    %get3A_0 = arith.constant 0 : index
    %get3A_1 = vector.load %arg1[%get3A, %get3A_0] : memref<1000x128xf32, #tpu.memory_space<vmem>>, vector<1000x128xf32>
    %get3A_2 = arith.constant 0 : index
    %get3A_3 = arith.constant 0 : index
    %get3A_4 = vector.load %arg2[%get3A_2, %get3A_3] : memref<128x128xf32, #tpu.memory_space<vmem>>, vector<128x128xf32>
    %dot_general3A = arith.constant dense<0.000000e+00> : vector<1000x128xf32>
    %dot_general3A_5 = tpu.matmul %get3A_1, %get3A_4, %dot_general3A {dimension_numbers = #tpu.dot_dimension_numbers<[1], [0], [0], [1], [0, 0, 1, 1], [], []>, precision = #tpu.contract_precision<fp32>, transpose_lhs_hint = false} : vector<1000x128xf32>, vector<128x128xf32>, vector<1000x128xf32> -> vector<1000x128xf32>
    %get3A_6 = arith.constant 0 : index
    %get3A_7 = arith.constant 0 : index
    %get3A_8 = vector.load %arg3[%get3A_6, %get3A_7] : memref<1x128xf32, #tpu.memory_space<vmem>>, vector<1x128xf32>
    %add3A = vector.broadcast %get3A_8 : vector<1x128xf32> to vector<1000x128xf32>
    %add3A_9 = arith.addf %dot_general3A_5, %add3A : vector<1000x128xf32>
    %swap3A = arith.constant 0 : index
    %swap3A_10 = arith.constant 0 : index
    %swap3A_11 = vector.load %arg6[%swap3A, %swap3A_10] : memref<1000x128xf32, #tpu.memory_space<vmem>>, vector<1000x128xf32>
    tpu.vector_store %arg6[%swap3A, %swap3A_10], %add3A_9 {strides = array<i32>} : memref<1000x128xf32, #tpu.memory_space<vmem>>, vector<1000x128xf32>,
    %get3A_12 = arith.constant 0 : index
    %get3A_13 = arith.constant 0 : index
    %get3A_14 = vector.load %arg4[%get3A_12, %get3A_13] : memref<128x128xf32, #tpu.memory_space<vmem>>, vector<128x128xf32>
    %dot_general3A_15 = arith.constant dense<0.000000e+00> : vector<1000x128xf32>
    %dot_general3A_16 = tpu.matmul %get3A_1, %get3A_14, %dot_general3A_15 {dimension_numbers = #tpu.dot_dimension_numbers<[1], [0], [0], [1], [0, 0, 1, 1], [], []>, precision = #tpu.contract_precision<fp32>, transpose_lhs_hint = false} : vector<1000x128xf32>, vector<128x128xf32>, vector<1000x128xf32> -> vector<1000x128xf32>
    %get3A_17 = arith.constant 0 : index
    %get3A_18 = arith.constant 0 : index
    %get3A_19 = vector.load %arg5[%get3A_17, %get3A_18] : memref<1x128xf32, #tpu.memory_space<vmem>>, vector<1x128xf32>
    %add3A_20 = vector.broadcast %get3A_19 : vector<1x128xf32> to vector<1000x128xf32>
    %add3A_21 = arith.addf %dot_general3A_16, %add3A_20 : vector<1000x128xf32>
    %swap3A_22 = arith.constant 0 : index
    %swap3A_23 = arith.constant 0 : index
    %swap3A_24 = vector.load %arg7[%swap3A_22, %swap3A_23] : memref<1000x128xf32, #tpu.memory_space<vmem>>, vector<1000x128xf32>
    tpu.vector_store %arg7[%swap3A_22, %swap3A_23], %add3A_21 {strides = array<i32>} : memref<1000x128xf32, #tpu.memory_space<vmem>>, vector<1000x128xf32>,
    return
  }
  func.func @transform_0(%arg0: i32) -> (i32, i32) {
    %c0_i32 = arith.constant 0 : i32
    %c0_i32_0 = arith.constant 0 : i32
    return %arg0, %c0_i32 : i32, i32
  }
  func.func @transform_1(%arg0: i32) -> (i32, i32) {
    %c0_i32 = arith.constant 0 : i32
    %c0_i32_0 = arith.constant 0 : i32
    %c0_i32_1 = arith.constant 0 : i32
    return %c0_i32, %c0_i32_0 : i32, i32
  }
  func.func @transform_2(%arg0: i32) -> (i32, i32) {
    %c0_i32 = arith.constant 0 : i32
    %c0_i32_0 = arith.constant 0 : i32
    %c0_i32_1 = arith.constant 0 : i32
    return %c0_i32, %c0_i32_0 : i32, i32
  }
  func.func @transform_3(%arg0: i32) -> (i32, i32) {
    %c0_i32 = arith.constant 0 : i32
    %c0_i32_0 = arith.constant 0 : i32
    %c0_i32_1 = arith.constant 0 : i32
    return %c0_i32, %c0_i32_0 : i32, i32
  }
  func.func @transform_4(%arg0: i32) -> (i32, i32) {
    %c0_i32 = arith.constant 0 : i32
    %c0_i32_0 = arith.constant 0 : i32
    %c0_i32_1 = arith.constant 0 : i32
    return %c0_i32, %c0_i32_0 : i32, i32
  }
  func.func @transform_5(%arg0: i32) -> (i32, i32) {
    %c0_i32 = arith.constant 0 : i32
    %c0_i32_0 = arith.constant 0 : i32
    return %arg0, %c0_i32 : i32, i32
  }
  func.func @transform_6(%arg0: i32) -> (i32, i32) {
    %c0_i32 = arith.constant 0 : i32
    %c0_i32_0 = arith.constant 0 : i32
    return %arg0, %c0_i32 : i32, i32
  }
}

module attributes {stable_mosaic.version = 14 : i64} {
  func.func @_head_body(%arg0: i32, %arg1: memref<2x1000x128xf32, #tpu.memory_space<vmem>>, %arg2: memref<2x1000x128xf32, #tpu.memory_space<vmem>>, %arg3: memref<1000x128xf32, #tpu.memory_space<vmem>>, %arg4: memref<1x128xf32, #tpu.memory_space<vmem>>, %arg5: memref<1x128xf32, #tpu.memory_space<vmem>>, %arg6: memref<1x128xf32, #tpu.memory_space<vmem>>, %arg7: memref<128x128xf32, #tpu.memory_space<vmem>>, %arg8: memref<1x128xf32, #tpu.memory_space<vmem>>, %arg9: memref<128x1xf32, #tpu.memory_space<vmem>>, %arg10: memref<1x1xf32, #tpu.memory_space<vmem>>, %arg11: memref<1000x1xf32, #tpu.memory_space<vmem>>) attributes {dimension_semantics = [#tpu.dimension_semantics<arbitrary>], iteration_bounds = array<i64: 10>, scalar_prefetch = 0 : i64, scratch_operands = 0 : i64, tpu.core_type = #tpu.core_type<tc>, window_params = [{transform_indices = @transform_0, window_bounds = array<i64: 2, 1000, 128>}, {transform_indices = @transform_1, window_bounds = array<i64: 2, 1000, 128>}, {transform_indices = @transform_2, window_bounds = array<i64: 1000, 128>}, {pipeline_mode = #tpu.pipeline_mode<synchronous>, transform_indices = @transform_3, window_bounds = array<i64: 1, 128>}, {pipeline_mode = #tpu.pipeline_mode<synchronous>, transform_indices = @transform_4, window_bounds = array<i64: 1, 128>}, {pipeline_mode = #tpu.pipeline_mode<synchronous>, transform_indices = @transform_5, window_bounds = array<i64: 1, 128>}, {pipeline_mode = #tpu.pipeline_mode<synchronous>, transform_indices = @transform_6, window_bounds = array<i64: 128, 128>}, {pipeline_mode = #tpu.pipeline_mode<synchronous>, transform_indices = @transform_7, window_bounds = array<i64: 1, 128>}, {pipeline_mode = #tpu.pipeline_mode<synchronous>, transform_indices = @transform_8, window_bounds = array<i64: 128, 1>}, {pipeline_mode = #tpu.pipeline_mode<synchronous>, transform_indices = @transform_9, window_bounds = array<i64: 1, 1>}, {transform_indices = @transform_10, window_bounds = array<i64: 1000, 1>}]} {
    %get3A = arith.constant 0 : index
    %get3A_0 = arith.constant 0 : index
    %get3A_1 = arith.constant 0 : index
    %get3A_2 = vector.load %arg2[%get3A, %get3A_0, %get3A_1] : memref<2x1000x128xf32, #tpu.memory_space<vmem>>, vector<1x1000x8xf32>
    %get3A_3 = vector.shape_cast %get3A_2 : vector<1x1000x8xf32> to vector<1000x8xf32>
    %get3A_4 = arith.constant 1 : index
    %get3A_5 = arith.constant 0 : index
    %get3A_6 = arith.constant 0 : index
    %get3A_7 = vector.load %arg2[%get3A_4, %get3A_5, %get3A_6] : memref<2x1000x128xf32, #tpu.memory_space<vmem>>, vector<1x1000x8xf32>
    %get3A_8 = vector.shape_cast %get3A_7 : vector<1x1000x8xf32> to vector<1000x8xf32>
    %add3A = arith.addf %get3A_3, %get3A_8 : vector<1000x8xf32>
    %add3A_9 = arith.constant 1.000000e-16 : f32
    %add3A_10 = vector.broadcast %add3A_9 : f32 to vector<1000x8xf32>
    %add3A_11 = arith.addf %add3A, %add3A_10 : vector<1000x8xf32>
    %div3A = arith.constant 1.000000e+00 : f32
    %div3A_12 = vector.broadcast %div3A : f32 to vector<1000x8xf32>
    %div3A_13 = arith.divf %div3A_12, %add3A_11 : vector<1000x8xf32>
    %iota3A = tpu.iota {dimensions = array<i32: 0>} : vector<8x128xi32>
    %iota3A_14 = tpu.iota {dimensions = array<i32: 1>} : vector<8x128xi32>
    %jit3A = arith.constant 16 : i32
    %div3A_15 = vector.broadcast %jit3A : i32 to vector<8x128xi32>
    %div3A_16 = arith.divsi %iota3A_14, %div3A_15 : vector<8x128xi32>
    %sign3A = arith.constant 0 : i32
    %sign3A_17 = vector.broadcast %sign3A : i32 to vector<8x128xi32>
    %sign3A_18 = arith.cmpi sgt, %iota3A_14, %sign3A_17 : vector<8x128xi32>
    %sign3A_19 = arith.extui %sign3A_18 : vector<8x128xi1> to vector<8x128xi32>
    %sign3A_20 = arith.constant 0 : i32
    %sign3A_21 = vector.broadcast %sign3A_20 : i32 to vector<8x128xi32>
    %sign3A_22 = arith.cmpi slt, %iota3A_14, %sign3A_21 : vector<8x128xi32>
    %sign3A_23 = arith.extui %sign3A_22 : vector<8x128xi1> to vector<8x128xi32>
    %sign3A_24 = arith.subi %sign3A_19, %sign3A_23 : vector<8x128xi32>
    %sign3A_25 = arith.constant 0 : i32
    %sign3A_26 = arith.cmpi sgt, %jit3A, %sign3A_25 : i32
    %sign3A_27 = arith.extui %sign3A_26 : i1 to i32
    %sign3A_28 = arith.constant 0 : i32
    %sign3A_29 = arith.cmpi slt, %jit3A, %sign3A_28 : i32
    %sign3A_30 = arith.extui %sign3A_29 : i1 to i32
    %sign3A_31 = arith.subi %sign3A_27, %sign3A_30 : i32
    %ne3A = vector.broadcast %sign3A_31 : i32 to vector<8x128xi32>
    %ne3A_32 = arith.cmpi ne, %sign3A_24, %ne3A : vector<8x128xi32>
    %rem3A = vector.broadcast %jit3A : i32 to vector<8x128xi32>
    %rem3A_33 = arith.remsi %iota3A_14, %rem3A : vector<8x128xi32>
    %ne3A_34 = arith.constant 0 : i32
    %ne3A_35 = vector.broadcast %ne3A_34 : i32 to vector<8x128xi32>
    %ne3A_36 = arith.cmpi ne, %rem3A_33, %ne3A_35 : vector<8x128xi32>
    %and3A = arith.andi %ne3A_32, %ne3A_36 : vector<8x128xi1>
    %sub3A = arith.constant 1 : i32
    %sub3A_37 = vector.broadcast %sub3A : i32 to vector<8x128xi32>
    %sub3A_38 = arith.subi %div3A_16, %sub3A_37 : vector<8x128xi32>
    %select_n3A = arith.select %and3A, %sub3A_38, %div3A_16 : vector<8x128xi1>, vector<8x128xi32>
    %eq3A = arith.cmpi eq, %select_n3A, %iota3A : vector<8x128xi32>
    %jit3A_39 = arith.constant 1.000000e+00 : f32
    %jit3A_40 = arith.constant 0.000000e+00 : f32
    %broadcast_in_dim3A = vector.broadcast %jit3A_39 : f32 to vector<8x128xf32>
    %broadcast_in_dim3A_41 = vector.broadcast %jit3A_40 : f32 to vector<8x128xf32>
    %select_n3A_42 = arith.select %eq3A, %broadcast_in_dim3A, %broadcast_in_dim3A_41 : vector<8x128xi1>, vector<8x128xf32>
    %dot_general3A = arith.constant dense<0.000000e+00> : vector<1000x128xf32>
    %dot_general3A_43 = tpu.matmul %div3A_13, %select_n3A_42, %dot_general3A {dimension_numbers = #tpu.dot_dimension_numbers<[1], [0], [0], [1], [0, 0, 1, 1], [], []>, precision = #tpu.contract_precision<fp32>, transpose_lhs_hint = false} : vector<1000x8xf32>, vector<8x128xf32>, vector<1000x128xf32> -> vector<1000x128xf32>
    %get3A_44 = arith.constant 0 : index
    %get3A_45 = arith.constant 0 : index
    %get3A_46 = arith.constant 0 : index
    %get3A_47 = vector.load %arg1[%get3A_44, %get3A_45, %get3A_46] : memref<2x1000x128xf32, #tpu.memory_space<vmem>>, vector<1x1000x128xf32>
    %get3A_48 = vector.shape_cast %get3A_47 : vector<1x1000x128xf32> to vector<1000x128xf32>
    %get3A_49 = arith.constant 1 : index
    %get3A_50 = arith.constant 0 : index
    %get3A_51 = arith.constant 0 : index
    %get3A_52 = vector.load %arg1[%get3A_49, %get3A_50, %get3A_51] : memref<2x1000x128xf32, #tpu.memory_space<vmem>>, vector<1x1000x128xf32>
    %get3A_53 = vector.shape_cast %get3A_52 : vector<1x1000x128xf32> to vector<1000x128xf32>
    %add3A_54 = arith.addf %get3A_48, %get3A_53 : vector<1000x128xf32>
    %mul3A = arith.mulf %add3A_54, %dot_general3A_43 : vector<1000x128xf32>
    %get3A_55 = arith.constant 0 : index
    %get3A_56 = arith.constant 0 : index
    %get3A_57 = vector.load %arg4[%get3A_55, %get3A_56] : memref<1x128xf32, #tpu.memory_space<vmem>>, vector<1x128xf32>
    %add3A_58 = vector.broadcast %get3A_57 : vector<1x128xf32> to vector<1000x128xf32>
    %add3A_59 = arith.addf %mul3A, %add3A_58 : vector<1000x128xf32>
    %mul3A_60 = arith.constant 0.00999999977 : f32
    %mul3A_61 = vector.broadcast %mul3A_60 : f32 to vector<1000x128xf32>
    %mul3A_62 = arith.mulf %mul3A_61, %add3A_59 : vector<1000x128xf32>
    %max3A = arith.maximumf %add3A_59, %mul3A_62 : vector<1000x128xf32>
    %get3A_63 = arith.constant 0 : index
    %get3A_64 = arith.constant 0 : index
    %get3A_65 = vector.load %arg3[%get3A_63, %get3A_64] : memref<1000x128xf32, #tpu.memory_space<vmem>>, vector<1000x128xf32>
    %add3A_66 = arith.addf %max3A, %get3A_65 : vector<1000x128xf32>
    %reduce_sum3A = arith.constant dense<0.000000e+00> : vector<1000xf32>
    %reduce_sum3A_67 = vector.multi_reduction <add>, %add3A_66, %reduce_sum3A [1] : vector<1000x128xf32> to vector<1000xf32>
    %broadcast_in_dim3A_68 = vector.shape_cast %reduce_sum3A_67 : vector<1000xf32> to vector<1000x1xf32>
    %div3A_69 = arith.constant 1.280000e+02 : f32
    %div3A_70 = vector.broadcast %div3A_69 : f32 to vector<1000x1xf32>
    %div3A_71 = arith.divf %broadcast_in_dim3A_68, %div3A_70 : vector<1000x1xf32>
    %sub3A_72 = vector.broadcast %div3A_71 : vector<1000x1xf32> to vector<1000x128xf32>
    %sub3A_73 = arith.subf %add3A_66, %sub3A_72 : vector<1000x128xf32>
    %integer_pow3A = arith.mulf %sub3A_73, %sub3A_73 : vector<1000x128xf32>
    %reduce_sum3A_74 = arith.constant dense<0.000000e+00> : vector<1000xf32>
    %reduce_sum3A_75 = vector.multi_reduction <add>, %integer_pow3A, %reduce_sum3A_74 [1] : vector<1000x128xf32> to vector<1000xf32>
    %broadcast_in_dim3A_76 = vector.shape_cast %reduce_sum3A_75 : vector<1000xf32> to vector<1000x1xf32>
    %div3A_77 = arith.constant 1.280000e+02 : f32
    %div3A_78 = vector.broadcast %div3A_77 : f32 to vector<1000x1xf32>
    %div3A_79 = arith.divf %broadcast_in_dim3A_76, %div3A_78 : vector<1000x1xf32>
    %sub3A_80 = vector.broadcast %div3A_71 : vector<1000x1xf32> to vector<1000x128xf32>
    %sub3A_81 = arith.subf %add3A_66, %sub3A_80 : vector<1000x128xf32>
    %add3A_82 = arith.constant 9.99999974E-6 : f32
    %add3A_83 = vector.broadcast %add3A_82 : f32 to vector<1000x1xf32>
    %add3A_84 = arith.addf %div3A_79, %add3A_83 : vector<1000x1xf32>
    %sqrt3A = math.sqrt %add3A_84 : vector<1000x1xf32>
    %div3A_85 = vector.broadcast %sqrt3A : vector<1000x1xf32> to vector<1000x128xf32>
    %div3A_86 = arith.divf %sub3A_81, %div3A_85 : vector<1000x128xf32>
    %get3A_87 = arith.constant 0 : index
    %get3A_88 = arith.constant 0 : index
    %get3A_89 = vector.load %arg5[%get3A_87, %get3A_88] : memref<1x128xf32, #tpu.memory_space<vmem>>, vector<1x128xf32>
    %mul3A_90 = vector.broadcast %get3A_89 : vector<1x128xf32> to vector<1000x128xf32>
    %mul3A_91 = arith.mulf %div3A_86, %mul3A_90 : vector<1000x128xf32>
    %get3A_92 = arith.constant 0 : index
    %get3A_93 = arith.constant 0 : index
    %get3A_94 = vector.load %arg6[%get3A_92, %get3A_93] : memref<1x128xf32, #tpu.memory_space<vmem>>, vector<1x128xf32>
    %add3A_95 = vector.broadcast %get3A_94 : vector<1x128xf32> to vector<1000x128xf32>
    %add3A_96 = arith.addf %mul3A_91, %add3A_95 : vector<1000x128xf32>
    %get3A_97 = arith.constant 0 : index
    %get3A_98 = arith.constant 0 : index
    %get3A_99 = vector.load %arg7[%get3A_97, %get3A_98] : memref<128x128xf32, #tpu.memory_space<vmem>>, vector<128x128xf32>
    %dot_general3A_100 = arith.constant dense<0.000000e+00> : vector<1000x128xf32>
    %dot_general3A_101 = tpu.matmul %add3A_96, %get3A_99, %dot_general3A_100 {dimension_numbers = #tpu.dot_dimension_numbers<[1], [0], [0], [1], [0, 0, 1, 1], [], []>, precision = #tpu.contract_precision<fp32>, transpose_lhs_hint = false} : vector<1000x128xf32>, vector<128x128xf32>, vector<1000x128xf32> -> vector<1000x128xf32>
    %get3A_102 = arith.constant 0 : index
    %get3A_103 = arith.constant 0 : index
    %get3A_104 = vector.load %arg8[%get3A_102, %get3A_103] : memref<1x128xf32, #tpu.memory_space<vmem>>, vector<1x128xf32>
    %add3A_105 = vector.broadcast %get3A_104 : vector<1x128xf32> to vector<1000x128xf32>
    %add3A_106 = arith.addf %dot_general3A_101, %add3A_105 : vector<1000x128xf32>
    %max3A_107 = arith.constant 0.000000e+00 : f32
    %max3A_108 = vector.broadcast %max3A_107 : f32 to vector<1000x128xf32>
    %max3A_109 = arith.maximumf %add3A_106, %max3A_108 : vector<1000x128xf32>
    %get3A_110 = arith.constant 0 : index
    %get3A_111 = arith.constant 0 : index
    %get3A_112 = vector.load %arg9[%get3A_110, %get3A_111] : memref<128x1xf32, #tpu.memory_space<vmem>>, vector<128x1xf32>
    %dot_general3A_113 = arith.constant dense<0.000000e+00> : vector<1000x1xf32>
    %dot_general3A_114 = tpu.matmul %max3A_109, %get3A_112, %dot_general3A_113 {dimension_numbers = #tpu.dot_dimension_numbers<[1], [0], [0], [1], [0, 0, 1, 1], [], []>, precision = #tpu.contract_precision<fp32>, transpose_lhs_hint = false} : vector<1000x128xf32>, vector<128x1xf32>, vector<1000x1xf32> -> vector<1000x1xf32>
    %get3A_115 = arith.constant 0 : index
    %get3A_116 = arith.constant 0 : index
    %get3A_117 = vector.load %arg10[%get3A_115, %get3A_116] : memref<1x1xf32, #tpu.memory_space<vmem>>, vector<1x1xf32>
    %add3A_118 = vector.broadcast %get3A_117 : vector<1x1xf32> to vector<1000x1xf32>
    %add3A_119 = arith.addf %dot_general3A_114, %add3A_118 : vector<1000x1xf32>
    %max3A_120 = arith.constant 0.000000e+00 : f32
    %max3A_121 = vector.broadcast %max3A_120 : f32 to vector<1000x1xf32>
    %max3A_122 = arith.maximumf %add3A_119, %max3A_121 : vector<1000x1xf32>
    %abs3A = math.absf %add3A_119 : vector<1000x1xf32>
    %neg3A = arith.constant 0.000000e+00 : f32
    %neg3A_123 = vector.broadcast %neg3A : f32 to vector<1000x1xf32>
    %neg3A_124 = arith.subf %neg3A_123, %abs3A : vector<1000x1xf32>
    %exp3A = math.exp %neg3A_124 : vector<1000x1xf32>
    %log1p3A = math.log1p %exp3A : vector<1000x1xf32>
    %add3A_125 = arith.addf %max3A_122, %log1p3A : vector<1000x1xf32>
    %swap3A = arith.constant 0 : index
    %swap3A_126 = arith.constant 0 : index
    %swap3A_127 = vector.load %arg11[%swap3A, %swap3A_126] : memref<1000x1xf32, #tpu.memory_space<vmem>>, vector<1000x1xf32>
    tpu.vector_store %arg11[%swap3A, %swap3A_126], %add3A_125 {strides = array<i32>} : memref<1000x1xf32, #tpu.memory_space<vmem>>, vector<1000x1xf32>,
    return
  }
  func.func @transform_0(%arg0: i32) -> (i32, i32, i32) {
    %c0_i32 = arith.constant 0 : i32
    %c0_i32_0 = arith.constant 0 : i32
    %c0_i32_1 = arith.constant 0 : i32
    return %c0_i32, %arg0, %c0_i32_0 : i32, i32, i32
  }
  func.func @transform_1(%arg0: i32) -> (i32, i32, i32) {
    %c0_i32 = arith.constant 0 : i32
    %c0_i32_0 = arith.constant 0 : i32
    %c0_i32_1 = arith.constant 0 : i32
    return %c0_i32, %arg0, %c0_i32_0 : i32, i32, i32
  }
  func.func @transform_2(%arg0: i32) -> (i32, i32) {
    %c0_i32 = arith.constant 0 : i32
    %c0_i32_0 = arith.constant 0 : i32
    return %arg0, %c0_i32 : i32, i32
  }
  func.func @transform_3(%arg0: i32) -> (i32, i32) {
    %c0_i32 = arith.constant 0 : i32
    %c0_i32_0 = arith.constant 0 : i32
    %c0_i32_1 = arith.constant 0 : i32
    return %c0_i32, %c0_i32_0 : i32, i32
  }
  func.func @transform_4(%arg0: i32) -> (i32, i32) {
    %c0_i32 = arith.constant 0 : i32
    %c0_i32_0 = arith.constant 0 : i32
    %c0_i32_1 = arith.constant 0 : i32
    return %c0_i32, %c0_i32_0 : i32, i32
  }
  func.func @transform_5(%arg0: i32) -> (i32, i32) {
    %c0_i32 = arith.constant 0 : i32
    %c0_i32_0 = arith.constant 0 : i32
    %c0_i32_1 = arith.constant 0 : i32
    return %c0_i32, %c0_i32_0 : i32, i32
  }
  func.func @transform_6(%arg0: i32) -> (i32, i32) {
    %c0_i32 = arith.constant 0 : i32
    %c0_i32_0 = arith.constant 0 : i32
    %c0_i32_1 = arith.constant 0 : i32
    return %c0_i32, %c0_i32_0 : i32, i32
  }
  func.func @transform_7(%arg0: i32) -> (i32, i32) {
    %c0_i32 = arith.constant 0 : i32
    %c0_i32_0 = arith.constant 0 : i32
    %c0_i32_1 = arith.constant 0 : i32
    return %c0_i32, %c0_i32_0 : i32, i32
  }
  func.func @transform_8(%arg0: i32) -> (i32, i32) {
    %c0_i32 = arith.constant 0 : i32
    %c0_i32_0 = arith.constant 0 : i32
    %c0_i32_1 = arith.constant 0 : i32
    return %c0_i32, %c0_i32_0 : i32, i32
  }
  func.func @transform_9(%arg0: i32) -> (i32, i32) {
    %c0_i32 = arith.constant 0 : i32
    %c0_i32_0 = arith.constant 0 : i32
    %c0_i32_1 = arith.constant 0 : i32
    return %c0_i32, %c0_i32_0 : i32, i32
  }
  func.func @transform_10(%arg0: i32) -> (i32, i32) {
    %c0_i32 = arith.constant 0 : i32
    %c0_i32_0 = arith.constant 0 : i32
    return %arg0, %c0_i32 : i32, i32
  }
}

</mosaic_0001>

<sc_bundles>
// kernel: kernel.10.cloned.1.call-start
scs
__scs_entry_jumppad:
0x0: {  	(pc) =	sbr.rel $0x88, $3  }
0x1: {  	(tag) =	ssettag $0x0;
	lr =	simm.s32 $0x1  }
0x2: {  	[smem:$0x3F91] =	sst lr;
	_ =	strace $0xD0000000  }
0x3: {  	_ = 	snop  }
0x4: {  	_ = 	snop  }
0x5: {  	_ = 	snop  }
0x6: {  	_ = 	snop  }
0x7: {  	_ = 	snop  }
__scs_overlays_trampoline_lowered:
0x8: {  	[smem:$0x3FA0] =	sst s0  }
0x9: {  	[smem:$0x3FA1] =	sst s1  }
0xa: {  	[smem:$0x3FA2] =	sst s2  }
0xb: {  	[smem:$0x3FA3] =	sst s3  }
0xc: {  	[smem:$0x3FA4] =	sst s4  }
0xd: {  	[smem:$0x3FA5] =	sst s5  }
0xe: {  	[smem:$0x3FA6] =	sst s6  }
0xf: {  	[smem:$0x3FA7] =	sst s7  }
0x10: {  	[smem:$0x3FA8] =	sst s8  }
0x11: {  	[smem:$0x3FA9] =	sst s9;
	s0 =	simm.s32 @!p0 $0x0  }
0x12: {  	s1 =	sld [smem:$0x3F8F];
	s0 =	simm.s32 @p0 $0x1  }
0x13: {  	[smem:$0x3FAA] =	sst s0;
	s0 =	simm.s32 @!p1 $0x0  }
0x14: {  	s2 =	sld [smem:$0x3F8E];
	s0 =	simm.s32 @p1 $0x1  }
0x15: {  	[smem:$0x3FAB] =	sst s0;
	s0 =	simm.s32 @!p2 $0x0  }
0x16: {  	s3 =	sld [smem:$0x3FDB];
	s0 =	simm.s32 @p2 $0x1  }
0x17: {  	s4 =	simm.s32 $0x1BF5;
	[smem:$0x3FAD] =	sst s0  }
0x18: {  	s0 =	sld [smem:$0x3F90];
	_ =	swait.ge [sflag:s4], $0x0  }
0x19: {  	s7 =	sld [smem:$0x3F91]  }
0x1a: {  	s8 =	sadd.s32 $0xFFFFE003, lr  }
0x1b: {  	s9 =	sadd.s32 $0xFFFFFEF7, lr;
	s5 =	simm.s32 $0xFFFFFFFF;
	p2 =	slt.u32 s8, $0xFFFFF086  }
0x1c: {  	p1 =	slt.u32 s9, $0xF7A;
	s5 =	simm.s32 @!p2 $0x0  }
0x1d: {  	s5 =	simm.s32 @p1 $0x1;
	p0 =	seq.s32 s7, s2  }
0x1e: {  	s7 =	smul.u32 @!p0 $0xF7A, s2;
	p2 =	seq.s32 @!p0 s5, $0x0  }
0x1f: {  	s9 =	smul.u32 $0xF7A, s1;
	s8 =	simm.s32 @!p0 $0x1BF5;
	p2 =	por !p2, p0  }
0x20: {  	[sflag:s8] =	ssyncset.s32 @!p0 $0xFFFFF086;
	s6 =	sadd.s32 @!p0 s3, s7;
	s7 =	simm.s32 @!p0 $0x108  }
0x21: {  	s3 =	sadd.s32 s3, s9;
	s6 =	sadd.s32 @!p0 $0x88, s6;
	s7 =	simm.s32 @p2 $0x1082  }
0x22: {  	[simem:s7], [sflag:s8] =	dma.local @!p0 [hbm:s6], $0xF7A  }
0x23: {  	s9 =	sor.u32 $0xD0000000, s2;
	s6 =	simm.s32 $0x108;
	_ =	swait.ge @!p0 [sflag:s8], $0x0  }
0x24: {  	s3 =	sadd.s32 $0x88, s3;
	s6 =	simm.s32 @!p1 $0x1082;
	[sflag:s4] =	ssyncset.s32 $0xFFFFF086  }
0x25: {  	[simem:s6], [sflag:s4] =	dma.local [hbm:s3], $0xF7A  }
0x26: {  	[smem:$0x3F91] =	sst s1;
	(tag) =	ssettag s2;
	_ =	strace s9  }
0x27: {  	s1 =	sld [smem:$0x3FA1]  }
0x28: {  	s2 =	sld [smem:$0x3FA2]  }
0x29: {  	s4 =	sld [smem:$0x3FA4]  }
0x2a: {  	p0 =	seq.s32 s5, $0x0;
	s5 =	sld [smem:$0x3FA5]  }
0x2b: {  	s6 =	sld [smem:$0x3FA6]  }
0x2c: {  	s7 =	sld [smem:$0x3FA7]  }
0x2d: {  	s3 =	simm.s32 $0x108;
	s8 =	sld [smem:$0x3FA8]  }
0x2e: {  	s3 =	simm.s32 @!p0 $0x1082;
	s9 =	sld [smem:$0x3FA9]  }
0x2f: {  	lr =	sadd.s32 s0, s3;
	s0 =	sld [smem:$0x3FA0]  }
0x30: {  	s3 =	sld [smem:$0x3FA3]  }
0x31: {  	[smem:$0x3FAC] =	sst s10  }
0x32: {  	s10 =	sld [smem:$0x3FAA];
	_ =	sdelay $0x3  }
0x33: {  	p0 =	seq.s32 s10, $0x1;
	s10 =	sld [smem:$0x3FAC];
	_ =	sdelay $0x3  }
0x34: {  	[smem:$0x3FAC] =	sst s10  }
0x35: {  	s10 =	sld [smem:$0x3FAB];
	_ =	sdelay $0x3  }
0x36: {  	p1 =	seq.s32 s10, $0x1;
	s10 =	sld [smem:$0x3FAC];
	_ =	sdelay $0x3  }
0x37: {  	[smem:$0x3FAC] =	sst s10  }
0x38: {  	s10 =	sld [smem:$0x3FAD]  }
0x39: {  	_ = 	snop;
	(pc) =	sbr.ind lr, $3  }
0x3a: {  	_ = 	snop  }
0x3b: {  	_ = 	snop  }
0x3c: {  	p2 =	seq.s32 s10, $0x1;
	s10 =	sld [smem:$0x3FAC]  }
0x3d: {  	_ =	shalt  }
0x3e: {  	_ =	shalt  }
0x3f: {  	_ =	shalt  }
0x40: {  	_ =	shalt  }
0x41: {  	_ =	shalt  }
0x42: {  	_ =	shalt  }
0x43: {  	_ =	shalt  }
0x44: {  	_ =	shalt  }
0x45: {  	_ =	shalt  }
0x46: {  	_ =	shalt  }
0x47: {  	_ =	shalt  }
0x48: {  	_ =	shalt  }
0x49: {  	_ =	shalt  }
0x4a: {  	_ =	shalt  }
0x4b: {  	_ =	shalt  }
0x4c: {  	_ =	shalt  }
0x4d: {  	_ =	shalt  }
0x4e: {  	_ =	shalt  }
0x4f: {  	_ =	shalt  }
0x50: {  	_ =	shalt  }
0x51: {  	_ =	shalt  }
0x52: {  	_ =	shalt  }
0x53: {  	_ =	shalt  }
0x54: {  	_ =	shalt  }
0x55: {  	_ =	shalt  }
0x56: {  	_ =	shalt  }
0x57: {  	_ =	shalt  }
0x58: {  	_ =	shalt  }
0x59: {  	_ =	shalt  }
0x5a: {  	_ =	shalt  }
0x5b: {  	_ =	shalt  }
0x5c: {  	_ =	shalt  }
0x5d: {  	_ =	shalt  }
0x5e: {  	_ =	shalt  }
0x5f: {  	_ =	shalt  }
0x60: {  	_ =	shalt  }
0x61: {  	_ =	shalt  }
0x62: {  	_ =	shalt  }
0x63: {  	_ =	shalt  }
0x64: {  	_ =	shalt  }
0x65: {  	_ =	shalt  }
0x66: {  	_ =	shalt  }
0x67: {  	_ =	shalt  }
0x68: {  	_ =	shalt  }
0x69: {  	_ =	shalt  }
0x6a: {  	_ =	shalt  }
0x6b: {  	_ =	shalt  }
0x6c: {  	_ =	shalt  }
0x6d: {  	_ =	shalt  }
0x6e: {  	_ =	shalt  }
0x6f: {  	_ =	shalt  }
0x70: {  	_ =	shalt  }
0x71: {  	_ =	shalt  }
0x72: {  	_ =	shalt  }
0x73: {  	_ =	shalt  }
0x74: {  	_ =	shalt  }
0x75: {  	_ =	shalt  }
0x76: {  	_ =	shalt  }
0x77: {  	_ =	shalt  }
0x78: {  	_ =	shalt  }
0x79: {  	_ =	shalt  }
0x7a: {  	_ =	shalt  }
0x7b: {  	_ =	shalt  }
0x7c: {  	_ =	shalt  }
0x7d: {  	_ =	shalt  }
0x7e: {  	_ =	shalt  }
0x7f: {  	_ =	shalt  }
0x80: {  	_ =	shalt  }
0x81: {  	_ =	shalt  }
0x82: {  	_ =	shalt  }
0x83: {  	_ =	shalt  }
0x84: {  	_ =	shalt  }
0x85: {  	_ =	shalt  }
0x86: {  	_ =	shalt  }
0x87: {  	_ =	shalt  }
.Lfunc_end0:
.L_simem_size_0:
called_computation.1_lowered:
.L_overlay_start_0:
0x88: {  	s2 =	sld [smem:$0x3FD9]  }
0x89: {  	s3 =	sld [smem:$0x3FFE];
	_ =	sdelay $0x1  }
0x8a: {  	s1 =	srdreg.scid  }
0x8b: {  	s0 =	sand.u32 $0x1, s1  }
0x8c: {  	s16 =	sshll.u32 s0, $0xA;
	s2 =	sadd.s32 s3, s2  }
0x8d: {  	s2 =	sadd.s32 s2, s16  }
0x8e: {  	[smem:$0x3FB8] =	sst s2  }
0x8f: {  	_ = 	snop  }
0x90: {  	(tm) =	ssettm $0x1  }
0x91: {  	s17 =	sld [smem:$0x3FFB];
	_ =	sdelay $0x3  }
0x92: {  	_ =	strace s17  }
0x93: {  	s2 =	sld [smem:$0x3FFC];
	_ =	sdelay $0x3  }
0x94: {  	_ =	strace s2  }
0x95: {  	s2 =	sld [smem:$0x3FFD];
	_ =	sdelay $0x3  }
0x96: {  	_ =	strace s2  }
0x97: {  	_ =	strace $0x8FFFFFFF  }
0x98: {  	s18 =	sld [smem:$0x3FDB];
	_ =	sdelay $0x1  }
0x99: {  	s19 =	simm.s32 $_scs_section_size  }
0x9a: {  	s4 =	simm.s32 $_size__tile_overlayer_lowered;
	s5 =	simm.s32 $_tile_overlayer_lowered  }
0x9b: {  	s22 =	simm.s32 $0x1BFF;
	s21 =	sshll.u32 s5, $0x1;
	s2 =	sadd.s32 s19, s18  }
0x9c: {  	s6 =	simm.s32 $0x0;
	s20 =	sshll.u32 s4, $0x1;
	s4 =	sadd.s32 s21, s2  }
0x9d: {  	[timem:s6], [sflag:s22] =	dma.local [hbm:s4], s20  }
0x9e: {  	_ =	swait.ge [sflag:s22], s20  }
0x9f: {  	s3 =	ssub.s32 $0x0, s20;
	[sflag:s22] =	ssyncset.done $0x0  }
0xa0: {  	[sflag:s22] =	ssyncadd.s32 s3;
	_ =	sdelay $0x1  }
0xa1: {  	s23 =	simm.s32 $0x1B8B  }
0xa2: {  	_ =	swait.ge [sflag:s23], $0x1  }
0xa3: {  	[sflag:s23] =	ssyncset.done $0x0  }
0xa4: {  	s25 =	simm.s32 $0x1B8E;
	s24 =	sld [smem:$0x3FFE];
	[sflag:s23] =	ssyncadd.s32 $0xFFFFFFFF  }
0xa5: {  	s26 =	simm.s32 $execute0_lowered;
	[smem:$0x3FD2] =	sst s25  }
0xa6: {  	s4 =	sshll.u32 s26, $0x1;
	_ =	strace $0x80000049;
	[dreg:$0x1] =	wrdreg $0xFFFFFFFF  }
0xa7: {  	s28 =	simm.s32 $_size_execute0_lowered;
	s2 =	sadd.s32 s2, s4;
	[dreg:$0x0] =	wrdreg $0x0  }
0xa8: {  	s4 =	sshll.u32 s28, $0x1;
	[dreg:$0x2] =	wrdreg s2  }
0xa9: {  	[dreg:$0x3] =	wrdreg s4  }
0xaa: {  	[dreg:$0x4] =	wrdreg $0xC0  }
0xab: {  	_ =	task [dreg:s6], $0x5FFFF  }
0xac: {  	[dreg:$0x1] =	wrdreg $0xFFFFFFFF  }
0xad: {  	[dreg:$0x0] =	wrdreg $0x60  }
0xae: {  	[dreg:$0x2] =	wrdreg s24  }
0xaf: {  	[dreg:$0x3] =	wrdreg $0xB8000  }
0xb0: {  	[dreg:$0x4] =	wrdreg $0x9  }
0xb1: {  	_ =	task.clear_ibuf [dreg:s6], $0x5FFFF;
	_ =	strace $0x90000049  }
0xb2: {  	s29 =	simm.s32 $0x9;
	_ =	strace $0x8000004B  }
0xb3: {  	_ =	swait.ge [sflag:s29], $0x1  }
0xb4: {  	[sflag:s29] =	ssyncadd.s32 $0xFFFFFFFF  }
0xb5: {  	_ =	strace $0x9000004B  }
0xb6: {  	_ =	sfence  }
0xb7: {  	s30 =	sld [smem:$0x0];
	_ =	sdelay $0x2  }
0xb8: {  	s31 =	sshll.u32 s1, $0xD;
	s1 =	sshrl.u32 s1, $0x2  }
0xb9: {  	s3 =	sand.u32 $0x4000, s31;
	s1 =	sadd.s32 s1, s30  }
0xba: {  	s0 =	sor.u32 s3, s0;
	s1 =	sshll.u32 s1, $0x11  }
0xbb: {  	s0 =	sor.u32 s1, s0  }
0xbc: {  	s0 =	sadd.s32 $0x8F2B, s0  }
0xbd: {  	[sflag:s0] =	ssyncadd.remote.s32 $0x1  }
0xbe: {  	_ =	sfence.sel $0xFFFF  }
0xbf: {  	[dreg:$0x0] =	wrdreg $0xFFFFFFFF;
	(pc) =	sbr.abs _section_cstart, $3  }
0xc0: {  	[dreg:$0x1] =	wrdreg $0xFFFFFFFF  }
0xc1: {  	_ =	task.clear_ibuf [dreg:s6], $0x2FFFF;
	_ =	strace $0x9FFFFFFF  }
0xc2: {  	(tm) =	ssettm $0x7FFFFFFF  }
0xc3: {  	_ =	shalt  }
tec
execute0_lowered:
.L_overlay_start_1:
0x0: {  	(tag) =	ssettag $0x1  }
0x1: {  	s0 =	rddreg [dreg:$0x0]  }
0x2: {  	s1 =	rddreg [dreg:$0x1];
	s17 =	simm.s32 $0x0;
	s25 =	srdreg.scid  }
0x3: {  	s12 =	stileid.u32;
	s29 =	simm.s32 $0x5;
	s30 =	simm.s32 $0x200  }
0x4: {  	s31 =	simm.s32 $0x28;
	[smem:$0x7FF] =	sst s17;
	s3 =	sadd.s32 $0x16800, s0  }
0x5: {  	s4 =	sadd.s32 $0x9DA800, s0;
	s6 =	sadd.s32 $0xCA00, s0;
	s7 =	sadd.s32 $0x2C00, s0  }
0x6: {  	s2 =	sadd.s32 $0x64C00, s0;
	s5 =	sshll.u32 s12, $0x1;
	s8 =	smul.u32 $0x50000, s12  }
0x7: {  	s0 =	sadd.s32 $0xB7400, s0;
	s28 =	smul.u32 $0x280, s12;
	s16 =	sshll.u32 s12, $0x6  }
0x8: {  	_ =	strace $0x8000004A;
	[dreg:$0x4] =	wrdreg s2;
	s2 =	sand.u32 $0x1, s25  }
0x9: {  	s12 =	simm.s32 $0x1800;
	s20 =	sor.u32 $0x1C05, s16;
	s10 =	ssub.s32 $0x2, s2  }
0xa: {  	s5 =	sor.u32 s2, s5;
	s26 =	sshrl.u32 s8, $0x2;
	s2 =	smul.u32 $0x2800, s2  }
0xb: {  	s21 =	sadd.s32 $0x80, s28;
	s24 =	sadd.s32 $0x100, s28;
	[dreg:$0x6] =	wrdreg s20  }
0xc: {  	s11 =	sshrl.u32 s10, $0x1;
	s9 =	smul.u32 $0x2710, s5;
	s5 =	sadd.s32 s26, s1  }
0xd: {  	s15 =	sadd.s32 $0x180, s28;
	s8 =	ssub.s32 s10, s11;
	[dreg:$0x5] =	wrdreg s5  }
0xe: {  	s22 =	sadd.s32 s28, s2;
	s14 =	sadd.s32 s2, s21;
	s25 =	sadd.s32 s2, s24  }
0xf: {  	s10 =	sadd.s32 $0x200, s28;
	s16 =	sadd.s32 s2, s15;
	s18 =	sadd.s32 $0x26C0, s9  }
0x10: {  	s14 =	sshll.u32 s14, $0x4;
	s2 =	sadd.s32 s2, s10;
	s26 =	sshll.u32 s16, $0x4  }
0x11: {  	s28 =	sadd.s32 $0x26E8, s9;
	s10 =	sshll.u32 s10, $0x7;
	s8 =	smax.u32 s8, $0x1  }
0x12: {  	s19 =	sshrl.u32 s18, $0x3;
	s11 =	sshll.u32 s18, $0x4;
	s23 =	sadd.s32 s0, s14  }
0x13: {  	s14 =	sshll.u32 s25, $0x4;
	s2 =	sshll.u32 s2, $0x4;
	s18 =	sshrl.u32 s28, $0x3  }
0x14: {  	s10 =	sadd.s32 s10, s1;
	[dreg:$0x12] =	wrdreg s8;
	s8 =	simm.s32 $0x80  }
0x15: {  	s13 =	sadd.s32 s6, s19;
	[dreg:$0x9] =	wrdreg s23;
	s14 =	sadd.s32 s0, s14  }
0x16: {  	s16 =	sadd.s32 s4, s11;
	s23 =	sshll.u32 s24, $0x7;
	[dreg:$0x7] =	wrdreg s13  }
0x17: {  	s24 =	sshll.u32 s15, $0x7;
	s15 =	simm.s32 $0x300;
	[dreg:$0xa] =	wrdreg s14  }
0x18: {  	s13 =	sshll.u32 s22, $0x4;
	s14 =	sadd.s32 s0, s26;
	[dreg:$0xe] =	wrdreg s16  }
0x19: {  	s5 =	sadd.s32 s24, s1;
	s13 =	sadd.s32 s0, s13;
	[dreg:$0xb] =	wrdreg s14  }
0x1a: {  	s24 =	simm.s32 $0x2;
	s0 =	sadd.s32 s0, s2;
	[dreg:$0x8] =	wrdreg s13  }
0x1b: {  	s14 =	sadd.s32 s7, s19;
	s19 =	sshll.u32 s21, $0x7;
	[dreg:$0xc] =	wrdreg s0  }
0x1c: {  	s21 =	sadd.s32 s6, s18;
	s2 =	sadd.s32 s7, s18;
	[dreg:$0xd] =	wrdreg s14  }
0x1d: {  	s26 =	sshrl.u32 s5, $0x3;
	s5 =	simm.s32 $0x5400;
	[dreg:$0xf] =	wrdreg s21  }
0x1e: {  	s18 =	simm.s32 $0x180;
	s0 =	sshll.u32 s28, $0x4;
	[dreg:$0x10] =	wrdreg s2  }
0x1f: {  	s22 =	sadd.s32 s19, s1;
	s2 =	sadd.s32 s23, s1;
	[dreg:$0x15] =	wrdreg s26  }
0x20: {  	s28 =	sshrl.u32 s10, $0x3;
	s10 =	simm.s32 $0x280;
	s13 =	simm.s32 $0x6800  }
0x21: {  	s14 =	simm.s32 $0x100;
	s19 =	simm.s32 $0x380;
	s21 =	simm.s32 $0x9000  }
0x22: {  	s23 =	simm.s32 $0xA400;
	s0 =	sadd.s32 s4, s0;
	[dreg:$0x16] =	wrdreg s28  }
0x23: {  	v0 =	vimm.s32 $0x0;
	v1 =	vimm.s32 $0x1;
	s26 =	simm.s32 $0x4;
	s25 =	sshrl.u32 s2, $0x3;
	[dreg:$0x11] =	wrdreg s0  }
0x24: {  	v2 =	vimm.s32 $0x2;
	v3 =	vimm.s32 $0x3;
	v4 =	vimm.s32 $0x4;
	s0 =	sshrl.u32 s22, $0x3;
	[dreg:$0x14] =	wrdreg s25;
	s22 =	simm.s32 $0x1  }
0x25: {  	v5 =	vimm.s32 $0x5;
	v6 =	vimm.s32 $0x6;
	v7 =	vimm.s32 $0x7;
	s25 =	simm.s32 $0x3;
	[dreg:$0x13] =	wrdreg s0;
	s0 =	simm.s32 $0x400  }
.LBB2_1:
0x26: {  	[dreg:$0x3] =	wrdreg s17  }
0x27: {  	s2 =	rddreg [dreg:$0x5]  }
0x28: {  	s17 =	rddreg [dreg:$0x4];
	s11 =	sshrl.u32 s2, $0x3  }
0x29: {  	[dreg:$0x17] =	wrdreg s11  }
0x2a: {  	[spmem:s11], [sflag:s20] =	dma.local [hbm:s17], $0x2800  }
0x2b: {  	_ =	swait.ge [sflag:s29], $0x2800  }
0x2c: {  	[sflag:s29] =	ssyncset.done $0x0  }
0x2d: {  	[sflag:s29] =	ssyncadd.s32 $0xFFFFD800  }
0x2e: {  	s28 =	simm.s32 $0x0;
	[bflag:$0x0] =	sbarrier.arrive $0xFFFF  }
.LBB2_2:
0x2f: {  	s2 =	smul.u32 $0xA0, s28;
	_ =	sdelay $0x1  }
0x30: {  	s2 =	sadd.s32 s9, s2  }
0x31: {  	s11 =	sshrl.u32 s2, $0x3  }
0x32: {  	s17 =	simm.s32 $0x0;
	s16 =	sadd.s32 s6, s11  }
0x33: {  	[tilespmem:s17], [sflag:$0x5] =	stream.linear.gather [hbm4b:s16+s17], $0x28, $0x38;
	[tilespmem:$0x1F800] =	vst v63  }
0x34: {  	_ =	swait.ge [sflag:s29], $0x28  }
0x35: {  	[sflag:s29] =	ssyncset.done $0x0  }
0x36: {  	s11 =	sadd.s32 s7, s11;
	[sflag:s29] =	ssyncadd.s32 $0xFFFFFFD8  }
0x37: {  	[tilespmem:s30], [sflag:$0x5] =	stream.linear.gather [hbm4b:s11+s17], $0x28, $0x38;
	[tilespmem:$0x1F800] =	vst v63  }
0x38: {  	_ =	swait.ge [sflag:s29], $0x28  }
0x39: {  	[sflag:s29] =	ssyncset.done $0x0  }
0x3a: {  	s16 =	sshll.u32 s2, $0x4;
	[sflag:s29] =	ssyncadd.s32 $0xFFFFFFD8  }
0x3b: {  	[tilespmem:s0], [sflag:$0x1] =	stream.indirect.gather [hbm4b:s3+s31], $0x80, s17, s31, $0xb8;
	[tilespmem:$0x1F800] =	vst v63  }
0x3c: {  	s11 =	sadd.s32 s4, s16  }
0x3d: {  	[tilespmem:s5], [sflag:$0x1] =	stream.linear.gather [hbm4b:s11+s17], $0x1400, $0x38;
	[tilespmem:$0x1F800] =	vst v63  }
0x3e: {  	s11 =	sadd.s32 $0x28, s2  }
0x3f: {  	s16 =	sshrl.u32 s11, $0x3  }
0x40: {  	s20 =	sadd.s32 s6, s16  }
0x41: {  	[tilespmem:s8], [sflag:$0x5] =	stream.linear.gather [hbm4b:s20+s17], $0x28, $0x38;
	[tilespmem:$0x1F800] =	vst v63  }
0x42: {  	_ =	swait.ge [sflag:s29], $0x28  }
0x43: {  	[sflag:s29] =	ssyncset.done $0x0  }
0x44: {  	s16 =	sadd.s32 s7, s16;
	[sflag:s29] =	ssyncadd.s32 $0xFFFFFFD8  }
0x45: {  	[tilespmem:s10], [sflag:$0x5] =	stream.linear.gather [hbm4b:s16+s17], $0x28, $0x38;
	[tilespmem:$0x1F800] =	vst v63  }
0x46: {  	_ =	swait.ge [sflag:s29], $0x28  }
0x47: {  	[sflag:s29] =	ssyncset.done $0x0  }
0x48: {  	s11 =	sshll.u32 s11, $0x4;
	[sflag:s29] =	ssyncadd.s32 $0xFFFFFFD8  }
0x49: {  	[tilespmem:s12], [sflag:$0x2] =	stream.indirect.gather [hbm4b:s3+s31], $0x80, s8, s31, $0xb8;
	[tilespmem:$0x1F800] =	vst v63  }
0x4a: {  	s11 =	sadd.s32 s4, s11  }
0x4b: {  	[tilespmem:s13], [sflag:$0x2] =	stream.linear.gather [hbm4b:s11+s17], $0x1400, $0x38;
	[tilespmem:$0x1F800] =	vst v63  }
0x4c: {  	s11 =	sadd.s32 $0x50, s2  }
0x4d: {  	s16 =	sshrl.u32 s11, $0x3  }
0x4e: {  	s20 =	sadd.s32 s6, s16  }
0x4f: {  	[tilespmem:s14], [sflag:$0x5] =	stream.linear.gather [hbm4b:s20+s17], $0x28, $0x38;
	[tilespmem:$0x1F800] =	vst v63  }
0x50: {  	_ =	swait.ge [sflag:s29], $0x28  }
0x51: {  	[sflag:s29] =	ssyncset.done $0x0  }
0x52: {  	s16 =	sadd.s32 s7, s16;
	[sflag:s29] =	ssyncadd.s32 $0xFFFFFFD8  }
0x53: {  	[tilespmem:s15], [sflag:$0x5] =	stream.linear.gather [hbm4b:s16+s17], $0x28, $0x38;
	[tilespmem:$0x1F800] =	vst v63  }
0x54: {  	_ =	swait.ge [sflag:s29], $0x28  }
0x55: {  	[sflag:s29] =	ssyncset.done $0x0  }
0x56: {  	s11 =	sshll.u32 s11, $0x4;
	s20 =	simm.s32 $0x2C00;
	[sflag:s29] =	ssyncadd.s32 $0xFFFFFFD8  }
0x57: {  	[tilespmem:s20], [sflag:$0x3] =	stream.indirect.gather [hbm4b:s3+s31], $0x80, s14, s31, $0xb8;
	[tilespmem:$0x1F800] =	vst v63  }
0x58: {  	s2 =	sadd.s32 $0x78, s2;
	s11 =	sadd.s32 s4, s11;
	s20 =	simm.s32 $0x7C00  }
0x59: {  	[tilespmem:s20], [sflag:$0x3] =	stream.linear.gather [hbm4b:s11+s17], $0x1400, $0x38;
	[tilespmem:$0x1F800] =	vst v63  }
0x5a: {  	s11 =	sshrl.u32 s2, $0x3  }
0x5b: {  	s20 =	sadd.s32 s6, s11  }
0x5c: {  	[tilespmem:s18], [sflag:$0x5] =	stream.linear.gather [hbm4b:s20+s17], $0x28, $0x38;
	[tilespmem:$0x1F800] =	vst v63  }
0x5d: {  	_ =	swait.ge [sflag:s29], $0x28  }
0x5e: {  	[sflag:s29] =	ssyncset.done $0x0  }
0x5f: {  	s11 =	sadd.s32 s7, s11;
	[sflag:s29] =	ssyncadd.s32 $0xFFFFFFD8  }
0x60: {  	[tilespmem:s19], [sflag:$0x5] =	stream.linear.gather [hbm4b:s11+s17], $0x28, $0x38;
	[tilespmem:$0x1F800] =	vst v63  }
0x61: {  	_ =	swait.ge [sflag:s29], $0x28  }
0x62: {  	[sflag:s29] =	ssyncset.done $0x0  }
0x63: {  	s2 =	sshll.u32 s2, $0x4;
	s20 =	simm.s32 $0x4000;
	[sflag:s29] =	ssyncadd.s32 $0xFFFFFFD8  }
0x64: {  	[tilespmem:s20], [sflag:$0x4] =	stream.indirect.gather [hbm4b:s3+s31], $0x80, s18, s31, $0xb8;
	[tilespmem:$0x1F800] =	vst v63  }
0x65: {  	s2 =	sadd.s32 s4, s2  }
0x66: {  	[tilespmem:s21], [sflag:$0x4] =	stream.linear.gather [hbm4b:s2+s17], $0x1400, $0x38;
	[tilespmem:$0x1F800] =	vst v63  }
0x67: {  	_ =	swait.ge [sflag:s22], $0x1400  }
0x68: {  	[sflag:s22] =	ssyncset.done $0x0  }
0x69: {  	[sflag:s22] =	ssyncadd.s32 $0xFFFFEC00  }
0x6a: {  	_ =	swait.ge [sflag:s22], $0x1400  }
0x6b: {  	[sflag:s22] =	ssyncset.done $0x0  }
0x6c: {  	s2 =	simm.s32 $0x0;
	[sflag:s22] =	ssyncadd.s32 $0xFFFFEC00  }
0x6d: {  	v8 =	vld [tilespmem:s2+$0x5400]  }
0x6e: {  	v9 =	vld [tilespmem:s2+$0x400]  }
0x6f: {  	v15 =	vld [tilespmem:s2+$0x470]  }
0x70: {  	v10 =	vld [tilespmem:s2+$0x410]  }
0x71: {  	v11 =	vld [tilespmem:s2+$0x420]  }
0x72: {  	v12 =	vld [tilespmem:s2+$0x430];
	v20 =	vperm.xlane v8, v0;
	v17 =	vperm.xlane v8, v7  }
0x73: {  	v14 =	vld [tilespmem:s2+$0x440];
	v19 =	vperm.xlane v8, v1;
	v18 =	vperm.xlane v8, v2  }
0x74: {  	v13 =	vld [tilespmem:s2+$0x450];
	v16 =	vperm.xlane v8, v3;
	v22 =	vmul.f32 v15, v17  }
0x75: {  	s16 =	simm.s32 $0x400;
	s11 =	simm.s32 $0x80;
	v21 =	vperm.xlane v8, v4;
	v17 =	vperm.xlane v8, v5;
	v15 =	vld [tilespmem:s2+$0x460]  }
.LBB2_3:
0x76: {  	p0 =	sne.s32 s16, $0x4E00;
	v20 =	vmul.f32 v9, v20;
	v23 =	vperm.xlane v8, v6;
	v8 =	vld [tilespmem:s11+$0x5400];
	[tilespmem:s2+$0xA470] =	vst v22  }
0x77: {  	v19 =	vmul.f32 v10, v19;
	v18 =	vmul.f32 v11, v18;
	v9 =	vld [tilespmem:s11+$0x400]  }
0x78: {  	v16 =	vmul.f32 v12, v16;
	v22 =	vld [tilespmem:s11+$0x470];
	[tilespmem:s2+$0xA400] =	vst v20;
	v21 =	vmul.f32 v14, v21  }
0x79: {  	v10 =	vld [tilespmem:s11+$0x410];
	[tilespmem:s2+$0xA410] =	vst v19;
	v17 =	vmul.f32 v13, v17  }
.Ltmp0:
0x7a: {  	v11 =	vld [tilespmem:s11+$0x420];
	[tilespmem:s2+$0xA420] =	vst v18;
	v23 =	vmul.f32 v15, v23;
	(pc) =	sbr.rel @p0 .LBB2_3-.Ltmp0, $4  }
0x7b: {  	v20 =	vperm.xlane v8, v0;
	v12 =	vld [tilespmem:s11+$0x430];
	v15 =	vperm.xlane v8, v7;
	[tilespmem:s2+$0xA430] =	vst v16  }
0x7c: {  	v19 =	vperm.xlane v8, v1;
	v18 =	vperm.xlane v8, v2;
	v14 =	vld [tilespmem:s11+$0x440];
	[tilespmem:s2+$0xA440] =	vst v21  }
0x7d: {  	v16 =	vperm.xlane v8, v3;
	v13 =	vld [tilespmem:s11+$0x450];
	v22 =	vmul.f32 v22, v15;
	[tilespmem:s2+$0xA450] =	vst v17  }
0x7e: {  	v21 =	vperm.xlane v8, v4;
	v17 =	vperm.xlane v8, v5;
	v15 =	vld [tilespmem:s11+$0x460];
	[tilespmem:s2+$0xA460] =	vst v23;
	s2 =	smov.u32 s11;
	s11 =	sshra.s32 s16, $0x2;
	s16 =	sadd.s32 $0x200, s16  }
0x7f: {  	v23 =	vld [tilespmem:s11+$0x5400];
	[tilespmem:s2+$0xA470] =	vst v22;
	v9 =	vmul.f32 v9, v20  }
0x80: {  	v10 =	vmul.f32 v10, v19;
	v20 =	vld [tilespmem:s11+$0x400]  }
0x81: {  	v11 =	vmul.f32 v11, v18;
	v22 =	vld [tilespmem:s11+$0x470];
	[tilespmem:s2+$0xA400] =	vst v9  }
0x82: {  	v12 =	vmul.f32 v12, v16;
	v9 =	vld [tilespmem:s11+$0x410];
	[tilespmem:s2+$0xA410] =	vst v10  }
0x83: {  	v14 =	vmul.f32 v14, v21;
	v10 =	vld [tilespmem:s11+$0x420];
	[tilespmem:s2+$0xA420] =	vst v11  }
0x84: {  	v8 =	vperm.xlane v8, v6;
	v11 =	vld [tilespmem:s11+$0x430];
	[tilespmem:s2+$0xA430] =	vst v12  }
0x85: {  	v13 =	vmul.f32 v13, v17;
	v12 =	vld [tilespmem:s11+$0x440];
	[tilespmem:s2+$0xA440] =	vst v14;
	v14 =	vperm.xlane v23, v7  }
0x86: {  	v8 =	vmul.f32 v15, v8;
	v15 =	vperm.xlane v23, v0  }
0x87: {  	v16 =	vld [tilespmem:s11+$0x450];
	[tilespmem:s2+$0xA450] =	vst v13;
	v13 =	vperm.xlane v23, v1;
	v14 =	vmul.f32 v22, v14  }
0x88: {  	v18 =	vperm.xlane v23, v2;
	v17 =	vld [tilespmem:s11+$0x460];
	[tilespmem:s2+$0xA460] =	vst v8;
	v8 =	vmul.f32 v20, v15  }
0x89: {  	v15 =	vperm.xlane v23, v3;
	v9 =	vmul.f32 v9, v13;
	[tilespmem:s11+$0xA470] =	vst v14  }
0x8a: {  	v13 =	vperm.xlane v23, v4;
	v10 =	vmul.f32 v10, v18;
	[tilespmem:s11+$0xA400] =	vst v8  }
0x8b: {  	v8 =	vperm.xlane v23, v5;
	v11 =	vmul.f32 v11, v15;
	[tilespmem:s11+$0xA410] =	vst v9  }
0x8c: {  	v9 =	vperm.xlane v23, v6;
	v12 =	vmul.f32 v12, v13;
	[tilespmem:s11+$0xA420] =	vst v10  }
0x8d: {  	v8 =	vmul.f32 v16, v8;
	[tilespmem:s11+$0xA430] =	vst v11  }
0x8e: {  	v9 =	vmul.f32 v17, v9;
	[tilespmem:s11+$0xA440] =	vst v12  }
0x8f: {  	[tilespmem:s11+$0xA450] =	vst v8  }
0x90: {  	[tilespmem:s11+$0xA460] =	vst v9  }
0x91: {  	[spmem:s1] =	stream.indirect.scatter.add.f32 [tilespmem:s23], [sflag:$0x5], $0x80, s30, s31, $0xb8;
	[tilespmem:$0x1F800] =	vst v63  }
0x92: {  	_ =	swait.ge [sflag:s29], $0x1400  }
0x93: {  	[sflag:s29] =	ssyncset.done $0x0  }
0x94: {  	[sflag:s29] =	ssyncadd.s32 $0xFFFFEC00  }
0x95: {  	_ =	swait.ge [sflag:s24], $0x1400  }
0x96: {  	[sflag:s24] =	ssyncset.done $0x0  }
0x97: {  	[sflag:s24] =	ssyncadd.s32 $0xFFFFEC00  }
0x98: {  	_ =	swait.ge [sflag:s24], $0x1400  }
0x99: {  	[sflag:s24] =	ssyncset.done $0x0  }
0x9a: {  	s2 =	simm.s32 $0x0;
	[sflag:s24] =	ssyncadd.s32 $0xFFFFEC00  }
0x9b: {  	v8 =	vld [tilespmem:s2+$0x6800]  }
0x9c: {  	v9 =	vld [tilespmem:s2+$0x1800]  }
0x9d: {  	v15 =	vld [tilespmem:s2+$0x1870]  }
0x9e: {  	v10 =	vld [tilespmem:s2+$0x1810]  }
0x9f: {  	v11 =	vld [tilespmem:s2+$0x1820]  }
0xa0: {  	v12 =	vld [tilespmem:s2+$0x1830];
	v20 =	vperm.xlane v8, v0;
	v17 =	vperm.xlane v8, v7  }
0xa1: {  	v14 =	vld [tilespmem:s2+$0x1840];
	v19 =	vperm.xlane v8, v1;
	v18 =	vperm.xlane v8, v2  }
0xa2: {  	v13 =	vld [tilespmem:s2+$0x1850];
	v16 =	vperm.xlane v8, v3;
	v22 =	vmul.f32 v15, v17  }
0xa3: {  	s16 =	simm.s32 $0x400;
	s11 =	simm.s32 $0x80;
	v21 =	vperm.xlane v8, v4;
	v17 =	vperm.xlane v8, v5;
	v15 =	vld [tilespmem:s2+$0x1860]  }
.LBB2_5:
0xa4: {  	p0 =	sne.s32 s16, $0x4E00;
	v20 =	vmul.f32 v9, v20;
	v23 =	vperm.xlane v8, v6;
	v8 =	vld [tilespmem:s11+$0x6800];
	[tilespmem:s2+$0xA470] =	vst v22  }
0xa5: {  	v19 =	vmul.f32 v10, v19;
	v18 =	vmul.f32 v11, v18;
	v9 =	vld [tilespmem:s11+$0x1800]  }
0xa6: {  	v16 =	vmul.f32 v12, v16;
	v22 =	vld [tilespmem:s11+$0x1870];
	[tilespmem:s2+$0xA400] =	vst v20;
	v21 =	vmul.f32 v14, v21  }
0xa7: {  	v10 =	vld [tilespmem:s11+$0x1810];
	[tilespmem:s2+$0xA410] =	vst v19;
	v17 =	vmul.f32 v13, v17  }
.Ltmp1:
0xa8: {  	v11 =	vld [tilespmem:s11+$0x1820];
	[tilespmem:s2+$0xA420] =	vst v18;
	v23 =	vmul.f32 v15, v23;
	(pc) =	sbr.rel @p0 .LBB2_5-.Ltmp1, $4  }
0xa9: {  	v20 =	vperm.xlane v8, v0;
	v12 =	vld [tilespmem:s11+$0x1830];
	v15 =	vperm.xlane v8, v7;
	[tilespmem:s2+$0xA430] =	vst v16  }
0xaa: {  	v19 =	vperm.xlane v8, v1;
	v18 =	vperm.xlane v8, v2;
	v14 =	vld [tilespmem:s11+$0x1840];
	[tilespmem:s2+$0xA440] =	vst v21  }
0xab: {  	v16 =	vperm.xlane v8, v3;
	v13 =	vld [tilespmem:s11+$0x1850];
	v22 =	vmul.f32 v22, v15;
	[tilespmem:s2+$0xA450] =	vst v17  }
0xac: {  	v21 =	vperm.xlane v8, v4;
	v17 =	vperm.xlane v8, v5;
	v15 =	vld [tilespmem:s11+$0x1860];
	[tilespmem:s2+$0xA460] =	vst v23;
	s2 =	smov.u32 s11;
	s11 =	sshra.s32 s16, $0x2;
	s16 =	sadd.s32 $0x200, s16  }
0xad: {  	v23 =	vld [tilespmem:s11+$0x6800];
	[tilespmem:s2+$0xA470] =	vst v22;
	v9 =	vmul.f32 v9, v20  }
0xae: {  	v10 =	vmul.f32 v10, v19;
	v20 =	vld [tilespmem:s11+$0x1800]  }
0xaf: {  	v11 =	vmul.f32 v11, v18;
	v22 =	vld [tilespmem:s11+$0x1870];
	[tilespmem:s2+$0xA400] =	vst v9  }
0xb0: {  	v12 =	vmul.f32 v12, v16;
	v9 =	vld [tilespmem:s11+$0x1810];
	[tilespmem:s2+$0xA410] =	vst v10  }
0xb1: {  	v14 =	vmul.f32 v14, v21;
	v10 =	vld [tilespmem:s11+$0x1820];
	[tilespmem:s2+$0xA420] =	vst v11  }
0xb2: {  	v8 =	vperm.xlane v8, v6;
	v11 =	vld [tilespmem:s11+$0x1830];
	[tilespmem:s2+$0xA430] =	vst v12  }
0xb3: {  	v13 =	vmul.f32 v13, v17;
	v12 =	vld [tilespmem:s11+$0x1840];
	[tilespmem:s2+$0xA440] =	vst v14;
	v14 =	vperm.xlane v23, v7  }
0xb4: {  	v8 =	vmul.f32 v15, v8;
	v15 =	vperm.xlane v23, v0  }
0xb5: {  	v16 =	vld [tilespmem:s11+$0x1850];
	[tilespmem:s2+$0xA450] =	vst v13;
	v13 =	vperm.xlane v23, v1;
	v14 =	vmul.f32 v22, v14  }
0xb6: {  	v18 =	vperm.xlane v23, v2;
	v17 =	vld [tilespmem:s11+$0x1860];
	[tilespmem:s2+$0xA460] =	vst v8;
	v8 =	vmul.f32 v20, v15  }
0xb7: {  	v15 =	vperm.xlane v23, v3;
	v9 =	vmul.f32 v9, v13;
	[tilespmem:s11+$0xA470] =	vst v14  }
0xb8: {  	v13 =	vperm.xlane v23, v4;
	v10 =	vmul.f32 v10, v18;
	[tilespmem:s11+$0xA400] =	vst v8  }
0xb9: {  	v8 =	vperm.xlane v23, v5;
	v11 =	vmul.f32 v11, v15;
	[tilespmem:s11+$0xA410] =	vst v9  }
0xba: {  	v9 =	vperm.xlane v23, v6;
	v12 =	vmul.f32 v12, v13;
	[tilespmem:s11+$0xA420] =	vst v10  }
0xbb: {  	v8 =	vmul.f32 v16, v8;
	[tilespmem:s11+$0xA430] =	vst v11  }
0xbc: {  	v9 =	vmul.f32 v17, v9;
	[tilespmem:s11+$0xA440] =	vst v12  }
0xbd: {  	[tilespmem:s11+$0xA450] =	vst v8  }
0xbe: {  	[tilespmem:s11+$0xA460] =	vst v9  }
0xbf: {  	[spmem:s1] =	stream.indirect.scatter.add.f32 [tilespmem:s23], [sflag:$0x5], $0x80, s10, s31, $0xb8;
	[tilespmem:$0x1F800] =	vst v63  }
0xc0: {  	_ =	swait.ge [sflag:s29], $0x1400  }
0xc1: {  	[sflag:s29] =	ssyncset.done $0x0  }
0xc2: {  	[sflag:s29] =	ssyncadd.s32 $0xFFFFEC00  }
0xc3: {  	_ =	swait.ge [sflag:s25], $0x1400  }
0xc4: {  	[sflag:s25] =	ssyncset.done $0x0  }
0xc5: {  	[sflag:s25] =	ssyncadd.s32 $0xFFFFEC00  }
0xc6: {  	_ =	swait.ge [sflag:s25], $0x1400  }
0xc7: {  	[sflag:s25] =	ssyncset.done $0x0  }
0xc8: {  	s2 =	simm.s32 $0x0;
	[sflag:s25] =	ssyncadd.s32 $0xFFFFEC00  }
0xc9: {  	v8 =	vld [tilespmem:s2+$0x7C00]  }
0xca: {  	v9 =	vld [tilespmem:s2+$0x2C00]  }
0xcb: {  	v15 =	vld [tilespmem:s2+$0x2C70]  }
0xcc: {  	v10 =	vld [tilespmem:s2+$0x2C10]  }
0xcd: {  	v11 =	vld [tilespmem:s2+$0x2C20]  }
0xce: {  	v12 =	vld [tilespmem:s2+$0x2C30];
	v20 =	vperm.xlane v8, v0;
	v17 =	vperm.xlane v8, v7  }
0xcf: {  	v14 =	vld [tilespmem:s2+$0x2C40];
	v19 =	vperm.xlane v8, v1;
	v18 =	vperm.xlane v8, v2  }
0xd0: {  	v13 =	vld [tilespmem:s2+$0x2C50];
	v16 =	vperm.xlane v8, v3;
	v22 =	vmul.f32 v15, v17  }
0xd1: {  	s16 =	simm.s32 $0x400;
	s11 =	simm.s32 $0x80;
	v21 =	vperm.xlane v8, v4;
	v17 =	vperm.xlane v8, v5;
	v15 =	vld [tilespmem:s2+$0x2C60]  }
.LBB2_7:
0xd2: {  	p0 =	sne.s32 s16, $0x4E00;
	v20 =	vmul.f32 v9, v20;
	v23 =	vperm.xlane v8, v6;
	v8 =	vld [tilespmem:s11+$0x7C00];
	[tilespmem:s2+$0xA470] =	vst v22  }
0xd3: {  	v19 =	vmul.f32 v10, v19;
	v18 =	vmul.f32 v11, v18;
	v9 =	vld [tilespmem:s11+$0x2C00]  }
0xd4: {  	v16 =	vmul.f32 v12, v16;
	v22 =	vld [tilespmem:s11+$0x2C70];
	[tilespmem:s2+$0xA400] =	vst v20;
	v21 =	vmul.f32 v14, v21  }
0xd5: {  	v10 =	vld [tilespmem:s11+$0x2C10];
	[tilespmem:s2+$0xA410] =	vst v19;
	v17 =	vmul.f32 v13, v17  }
.Ltmp2:
0xd6: {  	v11 =	vld [tilespmem:s11+$0x2C20];
	[tilespmem:s2+$0xA420] =	vst v18;
	v23 =	vmul.f32 v15, v23;
	(pc) =	sbr.rel @p0 .LBB2_7-.Ltmp2, $4  }
0xd7: {  	v20 =	vperm.xlane v8, v0;
	v12 =	vld [tilespmem:s11+$0x2C30];
	v15 =	vperm.xlane v8, v7;
	[tilespmem:s2+$0xA430] =	vst v16  }
0xd8: {  	v19 =	vperm.xlane v8, v1;
	v18 =	vperm.xlane v8, v2;
	v14 =	vld [tilespmem:s11+$0x2C40];
	[tilespmem:s2+$0xA440] =	vst v21  }
0xd9: {  	v16 =	vperm.xlane v8, v3;
	v13 =	vld [tilespmem:s11+$0x2C50];
	v22 =	vmul.f32 v22, v15;
	[tilespmem:s2+$0xA450] =	vst v17  }
0xda: {  	v21 =	vperm.xlane v8, v4;
	v17 =	vperm.xlane v8, v5;
	v15 =	vld [tilespmem:s11+$0x2C60];
	[tilespmem:s2+$0xA460] =	vst v23;
	s2 =	smov.u32 s11;
	s11 =	sshra.s32 s16, $0x2;
	s16 =	sadd.s32 $0x200, s16  }
0xdb: {  	v23 =	vld [tilespmem:s11+$0x7C00];
	[tilespmem:s2+$0xA470] =	vst v22;
	v9 =	vmul.f32 v9, v20  }
0xdc: {  	v10 =	vmul.f32 v10, v19;
	v20 =	vld [tilespmem:s11+$0x2C00]  }
0xdd: {  	v11 =	vmul.f32 v11, v18;
	v22 =	vld [tilespmem:s11+$0x2C70];
	[tilespmem:s2+$0xA400] =	vst v9  }
0xde: {  	v12 =	vmul.f32 v12, v16;
	v9 =	vld [tilespmem:s11+$0x2C10];
	[tilespmem:s2+$0xA410] =	vst v10  }
0xdf: {  	v14 =	vmul.f32 v14, v21;
	v10 =	vld [tilespmem:s11+$0x2C20];
	[tilespmem:s2+$0xA420] =	vst v11  }
0xe0: {  	v8 =	vperm.xlane v8, v6;
	v11 =	vld [tilespmem:s11+$0x2C30];
	[tilespmem:s2+$0xA430] =	vst v12  }
0xe1: {  	v13 =	vmul.f32 v13, v17;
	v12 =	vld [tilespmem:s11+$0x2C40];
	[tilespmem:s2+$0xA440] =	vst v14;
	v14 =	vperm.xlane v23, v7  }
0xe2: {  	v8 =	vmul.f32 v15, v8;
	v15 =	vperm.xlane v23, v0  }
0xe3: {  	v16 =	vld [tilespmem:s11+$0x2C50];
	[tilespmem:s2+$0xA450] =	vst v13;
	v13 =	vperm.xlane v23, v1;
	v14 =	vmul.f32 v22, v14  }
0xe4: {  	v18 =	vperm.xlane v23, v2;
	v17 =	vld [tilespmem:s11+$0x2C60];
	[tilespmem:s2+$0xA460] =	vst v8;
	v8 =	vmul.f32 v20, v15  }
0xe5: {  	v15 =	vperm.xlane v23, v3;
	v9 =	vmul.f32 v9, v13;
	[tilespmem:s11+$0xA470] =	vst v14  }
0xe6: {  	v13 =	vperm.xlane v23, v4;
	v10 =	vmul.f32 v10, v18;
	[tilespmem:s11+$0xA400] =	vst v8  }
0xe7: {  	v8 =	vperm.xlane v23, v5;
	v11 =	vmul.f32 v11, v15;
	[tilespmem:s11+$0xA410] =	vst v9  }
0xe8: {  	v9 =	vperm.xlane v23, v6;
	v12 =	vmul.f32 v12, v13;
	[tilespmem:s11+$0xA420] =	vst v10  }
0xe9: {  	v8 =	vmul.f32 v16, v8;
	[tilespmem:s11+$0xA430] =	vst v11  }
0xea: {  	v9 =	vmul.f32 v17, v9;
	[tilespmem:s11+$0xA440] =	vst v12  }
0xeb: {  	[tilespmem:s11+$0xA450] =	vst v8  }
0xec: {  	[tilespmem:s11+$0xA460] =	vst v9  }
0xed: {  	[spmem:s1] =	stream.indirect.scatter.add.f32 [tilespmem:s23], [sflag:$0x5], $0x80, s15, s31, $0xb8;
	[tilespmem:$0x1F800] =	vst v63  }
0xee: {  	_ =	swait.ge [sflag:s29], $0x1400  }
0xef: {  	[sflag:s29] =	ssyncset.done $0x0  }
0xf0: {  	[sflag:s29] =	ssyncadd.s32 $0xFFFFEC00  }
0xf1: {  	_ =	swait.ge [sflag:s26], $0x1400  }
0xf2: {  	[sflag:s26] =	ssyncset.done $0x0  }
0xf3: {  	[sflag:s26] =	ssyncadd.s32 $0xFFFFEC00  }
0xf4: {  	_ =	swait.ge [sflag:s26], $0x1400  }
0xf5: {  	[sflag:s26] =	ssyncset.done $0x0  }
0xf6: {  	s2 =	simm.s32 $0x0;
	[sflag:s26] =	ssyncadd.s32 $0xFFFFEC00  }
0xf7: {  	v8 =	vld [tilespmem:s2+$0x9000]  }
0xf8: {  	v9 =	vld [tilespmem:s2+$0x4000]  }
0xf9: {  	v15 =	vld [tilespmem:s2+$0x4070]  }
0xfa: {  	v10 =	vld [tilespmem:s2+$0x4010]  }
0xfb: {  	v11 =	vld [tilespmem:s2+$0x4020]  }
0xfc: {  	v12 =	vld [tilespmem:s2+$0x4030];
	v20 =	vperm.xlane v8, v0;
	v17 =	vperm.xlane v8, v7  }
0xfd: {  	v14 =	vld [tilespmem:s2+$0x4040];
	v19 =	vperm.xlane v8, v1;
	v18 =	vperm.xlane v8, v2  }
0xfe: {  	v13 =	vld [tilespmem:s2+$0x4050];
	v16 =	vperm.xlane v8, v3;
	v22 =	vmul.f32 v15, v17  }
0xff: {  	s16 =	simm.s32 $0x400;
	s11 =	simm.s32 $0x80;
	v21 =	vperm.xlane v8, v4;
	v17 =	vperm.xlane v8, v5;
	v15 =	vld [tilespmem:s2+$0x4060]  }
.LBB2_9:
0x100: {  	p0 =	sne.s32 s16, $0x4E00;
	v20 =	vmul.f32 v9, v20;
	v23 =	vperm.xlane v8, v6;
	v8 =	vld [tilespmem:s11+$0x9000];
	[tilespmem:s2+$0xA470] =	vst v22  }
0x101: {  	v19 =	vmul.f32 v10, v19;
	v18 =	vmul.f32 v11, v18;
	v9 =	vld [tilespmem:s11+$0x4000]  }
0x102: {  	v16 =	vmul.f32 v12, v16;
	v22 =	vld [tilespmem:s11+$0x4070];
	[tilespmem:s2+$0xA400] =	vst v20;
	v21 =	vmul.f32 v14, v21  }
0x103: {  	v10 =	vld [tilespmem:s11+$0x4010];
	[tilespmem:s2+$0xA410] =	vst v19;
	v17 =	vmul.f32 v13, v17  }
.Ltmp3:
0x104: {  	v11 =	vld [tilespmem:s11+$0x4020];
	[tilespmem:s2+$0xA420] =	vst v18;
	v23 =	vmul.f32 v15, v23;
	(pc) =	sbr.rel @p0 .LBB2_9-.Ltmp3, $4  }
0x105: {  	v20 =	vperm.xlane v8, v0;
	v12 =	vld [tilespmem:s11+$0x4030];
	v15 =	vperm.xlane v8, v7;
	[tilespmem:s2+$0xA430] =	vst v16  }
0x106: {  	v19 =	vperm.xlane v8, v1;
	v18 =	vperm.xlane v8, v2;
	v14 =	vld [tilespmem:s11+$0x4040];
	[tilespmem:s2+$0xA440] =	vst v21  }
0x107: {  	v16 =	vperm.xlane v8, v3;
	v13 =	vld [tilespmem:s11+$0x4050];
	v22 =	vmul.f32 v22, v15;
	[tilespmem:s2+$0xA450] =	vst v17  }
0x108: {  	v21 =	vperm.xlane v8, v4;
	v17 =	vperm.xlane v8, v5;
	v15 =	vld [tilespmem:s11+$0x4060];
	[tilespmem:s2+$0xA460] =	vst v23;
	s2 =	smov.u32 s11;
	s11 =	sshra.s32 s16, $0x2;
	s16 =	sadd.s32 $0x200, s16  }
0x109: {  	v23 =	vld [tilespmem:s11+$0x9000];
	[tilespmem:s2+$0xA470] =	vst v22;
	v9 =	vmul.f32 v9, v20  }
0x10a: {  	v10 =	vmul.f32 v10, v19;
	v54 =	vld [tilespmem:s11+$0x4000]  }
0x10b: {  	v11 =	vmul.f32 v11, v18;
	v22 =	vld [tilespmem:s11+$0x4070];
	[tilespmem:s2+$0xA400] =	vst v9  }
0x10c: {  	v12 =	vmul.f32 v12, v16;
	v9 =	vld [tilespmem:s11+$0x4010];
	[tilespmem:s2+$0xA410] =	vst v10  }
0x10d: {  	v8 =	vperm.xlane v8, v6;
	v14 =	vmul.f32 v14, v21;
	v10 =	vld [tilespmem:s11+$0x4020];
	[tilespmem:s2+$0xA420] =	vst v11  }
0x10e: {  	v13 =	vmul.f32 v13, v17;
	v11 =	vld [tilespmem:s11+$0x4030];
	[tilespmem:s2+$0xA430] =	vst v12;
	v55 =	vperm.xlane v23, v7  }
0x10f: {  	v8 =	vmul.f32 v15, v8;
	v57 =	vperm.xlane v23, v0;
	v12 =	vld [tilespmem:s11+$0x4040];
	[tilespmem:s2+$0xA440] =	vst v14  }
0x110: {  	v58 =	vperm.xlane v23, v1;
	v56 =	vld [tilespmem:s11+$0x4050];
	[tilespmem:s2+$0xA450] =	vst v13;
	v14 =	vmul.f32 v22, v55  }
0x111: {  	v60 =	vperm.xlane v23, v2;
	v59 =	vld [tilespmem:s11+$0x4060];
	[tilespmem:s2+$0xA460] =	vst v8;
	v8 =	vmul.f32 v54, v57  }
0x112: {  	v61 =	vperm.xlane v23, v3;
	v9 =	vmul.f32 v9, v58;
	[tilespmem:s11+$0xA470] =	vst v14  }
0x113: {  	v62 =	vperm.xlane v23, v4;
	v10 =	vmul.f32 v10, v60;
	[tilespmem:s11+$0xA400] =	vst v8  }
0x114: {  	v8 =	vperm.xlane v23, v5;
	v11 =	vmul.f32 v11, v61;
	[tilespmem:s11+$0xA410] =	vst v9  }
0x115: {  	v63 =	vperm.xlane v23, v6;
	v12 =	vmul.f32 v12, v62;
	[tilespmem:s11+$0xA420] =	vst v10  }
0x116: {  	v8 =	vmul.f32 v56, v8;
	[tilespmem:s11+$0xA430] =	vst v11  }
0x117: {  	s28 =	sadd.s32 $0x1, s28;
	v9 =	vmul.f32 v59, v63;
	[tilespmem:s11+$0xA440] =	vst v12  }
0x118: {  	p0 =	sne.s32 s28, $0x3E;
	[tilespmem:s11+$0xA450] =	vst v8  }
.Ltmp4:
0x119: {  	[tilespmem:s11+$0xA460] =	vst v9;
	(pc) =	sbr.rel @p0 .LBB2_2-.Ltmp4, $4  }
0x11a: {  	[spmem:s1] =	stream.indirect.scatter.add.f32 [tilespmem:s23], [sflag:$0x5], $0x80, s19, s31, $0xb8;
	[tilespmem:$0x1F800] =	vst v63  }
0x11b: {  	_ =	swait.ge [sflag:s29], $0x1400  }
0x11c: {  	[sflag:s29] =	ssyncset.done $0x0  }
0x11d: {  	[sflag:s29] =	ssyncadd.s32 $0xFFFFEC00  }
0x11e: {  	s2 =	simm.s32 $0x0;
	s11 =	rddreg [dreg:$0x7]  }
0x11f: {  	[tilespmem:s2], [sflag:$0x5] =	stream.linear.gather [hbm4b:s11+s2], $0x28, $0x38;
	[tilespmem:$0x1F800] =	vst v63  }
0x120: {  	_ =	swait.ge [sflag:s29], $0x28  }
0x121: {  	[sflag:s29] =	ssyncset.done $0x0  }
0x122: {  	s28 =	rddreg [dreg:$0xd];
	[sflag:s29] =	ssyncadd.s32 $0xFFFFFFD8  }
0x123: {  	[tilespmem:s30], [sflag:$0x5] =	stream.linear.gather [hbm4b:s28+s2], $0x28, $0x38;
	[tilespmem:$0x1F800] =	vst v63  }
0x124: {  	_ =	swait.ge [sflag:s29], $0x28  }
0x125: {  	[sflag:s29] =	ssyncset.done $0x0  }
0x126: {  	[sflag:s29] =	ssyncadd.s32 $0xFFFFFFD8  }
0x127: {  	[tilespmem:s0], [sflag:$0x1] =	stream.indirect.gather [hbm4b:s3+s31], $0x80, s2, s31, $0xb8;
	[tilespmem:$0x1F800] =	vst v63  }
0x128: {  	s16 =	rddreg [dreg:$0xe]  }
0x129: {  	[tilespmem:s5], [sflag:$0x1] =	stream.linear.gather [hbm4b:s16+s2], $0x1400, $0x38;
	[tilespmem:$0x1F800] =	vst v63  }
0x12a: {  	s17 =	rddreg [dreg:$0xf]  }
0x12b: {  	[tilespmem:s8], [sflag:$0x5] =	stream.linear.gather [hbm4b:s17+s2], $0x28, $0x38;
	[tilespmem:$0x1F800] =	vst v63  }
0x12c: {  	_ =	swait.ge [sflag:s29], $0x28  }
0x12d: {  	[sflag:s29] =	ssyncset.done $0x0  }
0x12e: {  	s20 =	rddreg [dreg:$0x10];
	[sflag:s29] =	ssyncadd.s32 $0xFFFFFFD8  }
0x12f: {  	[tilespmem:s10], [sflag:$0x5] =	stream.linear.gather [hbm4b:s20+s2], $0x28, $0x38;
	[tilespmem:$0x1F800] =	vst v63  }
0x130: {  	_ =	swait.ge [sflag:s29], $0x28  }
0x131: {  	[sflag:s29] =	ssyncset.done $0x0  }
0x132: {  	[sflag:s29] =	ssyncadd.s32 $0xFFFFFFD8  }
0x133: {  	[tilespmem:s12], [sflag:$0x2] =	stream.indirect.gather [hbm4b:s3+s31], $0x80, s8, s31, $0xb8;
	[tilespmem:$0x1F800] =	vst v63  }
0x134: {  	s28 =	rddreg [dreg:$0x11]  }
0x135: {  	[tilespmem:s13], [sflag:$0x2] =	stream.linear.gather [hbm4b:s28+s2], $0x1400, $0x38;
	[tilespmem:$0x1F800] =	vst v63  }
0x136: {  	_ =	swait.ge [sflag:s22], $0x1400  }
0x137: {  	[sflag:s22] =	ssyncset.done $0x0  }
0x138: {  	[sflag:s22] =	ssyncadd.s32 $0xFFFFEC00  }
0x139: {  	_ =	swait.ge [sflag:s22], $0x1400  }
0x13a: {  	[sflag:s22] =	ssyncset.done $0x0  }
0x13b: {  	s2 =	simm.s32 $0x0;
	[sflag:s22] =	ssyncadd.s32 $0xFFFFEC00  }
0x13c: {  	v8 =	vld [tilespmem:s2+$0x5400]  }
0x13d: {  	v9 =	vld [tilespmem:s2+$0x400]  }
0x13e: {  	v15 =	vld [tilespmem:s2+$0x470]  }
0x13f: {  	v10 =	vld [tilespmem:s2+$0x410]  }
0x140: {  	v11 =	vld [tilespmem:s2+$0x420]  }
0x141: {  	v12 =	vld [tilespmem:s2+$0x430];
	v20 =	vperm.xlane v8, v0;
	v17 =	vperm.xlane v8, v7  }
0x142: {  	v14 =	vld [tilespmem:s2+$0x440];
	v19 =	vperm.xlane v8, v1;
	v18 =	vperm.xlane v8, v2  }
0x143: {  	v13 =	vld [tilespmem:s2+$0x450];
	v16 =	vperm.xlane v8, v3;
	v22 =	vmul.f32 v15, v17  }
0x144: {  	s11 =	simm.s32 $0x80;
	s16 =	simm.s32 $0x400;
	v21 =	vperm.xlane v8, v4;
	v17 =	vperm.xlane v8, v5;
	v15 =	vld [tilespmem:s2+$0x460]  }
.LBB2_12:
0x145: {  	p0 =	sne.s32 s16, $0x4E00;
	v20 =	vmul.f32 v9, v20;
	v23 =	vperm.xlane v8, v6;
	v8 =	vld [tilespmem:s11+$0x5400];
	[tilespmem:s2+$0xA470] =	vst v22  }
0x146: {  	v19 =	vmul.f32 v10, v19;
	v18 =	vmul.f32 v11, v18;
	v9 =	vld [tilespmem:s11+$0x400]  }
0x147: {  	v16 =	vmul.f32 v12, v16;
	v22 =	vld [tilespmem:s11+$0x470];
	[tilespmem:s2+$0xA400] =	vst v20;
	v21 =	vmul.f32 v14, v21  }
0x148: {  	v10 =	vld [tilespmem:s11+$0x410];
	[tilespmem:s2+$0xA410] =	vst v19;
	v17 =	vmul.f32 v13, v17  }
.Ltmp5:
0x149: {  	v11 =	vld [tilespmem:s11+$0x420];
	[tilespmem:s2+$0xA420] =	vst v18;
	v23 =	vmul.f32 v15, v23;
	(pc) =	sbr.rel @p0 .LBB2_12-.Ltmp5, $4  }
0x14a: {  	v20 =	vperm.xlane v8, v0;
	v12 =	vld [tilespmem:s11+$0x430];
	v15 =	vperm.xlane v8, v7;
	[tilespmem:s2+$0xA430] =	vst v16  }
0x14b: {  	v19 =	vperm.xlane v8, v1;
	v18 =	vperm.xlane v8, v2;
	v14 =	vld [tilespmem:s11+$0x440];
	[tilespmem:s2+$0xA440] =	vst v21  }
0x14c: {  	v16 =	vperm.xlane v8, v3;
	v13 =	vld [tilespmem:s11+$0x450];
	v22 =	vmul.f32 v22, v15;
	[tilespmem:s2+$0xA450] =	vst v17  }
0x14d: {  	v21 =	vperm.xlane v8, v4;
	v17 =	vperm.xlane v8, v5;
	v15 =	vld [tilespmem:s11+$0x460];
	[tilespmem:s2+$0xA460] =	vst v23;
	s2 =	smov.u32 s11;
	s11 =	sshra.s32 s16, $0x2;
	s16 =	sadd.s32 $0x200, s16  }
0x14e: {  	v23 =	vld [tilespmem:s11+$0x5400];
	[tilespmem:s2+$0xA470] =	vst v22;
	v9 =	vmul.f32 v9, v20  }
0x14f: {  	v10 =	vmul.f32 v10, v19;
	v20 =	vld [tilespmem:s11+$0x400]  }
0x150: {  	v11 =	vmul.f32 v11, v18;
	v22 =	vld [tilespmem:s11+$0x470];
	[tilespmem:s2+$0xA400] =	vst v9  }
0x151: {  	v12 =	vmul.f32 v12, v16;
	v9 =	vld [tilespmem:s11+$0x410];
	[tilespmem:s2+$0xA410] =	vst v10  }
0x152: {  	v14 =	vmul.f32 v14, v21;
	v10 =	vld [tilespmem:s11+$0x420];
	[tilespmem:s2+$0xA420] =	vst v11  }
0x153: {  	v8 =	vperm.xlane v8, v6;
	v11 =	vld [tilespmem:s11+$0x430];
	[tilespmem:s2+$0xA430] =	vst v12  }
0x154: {  	v13 =	vmul.f32 v13, v17;
	v12 =	vld [tilespmem:s11+$0x440];
	[tilespmem:s2+$0xA440] =	vst v14;
	v14 =	vperm.xlane v23, v7  }
0x155: {  	v8 =	vmul.f32 v15, v8;
	v15 =	vperm.xlane v23, v0  }
0x156: {  	v16 =	vld [tilespmem:s11+$0x450];
	[tilespmem:s2+$0xA450] =	vst v13;
	v13 =	vperm.xlane v23, v1;
	v14 =	vmul.f32 v22, v14  }
0x157: {  	v18 =	vperm.xlane v23, v2;
	v17 =	vld [tilespmem:s11+$0x460];
	[tilespmem:s2+$0xA460] =	vst v8;
	v8 =	vmul.f32 v20, v15  }
0x158: {  	v15 =	vperm.xlane v23, v3;
	v9 =	vmul.f32 v9, v13;
	[tilespmem:s11+$0xA470] =	vst v14  }
0x159: {  	v13 =	vperm.xlane v23, v4;
	v10 =	vmul.f32 v10, v18;
	[tilespmem:s11+$0xA400] =	vst v8  }
0x15a: {  	v8 =	vperm.xlane v23, v5;
	v11 =	vmul.f32 v11, v15;
	[tilespmem:s11+$0xA410] =	vst v9  }
0x15b: {  	v9 =	vperm.xlane v23, v6;
	v12 =	vmul.f32 v12, v13;
	[tilespmem:s11+$0xA420] =	vst v10  }
0x15c: {  	v8 =	vmul.f32 v16, v8;
	[tilespmem:s11+$0xA430] =	vst v11  }
0x15d: {  	v9 =	vmul.f32 v17, v9;
	[tilespmem:s11+$0xA440] =	vst v12  }
0x15e: {  	[tilespmem:s11+$0xA450] =	vst v8  }
0x15f: {  	[tilespmem:s11+$0xA460] =	vst v9  }
0x160: {  	[spmem:s1] =	stream.indirect.scatter.add.f32 [tilespmem:s23], [sflag:$0x5], $0x80, s30, s31, $0xb8;
	[tilespmem:$0x1F800] =	vst v63  }
0x161: {  	_ =	swait.ge [sflag:s29], $0x1400  }
0x162: {  	[sflag:s29] =	ssyncset.done $0x0  }
0x163: {  	[sflag:s29] =	ssyncadd.s32 $0xFFFFEC00  }
0x164: {  	_ =	swait.ge [sflag:s24], $0x1400  }
0x165: {  	[sflag:s24] =	ssyncset.done $0x0  }
0x166: {  	[sflag:s24] =	ssyncadd.s32 $0xFFFFEC00  }
0x167: {  	_ =	swait.ge [sflag:s24], $0x1400  }
0x168: {  	[sflag:s24] =	ssyncset.done $0x0  }
0x169: {  	s2 =	simm.s32 $0x0;
	[sflag:s24] =	ssyncadd.s32 $0xFFFFEC00  }
0x16a: {  	v8 =	vld [tilespmem:s2+$0x6800]  }
0x16b: {  	v9 =	vld [tilespmem:s2+$0x1800]  }
0x16c: {  	v15 =	vld [tilespmem:s2+$0x1870]  }
0x16d: {  	v10 =	vld [tilespmem:s2+$0x1810]  }
0x16e: {  	v11 =	vld [tilespmem:s2+$0x1820]  }
0x16f: {  	v12 =	vld [tilespmem:s2+$0x1830];
	v20 =	vperm.xlane v8, v0;
	v17 =	vperm.xlane v8, v7  }
0x170: {  	v14 =	vld [tilespmem:s2+$0x1840];
	v19 =	vperm.xlane v8, v1;
	v18 =	vperm.xlane v8, v2  }
0x171: {  	s17 =	rddreg [dreg:$0x3];
	v13 =	vld [tilespmem:s2+$0x1850];
	v16 =	vperm.xlane v8, v3;
	v22 =	vmul.f32 v15, v17  }
0x172: {  	s16 =	simm.s32 $0x400;
	s11 =	simm.s32 $0x80;
	s20 =	rddreg [dreg:$0x6];
	v21 =	vperm.xlane v8, v4;
	v17 =	vperm.xlane v8, v5;
	v15 =	vld [tilespmem:s2+$0x1860]  }
.LBB2_14:
0x173: {  	p0 =	sne.s32 s16, $0x4E00;
	v20 =	vmul.f32 v9, v20;
	v23 =	vperm.xlane v8, v6;
	v8 =	vld [tilespmem:s11+$0x6800];
	[tilespmem:s2+$0xA470] =	vst v22  }
0x174: {  	v19 =	vmul.f32 v10, v19;
	v18 =	vmul.f32 v11, v18;
	v9 =	vld [tilespmem:s11+$0x1800]  }
0x175: {  	v16 =	vmul.f32 v12, v16;
	v22 =	vld [tilespmem:s11+$0x1870];
	[tilespmem:s2+$0xA400] =	vst v20;
	v21 =	vmul.f32 v14, v21  }
0x176: {  	v10 =	vld [tilespmem:s11+$0x1810];
	[tilespmem:s2+$0xA410] =	vst v19;
	v17 =	vmul.f32 v13, v17  }
.Ltmp6:
0x177: {  	v11 =	vld [tilespmem:s11+$0x1820];
	[tilespmem:s2+$0xA420] =	vst v18;
	v23 =	vmul.f32 v15, v23;
	(pc) =	sbr.rel @p0 .LBB2_14-.Ltmp6, $4  }
0x178: {  	v20 =	vperm.xlane v8, v0;
	v12 =	vld [tilespmem:s11+$0x1830];
	v15 =	vperm.xlane v8, v7;
	[tilespmem:s2+$0xA430] =	vst v16  }
0x179: {  	v19 =	vperm.xlane v8, v1;
	v18 =	vperm.xlane v8, v2;
	v14 =	vld [tilespmem:s11+$0x1840];
	[tilespmem:s2+$0xA440] =	vst v21  }
0x17a: {  	v16 =	vperm.xlane v8, v3;
	v13 =	vld [tilespmem:s11+$0x1850];
	v22 =	vmul.f32 v22, v15;
	[tilespmem:s2+$0xA450] =	vst v17  }
0x17b: {  	v21 =	vperm.xlane v8, v4;
	v17 =	vperm.xlane v8, v5;
	v15 =	vld [tilespmem:s11+$0x1860];
	[tilespmem:s2+$0xA460] =	vst v23;
	s2 =	smov.u32 s11;
	s11 =	sshra.s32 s16, $0x2;
	s16 =	sadd.s32 $0x200, s16  }
0x17c: {  	v23 =	vld [tilespmem:s11+$0x6800];
	[tilespmem:s2+$0xA470] =	vst v22;
	v9 =	vmul.f32 v9, v20  }
0x17d: {  	v10 =	vmul.f32 v10, v19;
	v54 =	vld [tilespmem:s11+$0x1800]  }
0x17e: {  	v11 =	vmul.f32 v11, v18;
	v22 =	vld [tilespmem:s11+$0x1870];
	[tilespmem:s2+$0xA400] =	vst v9  }
0x17f: {  	v12 =	vmul.f32 v12, v16;
	v9 =	vld [tilespmem:s11+$0x1810];
	[tilespmem:s2+$0xA410] =	vst v10  }
0x180: {  	v8 =	vperm.xlane v8, v6;
	v14 =	vmul.f32 v14, v21;
	v10 =	vld [tilespmem:s11+$0x1820];
	[tilespmem:s2+$0xA420] =	vst v11  }
0x181: {  	v13 =	vmul.f32 v13, v17;
	v11 =	vld [tilespmem:s11+$0x1830];
	[tilespmem:s2+$0xA430] =	vst v12;
	v55 =	vperm.xlane v23, v7  }
0x182: {  	v8 =	vmul.f32 v15, v8;
	v57 =	vperm.xlane v23, v0;
	v12 =	vld [tilespmem:s11+$0x1840];
	[tilespmem:s2+$0xA440] =	vst v14  }
0x183: {  	v58 =	vperm.xlane v23, v1;
	v56 =	vld [tilespmem:s11+$0x1850];
	[tilespmem:s2+$0xA450] =	vst v13;
	v14 =	vmul.f32 v22, v55  }
0x184: {  	v60 =	vperm.xlane v23, v2;
	v59 =	vld [tilespmem:s11+$0x1860];
	[tilespmem:s2+$0xA460] =	vst v8;
	v8 =	vmul.f32 v54, v57  }
0x185: {  	v61 =	vperm.xlane v23, v3;
	v9 =	vmul.f32 v9, v58;
	[tilespmem:s11+$0xA470] =	vst v14  }
0x186: {  	v62 =	vperm.xlane v23, v4;
	v10 =	vmul.f32 v10, v60;
	[tilespmem:s11+$0xA400] =	vst v8  }
0x187: {  	v8 =	vperm.xlane v23, v5;
	v11 =	vmul.f32 v11, v61;
	[tilespmem:s11+$0xA410] =	vst v9  }
0x188: {  	v63 =	vperm.xlane v23, v6;
	v12 =	vmul.f32 v12, v62;
	[tilespmem:s11+$0xA420] =	vst v10  }
0x189: {  	v8 =	vmul.f32 v56, v8;
	[tilespmem:s11+$0xA430] =	vst v11  }
0x18a: {  	v9 =	vmul.f32 v59, v63;
	[tilespmem:s11+$0xA440] =	vst v12  }
0x18b: {  	[tilespmem:s11+$0xA450] =	vst v8  }
0x18c: {  	[tilespmem:s11+$0xA460] =	vst v9  }
0x18d: {  	[spmem:s1] =	stream.indirect.scatter.add.f32 [tilespmem:s23], [sflag:$0x5], $0x80, s10, s31, $0xb8;
	[tilespmem:$0x1F800] =	vst v63  }
0x18e: {  	_ =	swait.ge [sflag:s29], $0x1400  }
0x18f: {  	[sflag:s29] =	ssyncset.done $0x0  }
0x190: {  	[sflag:s29] =	ssyncadd.s32 $0xFFFFEC00  }
0x191: {  	[bflag:$0x0] =	sbarrier.arrive $0xFFFF  }
0x192: {  	s16 =	rddreg [dreg:$0x8]  }
0x193: {  	s28 =	rddreg [dreg:$0x17]  }
0x194: {  	[hbm:s16], [sflag:s20] =	dma.local [spmem:s28], $0x800  }
0x195: {  	_ =	swait.ge [sflag:s29], $0x800  }
0x196: {  	[sflag:s29] =	ssyncset.done $0x0;
	s16 =	rddreg [dreg:$0x9]  }
0x197: {  	s28 =	rddreg [dreg:$0x13];
	[sflag:s29] =	ssyncadd.s32 $0xFFFFF800  }
0x198: {  	[hbm:s16], [sflag:s20] =	dma.local [spmem:s28], $0x800  }
0x199: {  	_ =	swait.ge [sflag:s29], $0x800  }
0x19a: {  	[sflag:s29] =	ssyncset.done $0x0;
	s16 =	rddreg [dreg:$0xa]  }
0x19b: {  	s28 =	rddreg [dreg:$0x14];
	[sflag:s29] =	ssyncadd.s32 $0xFFFFF800  }
0x19c: {  	[hbm:s16], [sflag:s20] =	dma.local [spmem:s28], $0x800  }
0x19d: {  	_ =	swait.ge [sflag:s29], $0x800  }
0x19e: {  	[sflag:s29] =	ssyncset.done $0x0;
	s16 =	rddreg [dreg:$0xb]  }
0x19f: {  	s28 =	rddreg [dreg:$0x15];
	[sflag:s29] =	ssyncadd.s32 $0xFFFFF800  }
0x1a0: {  	[hbm:s16], [sflag:s20] =	dma.local [spmem:s28], $0x800  }
0x1a1: {  	_ =	swait.ge [sflag:s29], $0x800  }
0x1a2: {  	[sflag:s29] =	ssyncset.done $0x0;
	s11 =	rddreg [dreg:$0xc]  }
0x1a3: {  	s16 =	rddreg [dreg:$0x16];
	[sflag:s29] =	ssyncadd.s32 $0xFFFFF800  }
0x1a4: {  	[hbm:s11], [sflag:s20] =	dma.local [spmem:s16], $0x800  }
0x1a5: {  	_ =	swait.ge [sflag:s29], $0x800  }
0x1a6: {  	s17 =	sadd.s32 $0x1, s17;
	s28 =	rddreg [dreg:$0x12]  }
0x1a7: {  	p0 =	sne.s32 s17, s28  }
.Ltmp7:
0x1a8: {  	_ = 	snop;
	(pc) =	sbr.rel @p0 .LBB2_1-.Ltmp7, $3  }
0x1a9: {  	_ =	sdelay $0x1  }
0x1aa: {  	[sflag:s29] =	ssyncset.done $0x0  }
0x1ab: {  	[sflag:s29] =	ssyncadd.s32 $0xFFFFF800  }
0x1ac: {  	_ =	sfence.sel $0x180000  }
0x1ad: {  	[bflag:$0x0] =	sbarrier.arrive $0xFFFF  }
0x1ae: {  	_ =	strace $0x9000004A  }
0x1af: {  	s0 =	stileid.u32;
	[bflag:$0x2] =	sbarrier.arrive $0xFFFF  }
0x1b0: {  	p0 =	sne.s32 s0, $0x0;
	s0 =	rddreg [dreg:$0x2]  }
0x1b1: {  	s0 =	sadd.s32 @!p0 $0x100000, s0  }
0x1b2: {  	[sflag:s0] =	ssyncadd.tile.s32 @!p0 $0x1;
	_ =	shalt  }
.Lfunc_end2:
_tile_overlayer_lowered:
.L_overlay_start_2:
0x1b3: {  	(tag) =	ssettag $0x2  }
0x1b4: {  	s0 =	rddreg [dreg:$0x0];
	s2 =	stileid.u32  }
0x1b5: {  	s1 =	rddreg [dreg:$0x1];
	p0 =	sne.s32 s2, $0x0  }
0x1b6: {  	s3 =	rddreg [dreg:$0x2];
	[bflag:$0x3] =	sbarrier.arrive $0xFFFF;
	s2 =	simm.s32 @!p0 $0x1C05  }
0x1b7: {  	[timem:s3], [sflag:s2] =	dma.local @!p0 [hbm:s0], s1  }
0x1b8: {  	s0 =	simm.s32 @!p0 $0x5  }
0x1b9: {  	_ =	swait.ge @!p0 [sflag:s0], s1  }
0x1ba: {  	s1 =	ssub.s32 @!p0 $0x0, s1;
	[sflag:s0] =	ssyncset.done @!p0 $0x0  }
0x1bb: {  	[sflag:s0] =	ssyncadd.s32 @!p0 s1  }
0x1bc: {  	[bflag:$0x3] =	sbarrier.arrive $0xFFFF  }
0x1bd: {  	_ =	shalt  }

// kernel: kernel.7.cloned.1.call-start
scs
__scs_entry_jumppad:
0x0: {  	(pc) =	sbr.rel $0x88, $3  }
0x1: {  	(tag) =	ssettag $0x0;
	lr =	simm.s32 $0x1  }
0x2: {  	[smem:$0x3F91] =	sst lr;
	_ =	strace $0xD0000000  }
0x3: {  	_ = 	snop  }
0x4: {  	_ = 	snop  }
0x5: {  	_ = 	snop  }
0x6: {  	_ = 	snop  }
0x7: {  	_ = 	snop  }
__scs_overlays_trampoline_lowered:
0x8: {  	[smem:$0x3FA0] =	sst s0  }
0x9: {  	[smem:$0x3FA1] =	sst s1  }
0xa: {  	[smem:$0x3FA2] =	sst s2  }
0xb: {  	[smem:$0x3FA3] =	sst s3  }
0xc: {  	[smem:$0x3FA4] =	sst s4  }
0xd: {  	[smem:$0x3FA5] =	sst s5  }
0xe: {  	[smem:$0x3FA6] =	sst s6  }
0xf: {  	[smem:$0x3FA7] =	sst s7  }
0x10: {  	[smem:$0x3FA8] =	sst s8  }
0x11: {  	[smem:$0x3FA9] =	sst s9;
	s0 =	simm.s32 @!p0 $0x0  }
0x12: {  	s1 =	sld [smem:$0x3F8F];
	s0 =	simm.s32 @p0 $0x1  }
0x13: {  	[smem:$0x3FAA] =	sst s0;
	s0 =	simm.s32 @!p1 $0x0  }
0x14: {  	s2 =	sld [smem:$0x3F8E];
	s0 =	simm.s32 @p1 $0x1  }
0x15: {  	[smem:$0x3FAB] =	sst s0;
	s0 =	simm.s32 @!p2 $0x0  }
0x16: {  	s3 =	sld [smem:$0x3FDB];
	s0 =	simm.s32 @p2 $0x1  }
0x17: {  	s4 =	simm.s32 $0x1BF5;
	[smem:$0x3FAD] =	sst s0  }
0x18: {  	s0 =	sld [smem:$0x3F90];
	_ =	swait.ge [sflag:s4], $0x0  }
0x19: {  	s7 =	sld [smem:$0x3F91]  }
0x1a: {  	s8 =	sadd.s32 $0xFFFFE003, lr  }
0x1b: {  	s9 =	sadd.s32 $0xFFFFFEF7, lr;
	s5 =	simm.s32 $0xFFFFFFFF;
	p2 =	slt.u32 s8, $0xFFFFF086  }
0x1c: {  	p1 =	slt.u32 s9, $0xF7A;
	s5 =	simm.s32 @!p2 $0x0  }
0x1d: {  	s5 =	simm.s32 @p1 $0x1;
	p0 =	seq.s32 s7, s2  }
0x1e: {  	s7 =	smul.u32 @!p0 $0xF7A, s2;
	p2 =	seq.s32 @!p0 s5, $0x0  }
0x1f: {  	s9 =	smul.u32 $0xF7A, s1;
	s8 =	simm.s32 @!p0 $0x1BF5;
	p2 =	por !p2, p0  }
0x20: {  	[sflag:s8] =	ssyncset.s32 @!p0 $0xFFFFF086;
	s6 =	sadd.s32 @!p0 s3, s7;
	s7 =	simm.s32 @!p0 $0x108  }
0x21: {  	s3 =	sadd.s32 s3, s9;
	s6 =	sadd.s32 @!p0 $0x88, s6;
	s7 =	simm.s32 @p2 $0x1082  }
0x22: {  	[simem:s7], [sflag:s8] =	dma.local @!p0 [hbm:s6], $0xF7A  }
0x23: {  	s9 =	sor.u32 $0xD0000000, s2;
	s6 =	simm.s32 $0x108;
	_ =	swait.ge @!p0 [sflag:s8], $0x0  }
0x24: {  	s3 =	sadd.s32 $0x88, s3;
	s6 =	simm.s32 @!p1 $0x1082;
	[sflag:s4] =	ssyncset.s32 $0xFFFFF086  }
0x25: {  	[simem:s6], [sflag:s4] =	dma.local [hbm:s3], $0xF7A  }
0x26: {  	[smem:$0x3F91] =	sst s1;
	(tag) =	ssettag s2;
	_ =	strace s9  }
0x27: {  	s1 =	sld [smem:$0x3FA1]  }
0x28: {  	s2 =	sld [smem:$0x3FA2]  }
0x29: {  	s4 =	sld [smem:$0x3FA4]  }
0x2a: {  	p0 =	seq.s32 s5, $0x0;
	s5 =	sld [smem:$0x3FA5]  }
0x2b: {  	s6 =	sld [smem:$0x3FA6]  }
0x2c: {  	s7 =	sld [smem:$0x3FA7]  }
0x2d: {  	s3 =	simm.s32 $0x108;
	s8 =	sld [smem:$0x3FA8]  }
0x2e: {  	s3 =	simm.s32 @!p0 $0x1082;
	s9 =	sld [smem:$0x3FA9]  }
0x2f: {  	lr =	sadd.s32 s0, s3;
	s0 =	sld [smem:$0x3FA0]  }
0x30: {  	s3 =	sld [smem:$0x3FA3]  }
0x31: {  	[smem:$0x3FAC] =	sst s10  }
0x32: {  	s10 =	sld [smem:$0x3FAA];
	_ =	sdelay $0x3  }
0x33: {  	p0 =	seq.s32 s10, $0x1;
	s10 =	sld [smem:$0x3FAC];
	_ =	sdelay $0x3  }
0x34: {  	[smem:$0x3FAC] =	sst s10  }
0x35: {  	s10 =	sld [smem:$0x3FAB];
	_ =	sdelay $0x3  }
0x36: {  	p1 =	seq.s32 s10, $0x1;
	s10 =	sld [smem:$0x3FAC];
	_ =	sdelay $0x3  }
0x37: {  	[smem:$0x3FAC] =	sst s10  }
0x38: {  	s10 =	sld [smem:$0x3FAD]  }
0x39: {  	_ = 	snop;
	(pc) =	sbr.ind lr, $3  }
0x3a: {  	_ = 	snop  }
0x3b: {  	_ = 	snop  }
0x3c: {  	p2 =	seq.s32 s10, $0x1;
	s10 =	sld [smem:$0x3FAC]  }
0x3d: {  	_ =	shalt  }
0x3e: {  	_ =	shalt  }
0x3f: {  	_ =	shalt  }
0x40: {  	_ =	shalt  }
0x41: {  	_ =	shalt  }
0x42: {  	_ =	shalt  }
0x43: {  	_ =	shalt  }
0x44: {  	_ =	shalt  }
0x45: {  	_ =	shalt  }
0x46: {  	_ =	shalt  }
0x47: {  	_ =	shalt  }
0x48: {  	_ =	shalt  }
0x49: {  	_ =	shalt  }
0x4a: {  	_ =	shalt  }
0x4b: {  	_ =	shalt  }
0x4c: {  	_ =	shalt  }
0x4d: {  	_ =	shalt  }
0x4e: {  	_ =	shalt  }
0x4f: {  	_ =	shalt  }
0x50: {  	_ =	shalt  }
0x51: {  	_ =	shalt  }
0x52: {  	_ =	shalt  }
0x53: {  	_ =	shalt  }
0x54: {  	_ =	shalt  }
0x55: {  	_ =	shalt  }
0x56: {  	_ =	shalt  }
0x57: {  	_ =	shalt  }
0x58: {  	_ =	shalt  }
0x59: {  	_ =	shalt  }
0x5a: {  	_ =	shalt  }
0x5b: {  	_ =	shalt  }
0x5c: {  	_ =	shalt  }
0x5d: {  	_ =	shalt  }
0x5e: {  	_ =	shalt  }
0x5f: {  	_ =	shalt  }
0x60: {  	_ =	shalt  }
0x61: {  	_ =	shalt  }
0x62: {  	_ =	shalt  }
0x63: {  	_ =	shalt  }
0x64: {  	_ =	shalt  }
0x65: {  	_ =	shalt  }
0x66: {  	_ =	shalt  }
0x67: {  	_ =	shalt  }
0x68: {  	_ =	shalt  }
0x69: {  	_ =	shalt  }
0x6a: {  	_ =	shalt  }
0x6b: {  	_ =	shalt  }
0x6c: {  	_ =	shalt  }
0x6d: {  	_ =	shalt  }
0x6e: {  	_ =	shalt  }
0x6f: {  	_ =	shalt  }
0x70: {  	_ =	shalt  }
0x71: {  	_ =	shalt  }
0x72: {  	_ =	shalt  }
0x73: {  	_ =	shalt  }
0x74: {  	_ =	shalt  }
0x75: {  	_ =	shalt  }
0x76: {  	_ =	shalt  }
0x77: {  	_ =	shalt  }
0x78: {  	_ =	shalt  }
0x79: {  	_ =	shalt  }
0x7a: {  	_ =	shalt  }
0x7b: {  	_ =	shalt  }
0x7c: {  	_ =	shalt  }
0x7d: {  	_ =	shalt  }
0x7e: {  	_ =	shalt  }
0x7f: {  	_ =	shalt  }
0x80: {  	_ =	shalt  }
0x81: {  	_ =	shalt  }
0x82: {  	_ =	shalt  }
0x83: {  	_ =	shalt  }
0x84: {  	_ =	shalt  }
0x85: {  	_ =	shalt  }
0x86: {  	_ =	shalt  }
0x87: {  	_ =	shalt  }
.Lfunc_end0:
.L_simem_size_0:
called_computation_lowered:
.L_overlay_start_0:
0x88: {  	s2 =	sld [smem:$0x3FD9]  }
0x89: {  	s3 =	sld [smem:$0x3FFE];
	_ =	sdelay $0x1  }
0x8a: {  	s1 =	srdreg.scid  }
0x8b: {  	s0 =	sand.u32 $0x1, s1  }
0x8c: {  	s17 =	sshll.u32 s0, $0xA;
	s2 =	sadd.s32 s3, s2  }
0x8d: {  	s2 =	sadd.s32 s2, s17  }
0x8e: {  	[smem:$0x3FB8] =	sst s2  }
0x8f: {  	_ = 	snop  }
0x90: {  	s2 =	sld [smem:$0x3FD0];
	(tm) =	ssettm $0x1  }
0x91: {  	s18 =	sld [smem:$0x3FFB];
	_ =	sdelay $0x3  }
0x92: {  	_ =	strace s18  }
0x93: {  	s3 =	sld [smem:$0x3FFC];
	_ =	sdelay $0x3  }
0x94: {  	_ =	strace s3  }
0x95: {  	s3 =	sld [smem:$0x3FFD];
	_ =	sdelay $0x3  }
0x96: {  	_ =	strace s3  }
0x97: {  	_ =	strace $0x8FFFFFFF  }
0x98: {  	s19 =	sld [smem:$0x3FDB];
	_ =	sdelay $0x1  }
0x99: {  	s4 =	simm.s32 $_scs_section_size  }
0x9a: {  	s5 =	simm.s32 $_size__tile_overlayer_lowered;
	s6 =	simm.s32 $_tile_overlayer_lowered  }
0x9b: {  	s22 =	simm.s32 $0x1BFF;
	s21 =	sshll.u32 s6, $0x1;
	s3 =	sadd.s32 s4, s19  }
0x9c: {  	s7 =	simm.s32 $0x0;
	s20 =	sshll.u32 s5, $0x1;
	s5 =	sadd.s32 s21, s3  }
0x9d: {  	[timem:s7], [sflag:s22] =	dma.local [hbm:s5], s20  }
0x9e: {  	_ =	swait.ge [sflag:s22], s20  }
0x9f: {  	s4 =	ssub.s32 $0x0, s20;
	[sflag:s22] =	ssyncset.done $0x0  }
0xa0: {  	[sflag:s22] =	ssyncadd.s32 s4;
	_ =	sdelay $0x1  }
0xa1: {  	s23 =	simm.s32 $0x1B8B  }
0xa2: {  	_ =	swait.ge [sflag:s23], $0x1  }
0xa3: {  	[sflag:s23] =	ssyncset.done $0x0  }
0xa4: {  	s25 =	simm.s32 $0x1B8E;
	s24 =	sld [smem:$0x3FFE];
	[sflag:s23] =	ssyncadd.s32 $0xFFFFFFFF  }
0xa5: {  	s26 =	simm.s32 $execute0_lowered;
	[smem:$0x3FD2] =	sst s25  }
0xa6: {  	s5 =	sshll.u32 s26, $0x1;
	_ =	strace $0x80000046;
	[dreg:$0x1] =	wrdreg $0xFFFFFFFF  }
0xa7: {  	s28 =	simm.s32 $_size_execute0_lowered;
	s3 =	sadd.s32 s3, s5;
	[dreg:$0x0] =	wrdreg $0x0  }
0xa8: {  	s5 =	sshll.u32 s28, $0x1;
	[dreg:$0x2] =	wrdreg s3  }
0xa9: {  	[dreg:$0x3] =	wrdreg s5  }
0xaa: {  	[dreg:$0x4] =	wrdreg $0xC0  }
0xab: {  	_ =	task [dreg:s7], $0x5FFFF  }
0xac: {  	[dreg:$0x1] =	wrdreg $0xFFFFFFFF  }
0xad: {  	[dreg:$0x0] =	wrdreg $0x60  }
0xae: {  	[dreg:$0x2] =	wrdreg s24  }
0xaf: {  	[dreg:$0x3] =	wrdreg s2  }
0xb0: {  	[dreg:$0x4] =	wrdreg $0xA2800  }
0xb1: {  	[dreg:$0x5] =	wrdreg $0x9  }
0xb2: {  	_ =	task.clear_ibuf [dreg:s7], $0x6FFFF;
	_ =	strace $0x90000046  }
0xb3: {  	s29 =	simm.s32 $0x9;
	_ =	strace $0x80000048  }
0xb4: {  	_ =	swait.ge [sflag:s29], $0x1  }
0xb5: {  	[sflag:s29] =	ssyncadd.s32 $0xFFFFFFFF  }
0xb6: {  	_ =	strace $0x90000048  }
0xb7: {  	_ =	sfence  }
0xb8: {  	s30 =	sld [smem:$0x0];
	_ =	sdelay $0x2  }
0xb9: {  	s31 =	sshll.u32 s1, $0xD;
	s1 =	sshrl.u32 s1, $0x2  }
0xba: {  	s3 =	sand.u32 $0x4000, s31;
	s1 =	sadd.s32 s1, s30  }
0xbb: {  	s0 =	sor.u32 s3, s0;
	s1 =	sshll.u32 s1, $0x11  }
0xbc: {  	s0 =	sor.u32 s1, s0  }
0xbd: {  	s0 =	sadd.s32 $0x8F2B, s0  }
0xbe: {  	[sflag:s0] =	ssyncadd.remote.s32 $0x1  }
0xbf: {  	_ =	sfence.sel $0xFFFF  }
0xc0: {  	[dreg:$0x0] =	wrdreg $0xFFFFFFFF;
	(pc) =	sbr.abs _section_cstart, $3  }
0xc1: {  	[dreg:$0x1] =	wrdreg $0xFFFFFFFF  }
0xc2: {  	_ =	task.clear_ibuf [dreg:s7], $0x2FFFF;
	_ =	strace $0x9FFFFFFF  }
0xc3: {  	(tm) =	ssettm $0x7FFFFFFF  }
tec
execute0_lowered:
.L_overlay_start_1:
0x0: {  	(tag) =	ssettag $0x1  }
0x1: {  	s0 =	rddreg [dreg:$0x0]  }
0x2: {  	s2 =	rddreg [dreg:$0x2];
	s3 =	simm.s32 $0x0  }
0x3: {  	s24 =	srdreg.scid;
	s15 =	stileid.u32;
	s28 =	simm.s32 $0x80  }
0x4: {  	s29 =	simm.s32 $0x180;
	s30 =	simm.s32 $0x28;
	s31 =	simm.s32 $0x200  }
0x5: {  	[smem:$0x7FF] =	sst s3;
	s4 =	sadd.s32 $0x16800, s0;
	s5 =	sadd.s32 $0x3DA00, s0  }
0x6: {  	s6 =	sadd.s32 $0x4F8800, s0;
	s8 =	sadd.s32 $0xCA00, s0;
	s9 =	sadd.s32 $0x2C00, s0  }
0x7: {  	s1 =	sadd.s32 $0x64C00, s0;
	s11 =	sadd.s32 $0x9DA800, s0;
	s7 =	smul.u32 $0x280, s15  }
0x8: {  	s0 =	sadd.s32 $0x67400, s0;
	s14 =	sshll.u32 s15, $0x1;
	s15 =	smul.u32 $0x50000, s15  }
0x9: {  	_ =	strace $0x80000047;
	[dreg:$0x4] =	wrdreg s1;
	s1 =	sand.u32 $0x1, s24  }
0xa: {  	s10 =	ssub.s32 $0x2, s1;
	s13 =	smul.u32 $0x2800, s1;
	s1 =	sor.u32 s1, s14  }
0xb: {  	s26 =	sshrl.u32 s15, $0x2;
	s15 =	sadd.s32 $0x80, s7;
	s17 =	sadd.s32 $0x100, s7  }
0xc: {  	s20 =	sadd.s32 $0x180, s7;
	s12 =	sshrl.u32 s10, $0x1;
	s16 =	sshll.u32 s15, $0x7  }
0xd: {  	s18 =	sshll.u32 s17, $0x7;
	s21 =	sshll.u32 s20, $0x7;
	s10 =	ssub.s32 s10, s12  }
0xe: {  	s25 =	sadd.s32 s7, s13;
	s12 =	smul.u32 $0x2710, s1;
	s1 =	sadd.s32 s26, s2  }
0xf: {  	s14 =	sshll.u32 s25, $0x4;
	[dreg:$0x5] =	wrdreg s1;
	s22 =	smax.u32 s10, $0x1  }
0x10: {  	s1 =	sadd.s32 s13, s15;
	s14 =	sadd.s32 s0, s14;
	[dreg:$0xb] =	wrdreg s22  }
0x11: {  	v0 =	vimm.s32 $0x76543210;
	v1 =	vimm.s32 $0xFEDCBA98;
	s7 =	sadd.s32 $0x200, s7;
	s1 =	sshll.u32 s1, $0x4;
	[dreg:$0x6] =	wrdreg s14  }
0x12: {  	v2 =	vimm.s32 $0xBA98FEDC;
	v3 =	vimm.s32 $0x32107654;
	v4 =	vimm.s32 $0xDCFE98BA;
	s14 =	sadd.s32 s16, s2;
	s16 =	sadd.s32 s13, s17;
	s1 =	sadd.s32 s0, s1  }
0x13: {  	v5 =	vimm.s32 $0x54761032;
	v6 =	vimm.s32 $0xEFCDAB89;
	s10 =	simm.s32 $0x6600;
	[dreg:$0x7] =	wrdreg s1;
	s19 =	sshll.u32 s16, $0x4  }
0x14: {  	v7 =	vimm.s32 $0x67452301;
	vm0 =	vmmov $0x1;
	vm1 =	vcmask $0x320;
	s1 =	sadd.s32 s18, s2;
	s16 =	sadd.s32 s21, s2;
	s21 =	simm.s32 $0x3  }
0x15: {  	vm2 =	vcmask $0x720;
	vm3 =	vcmask $0xB20;
	vm4 =	vcmask $0xF20;
	s23 =	sshrl.u32 s14, $0x3;
	s14 =	simm.s32 $0x7A00;
	s18 =	simm.s32 $0x0  }
0x16: {  	v0 =	vunpack.c.l.s4.s8 v0;
	v1 =	vunpack.c.l.s4.s8 v1;
	v2 =	vunpack.c.l.s4.s8 v2;
	s15 =	sadd.s32 s0, s19;
	[dreg:$0xc] =	wrdreg s23;
	s24 =	sshrl.u32 s1, $0x3  }
0x17: {  	v3 =	vunpack.c.l.s4.s8 v3;
	v4 =	vunpack.c.l.s4.s8 v4;
	v5 =	vunpack.c.l.s4.s8 v5;
	s25 =	sshrl.u32 s16, $0x3;
	s1 =	simm.s32 $0x5200;
	s16 =	simm.s32 $0x2  }
0x18: {  	v6 =	vunpack.c.l.s4.s8 v6;
	v7 =	vunpack.c.l.s4.s8 v7;
	v2 =	vunpack.c.0.s8.s32 v2;
	[dreg:$0x8] =	wrdreg s15;
	s15 =	sadd.s32 s13, s20;
	s13 =	sadd.s32 s13, s7  }
0x19: {  	v3 =	vunpack.c.0.s8.s32 v3;
	v4 =	vunpack.c.0.s8.s32 v4;
	v5 =	vunpack.c.0.s8.s32 v5;
	s7 =	sshll.u32 s7, $0x7;
	[dreg:$0xd] =	wrdreg s24;
	s15 =	sshll.u32 s15, $0x4  }
0x1a: {  	v1 =	vunpack.c.0.s8.s32 v1;
	v6 =	vunpack.c.0.s8.s32 v6;
	v7 =	vunpack.c.0.s8.s32 v7;
	[dreg:$0xe] =	wrdreg s25;
	s13 =	sshll.u32 s13, $0x4;
	s15 =	sadd.s32 s0, s15  }
0x1b: {  	vm5 =	vcmask $0x1320;
	v0 =	vunpack.c.0.s8.s32 v0;
	v2 =	vcombine.low v3, v2;
	s7 =	sadd.s32 s7, s2;
	s0 =	sadd.s32 s0, s13;
	[dreg:$0x9] =	wrdreg s15  }
0x1c: {  	v3 =	vcombine.low v5, v4;
	v4 =	vcombine.low v7, v6;
	v1 =	vand.u32 $0xF, v1;
	s20 =	simm.s32 $0x1600;
	s26 =	sshrl.u32 s7, $0x3;
	[dreg:$0xa] =	wrdreg s0  }
0x1d: {  	vm6 =	vcmask $0x1720;
	vm7 =	vcmask $0x1B20;
	v0 =	vcombine.low v1, v0;
	s7 =	simm.s32 $0x3E00;
	s13 =	simm.s32 $0x1;
	[dreg:$0xf] =	wrdreg s26  }
0x1e: {  	v1 =	vand.u32 $0xF, v2;
	v2 =	vand.u32 $0xF, v3;
	v3 =	vand.u32 $0xF, v4;
	s26 =	simm.s32 $0x100;
	s0 =	simm.s32 $0x2A00;
	s15 =	simm.s32 $0x8E00  }
.LBB2_1:
0x1f: {  	[dreg:$0x10] =	wrdreg s18  }
0x20: {  	s17 =	rddreg [dreg:$0x1];
	s19 =	simm.s32 $0xA200  }
0x21: {  	[tilespmem:s19], [sflag:$0x3] =	stream.linear.gather [hbm4b:s17+s3], $0x80, $0x38;
	[tilespmem:$0x1E280] =	vst v63  }
0x22: {  	s22 =	stileid.u32;
	_ =	swait.ge [sflag:s21], $0x80  }
0x23: {  	s17 =	sshll.u32 s22, $0x6;
	s24 =	rddreg [dreg:$0x5]  }
0x24: {  	s23 =	sor.u32 $0x1C03, s17;
	s25 =	rddreg [dreg:$0x4]  }
0x25: {  	[sflag:s21] =	ssyncset.done $0x0;
	[dreg:$0x11] =	wrdreg s23;
	s19 =	sshrl.u32 s24, $0x3  }
0x26: {  	[sflag:s21] =	ssyncadd.s32 $0xFFFFFF80;
	[dreg:$0x12] =	wrdreg s19  }
0x27: {  	[spmem:s19], [sflag:s23] =	dma.local [hbm:s25], $0x2800  }
0x28: {  	_ =	swait.ge [sflag:s21], $0x2800  }
0x29: {  	[sflag:s21] =	ssyncset.done $0x0  }
0x2a: {  	[sflag:s21] =	ssyncadd.s32 $0xFFFFD800  }
0x2b: {  	[bflag:$0x0] =	sbarrier.arrive $0xFFFF  }
0x2c: {  	v4 =	vld [tilespmem:$0xA200]  }
0x2d: {  	v5 =	vld [tilespmem:$0xA210]  }
0x2e: {  	v6 =	vld [tilespmem:$0xA220]  }
0x2f: {  	v7 =	vld [tilespmem:$0xA230]  }
0x30: {  	v8 =	vld [tilespmem:$0xA240]  }
0x31: {  	v9 =	vld [tilespmem:$0xA250]  }
0x32: {  	v10 =	vld [tilespmem:$0xA260]  }
0x33: {  	s22 =	simm.s32 $0x0;
	v11 =	vld [tilespmem:$0xA270]  }
.LBB2_2:
0x34: {  	s17 =	smul.u32 $0x50, s22;
	_ =	sdelay $0x1  }
0x35: {  	s17 =	sadd.s32 s12, s17  }
0x36: {  	s18 =	sshrl.u32 s17, $0x3  }
0x37: {  	s25 =	simm.s32 $0x0;
	s19 =	sadd.s32 s8, s18  }
0x38: {  	[tilespmem:s25], [sflag:$0x3] =	stream.linear.gather [hbm4b:s19+s25], $0x28, $0x38;
	[tilespmem:$0x1E280] =	vst v63  }
0x39: {  	_ =	swait.ge [sflag:s21], $0x28  }
0x3a: {  	[sflag:s21] =	ssyncset.done $0x0  }
0x3b: {  	s18 =	sadd.s32 s9, s18;
	[sflag:s21] =	ssyncadd.s32 $0xFFFFFFD8  }
0x3c: {  	[tilespmem:s26], [sflag:$0x3] =	stream.linear.gather [hbm4b:s18+s25], $0x28, $0x38;
	[tilespmem:$0x1E280] =	vst v63  }
0x3d: {  	s18 =	sadd.s32 $0x28, s17;
	_ =	swait.ge [sflag:s21], $0x28  }
0x3e: {  	s24 =	sshrl.u32 s18, $0x3;
	[sflag:s21] =	ssyncset.done $0x0  }
0x3f: {  	s23 =	sadd.s32 s8, s24;
	[sflag:s21] =	ssyncadd.s32 $0xFFFFFFD8  }
0x40: {  	[tilespmem:s28], [sflag:$0x3] =	stream.linear.gather [hbm4b:s23+s25], $0x28, $0x38;
	[tilespmem:$0x1E280] =	vst v63  }
0x41: {  	_ =	swait.ge [sflag:s21], $0x28  }
0x42: {  	[sflag:s21] =	ssyncset.done $0x0  }
0x43: {  	s19 =	sadd.s32 s9, s24;
	[sflag:s21] =	ssyncadd.s32 $0xFFFFFFD8  }
0x44: {  	[tilespmem:s29], [sflag:$0x3] =	stream.linear.gather [hbm4b:s19+s25], $0x28, $0x38;
	[tilespmem:$0x1E280] =	vst v63  }
0x45: {  	_ =	swait.ge [sflag:s21], $0x28  }
0x46: {  	[sflag:s21] =	ssyncset.done $0x0  }
0x47: {  	[sflag:s21] =	ssyncadd.s32 $0xFFFFFFD8  }
0x48: {  	[tilespmem:s31], [sflag:$0x1] =	stream.indirect.gather [hbm4b:s4+s30], $0x80, s25, s30, $0xb8;
	[tilespmem:$0x1E280] =	vst v63  }
0x49: {  	s24 =	sshll.u32 s17, $0x4  }
0x4a: {  	[tilespmem:s0], [sflag:$0x1] =	stream.indirect.gather [hbm4b:s5+s30], $0x80, s26, s30, $0xb8;
	[tilespmem:$0x1E280] =	vst v63  }
0x4b: {  	s17 =	sadd.s32 s6, s24  }
0x4c: {  	[tilespmem:s1], [sflag:$0x1] =	stream.linear.gather [hbm4b:s17+s25], $0x1400, $0x38;
	[tilespmem:$0x1E280] =	vst v63  }
0x4d: {  	_ = 	snop  }
0x4e: {  	[tilespmem:s20], [sflag:$0x2] =	stream.indirect.gather [hbm4b:s4+s30], $0x80, s28, s30, $0xb8;
	[tilespmem:$0x1E280] =	vst v63  }
0x4f: {  	s23 =	sshll.u32 s18, $0x4  }
0x50: {  	[tilespmem:s7], [sflag:$0x2] =	stream.indirect.gather [hbm4b:s5+s30], $0x80, s29, s30, $0xb8;
	[tilespmem:$0x1E280] =	vst v63  }
0x51: {  	s19 =	sadd.s32 s6, s23  }
0x52: {  	[tilespmem:s10], [sflag:$0x2] =	stream.linear.gather [hbm4b:s19+s25], $0x1400, $0x38;
	[tilespmem:$0x1E280] =	vst v63  }
0x53: {  	_ =	swait.ge [sflag:s13], $0x1400  }
0x54: {  	[sflag:s13] =	ssyncset.done $0x0  }
0x55: {  	[sflag:s13] =	ssyncadd.s32 $0xFFFFEC00  }
0x56: {  	_ =	swait.ge [sflag:s13], $0x1400  }
0x57: {  	[sflag:s13] =	ssyncset.done $0x0  }
0x58: {  	[sflag:s13] =	ssyncadd.s32 $0xFFFFEC00  }
0x59: {  	_ =	swait.ge [sflag:s13], $0x1400  }
0x5a: {  	[sflag:s13] =	ssyncset.done $0x0  }
0x5b: {  	s25 =	simm.s32 $0x0;
	[sflag:s13] =	ssyncadd.s32 $0xFFFFEC00  }
0x5c: {  	v12 =	vld [tilespmem:s25+$0x5230]  }
0x5d: {  	v13 =	vld [tilespmem:s25+$0x270]  }
0x5e: {  	v14 =	vld [tilespmem:s25+$0x2A70]  }
0x5f: {  	v15 =	vld [tilespmem:s25+$0x5220]  }
0x60: {  	v16 =	vld [tilespmem:s25+$0x260]  }
0x61: {  	v17 =	vld [tilespmem:s25+$0x2A60]  }
0x62: {  	v18 =	vld [tilespmem:s25+$0x250]  }
0x63: {  	v19 =	vld [tilespmem:s25+$0x2A50]  }
0x64: {  	v20 =	vld [tilespmem:s25+$0x240]  }
0x65: {  	v21 =	vld [tilespmem:s25+$0x2A40]  }
0x66: {  	v22 =	vld [tilespmem:s25+$0x5210]  }
0x67: {  	v23 =	vld [tilespmem:s25+$0x230]  }
0x68: {  	v24 =	vld [tilespmem:s25+$0x2A30]  }
0x69: {  	v25 =	vld [tilespmem:s25+$0x220]  }
0x6a: {  	v26 =	vld [tilespmem:s25+$0x2A20]  }
0x6b: {  	v27 =	vld [tilespmem:s25+$0x210]  }
0x6c: {  	v28 =	vld [tilespmem:s25+$0x2A10]  }
0x6d: {  	v29 =	vld [tilespmem:s25+$0x200]  }
0x6e: {  	v30 =	vld [tilespmem:s25+$0x2A00]  }
0x6f: {  	v31 =	vand.u32 $0xFFFF0000, v12  }
0x70: {  	v32 =	vld [tilespmem:s25+$0x5200];
	v12 =	vshll.u32 v12, $0x10;
	v13 =	vadd.f32 v14, v13;
	v16 =	vadd.f32 v17, v16  }
0x71: {  	v14 =	vand.u32 $0xFFFF0000, v15;
	v17 =	vadd.f32 v19, v18;
	v18 =	vadd.f32 v21, v20  }
0x72: {  	v15 =	vshll.u32 v15, $0x10;
	v20 =	vadd.f32 v26, v25;
	v21 =	vadd.f32 v24, v23  }
0x73: {  	v19 =	vand.u32 $0xFFFF0000, v22;
	v23 =	vadd.f32 v30, v29;
	v24 =	vadd.f32 v28, v27  }
0x74: {  	v22 =	vshll.u32 v22, $0x10;
	v12 =	vadd.f32 v12, v16;
	v13 =	vadd.f32 v31, v13  }
0x75: {  	v25 =	vand.u32 $0xFFFF0000, v32;
	v15 =	vadd.f32 v15, v18;
	v14 =	vadd.f32 v14, v17  }
0x76: {  	v16 =	vshll.u32 v32, $0x10;
	v17 =	vadd.f32 v22, v20;
	v18 =	vadd.f32 v19, v21  }
0x77: {  	v20 =	vadd.f32 v25, v24;
	v19 =	vmul.f32 $2.000000030e-01, v13;
	v21 =	vmul.f32 $2.000000030e-01, v14  }
0x78: {  	v16 =	vadd.f32 v16, v23;
	v22 =	vmul.f32 $2.000000030e-01, v12;
	v23 =	vmul.f32 $2.000000030e-01, v18  }
0x79: {  	v24 =	vmul.f32 $2.000000030e-01, v15;
	v25 =	vmul.f32 $2.000000030e-01, v20  }
0x7a: {  	v26 =	vmul.f32 $2.000000030e-01, v17;
	v45 =	vmul.f32 $2.000000030e-01, v16  }
0x7b: {  	s19 =	simm.s32 $0x80;
	v12 =	vmax.f32 v12, v22;
	v13 =	vmax.f32 v13, v19;
	v18 =	vmax.f32 v18, v23  }
0x7c: {  	v27 =	vld [tilespmem:s19+$0x5230];
	v15 =	vmax.f32 v15, v24;
	v14 =	vmax.f32 v14, v21;
	v22 =	vmul.f32 v12, v10  }
0x7d: {  	v19 =	vld [tilespmem:s19+$0x270];
	v17 =	vmax.f32 v17, v26;
	v13 =	vmul.f32 v13, v11;
	v15 =	vmul.f32 v15, v8  }
0x7e: {  	v21 =	vld [tilespmem:s19+$0x2A70];
	v14 =	vmul.f32 v14, v9;
	v16 =	vmax.f32 v16, v45;
	v17 =	vmul.f32 v17, v6  }
0x7f: {  	v23 =	vld [tilespmem:s19+$0x5220];
	v12 =	vmax.f32 v20, v25;
	v18 =	vmul.f32 v18, v7;
	v16 =	vmul.f32 v16, v4  }
0x80: {  	v20 =	vmul.f32 v12, v5;
	v24 =	vperm.xlane v22, v0  }
0x81: {  	v46 =	vand.u32 $0xFFFF0000, v27;
	v25 =	vperm.xlane v13, v0;
	v26 =	vperm.xlane v17, v0  }
0x82: {  	v27 =	vshll.u32 v27, $0x10;
	v48 =	vperm.xlane v18, v0;
	v49 =	vperm.xlane v16, v0  }
0x83: {  	v47 =	vadd.f32 v21, v19;
	v19 =	vperm.xlane v15, v0;
	v21 =	vperm.xlane v14, v0  }
0x84: {  	v12 =	vand.u32 $0xFFFF0000, v23;
	v22 =	vadd.f32 v22, v24;
	v13 =	vadd.f32 v13, v25  }
0x85: {  	v24 =	vperm.xlane v20, v0;
	v18 =	vadd.f32 v18, v48;
	v16 =	vadd.f32 v16, v49  }
0x86: {  	v15 =	vadd.f32 v15, v19;
	v14 =	vadd.f32 v14, v21;
	v19 =	vperm.xlane v13, v1  }
0x87: {  	v20 =	vadd.f32 v20, v24;
	v24 =	vperm.xlane v22, v1;
	v25 =	vperm.xlane v16, v1  }
0x88: {  	v17 =	vadd.f32 v17, v26;
	v21 =	vperm.xlane v14, v1;
	v26 =	vperm.xlane v15, v1  }
0x89: {  	v50 =	vld [tilespmem:s19+$0x260];
	v51 =	vperm.xlane v20, v1;
	v22 =	vadd.f32 v22, v24;
	v13 =	vadd.f32 v13, v19  }
0x8a: {  	v53 =	vld [tilespmem:s19+$0x240];
	v24 =	vperm.xlane v17, v1;
	v16 =	vadd.f32 v16, v25;
	v14 =	vadd.f32 v14, v21  }
0x8b: {  	v34 =	vld [tilespmem:s19+$0x2A40];
	v25 =	vperm.xlane v18, v1;
	v20 =	vadd.f32 v20, v51;
	v15 =	vadd.f32 v15, v26  }
0x8c: {  	v36 =	vld [tilespmem:s19+$0x5210];
	v17 =	vadd.f32 v17, v24;
	v24 =	vperm.xlane v13, v2;
	v52 =	vperm.xlane v16, v2  }
0x8d: {  	v38 =	vld [tilespmem:s19+$0x230];
	v18 =	vadd.f32 v18, v25;
	v25 =	vperm.xlane v22, v2;
	v33 =	vperm.xlane v20, v2  }
0x8e: {  	v57 =	vld [tilespmem:s19+$0x2A20];
	v54 =	vperm.xlane v17, v2;
	v35 =	vperm.xlane v14, v2;
	v16 =	vadd.f32 v16, v52  }
0x8f: {  	v60 =	vld [tilespmem:s19+$0x210];
	v37 =	vperm.xlane v15, v2;
	v55 =	vperm.xlane v18, v2;
	v20 =	vadd.f32 v20, v33  }
0x90: {  	v61 =	vld [tilespmem:s19+$0x2A10];
	v13 =	vadd.f32 v13, v24;
	v31 =	vadd.f32 v17, v54;
	v39 =	vperm.xlane v16, v3  }
0x91: {  	v63 =	vld [tilespmem:s19+$0x200];
	v22 =	vadd.f32 v22, v25;
	v18 =	vadd.f32 v18, v55;
	v17 =	vperm.xlane v20, v3  }
0x92: {  	v19 =	vld [tilespmem:s19+$0x2A60];
	v15 =	vadd.f32 v15, v37;
	v56 =	vperm.xlane v31, v3;
	v16 =	vadd.f32 v16, v39  }
0x93: {  	v21 =	vld [tilespmem:s19+$0x250];
	v14 =	vadd.f32 v14, v35;
	v58 =	vperm.xlane v18, v3;
	v20 =	vadd.f32 v20, v17  }
0x94: {  	v26 =	vld [tilespmem:s19+$0x2A50];
	v59 =	vperm.xlane v15, v3;
	v31 =	vadd.f32 v31, v56;
	v16 =	vnsel vm0, $0x0, v16  }
0x95: {  	v40 =	vld [tilespmem:s19+$0x2A00];
	v18 =	vadd.f32 v18, v58;
	v16 =	vsel vm1, v16, v20;
	v20 =	vperm.xlane v14, v3  }
0x96: {  	v24 =	vld [tilespmem:s19+$0x2A30];
	v62 =	vperm.xlane v22, v3;
	v15 =	vadd.f32 v15, v59;
	v16 =	vsel vm2, v16, v31  }
0x97: {  	v25 =	vld [tilespmem:s19+$0x220];
	v16 =	vsel vm3, v16, v18;
	v14 =	vadd.f32 v14, v20;
	v18 =	vperm.xlane v13, v3  }
0x98: {  	v30 =	vadd.f32 v19, v50;
	v17 =	vld [tilespmem:s19+$0x5200];
	v20 =	vadd.f32 v22, v62;
	v16 =	vsel vm4, v16, v15  }
0x99: {  	v19 =	vadd.f32 v26, v21;
	v14 =	vsel vm5, v16, v14;
	v13 =	vadd.f32 v13, v18  }
0x9a: {  	v21 =	vadd.f32 v40, v63;
	v26 =	vadd.f32 v61, v60;
	v14 =	vsel vm6, v14, v20  }
0x9b: {  	v24 =	vadd.f32 v24, v38;
	v22 =	vadd.f32 v34, v53;
	v13 =	vsel vm7, v14, v13  }
0x9c: {  	v15 =	vshll.u32 v23, $0x10;
	v23 =	vadd.f32 v57, v25;
	v16 =	vmul.f32 $1.442695020e+00, v13  }
0x9d: {  	v25 =	vand.u32 $0xFFFF0000, v17;
	v18 =	vand.u32 $0xFFFF0000, v36;
	v20 =	vshll.u32 v36, $0x10  }
0x9e: {  	s17 =	simm.s32 $0x400;
	v14 =	vadd.f32 v27, v30;
	v13 =	vadd.f32 v46, v47;
	(erf) = vpow2.f32 v16  }
.LBB2_3:
0x9f: {  	p0 =	sne.s32 s17, $0x4E00;
	v16 =	vshll.u32 v17, $0x10;
	v15 =	vadd.f32 v15, v22;
	v12 =	vadd.f32 v12, v19  }
0xa0: {  	v17 =	vadd.f32 v20, v23;
	v18 =	vadd.f32 v18, v24;
	v19 =	vmul.f32 $2.000000030e-01, v13  }
0xa1: {  	v20 =	vadd.f32 v25, v26;
	v23 =	vmul.f32 $2.000000030e-01, v14;
	v22 =	vmul.f32 $2.000000030e-01, v12  }
0xa2: {  	v16 =	vadd.f32 v16, v21;
	v21 =	vmul.f32 $2.000000030e-01, v18;
	v24 =	vmul.f32 $2.000000030e-01, v15  }
0xa3: {  	s18 =	sshra.s32 s17, $0x2;
	v25 =	vmul.f32 $2.000000030e-01, v20;
	v26 =	vmul.f32 $2.000000030e-01, v17  }
0xa4: {  	v28 =	vmul.f32 $2.000000030e-01, v16;
	v14 =	vmax.f32 v14, v23;
	v13 =	vmax.f32 v13, v19;
	v27 =	vld [tilespmem:s18+$0x5230]  }
0xa5: {  	v18 =	vmax.f32 v18, v21;
	v21 =	vmax.f32 v15, v24;
	v12 =	vmax.f32 v12, v22;
	v19 =	vld [tilespmem:s18+$0x270]  }
0xa6: {  	v17 =	vmax.f32 v17, v26;
	v23 =	vmul.f32 v14, v10;
	v24 =	vmul.f32 v13, v11;
	v22 =	vld [tilespmem:s18+$0x2A70]  }
0xa7: {  	v14 =	vmax.f32 v20, v25;
	v20 =	vmul.f32 v21, v8;
	v21 =	vmul.f32 v12, v9;
	v15 =	vld [tilespmem:s18+$0x5220];
	v25 =	vpop (erf)  }
0xa8: {  	v12 =	vmax.f32 v16, v28;
	v17 =	vmul.f32 v17, v6;
	v18 =	vmul.f32 v18, v7;
	[tilespmem:s25+$0x8E70] =	vst v25  }
0xa9: {  	v28 =	vmul.f32 v14, v5;
	v26 =	vmul.f32 v12, v4;
	v13 =	vand.u32 $0xFFFF0000, v27;
	[tilespmem:s25+$0x7A00] =	vst v25  }
0xaa: {  	v29 =	vperm.xlane v24, v0;
	v14 =	vshll.u32 v27, $0x10;
	v27 =	vperm.xlane v23, v0;
	[tilespmem:s25+$0x8E00] =	vst v25  }
0xab: {  	v16 =	vadd.f32 v22, v19;
	v19 =	vperm.xlane v20, v0;
	v22 =	vperm.xlane v21, v0;
	[tilespmem:s25+$0x8E10] =	vst v25  }
0xac: {  	v30 =	vperm.xlane v17, v0;
	v31 =	vperm.xlane v18, v0;
	v12 =	vand.u32 $0xFFFF0000, v15;
	[tilespmem:s25+$0x8E20] =	vst v25  }
0xad: {  	v32 =	vperm.xlane v26, v0;
	v24 =	vadd.f32 v24, v29;
	v23 =	vadd.f32 v23, v27;
	[tilespmem:s25+$0x8E30] =	vst v25  }
0xae: {  	v27 =	vperm.xlane v28, v0;
	v19 =	vadd.f32 v20, v19;
	v20 =	vadd.f32 v21, v22;
	[tilespmem:s25+$0x8E40] =	vst v25  }
0xaf: {  	v18 =	vadd.f32 v18, v31;
	v21 =	vadd.f32 v26, v32;
	v22 =	vperm.xlane v24, v1;
	[tilespmem:s25+$0x8E50] =	vst v25  }
0xb0: {  	v26 =	vadd.f32 v28, v27;
	v28 =	vperm.xlane v23, v1;
	v27 =	vperm.xlane v20, v1;
	[tilespmem:s25+$0x8E60] =	vst v25;
	s25 =	smov.u32 s19;
	s19 =	smov.u32 s18  }
0xb1: {  	v17 =	vadd.f32 v17, v30;
	v29 =	vperm.xlane v19, v1;
	v25 =	vperm.xlane v21, v1  }
0xb2: {  	v31 =	vperm.xlane v26, v1;
	v23 =	vadd.f32 v23, v28;
	v22 =	vadd.f32 v24, v22;
	v30 =	vld [tilespmem:s19+$0x260]  }
0xb3: {  	v20 =	vadd.f32 v20, v27;
	v21 =	vadd.f32 v21, v25;
	v25 =	vperm.xlane v17, v1;
	v24 =	vld [tilespmem:s19+$0x2A60]  }
0xb4: {  	v28 =	vperm.xlane v18, v1;
	v26 =	vadd.f32 v26, v31;
	v19 =	vadd.f32 v19, v29;
	v27 =	vld [tilespmem:s19+$0x250]  }
0xb5: {  	v31 =	vperm.xlane v21, v2;
	v17 =	vadd.f32 v17, v25;
	v25 =	vperm.xlane v22, v2;
	v29 =	vld [tilespmem:s19+$0x2A50]  }
0xb6: {  	v18 =	vadd.f32 v18, v28;
	v28 =	vperm.xlane v23, v2;
	v33 =	vperm.xlane v26, v2;
	v32 =	vld [tilespmem:s19+$0x240]  }
0xb7: {  	v35 =	vperm.xlane v20, v2;
	v21 =	vadd.f32 v21, v31;
	v31 =	vperm.xlane v17, v2;
	v34 =	vld [tilespmem:s19+$0x2A40]  }
0xb8: {  	v37 =	vperm.xlane v19, v2;
	v26 =	vadd.f32 v26, v33;
	v33 =	vperm.xlane v18, v2;
	v36 =	vld [tilespmem:s19+$0x5210]  }
0xb9: {  	v22 =	vadd.f32 v22, v25;
	v39 =	vperm.xlane v21, v3;
	v31 =	vadd.f32 v17, v31;
	v38 =	vld [tilespmem:s19+$0x230]  }
0xba: {  	v23 =	vadd.f32 v23, v28;
	v18 =	vadd.f32 v18, v33;
	v17 =	vperm.xlane v26, v3;
	v25 =	vld [tilespmem:s19+$0x2A30]  }
0xbb: {  	v19 =	vadd.f32 v19, v37;
	v21 =	vadd.f32 v21, v39;
	v33 =	vperm.xlane v31, v3;
	v28 =	vld [tilespmem:s19+$0x220]  }
0xbc: {  	v20 =	vadd.f32 v20, v35;
	v26 =	vadd.f32 v26, v17;
	v39 =	vperm.xlane v18, v3;
	v37 =	vld [tilespmem:s19+$0x2A20]  }
0xbd: {  	v21 =	vnsel vm0, $0x0, v21;
	v31 =	vadd.f32 v31, v33;
	v33 =	vperm.xlane v19, v3;
	v17 =	vld [tilespmem:s19+$0x5200]  }
0xbe: {  	v18 =	vadd.f32 v18, v39;
	v21 =	vsel vm1, v21, v26;
	v26 =	vperm.xlane v20, v3;
	v35 =	vld [tilespmem:s19+$0x210]  }
0xbf: {  	v21 =	vsel vm2, v21, v31;
	v19 =	vadd.f32 v19, v33;
	v31 =	vperm.xlane v23, v3;
	v39 =	vld [tilespmem:s19+$0x2A10]  }
0xc0: {  	v18 =	vsel vm3, v21, v18;
	v20 =	vadd.f32 v20, v26;
	v21 =	vperm.xlane v22, v3;
	v33 =	vld [tilespmem:s19+$0x200]  }
0xc1: {  	v30 =	vadd.f32 v24, v30;
	v18 =	vsel vm4, v18, v19;
	v23 =	vadd.f32 v23, v31;
	v26 =	vld [tilespmem:s19+$0x2A00]  }
0xc2: {  	v15 =	vshll.u32 v15, $0x10;
	v20 =	vsel vm5, v18, v20;
	v21 =	vadd.f32 v22, v21  }
.Ltmp0:
0xc3: {  	v19 =	vadd.f32 v29, v27;
	v18 =	vand.u32 $0xFFFF0000, v36;
	v23 =	vsel vm6, v20, v23;
	(pc) =	sbr.rel @p0 .LBB2_3-.Ltmp0, $4  }
0xc4: {  	v22 =	vadd.f32 v34, v32;
	v20 =	vshll.u32 v36, $0x10;
	v21 =	vsel vm7, v23, v21  }
0xc5: {  	v24 =	vadd.f32 v25, v38;
	v23 =	vadd.f32 v37, v28;
	v27 =	vmul.f32 $1.442695020e+00, v21  }
0xc6: {  	v25 =	vand.u32 $0xFFFF0000, v17;
	v21 =	vadd.f32 v26, v33;
	v26 =	vadd.f32 v39, v35  }
0xc7: {  	s17 =	sadd.s32 $0x200, s17;
	v13 =	vadd.f32 v13, v16;
	v14 =	vadd.f32 v14, v30;
	(erf) = vpow2.f32 v27  }
0xc8: {  	v16 =	vshll.u32 v17, $0x10;
	v15 =	vadd.f32 v15, v22;
	v12 =	vadd.f32 v12, v19  }
0xc9: {  	v17 =	vadd.f32 v20, v23;
	v18 =	vadd.f32 v18, v24;
	v19 =	vmul.f32 $2.000000030e-01, v13  }
0xca: {  	v20 =	vadd.f32 v25, v26;
	v23 =	vmul.f32 $2.000000030e-01, v14;
	v22 =	vmul.f32 $2.000000030e-01, v12  }
0xcb: {  	v16 =	vadd.f32 v16, v21;
	v21 =	vmul.f32 $2.000000030e-01, v18;
	v24 =	vmul.f32 $2.000000030e-01, v15  }
0xcc: {  	v25 =	vmul.f32 $2.000000030e-01, v20;
	v26 =	vmul.f32 $2.000000030e-01, v17  }
0xcd: {  	v27 =	vmul.f32 $2.000000030e-01, v16;
	v14 =	vmax.f32 v14, v23;
	v13 =	vmax.f32 v13, v19  }
0xce: {  	v18 =	vmax.f32 v18, v21;
	v15 =	vmax.f32 v15, v24;
	v12 =	vmax.f32 v12, v22  }
0xcf: {  	v17 =	vmax.f32 v17, v26;
	v14 =	vmul.f32 v14, v10;
	v13 =	vmul.f32 v13, v11  }
0xd0: {  	v19 =	vmax.f32 v20, v25;
	v15 =	vmul.f32 v15, v8;
	v12 =	vmul.f32 v12, v9  }
0xd1: {  	v16 =	vmax.f32 v16, v27;
	v17 =	vmul.f32 v17, v6;
	v18 =	vmul.f32 v18, v7  }
0xd2: {  	v19 =	vmul.f32 v19, v5;
	v16 =	vmul.f32 v16, v4  }
0xd3: {  	v20 =	vperm.xlane v14, v0;
	v21 =	vperm.xlane v13, v0  }
0xd4: {  	v22 =	vperm.xlane v15, v0;
	v23 =	vperm.xlane v12, v0  }
0xd5: {  	v24 =	vperm.xlane v17, v0;
	v25 =	vperm.xlane v18, v0  }
0xd6: {  	v26 =	vperm.xlane v16, v0;
	v14 =	vadd.f32 v14, v20;
	v13 =	vadd.f32 v13, v21  }
0xd7: {  	v20 =	vperm.xlane v19, v0;
	v15 =	vadd.f32 v15, v22;
	v12 =	vadd.f32 v12, v23  }
0xd8: {  	v18 =	vadd.f32 v18, v25;
	v16 =	vadd.f32 v16, v26;
	v21 =	vperm.xlane v13, v1  }
0xd9: {  	v19 =	vadd.f32 v19, v20;
	v22 =	vperm.xlane v14, v1;
	v20 =	vperm.xlane v12, v1  }
0xda: {  	v17 =	vadd.f32 v17, v24;
	v24 =	vperm.xlane v15, v1;
	v23 =	vperm.xlane v16, v1  }
0xdb: {  	v25 =	vperm.xlane v19, v1;
	v14 =	vadd.f32 v14, v22;
	v13 =	vadd.f32 v13, v21  }
0xdc: {  	v21 =	vperm.xlane v17, v1;
	v12 =	vadd.f32 v12, v20;
	v16 =	vadd.f32 v16, v23  }
0xdd: {  	v20 =	vperm.xlane v18, v1;
	v15 =	vadd.f32 v15, v24;
	v19 =	vadd.f32 v19, v25  }
0xde: {  	v17 =	vadd.f32 v17, v21;
	v21 =	vperm.xlane v13, v2;
	v22 =	vperm.xlane v16, v2  }
0xdf: {  	v18 =	vadd.f32 v18, v20;
	v20 =	vperm.xlane v14, v2;
	v23 =	vperm.xlane v19, v2  }
0xe0: {  	v24 =	vperm.xlane v12, v2;
	v16 =	vadd.f32 v16, v22;
	v22 =	vperm.xlane v17, v2  }
0xe1: {  	v25 =	vperm.xlane v15, v2;
	v19 =	vadd.f32 v19, v23;
	v23 =	vperm.xlane v18, v2  }
0xe2: {  	v13 =	vadd.f32 v13, v21;
	v26 =	vperm.xlane v16, v3;
	v17 =	vadd.f32 v17, v22  }
0xe3: {  	v14 =	vadd.f32 v14, v20;
	v21 =	vperm.xlane v19, v3;
	v18 =	vadd.f32 v18, v23  }
0xe4: {  	v15 =	vadd.f32 v15, v25;
	v16 =	vadd.f32 v16, v26;
	v20 =	vperm.xlane v17, v3  }
0xe5: {  	v12 =	vadd.f32 v12, v24;
	v19 =	vadd.f32 v19, v21;
	v21 =	vperm.xlane v18, v3  }
0xe6: {  	v16 =	vnsel vm0, $0x0, v16;
	v17 =	vadd.f32 v17, v20;
	v20 =	vperm.xlane v15, v3  }
0xe7: {  	v18 =	vadd.f32 v18, v21;
	v16 =	vsel vm1, v16, v19;
	v19 =	vperm.xlane v12, v3  }
0xe8: {  	v16 =	vsel vm2, v16, v17;
	v15 =	vadd.f32 v15, v20;
	v17 =	vperm.xlane v14, v3  }
0xe9: {  	v16 =	vsel vm3, v16, v18;
	v12 =	vadd.f32 v12, v19;
	v18 =	vperm.xlane v13, v3  }
0xea: {  	v15 =	vsel vm4, v16, v15;
	v14 =	vadd.f32 v14, v17  }
0xeb: {  	v12 =	vsel vm5, v15, v12;
	v13 =	vadd.f32 v13, v18  }
0xec: {  	v12 =	vsel vm6, v12, v14  }
0xed: {  	v12 =	vsel vm7, v12, v13  }
0xee: {  	v12 =	vmul.f32 $1.442695020e+00, v12;
	_ =	sdelay $0x1  }
0xef: {  	v13 =	vpop (erf);
	(erf) = vpow2.f32 v12  }
0xf0: {  	[tilespmem:s25+$0x8E70] =	vst v13  }
0xf1: {  	[tilespmem:s25+$0x7A00] =	vst v13  }
0xf2: {  	[tilespmem:s25+$0x8E00] =	vst v13  }
0xf3: {  	[tilespmem:s25+$0x8E10] =	vst v13  }
0xf4: {  	[tilespmem:s25+$0x8E20] =	vst v13  }
0xf5: {  	[tilespmem:s25+$0x8E30] =	vst v13  }
0xf6: {  	[tilespmem:s25+$0x8E40] =	vst v13  }
0xf7: {  	[tilespmem:s25+$0x8E50] =	vst v13  }
0xf8: {  	[tilespmem:s25+$0x8E60] =	vst v13;
	v12 =	vpop (erf)  }
0xf9: {  	[tilespmem:s19+$0x8E70] =	vst v12  }
0xfa: {  	[tilespmem:s19+$0x7A00] =	vst v12  }
0xfb: {  	[tilespmem:s19+$0x8E00] =	vst v12  }
0xfc: {  	[tilespmem:s19+$0x8E10] =	vst v12  }
0xfd: {  	[tilespmem:s19+$0x8E20] =	vst v12  }
0xfe: {  	[tilespmem:s19+$0x8E30] =	vst v12  }
0xff: {  	[tilespmem:s19+$0x8E40] =	vst v12  }
0x100: {  	[tilespmem:s19+$0x8E50] =	vst v12  }
0x101: {  	s17 =	sadd.s32 s11, s24;
	s18 =	simm.s32 $0x0;
	[tilespmem:s19+$0x8E60] =	vst v12  }
0x102: {  	[hbm4b:s17+s18] =	stream.linear.scatter [tilespmem:s14], [sflag:$0x3], $0x1400, $0x38;
	[tilespmem:$0x1E280] =	vst v63  }
0x103: {  	_ =	swait.ge [sflag:s21], $0x1400  }
0x104: {  	[sflag:s21] =	ssyncset.done $0x0  }
0x105: {  	[sflag:s21] =	ssyncadd.s32 $0xFFFFEC00  }
0x106: {  	[spmem:s2] =	stream.indirect.scatter.add.f32 [tilespmem:s15], [sflag:$0x3], $0x80, s26, s30, $0xb8;
	[tilespmem:$0x1E280] =	vst v63  }
0x107: {  	_ =	swait.ge [sflag:s21], $0x1400  }
0x108: {  	[sflag:s21] =	ssyncset.done $0x0  }
0x109: {  	[sflag:s21] =	ssyncadd.s32 $0xFFFFEC00  }
0x10a: {  	_ =	swait.ge [sflag:s16], $0x1400  }
0x10b: {  	[sflag:s16] =	ssyncset.done $0x0  }
0x10c: {  	[sflag:s16] =	ssyncadd.s32 $0xFFFFEC00  }
0x10d: {  	_ =	swait.ge [sflag:s16], $0x1400  }
0x10e: {  	[sflag:s16] =	ssyncset.done $0x0  }
0x10f: {  	[sflag:s16] =	ssyncadd.s32 $0xFFFFEC00  }
0x110: {  	_ =	swait.ge [sflag:s16], $0x1400  }
0x111: {  	[sflag:s16] =	ssyncset.done $0x0  }
0x112: {  	s24 =	simm.s32 $0x0;
	[sflag:s16] =	ssyncadd.s32 $0xFFFFEC00  }
0x113: {  	v12 =	vld [tilespmem:s24+$0x6630]  }
0x114: {  	v13 =	vld [tilespmem:s24+$0x1670]  }
0x115: {  	v14 =	vld [tilespmem:s24+$0x3E70]  }
0x116: {  	v15 =	vld [tilespmem:s24+$0x6620]  }
0x117: {  	v16 =	vld [tilespmem:s24+$0x1660]  }
0x118: {  	v17 =	vld [tilespmem:s24+$0x3E60]  }
0x119: {  	v18 =	vld [tilespmem:s24+$0x1650]  }
0x11a: {  	v19 =	vld [tilespmem:s24+$0x3E50]  }
0x11b: {  	v20 =	vld [tilespmem:s24+$0x1640]  }
0x11c: {  	v21 =	vld [tilespmem:s24+$0x3E40]  }
0x11d: {  	v22 =	vld [tilespmem:s24+$0x6610]  }
0x11e: {  	v23 =	vld [tilespmem:s24+$0x1630]  }
0x11f: {  	v24 =	vld [tilespmem:s24+$0x3E30]  }
0x120: {  	v25 =	vld [tilespmem:s24+$0x1620]  }
0x121: {  	v26 =	vld [tilespmem:s24+$0x3E20]  }
0x122: {  	v27 =	vld [tilespmem:s24+$0x1610]  }
0x123: {  	v28 =	vld [tilespmem:s24+$0x3E10]  }
0x124: {  	v29 =	vld [tilespmem:s24+$0x1600]  }
0x125: {  	v30 =	vld [tilespmem:s24+$0x3E00]  }
0x126: {  	v31 =	vand.u32 $0xFFFF0000, v12  }
0x127: {  	v32 =	vld [tilespmem:s24+$0x6600];
	v12 =	vshll.u32 v12, $0x10;
	v13 =	vadd.f32 v14, v13;
	v16 =	vadd.f32 v17, v16  }
0x128: {  	v14 =	vand.u32 $0xFFFF0000, v15;
	v17 =	vadd.f32 v19, v18;
	v18 =	vadd.f32 v21, v20  }
0x129: {  	v15 =	vshll.u32 v15, $0x10;
	v20 =	vadd.f32 v26, v25;
	v21 =	vadd.f32 v24, v23  }
0x12a: {  	v19 =	vand.u32 $0xFFFF0000, v22;
	v23 =	vadd.f32 v30, v29;
	v24 =	vadd.f32 v28, v27  }
0x12b: {  	v22 =	vshll.u32 v22, $0x10;
	v12 =	vadd.f32 v12, v16;
	v13 =	vadd.f32 v31, v13  }
0x12c: {  	v25 =	vand.u32 $0xFFFF0000, v32;
	v15 =	vadd.f32 v15, v18;
	v14 =	vadd.f32 v14, v17  }
0x12d: {  	v16 =	vshll.u32 v32, $0x10;
	v17 =	vadd.f32 v22, v20;
	v18 =	vadd.f32 v19, v21  }
0x12e: {  	v20 =	vadd.f32 v25, v24;
	v19 =	vmul.f32 $2.000000030e-01, v13;
	v21 =	vmul.f32 $2.000000030e-01, v14  }
0x12f: {  	v16 =	vadd.f32 v16, v23;
	v22 =	vmul.f32 $2.000000030e-01, v12;
	v23 =	vmul.f32 $2.000000030e-01, v18  }
0x130: {  	v24 =	vmul.f32 $2.000000030e-01, v15;
	v25 =	vmul.f32 $2.000000030e-01, v20  }
0x131: {  	v26 =	vmul.f32 $2.000000030e-01, v17;
	v45 =	vmul.f32 $2.000000030e-01, v16  }
0x132: {  	s19 =	simm.s32 $0x80;
	v12 =	vmax.f32 v12, v22;
	v13 =	vmax.f32 v13, v19;
	v18 =	vmax.f32 v18, v23  }
0x133: {  	v27 =	vld [tilespmem:s19+$0x6630];
	v15 =	vmax.f32 v15, v24;
	v14 =	vmax.f32 v14, v21;
	v22 =	vmul.f32 v12, v10  }
0x134: {  	v19 =	vld [tilespmem:s19+$0x1670];
	v17 =	vmax.f32 v17, v26;
	v13 =	vmul.f32 v13, v11;
	v15 =	vmul.f32 v15, v8  }
0x135: {  	v21 =	vld [tilespmem:s19+$0x3E70];
	v14 =	vmul.f32 v14, v9;
	v16 =	vmax.f32 v16, v45;
	v17 =	vmul.f32 v17, v6  }
0x136: {  	v23 =	vld [tilespmem:s19+$0x6620];
	v12 =	vmax.f32 v20, v25;
	v18 =	vmul.f32 v18, v7;
	v16 =	vmul.f32 v16, v4  }
0x137: {  	v20 =	vmul.f32 v12, v5;
	v24 =	vperm.xlane v22, v0  }
0x138: {  	v46 =	vand.u32 $0xFFFF0000, v27;
	v25 =	vperm.xlane v13, v0;
	v26 =	vperm.xlane v17, v0  }
0x139: {  	v27 =	vshll.u32 v27, $0x10;
	v48 =	vperm.xlane v18, v0;
	v49 =	vperm.xlane v16, v0  }
0x13a: {  	v47 =	vadd.f32 v21, v19;
	v19 =	vperm.xlane v15, v0;
	v21 =	vperm.xlane v14, v0  }
0x13b: {  	v12 =	vand.u32 $0xFFFF0000, v23;
	v22 =	vadd.f32 v22, v24;
	v13 =	vadd.f32 v13, v25  }
0x13c: {  	v24 =	vperm.xlane v20, v0;
	v18 =	vadd.f32 v18, v48;
	v16 =	vadd.f32 v16, v49  }
0x13d: {  	v15 =	vadd.f32 v15, v19;
	v14 =	vadd.f32 v14, v21;
	v19 =	vperm.xlane v13, v1  }
0x13e: {  	v20 =	vadd.f32 v20, v24;
	v24 =	vperm.xlane v22, v1;
	v25 =	vperm.xlane v16, v1  }
0x13f: {  	v17 =	vadd.f32 v17, v26;
	v21 =	vperm.xlane v14, v1;
	v26 =	vperm.xlane v15, v1  }
0x140: {  	v50 =	vld [tilespmem:s19+$0x1660];
	v51 =	vperm.xlane v20, v1;
	v22 =	vadd.f32 v22, v24;
	v13 =	vadd.f32 v13, v19  }
0x141: {  	v53 =	vld [tilespmem:s19+$0x1640];
	v24 =	vperm.xlane v17, v1;
	v16 =	vadd.f32 v16, v25;
	v14 =	vadd.f32 v14, v21  }
0x142: {  	v34 =	vld [tilespmem:s19+$0x3E40];
	v25 =	vperm.xlane v18, v1;
	v20 =	vadd.f32 v20, v51;
	v15 =	vadd.f32 v15, v26  }
0x143: {  	v36 =	vld [tilespmem:s19+$0x6610];
	v17 =	vadd.f32 v17, v24;
	v24 =	vperm.xlane v13, v2;
	v52 =	vperm.xlane v16, v2  }
0x144: {  	v38 =	vld [tilespmem:s19+$0x1630];
	v18 =	vadd.f32 v18, v25;
	v25 =	vperm.xlane v22, v2;
	v33 =	vperm.xlane v20, v2  }
0x145: {  	v57 =	vld [tilespmem:s19+$0x3E20];
	v54 =	vperm.xlane v17, v2;
	v35 =	vperm.xlane v14, v2;
	v16 =	vadd.f32 v16, v52  }
0x146: {  	v60 =	vld [tilespmem:s19+$0x1610];
	v37 =	vperm.xlane v15, v2;
	v55 =	vperm.xlane v18, v2;
	v20 =	vadd.f32 v20, v33  }
0x147: {  	v61 =	vld [tilespmem:s19+$0x3E10];
	v13 =	vadd.f32 v13, v24;
	v31 =	vadd.f32 v17, v54;
	v39 =	vperm.xlane v16, v3  }
0x148: {  	v63 =	vld [tilespmem:s19+$0x1600];
	v22 =	vadd.f32 v22, v25;
	v18 =	vadd.f32 v18, v55;
	v17 =	vperm.xlane v20, v3  }
0x149: {  	v19 =	vld [tilespmem:s19+$0x3E60];
	v15 =	vadd.f32 v15, v37;
	v56 =	vperm.xlane v31, v3;
	v16 =	vadd.f32 v16, v39  }
0x14a: {  	v21 =	vld [tilespmem:s19+$0x1650];
	v14 =	vadd.f32 v14, v35;
	v58 =	vperm.xlane v18, v3;
	v20 =	vadd.f32 v20, v17  }
0x14b: {  	v26 =	vld [tilespmem:s19+$0x3E50];
	v59 =	vperm.xlane v15, v3;
	v31 =	vadd.f32 v31, v56;
	v16 =	vnsel vm0, $0x0, v16  }
0x14c: {  	v40 =	vld [tilespmem:s19+$0x3E00];
	v18 =	vadd.f32 v18, v58;
	v16 =	vsel vm1, v16, v20;
	v20 =	vperm.xlane v14, v3  }
0x14d: {  	v24 =	vld [tilespmem:s19+$0x3E30];
	v62 =	vperm.xlane v22, v3;
	v15 =	vadd.f32 v15, v59;
	v16 =	vsel vm2, v16, v31  }
0x14e: {  	v25 =	vld [tilespmem:s19+$0x1620];
	v16 =	vsel vm3, v16, v18;
	v14 =	vadd.f32 v14, v20;
	v18 =	vperm.xlane v13, v3  }
0x14f: {  	v30 =	vadd.f32 v19, v50;
	v17 =	vld [tilespmem:s19+$0x6600];
	v20 =	vadd.f32 v22, v62;
	v16 =	vsel vm4, v16, v15  }
0x150: {  	v19 =	vadd.f32 v26, v21;
	v14 =	vsel vm5, v16, v14;
	v13 =	vadd.f32 v13, v18  }
0x151: {  	v21 =	vadd.f32 v40, v63;
	v26 =	vadd.f32 v61, v60;
	v14 =	vsel vm6, v14, v20  }
0x152: {  	v24 =	vadd.f32 v24, v38;
	v22 =	vadd.f32 v34, v53;
	v13 =	vsel vm7, v14, v13  }
0x153: {  	v15 =	vshll.u32 v23, $0x10;
	v23 =	vadd.f32 v57, v25;
	v16 =	vmul.f32 $1.442695020e+00, v13  }
0x154: {  	v25 =	vand.u32 $0xFFFF0000, v17;
	v18 =	vand.u32 $0xFFFF0000, v36;
	v20 =	vshll.u32 v36, $0x10  }
0x155: {  	s17 =	simm.s32 $0x400;
	v14 =	vadd.f32 v27, v30;
	v13 =	vadd.f32 v46, v47;
	(erf) = vpow2.f32 v16  }
.LBB2_5:
0x156: {  	p0 =	sne.s32 s17, $0x4E00;
	v16 =	vshll.u32 v17, $0x10;
	v15 =	vadd.f32 v15, v22;
	v12 =	vadd.f32 v12, v19  }
0x157: {  	v17 =	vadd.f32 v20, v23;
	v18 =	vadd.f32 v18, v24;
	v19 =	vmul.f32 $2.000000030e-01, v13  }
0x158: {  	v20 =	vadd.f32 v25, v26;
	v23 =	vmul.f32 $2.000000030e-01, v14;
	v22 =	vmul.f32 $2.000000030e-01, v12  }
0x159: {  	v16 =	vadd.f32 v16, v21;
	v21 =	vmul.f32 $2.000000030e-01, v18;
	v24 =	vmul.f32 $2.000000030e-01, v15  }
0x15a: {  	s18 =	sshra.s32 s17, $0x2;
	v25 =	vmul.f32 $2.000000030e-01, v20;
	v26 =	vmul.f32 $2.000000030e-01, v17  }
0x15b: {  	v28 =	vmul.f32 $2.000000030e-01, v16;
	v14 =	vmax.f32 v14, v23;
	v13 =	vmax.f32 v13, v19;
	v27 =	vld [tilespmem:s18+$0x6630]  }
0x15c: {  	v18 =	vmax.f32 v18, v21;
	v21 =	vmax.f32 v15, v24;
	v12 =	vmax.f32 v12, v22;
	v19 =	vld [tilespmem:s18+$0x1670]  }
0x15d: {  	v17 =	vmax.f32 v17, v26;
	v23 =	vmul.f32 v14, v10;
	v24 =	vmul.f32 v13, v11;
	v22 =	vld [tilespmem:s18+$0x3E70]  }
0x15e: {  	v14 =	vmax.f32 v20, v25;
	v20 =	vmul.f32 v21, v8;
	v21 =	vmul.f32 v12, v9;
	v15 =	vld [tilespmem:s18+$0x6620];
	v25 =	vpop (erf)  }
0x15f: {  	v12 =	vmax.f32 v16, v28;
	v17 =	vmul.f32 v17, v6;
	v18 =	vmul.f32 v18, v7;
	[tilespmem:s24+$0x8E70] =	vst v25  }
0x160: {  	v28 =	vmul.f32 v14, v5;
	v26 =	vmul.f32 v12, v4;
	v13 =	vand.u32 $0xFFFF0000, v27;
	[tilespmem:s24+$0x7A00] =	vst v25  }
0x161: {  	v29 =	vperm.xlane v24, v0;
	v14 =	vshll.u32 v27, $0x10;
	v27 =	vperm.xlane v23, v0;
	[tilespmem:s24+$0x8E00] =	vst v25  }
0x162: {  	v16 =	vadd.f32 v22, v19;
	v19 =	vperm.xlane v20, v0;
	v22 =	vperm.xlane v21, v0;
	[tilespmem:s24+$0x8E10] =	vst v25  }
0x163: {  	v30 =	vperm.xlane v17, v0;
	v31 =	vperm.xlane v18, v0;
	v12 =	vand.u32 $0xFFFF0000, v15;
	[tilespmem:s24+$0x8E20] =	vst v25  }
0x164: {  	v32 =	vperm.xlane v26, v0;
	v24 =	vadd.f32 v24, v29;
	v23 =	vadd.f32 v23, v27;
	[tilespmem:s24+$0x8E30] =	vst v25  }
0x165: {  	v27 =	vperm.xlane v28, v0;
	v19 =	vadd.f32 v20, v19;
	v20 =	vadd.f32 v21, v22;
	[tilespmem:s24+$0x8E40] =	vst v25  }
0x166: {  	v18 =	vadd.f32 v18, v31;
	v21 =	vadd.f32 v26, v32;
	v22 =	vperm.xlane v24, v1;
	[tilespmem:s24+$0x8E50] =	vst v25  }
0x167: {  	v26 =	vadd.f32 v28, v27;
	v28 =	vperm.xlane v23, v1;
	v27 =	vperm.xlane v20, v1;
	[tilespmem:s24+$0x8E60] =	vst v25;
	s24 =	smov.u32 s19;
	s19 =	smov.u32 s18  }
0x168: {  	v17 =	vadd.f32 v17, v30;
	v29 =	vperm.xlane v19, v1;
	v25 =	vperm.xlane v21, v1  }
0x169: {  	v31 =	vperm.xlane v26, v1;
	v23 =	vadd.f32 v23, v28;
	v22 =	vadd.f32 v24, v22;
	v30 =	vld [tilespmem:s19+$0x1660]  }
0x16a: {  	v20 =	vadd.f32 v20, v27;
	v21 =	vadd.f32 v21, v25;
	v25 =	vperm.xlane v17, v1;
	v24 =	vld [tilespmem:s19+$0x3E60]  }
0x16b: {  	v28 =	vperm.xlane v18, v1;
	v26 =	vadd.f32 v26, v31;
	v19 =	vadd.f32 v19, v29;
	v27 =	vld [tilespmem:s19+$0x1650]  }
0x16c: {  	v31 =	vperm.xlane v21, v2;
	v17 =	vadd.f32 v17, v25;
	v25 =	vperm.xlane v22, v2;
	v29 =	vld [tilespmem:s19+$0x3E50]  }
0x16d: {  	v18 =	vadd.f32 v18, v28;
	v28 =	vperm.xlane v23, v2;
	v33 =	vperm.xlane v26, v2;
	v32 =	vld [tilespmem:s19+$0x1640]  }
0x16e: {  	v35 =	vperm.xlane v20, v2;
	v21 =	vadd.f32 v21, v31;
	v31 =	vperm.xlane v17, v2;
	v34 =	vld [tilespmem:s19+$0x3E40]  }
0x16f: {  	v37 =	vperm.xlane v19, v2;
	v26 =	vadd.f32 v26, v33;
	v33 =	vperm.xlane v18, v2;
	v36 =	vld [tilespmem:s19+$0x6610]  }
0x170: {  	v22 =	vadd.f32 v22, v25;
	v39 =	vperm.xlane v21, v3;
	v31 =	vadd.f32 v17, v31;
	v38 =	vld [tilespmem:s19+$0x1630]  }
0x171: {  	v23 =	vadd.f32 v23, v28;
	v18 =	vadd.f32 v18, v33;
	v17 =	vperm.xlane v26, v3;
	v25 =	vld [tilespmem:s19+$0x3E30]  }
0x172: {  	v19 =	vadd.f32 v19, v37;
	v21 =	vadd.f32 v21, v39;
	v33 =	vperm.xlane v31, v3;
	v28 =	vld [tilespmem:s19+$0x1620]  }
0x173: {  	v20 =	vadd.f32 v20, v35;
	v26 =	vadd.f32 v26, v17;
	v39 =	vperm.xlane v18, v3;
	v37 =	vld [tilespmem:s19+$0x3E20]  }
0x174: {  	v21 =	vnsel vm0, $0x0, v21;
	v31 =	vadd.f32 v31, v33;
	v33 =	vperm.xlane v19, v3;
	v17 =	vld [tilespmem:s19+$0x6600]  }
0x175: {  	v18 =	vadd.f32 v18, v39;
	v21 =	vsel vm1, v21, v26;
	v26 =	vperm.xlane v20, v3;
	v35 =	vld [tilespmem:s19+$0x1610]  }
0x176: {  	v21 =	vsel vm2, v21, v31;
	v19 =	vadd.f32 v19, v33;
	v31 =	vperm.xlane v23, v3;
	v39 =	vld [tilespmem:s19+$0x3E10]  }
0x177: {  	v18 =	vsel vm3, v21, v18;
	v20 =	vadd.f32 v20, v26;
	v21 =	vperm.xlane v22, v3;
	v33 =	vld [tilespmem:s19+$0x1600]  }
0x178: {  	v30 =	vadd.f32 v24, v30;
	v18 =	vsel vm4, v18, v19;
	v23 =	vadd.f32 v23, v31;
	v26 =	vld [tilespmem:s19+$0x3E00]  }
0x179: {  	v15 =	vshll.u32 v15, $0x10;
	v20 =	vsel vm5, v18, v20;
	v21 =	vadd.f32 v22, v21  }
.Ltmp1:
0x17a: {  	v19 =	vadd.f32 v29, v27;
	v18 =	vand.u32 $0xFFFF0000, v36;
	v23 =	vsel vm6, v20, v23;
	(pc) =	sbr.rel @p0 .LBB2_5-.Ltmp1, $4  }
0x17b: {  	v22 =	vadd.f32 v34, v32;
	v20 =	vshll.u32 v36, $0x10;
	v21 =	vsel vm7, v23, v21  }
0x17c: {  	v24 =	vadd.f32 v25, v38;
	v23 =	vadd.f32 v37, v28;
	v27 =	vmul.f32 $1.442695020e+00, v21  }
0x17d: {  	v25 =	vand.u32 $0xFFFF0000, v17;
	v21 =	vadd.f32 v26, v33;
	v26 =	vadd.f32 v39, v35  }
0x17e: {  	s17 =	sadd.s32 $0x200, s17;
	v13 =	vadd.f32 v13, v16;
	v14 =	vadd.f32 v14, v30;
	(erf) = vpow2.f32 v27  }
0x17f: {  	v16 =	vshll.u32 v17, $0x10;
	v15 =	vadd.f32 v15, v22;
	v12 =	vadd.f32 v12, v19  }
0x180: {  	v57 =	vadd.f32 v20, v23;
	v18 =	vadd.f32 v18, v24;
	v58 =	vmul.f32 $2.000000030e-01, v13  }
0x181: {  	v59 =	vadd.f32 v25, v26;
	v61 =	vmul.f32 $2.000000030e-01, v14;
	v60 =	vmul.f32 $2.000000030e-01, v12  }
0x182: {  	v16 =	vadd.f32 v16, v21;
	v62 =	vmul.f32 $2.000000030e-01, v18;
	v63 =	vmul.f32 $2.000000030e-01, v15  }
0x183: {  	v25 =	vmul.f32 $2.000000030e-01, v59;
	v30 =	vmul.f32 $2.000000030e-01, v57  }
0x184: {  	v27 =	vmul.f32 $2.000000030e-01, v16;
	v14 =	vmax.f32 v14, v61;
	v13 =	vmax.f32 v13, v58  }
0x185: {  	v18 =	vmax.f32 v18, v62;
	v15 =	vmax.f32 v15, v63;
	v12 =	vmax.f32 v12, v60  }
0x186: {  	v17 =	vmax.f32 v57, v30;
	v14 =	vmul.f32 v14, v10;
	v13 =	vmul.f32 v13, v11  }
0x187: {  	v31 =	vmax.f32 v59, v25;
	v15 =	vmul.f32 v15, v8;
	v12 =	vmul.f32 v12, v9  }
0x188: {  	v16 =	vmax.f32 v16, v27;
	v17 =	vmul.f32 v17, v6;
	v18 =	vmul.f32 v18, v7  }
0x189: {  	v19 =	vmul.f32 v31, v5;
	v16 =	vmul.f32 v16, v4  }
0x18a: {  	v32 =	vperm.xlane v14, v0;
	v33 =	vperm.xlane v13, v0  }
0x18b: {  	v34 =	vperm.xlane v15, v0;
	v35 =	vperm.xlane v12, v0  }
0x18c: {  	v36 =	vperm.xlane v17, v0;
	v37 =	vperm.xlane v18, v0  }
0x18d: {  	v38 =	vperm.xlane v16, v0;
	v14 =	vadd.f32 v14, v32;
	v13 =	vadd.f32 v13, v33  }
0x18e: {  	v39 =	vperm.xlane v19, v0;
	v15 =	vadd.f32 v15, v34;
	v12 =	vadd.f32 v12, v35  }
0x18f: {  	v18 =	vadd.f32 v18, v37;
	v16 =	vadd.f32 v16, v38;
	v21 =	vperm.xlane v13, v1  }
0x190: {  	v19 =	vadd.f32 v19, v39;
	v41 =	vperm.xlane v14, v1;
	v40 =	vperm.xlane v12, v1  }
0x191: {  	v17 =	vadd.f32 v17, v36;
	v43 =	vperm.xlane v15, v1;
	v42 =	vperm.xlane v16, v1  }
0x192: {  	v44 =	vperm.xlane v19, v1;
	v14 =	vadd.f32 v14, v41;
	v13 =	vadd.f32 v13, v21  }
0x193: {  	v45 =	vperm.xlane v17, v1;
	v12 =	vadd.f32 v12, v40;
	v16 =	vadd.f32 v16, v42  }
0x194: {  	v46 =	vperm.xlane v18, v1;
	v19 =	vadd.f32 v19, v44;
	v15 =	vadd.f32 v15, v43  }
0x195: {  	v17 =	vadd.f32 v17, v45;
	v48 =	vperm.xlane v13, v2;
	v47 =	vperm.xlane v16, v2  }
0x196: {  	v18 =	vadd.f32 v18, v46;
	v50 =	vperm.xlane v14, v2;
	v49 =	vperm.xlane v19, v2  }
0x197: {  	v51 =	vperm.xlane v17, v2;
	v52 =	vperm.xlane v12, v2;
	v16 =	vadd.f32 v16, v47  }
0x198: {  	v53 =	vperm.xlane v18, v2;
	v54 =	vperm.xlane v15, v2;
	v19 =	vadd.f32 v19, v49  }
0x199: {  	v13 =	vadd.f32 v13, v48;
	v17 =	vadd.f32 v17, v51;
	v55 =	vperm.xlane v16, v3  }
0x19a: {  	v14 =	vadd.f32 v14, v50;
	v18 =	vadd.f32 v18, v53;
	v56 =	vperm.xlane v19, v3  }
0x19b: {  	v15 =	vadd.f32 v15, v54;
	v57 =	vperm.xlane v17, v3;
	v16 =	vadd.f32 v16, v55  }
0x19c: {  	v12 =	vadd.f32 v12, v52;
	v58 =	vperm.xlane v18, v3;
	v19 =	vadd.f32 v19, v56  }
0x19d: {  	v59 =	vperm.xlane v15, v3;
	v17 =	vadd.f32 v17, v57;
	v16 =	vnsel vm0, $0x0, v16  }
0x19e: {  	v60 =	vperm.xlane v12, v3;
	v18 =	vadd.f32 v18, v58;
	v16 =	vsel vm1, v16, v19  }
0x19f: {  	v61 =	vperm.xlane v14, v3;
	v15 =	vadd.f32 v15, v59;
	v16 =	vsel vm2, v16, v17  }
0x1a0: {  	v62 =	vperm.xlane v13, v3;
	v12 =	vadd.f32 v12, v60;
	v16 =	vsel vm3, v16, v18  }
0x1a1: {  	v14 =	vadd.f32 v14, v61;
	v15 =	vsel vm4, v16, v15  }
0x1a2: {  	v13 =	vadd.f32 v13, v62;
	v12 =	vsel vm5, v15, v12  }
0x1a3: {  	v12 =	vsel vm6, v12, v14  }
0x1a4: {  	v12 =	vsel vm7, v12, v13  }
0x1a5: {  	v12 =	vmul.f32 $1.442695020e+00, v12;
	_ =	sdelay $0x1  }
0x1a6: {  	v63 =	vpop (erf);
	(erf) = vpow2.f32 v12  }
0x1a7: {  	[tilespmem:s24+$0x8E70] =	vst v63  }
0x1a8: {  	[tilespmem:s24+$0x7A00] =	vst v63  }
0x1a9: {  	[tilespmem:s24+$0x8E00] =	vst v63  }
0x1aa: {  	[tilespmem:s24+$0x8E10] =	vst v63  }
0x1ab: {  	[tilespmem:s24+$0x8E20] =	vst v63  }
0x1ac: {  	[tilespmem:s24+$0x8E30] =	vst v63  }
0x1ad: {  	[tilespmem:s24+$0x8E40] =	vst v63  }
0x1ae: {  	[tilespmem:s24+$0x8E50] =	vst v63  }
0x1af: {  	[tilespmem:s24+$0x8E60] =	vst v63;
	v12 =	vpop (erf)  }
0x1b0: {  	[tilespmem:s19+$0x8E70] =	vst v12  }
0x1b1: {  	[tilespmem:s19+$0x7A00] =	vst v12  }
0x1b2: {  	[tilespmem:s19+$0x8E00] =	vst v12  }
0x1b3: {  	[tilespmem:s19+$0x8E10] =	vst v12  }
0x1b4: {  	[tilespmem:s19+$0x8E20] =	vst v12  }
0x1b5: {  	[tilespmem:s19+$0x8E30] =	vst v12  }
0x1b6: {  	[tilespmem:s19+$0x8E40] =	vst v12  }
0x1b7: {  	[tilespmem:s19+$0x8E50] =	vst v12  }
0x1b8: {  	s17 =	sadd.s32 s11, s23;
	[tilespmem:s19+$0x8E60] =	vst v12  }
0x1b9: {  	[hbm4b:s17+s3] =	stream.linear.scatter [tilespmem:s14], [sflag:$0x3], $0x1400, $0x38;
	[tilespmem:$0x1E280] =	vst v63  }
0x1ba: {  	s22 =	sadd.s32 $0x1, s22;
	_ =	swait.ge [sflag:s21], $0x1400  }
0x1bb: {  	p0 =	sne.s32 s22, $0x7D;
	[sflag:s21] =	ssyncset.done $0x0  }
.Ltmp2:
0x1bc: {  	[sflag:s21] =	ssyncadd.s32 $0xFFFFEC00;
	(pc) =	sbr.rel @p0 .LBB2_2-.Ltmp2, $4  }
0x1bd: {  	[spmem:s2] =	stream.indirect.scatter.add.f32 [tilespmem:s15], [sflag:$0x3], $0x80, s29, s30, $0xb8;
	[tilespmem:$0x1E280] =	vst v63  }
0x1be: {  	_ =	swait.ge [sflag:s21], $0x1400  }
0x1bf: {  	[sflag:s21] =	ssyncset.done $0x0  }
0x1c0: {  	[sflag:s21] =	ssyncadd.s32 $0xFFFFEC00  }
0x1c1: {  	[bflag:$0x0] =	sbarrier.arrive $0xFFFF  }
0x1c2: {  	s17 =	rddreg [dreg:$0x6]  }
0x1c3: {  	s19 =	rddreg [dreg:$0x11]  }
0x1c4: {  	s18 =	rddreg [dreg:$0x12]  }
0x1c5: {  	[hbm:s17], [sflag:s19] =	dma.local [spmem:s18], $0x800  }
0x1c6: {  	_ =	swait.ge [sflag:s21], $0x800  }
0x1c7: {  	[sflag:s21] =	ssyncset.done $0x0;
	s24 =	rddreg [dreg:$0x7]  }
0x1c8: {  	s25 =	rddreg [dreg:$0xc];
	[sflag:s21] =	ssyncadd.s32 $0xFFFFF800  }
0x1c9: {  	[hbm:s24], [sflag:s19] =	dma.local [spmem:s25], $0x800  }
0x1ca: {  	_ =	swait.ge [sflag:s21], $0x800  }
0x1cb: {  	[sflag:s21] =	ssyncset.done $0x0;
	s22 =	rddreg [dreg:$0x8]  }
0x1cc: {  	s23 =	rddreg [dreg:$0xd];
	[sflag:s21] =	ssyncadd.s32 $0xFFFFF800  }
0x1cd: {  	[hbm:s22], [sflag:s19] =	dma.local [spmem:s23], $0x800  }
0x1ce: {  	_ =	swait.ge [sflag:s21], $0x800  }
0x1cf: {  	[sflag:s21] =	ssyncset.done $0x0;
	s24 =	rddreg [dreg:$0x9]  }
0x1d0: {  	s25 =	rddreg [dreg:$0xe];
	[sflag:s21] =	ssyncadd.s32 $0xFFFFF800  }
0x1d1: {  	[hbm:s24], [sflag:s19] =	dma.local [spmem:s25], $0x800  }
0x1d2: {  	_ =	swait.ge [sflag:s21], $0x800  }
0x1d3: {  	[sflag:s21] =	ssyncset.done $0x0;
	s22 =	rddreg [dreg:$0xa]  }
0x1d4: {  	s23 =	rddreg [dreg:$0xf];
	[sflag:s21] =	ssyncadd.s32 $0xFFFFF800  }
0x1d5: {  	[hbm:s22], [sflag:s19] =	dma.local [spmem:s23], $0x800  }
0x1d6: {  	_ =	swait.ge [sflag:s21], $0x800  }
0x1d7: {  	s24 =	rddreg [dreg:$0x10]  }
0x1d8: {  	s25 =	rddreg [dreg:$0xb];
	s18 =	sadd.s32 $0x1, s24  }
0x1d9: {  	p0 =	sne.s32 s18, s25  }
.Ltmp3:
0x1da: {  	_ = 	snop;
	(pc) =	sbr.rel @p0 .LBB2_1-.Ltmp3, $3  }
0x1db: {  	_ =	sdelay $0x1  }
0x1dc: {  	[sflag:s21] =	ssyncset.done $0x0  }
0x1dd: {  	[sflag:s21] =	ssyncadd.s32 $0xFFFFF800  }
0x1de: {  	_ =	sfence.sel $0x180000  }
0x1df: {  	[bflag:$0x0] =	sbarrier.arrive $0xFFFF  }
0x1e0: {  	_ =	strace $0x90000047  }
0x1e1: {  	s0 =	stileid.u32;
	[bflag:$0x2] =	sbarrier.arrive $0xFFFF  }
0x1e2: {  	p0 =	sne.s32 s0, $0x0;
	s0 =	rddreg [dreg:$0x3]  }
0x1e3: {  	s0 =	sadd.s32 @!p0 $0x100000, s0  }
0x1e4: {  	[sflag:s0] =	ssyncadd.tile.s32 @!p0 $0x1;
	_ =	shalt  }
.Lfunc_end2:
_tile_overlayer_lowered:
.L_overlay_start_2:
0x1e5: {  	(tag) =	ssettag $0x2  }
0x1e6: {  	s0 =	rddreg [dreg:$0x0];
	s2 =	stileid.u32  }
0x1e7: {  	s1 =	rddreg [dreg:$0x1];
	p0 =	sne.s32 s2, $0x0  }
0x1e8: {  	s3 =	rddreg [dreg:$0x2];
	[bflag:$0x3] =	sbarrier.arrive $0xFFFF;
	s2 =	simm.s32 @!p0 $0x1C03  }
0x1e9: {  	[timem:s3], [sflag:s2] =	dma.local @!p0 [hbm:s0], s1  }
0x1ea: {  	s0 =	simm.s32 @!p0 $0x3  }
0x1eb: {  	_ =	swait.ge @!p0 [sflag:s0], s1  }
0x1ec: {  	s1 =	ssub.s32 @!p0 $0x0, s1;
	[sflag:s0] =	ssyncset.done @!p0 $0x0  }
0x1ed: {  	[sflag:s0] =	ssyncadd.s32 @!p0 s1  }
0x1ee: {  	[bflag:$0x3] =	sbarrier.arrive $0xFFFF  }
0x1ef: {  	_ =	shalt  }

</sc_bundles>
